<compile_context>
chip_gen: v7x
topology: tpu7x:2x2x1
jax: 0.10.2.dev20260603
libtpu: 0.0.44.dev20260713+nightly
codegen_flags: <defaults>
</compile_context>

<pallas_src>
import functools

import jax
import jax.numpy as jnp
from jax import lax
from jax.experimental import pallas as pl
from jax.experimental.pallas import tpu as pltpu
from jax.experimental.pallas import tpu_sc as plsc

N = 10000
E = 320000
D = 128
C = 64
L = 3

NC = 2
NS = 16
NW = NC * NS
CHUNK = 128
HK = 41
K = 2 * HK
EP = NW * K * CHUNK
RPT = 640
R = NS * RPT


@functools.cache
def _sc_kernels():
    mesh = plsc.VectorSubcoreMesh(core_axis_name="c", subcore_axis_name="s",
                                  num_cores=NC, num_subcores=NS)

    @functools.partial(
        pl.kernel,
        out_type=jax.ShapeDtypeStruct((NC, R, D), jnp.float32),
        mesh=mesh,
        scratch_types=[
            pltpu.VMEM((HK, CHUNK), jnp.int32),
            pltpu.VMEM((CHUNK, D), jnp.float32),
            pltpu.VMEM((CHUNK, D), jnp.float32),
            pltpu.VMEM_SHARED((R, D), jnp.float32),
        ],
    )
    def sc_degree(dst_hbm, out_hbm, dst_v, zeros_v, ones_v, hist_sh):
        c = lax.axis_index("c")
        s = lax.axis_index("s")
        t = c * NS + s

        if True:
            @pl.loop(0, CHUNK)
            def _(i):
                @pl.loop(0, D, step=16)
                def _(k):
                    zeros_v[i, pl.ds(k, 16)] = jnp.zeros((16,), jnp.float32)
                    ones_v[i, pl.ds(k, 16)] = jnp.ones((16,), jnp.float32)

            @pl.loop(0, RPT // CHUNK)
            def _(i):
                pltpu.sync_copy(zeros_v,
                                hist_sh.at[pl.ds(s * RPT + i * CHUNK, CHUNK)])

            plsc.subcore_barrier()

            for h in range(2):
                pltpu.sync_copy(dst_hbm.at[t, h], dst_v)

                @pl.loop(0, HK)
                def _(j):
                    pltpu.sync_copy(ones_v, hist_sh.at[dst_v.at[j]], add=True)

            plsc.subcore_barrier()
            pltpu.sync_copy(hist_sh.at[pl.ds(s * RPT, RPT)],
                            out_hbm.at[c, pl.ds(s * RPT, RPT)])

    @functools.partial(
        pl.kernel,
        out_type=jax.ShapeDtypeStruct((NC, R, D), jnp.float32),
        mesh=mesh,
        scratch_types=[
            pltpu.VMEM((HK, CHUNK), jnp.int32),
            pltpu.VMEM((HK, CHUNK), jnp.int32),
            pltpu.VMEM((CHUNK, D), jnp.float32),
            pltpu.VMEM((CHUNK, D), jnp.float32),
            pltpu.VMEM_SHARED((R, D), jnp.float32),
            pltpu.SemaphoreType.DMA,
            pltpu.SemaphoreType.DMA,
            pltpu.SemaphoreType.DMA,
            pltpu.SemaphoreType.DMA,
        ],
    )
    def sc_aggregate(g_hbm, src_hbm, dst_hbm, out_hbm, src_v, dst_v,
                     rows_a, rows_b, acc_sh, sem_ga, sem_gb, sem_sa, sem_sb):
        c = lax.axis_index("c")
        s = lax.axis_index("s")
        t = c * NS + s

        def fire_gather(j, buf, sem):
            pltpu.async_copy(g_hbm.at[src_v.at[j]], buf, sem)

        def wait_gather(buf, sem):
            pltpu.make_async_copy(g_hbm.at[src_v.at[0]], buf, sem).wait()

        def fire_scatter(j, buf, sem):
            pltpu.async_copy(buf, acc_sh.at[dst_v.at[j]], sem, add=True)

        def wait_scatter(buf, sem):
            pltpu.make_async_copy(buf, acc_sh.at[dst_v.at[0]], sem).wait()

        def half_pass(base):
            pltpu.sync_copy(src_hbm.at[t, base], src_v)
            pltpu.sync_copy(dst_hbm.at[t, base], dst_v)

            fire_gather(0, rows_a, sem_ga)
            fire_gather(1, rows_b, sem_gb)
            wait_gather(rows_a, sem_ga)
            fire_scatter(0, rows_a, sem_sa)

            @pl.loop(0, (HK - 3) // 2)
            def _(i):
                j = 2 * i
                wait_gather(rows_b, sem_gb)
                fire_scatter(j + 1, rows_b, sem_sb)
                wait_scatter(rows_a, sem_sa)
                fire_gather(j + 2, rows_a, sem_ga)
                wait_gather(rows_a, sem_ga)
                fire_scatter(j + 2, rows_a, sem_sa)
                wait_scatter(rows_b, sem_sb)
                fire_gather(j + 3, rows_b, sem_gb)

            wait_gather(rows_b, sem_gb)
            fire_scatter(HK - 2, rows_b, sem_sb)
            wait_scatter(rows_a, sem_sa)
            fire_gather(HK - 1, rows_a, sem_ga)
            wait_gather(rows_a, sem_ga)
            fire_scatter(HK - 1, rows_a, sem_sa)
            wait_scatter(rows_b, sem_sb)
            wait_scatter(rows_a, sem_sa)

        if True:
            @pl.loop(0, CHUNK)
            def _(i):
                @pl.loop(0, D, step=16)
                def _(k):
                    rows_a[i, pl.ds(k, 16)] = jnp.zeros((16,), jnp.float32)

            @pl.loop(0, RPT // CHUNK)
            def _(i):
                pltpu.sync_copy(rows_a,
                                acc_sh.at[pl.ds(s * RPT + i * CHUNK, CHUNK)])

            plsc.subcore_barrier()

            half_pass(0)
            half_pass(1)

            plsc.subcore_barrier()
            pltpu.sync_copy(acc_sh.at[pl.ds(s * RPT, RPT)],
                            out_hbm.at[c, pl.ds(s * RPT, RPT)])

    return sc_degree, sc_aggregate



_TCB = 2000


def _tc_h_body(x_ref, w_ref, b_ref, wfc_ref, bfc_ref, h_ref, acc_ref):
    h = jnp.dot(x_ref[...], w_ref[...], preferred_element_type=jnp.float32)
    h = jnp.maximum(h + b_ref[...], 0.0)
    h_ref[...] = h
    acc_ref[...] = (
        jnp.dot(h, wfc_ref[...], preferred_element_type=jnp.float32)
        + bfc_ref[...])


def _tc_h(x, W_in, b_in2, W_fc0, b_fc2):
    return pl.pallas_call(
        _tc_h_body,
        grid=(N // _TCB,),
        in_specs=[
            pl.BlockSpec((_TCB, D), lambda i: (i, 0)),
            pl.BlockSpec((D, D), lambda i: (0, 0)),
            pl.BlockSpec((1, D), lambda i: (0, 0)),
            pl.BlockSpec((D, C), lambda i: (0, 0)),
            pl.BlockSpec((1, C), lambda i: (0, 0)),
        ],
        out_specs=[
            pl.BlockSpec((_TCB, D), lambda i: (i, 0)),
            pl.BlockSpec((_TCB, C), lambda i: (i, 0)),
        ],
        out_shape=[
            jax.ShapeDtypeStruct((N, D), jnp.float32),
            jax.ShapeDtypeStruct((N, C), jnp.float32),
        ],
    )(x, W_in, b_in2, W_fc0, b_fc2)


def _tc_g_body(hist_ref, h_ref, g_ref, dis_ref):
    deg = hist_ref[0] + hist_ref[1] + 1.0
    dis = lax.rsqrt(deg)
    g_ref[...] = h_ref[...] * dis
    dis_ref[...] = dis


def _tc_g(hist, h):
    return pl.pallas_call(
        _tc_g_body,
        grid=(N // _TCB,),
        in_specs=[
            pl.BlockSpec((NC, _TCB, D), lambda i: (0, i, 0)),
            pl.BlockSpec((_TCB, D), lambda i: (i, 0)),
        ],
        out_specs=[
            pl.BlockSpec((_TCB, D), lambda i: (i, 0)),
            pl.BlockSpec((_TCB, D), lambda i: (i, 0)),
        ],
        out_shape=[
            jax.ShapeDtypeStruct((N, D), jnp.float32),
            jax.ShapeDtypeStruct((N, D), jnp.float32),
        ],
    )(hist, h)


def _tc_layer_body(p_ref, g_ref, dis_ref, w_ref, b_ref, wfc_ref, accin_ref,
                   gout_ref, accout_ref):
    dis = dis_ref[...]
    agg = dis * (p_ref[0] + p_ref[1] + g_ref[...])
    h = jnp.dot(agg, w_ref[...], preferred_element_type=jnp.float32)
    h = jnp.maximum(h + b_ref[...], 0.0)
    gout_ref[...] = h * dis
    accout_ref[...] = accin_ref[...] + jnp.dot(
        h, wfc_ref[...], preferred_element_type=jnp.float32)


def _tc_layer(P, g, dis, W, b2, W_fcl, acc):
    return pl.pallas_call(
        _tc_layer_body,
        grid=(N // _TCB,),
        in_specs=[
            pl.BlockSpec((NC, _TCB, D), lambda i: (0, i, 0)),
            pl.BlockSpec((_TCB, D), lambda i: (i, 0)),
            pl.BlockSpec((_TCB, D), lambda i: (i, 0)),
            pl.BlockSpec((D, D), lambda i: (0, 0)),
            pl.BlockSpec((1, D), lambda i: (0, 0)),
            pl.BlockSpec((D, C), lambda i: (0, 0)),
            pl.BlockSpec((_TCB, C), lambda i: (i, 0)),
        ],
        out_specs=[
            pl.BlockSpec((_TCB, D), lambda i: (i, 0)),
            pl.BlockSpec((_TCB, C), lambda i: (i, 0)),
        ],
        out_shape=[
            jax.ShapeDtypeStruct((N, D), jnp.float32),
            jax.ShapeDtypeStruct((N, C), jnp.float32),
        ],
    )(P, g, dis, W, b2, W_fcl, acc)



def kernel(x_s, edge_index_s, W_in, b_in, Ws, bs, W_fc, b_fc):
    src = edge_index_s[0]
    dst = edge_index_s[1]
    pad = EP - E
    pad_i = jnp.arange(pad, dtype=jnp.int32)
    src_p = jnp.concatenate([src, pad_i % N]).reshape(NW, 2, HK, CHUNK)
    dst_p = jnp.concatenate(
        [dst, N + pad_i % (R - N)]).reshape(NW, 2, HK, CHUNK)

    sc_degree, sc_aggregate = _sc_kernels()
    hist = sc_degree(dst_p)
    h, acc = _tc_h(x_s, W_in, b_in.reshape(1, D), W_fc[0:D],
                   b_fc.reshape(1, C))
    g, dis = _tc_g(hist, h)
    for l in range(L):
        P = sc_aggregate(g, src_p, dst_p)
        g, acc = _tc_layer(P, g, dis, Ws[l], bs[l].reshape(1, D),
                           W_fc[(l + 1) * D:(l + 2) * D], acc)
    return acc

# --- scband reference (transcript-rebuilt; emitter-appended) ---
"""Pipeline reference for scband-node-classification-39573828665611 (READ-ONLY COPY).

The authoritative reference and input builder live on the scoring server;
editing this copy changes nothing except your own understanding.
"""

import jax, jax.numpy as jnp
import numpy as np

N = 10000
E = 320000
D_IN = 128
D_H = 128
L = 3          # cfg.MODEL.NUM_LAYER
C = 64         # cfg.NUM_CENTROIDS


def setup_inputs(seed: int = 0) -> dict:
    key = jax.random.key(seed)
    ks = jax.random.split(key, 12)
    x_s = jax.random.normal(ks[0], (N, D_IN), dtype=jnp.float32)
    edge_index_s = jax.random.randint(ks[1], (2, E), 0, N, dtype=jnp.int32)
    s = 1.0 / np.sqrt(D_H)
    W_in = jax.random.normal(ks[2], (D_IN, D_H), dtype=jnp.float32) * (1.0 / np.sqrt(D_IN))
    b_in = jnp.zeros((D_H,), dtype=jnp.float32)
    Ws = jax.random.normal(ks[3], (L, D_H, D_H), dtype=jnp.float32) * s
    bs = jnp.zeros((L, D_H), dtype=jnp.float32)
    W_fc = jax.random.normal(ks[4], (D_H * (L + 1), C), dtype=jnp.float32) * (1.0 / np.sqrt(D_H * (L + 1)))
    b_fc = jnp.zeros((C,), dtype=jnp.float32)
    return {"x_s": x_s, "edge_index_s": edge_index_s, "W_in": W_in, "b_in": b_in,
            "Ws": Ws, "bs": bs, "W_fc": W_fc, "b_fc": b_fc}


def _gcn_conv(h, src, dst, deg_inv_sqrt, W, b):
    # symmetric normalization (norm=True): h'_i = W ( sum_j h_j / sqrt(d_i d_j) + h_i / d_i )
    norm_e = deg_inv_sqrt[src] * deg_inv_sqrt[dst]
    msg = h[src] * norm_e[:, None]                      # gather over edges
    agg = jax.ops.segment_sum(msg, dst, num_segments=N)  # scatter-add to dst nodes
    agg = agg + h * (deg_inv_sqrt ** 2)[:, None]         # self-loop term
    return agg @ W + b


def reference(x_s, edge_index_s, W_in, b_in, Ws, bs, W_fc, b_fc):
    src = edge_index_s[0]
    dst = edge_index_s[1]
    deg = jax.ops.segment_sum(jnp.ones((E,), dtype=jnp.float32), dst, num_segments=N) + 1.0
    deg_inv_sqrt = jax.lax.rsqrt(deg)
    h = jax.nn.relu(x_s @ W_in + b_in)
    xs = [h]
    for l in range(L):
        h = jax.nn.relu(_gcn_conv(h, src, dst, deg_inv_sqrt, Ws[l], bs[l]))
        xs.append(h)
    feats = jnp.concatenate(xs, axis=-1)                 # [N, D_H*(L+1)]
    out = feats @ W_fc + b_fc                            # [N, C]
    return out

if __name__ == "__main__":
    import jax
    _d = setup_inputs()
    print(jax.jit(kernel)(*tuple(_d.values())))

</pallas_src>

<mosaic_0001>
#map = affine_map<(d0, d1) -> (0, 0, 0, 0)>
#map1 = affine_map<(d0, d1) -> (0, 0, 0)>
module attributes {stable_mosaic.version = 14 : i64} {
  func.func @sc_degree(%arg0: i32, %arg1: i32, %arg2: memref<32x2x41x128xi32, #tpu.memory_space<hbm>>, %arg3: memref<2x10240x128xf32, #tpu.memory_space<hbm>>, %arg4: memref<41x128xi32, #tpu.memory_space<vmem>>, %arg5: memref<128x128xf32, #tpu.memory_space<vmem>>, %arg6: memref<128x128xf32, #tpu.memory_space<vmem>>, %arg7: memref<10240x128xf32, #tpu.memory_space<vmem_shared>>) attributes {dimension_semantics = [#tpu.dimension_semantics<core_parallel>, #tpu.dimension_semantics<subcore_parallel>], iteration_bounds = array<i64: 2, 16>, scalar_prefetch = 0 : i64, scratch_operands = 4 : i64, tpu.core_type = #tpu.core_type<sc_vector_subcore>, window_params = [{transform_indices = #map}, {transform_indices = #map1}]} {
    %mul3A = arith.constant 16 : i32
    %mul3A_0 = arith.muli %arg0, %mul3A : i32
    %add3A = arith.addi %mul3A_0, %arg1 : i32
    %scan3A = arith.constant 0 : i32
    %scan3A_1 = arith.constant 128 : i32
    %scan3A_2 = arith.addi %scan3A, %scan3A_1 : i32
    %scan3A_3 = arith.constant 1 : i32
    scf.for %scan3A_26 = %scan3A to %scan3A_2 step %scan3A_3  : i32 {
      %mul3A_27 = arith.constant 1 : i32
      %mul3A_28 = arith.muli %scan3A_26, %mul3A_27 : i32
      %add3A_29 = arith.constant 0 : i32
      %add3A_30 = arith.addi %add3A_29, %mul3A_28 : i32
      %scan3A_31 = arith.constant 0 : i32
      %scan3A_32 = arith.constant 8 : i32
      %scan3A_33 = arith.addi %scan3A_31, %scan3A_32 : i32
      %scan3A_34 = arith.constant 1 : i32
      scf.for %scan3A_36 = %scan3A_31 to %scan3A_33 step %scan3A_34  : i32 {
        %mul3A_37 = arith.constant 16 : i32
        %mul3A_38 = arith.muli %scan3A_36, %mul3A_37 : i32
        %add3A_39 = arith.constant 0 : i32
        %add3A_40 = arith.addi %add3A_39, %mul3A_38 : i32
        %broadcast_in_dim3A = arith.constant 0.000000e+00 : f32
        %broadcast_in_dim3A_41 = vector.broadcast %broadcast_in_dim3A : f32 to vector<16xf32>
        %swap3A = arith.index_cast %add3A_30 : i32 to index
        %swap3A_42 = arith.index_cast %add3A_40 : i32 to index
        %swap3A_43 = tpu.vector_load %arg5[%swap3A, %swap3A_42] {strides = array<i32>} : memref<128x128xf32, #tpu.memory_space<vmem>>, vector<1x16xf32>,
        %swap3A_44 = vector.shape_cast %swap3A_43 : vector<1x16xf32> to vector<16xf32>
        %swap3A_45 = vector.shape_cast %broadcast_in_dim3A_41 : vector<16xf32> to vector<1x16xf32>
        tpu.vector_store %arg5[%swap3A, %swap3A_42], %swap3A_45 {strides = array<i32>} : memref<128x128xf32, #tpu.memory_space<vmem>>, vector<1x16xf32>,
        %broadcast_in_dim3A_46 = arith.constant 1.000000e+00 : f32
        %broadcast_in_dim3A_47 = vector.broadcast %broadcast_in_dim3A_46 : f32 to vector<16xf32>
        %swap3A_48 = arith.index_cast %add3A_30 : i32 to index
        %swap3A_49 = arith.index_cast %add3A_40 : i32 to index
        %swap3A_50 = tpu.vector_load %arg6[%swap3A_48, %swap3A_49] {strides = array<i32>} : memref<128x128xf32, #tpu.memory_space<vmem>>, vector<1x16xf32>,
        %swap3A_51 = vector.shape_cast %swap3A_50 : vector<1x16xf32> to vector<16xf32>
        %swap3A_52 = vector.shape_cast %broadcast_in_dim3A_47 : vector<16xf32> to vector<1x16xf32>
        tpu.vector_store %arg6[%swap3A_48, %swap3A_49], %swap3A_52 {strides = array<i32>} : memref<128x128xf32, #tpu.memory_space<vmem>>, vector<1x16xf32>,
      }
      %scan3A_35 = arith.constant 8 : i32
    }
    %scan3A_4 = arith.constant 128 : i32
    %scan3A_5 = arith.constant 0 : i32
    %scan3A_6 = arith.constant 5 : i32
    %scan3A_7 = arith.addi %scan3A_5, %scan3A_6 : i32
    %scan3A_8 = arith.constant 1 : i32
    scf.for %scan3A_26 = %scan3A_5 to %scan3A_7 step %scan3A_8  : i32 {
      %mul3A_27 = arith.constant 1 : i32
      %mul3A_28 = arith.muli %scan3A_26, %mul3A_27 : i32
      %add3A_29 = arith.constant 0 : i32
      %add3A_30 = arith.addi %add3A_29, %mul3A_28 : i32
      %mul3A_31 = arith.constant 640 : i32
      %mul3A_32 = arith.muli %arg1, %mul3A_31 : i32
      %mul3A_33 = arith.constant 128 : i32
      %mul3A_34 = arith.muli %add3A_30, %mul3A_33 : i32
      %add3A_35 = arith.addi %mul3A_32, %mul3A_34 : i32
      "tpu.region"() ({
        %run_scoped3A_36 = tpu.sem_alloc : memref<!tpu.dma_semaphore, #tpu.memory_space<semaphore_mem>>
        %dma_start3A = arith.constant 0 : i32
        %dma_start3A_37 = tpu.memref_slice %arg7[%add3A_35, %dma_start3A] : memref<10240x128xf32, #tpu.memory_space<vmem_shared>> -> memref<128x128xf32, #tpu.memory_space<vmem_shared>>
        %dma_start3A_38 = arith.constant 0 : i32
        %dma_start3A_39 = tpu.memref_slice %arg7[%add3A_35, %dma_start3A_38] : memref<10240x128xf32, #tpu.memory_space<vmem_shared>> -> memref<128x128xf32, #tpu.memory_space<vmem_shared>>
        tpu.enqueue_dma source(%arg5 : memref<128x128xf32, #tpu.memory_space<vmem>>) target(%dma_start3A_39 : memref<128x128xf32, #tpu.memory_space<vmem_shared>>) target_semaphore(%run_scoped3A_36 : memref<!tpu.dma_semaphore, #tpu.memory_space<semaphore_mem>>)
        %dma_wait3A = arith.constant 0 : i32
        %dma_wait3A_40 = tpu.memref_slice %arg7[%add3A_35, %dma_wait3A] : memref<10240x128xf32, #tpu.memory_space<vmem_shared>> -> memref<128x128xf32, #tpu.memory_space<vmem_shared>>
        %dma_wait3A_41 = arith.constant 0 : i32
        %dma_wait3A_42 = tpu.memref_slice %arg7[%add3A_35, %dma_wait3A_41] : memref<10240x128xf32, #tpu.memory_space<vmem_shared>> -> memref<128x128xf32, #tpu.memory_space<vmem_shared>>
        tpu.wait_dma2 semaphore(%run_scoped3A_36 : memref<!tpu.dma_semaphore, #tpu.memory_space<semaphore_mem>>) src(%arg5 : memref<128x128xf32, #tpu.memory_space<vmem>>) dst(%dma_wait3A_42 : memref<128x128xf32, #tpu.memory_space<vmem_shared>>)
        tpu.yield
      }) : () -> ()
    }
    %scan3A_9 = arith.constant 5 : i32
    %barrier3A = arith.constant 0 : index
    tpu.barrier barrier_id(%barrier3A)
    %run_scoped3A = arith.constant 0 : i32
    "tpu.region"() ({
      %run_scoped3A_26 = tpu.sem_alloc : memref<!tpu.dma_semaphore, #tpu.memory_space<semaphore_mem>>
      %dma_start3A = arith.constant 0 : i32
      %dma_start3A_27 = arith.constant 0 : i32
      %dma_start3A_28 = tpu.memref_slice %arg2[%add3A, %run_scoped3A, %dma_start3A, %dma_start3A_27] : memref<32x2x41x128xi32, #tpu.memory_space<hbm>> -> memref<1x1x41x128xi32, #tpu.memory_space<hbm>>
      %dma_start3A_29 = tpu.memref_squeeze %dma_start3A_28 : memref<1x1x41x128xi32, #tpu.memory_space<hbm>> -> memref<41x128xi32, #tpu.memory_space<hbm>>
      %dma_start3A_30 = arith.constant 0 : i32
      %dma_start3A_31 = arith.constant 0 : i32
      %dma_start3A_32 = tpu.memref_slice %arg2[%add3A, %run_scoped3A, %dma_start3A_30, %dma_start3A_31] : memref<32x2x41x128xi32, #tpu.memory_space<hbm>> -> memref<1x1x41x128xi32, #tpu.memory_space<hbm>>
      %dma_start3A_33 = tpu.memref_squeeze %dma_start3A_32 : memref<1x1x41x128xi32, #tpu.memory_space<hbm>> -> memref<41x128xi32, #tpu.memory_space<hbm>>
      tpu.enqueue_dma source(%dma_start3A_33 : memref<41x128xi32, #tpu.memory_space<hbm>>) target(%arg4 : memref<41x128xi32, #tpu.memory_space<vmem>>) target_semaphore(%run_scoped3A_26 : memref<!tpu.dma_semaphore, #tpu.memory_space<semaphore_mem>>)
      %dma_wait3A = arith.constant 0 : i32
      %dma_wait3A_34 = arith.constant 0 : i32
      %dma_wait3A_35 = tpu.memref_slice %arg2[%add3A, %run_scoped3A, %dma_wait3A, %dma_wait3A_34] : memref<32x2x41x128xi32, #tpu.memory_space<hbm>> -> memref<1x1x41x128xi32, #tpu.memory_space<hbm>>
      %dma_wait3A_36 = tpu.memref_squeeze %dma_wait3A_35 : memref<1x1x41x128xi32, #tpu.memory_space<hbm>> -> memref<41x128xi32, #tpu.memory_space<hbm>>
      %dma_wait3A_37 = arith.constant 0 : i32
      %dma_wait3A_38 = arith.constant 0 : i32
      %dma_wait3A_39 = tpu.memref_slice %arg2[%add3A, %run_scoped3A, %dma_wait3A_37, %dma_wait3A_38] : memref<32x2x41x128xi32, #tpu.memory_space<hbm>> -> memref<1x1x41x128xi32, #tpu.memory_space<hbm>>
      %dma_wait3A_40 = tpu.memref_squeeze %dma_wait3A_39 : memref<1x1x41x128xi32, #tpu.memory_space<hbm>> -> memref<41x128xi32, #tpu.memory_space<hbm>>
      tpu.wait_dma2 semaphore(%run_scoped3A_26 : memref<!tpu.dma_semaphore, #tpu.memory_space<semaphore_mem>>) src(%dma_wait3A_40 : memref<41x128xi32, #tpu.memory_space<hbm>>) dst(%arg4 : memref<41x128xi32, #tpu.memory_space<vmem>>)
      tpu.yield
    }) : () -> ()
    %scan3A_10 = arith.constant 0 : i32
    %scan3A_11 = arith.constant 41 : i32
    %scan3A_12 = arith.addi %scan3A_10, %scan3A_11 : i32
    %scan3A_13 = arith.constant 1 : i32
    scf.for %scan3A_26 = %scan3A_10 to %scan3A_12 step %scan3A_13  : i32 {
      %mul3A_27 = arith.constant 1 : i32
      %mul3A_28 = arith.muli %scan3A_26, %mul3A_27 : i32
      %add3A_29 = arith.constant 0 : i32
      %add3A_30 = arith.addi %add3A_29, %mul3A_28 : i32
      "tpu.region"() ({
        %run_scoped3A_31 = tpu.sem_alloc : memref<!tpu.dma_semaphore, #tpu.memory_space<semaphore_mem>>
        %dma_start3A = arith.constant 0 : i32
        %dma_start3A_32 = tpu.memref_slice %arg4[%add3A_30, %dma_start3A] : memref<41x128xi32, #tpu.memory_space<vmem>> -> memref<1x128xi32, #tpu.memory_space<vmem>>
        %dma_start3A_33 = tpu.memref_squeeze %dma_start3A_32 : memref<1x128xi32, #tpu.memory_space<vmem>> -> memref<128xi32, #tpu.memory_space<vmem>>
        %dma_start3A_34 = arith.constant 0 : i32
        %dma_start3A_35 = arith.constant 0 : i32
        %dma_start3A_36 = tpu.memref_slice %arg7[%dma_start3A_34, %dma_start3A_35] : memref<10240x128xf32, #tpu.memory_space<vmem_shared>> -> memref<10240x128xf32, #tpu.memory_space<vmem_shared>>
        tpu.enqueue_indirect_dma source(%arg6 : memref<128x128xf32, #tpu.memory_space<vmem>>) target(%dma_start3A_36 : memref<10240x128xf32, #tpu.memory_space<vmem_shared>>) offsets(%dma_start3A_33 : memref<128xi32, #tpu.memory_space<vmem>>) semaphore(%run_scoped3A_31 : memref<!tpu.dma_semaphore, #tpu.memory_space<semaphore_mem>>) {add = true}
        %dma_wait3A = arith.constant 0 : i32
        %dma_wait3A_37 = tpu.memref_slice %arg4[%add3A_30, %dma_wait3A] : memref<41x128xi32, #tpu.memory_space<vmem>> -> memref<1x128xi32, #tpu.memory_space<vmem>>
        %dma_wait3A_38 = tpu.memref_squeeze %dma_wait3A_37 : memref<1x128xi32, #tpu.memory_space<vmem>> -> memref<128xi32, #tpu.memory_space<vmem>>
        %dma_wait3A_39 = arith.constant 0 : i32
        %dma_wait3A_40 = arith.constant 0 : i32
        %dma_wait3A_41 = tpu.memref_slice %arg7[%dma_wait3A_39, %dma_wait3A_40] : memref<10240x128xf32, #tpu.memory_space<vmem_shared>> -> memref<10240x128xf32, #tpu.memory_space<vmem_shared>>
        tpu.wait_indirect_dma semaphore(%run_scoped3A_31 : memref<!tpu.dma_semaphore, #tpu.memory_space<semaphore_mem>>) src(%arg6 : memref<128x128xf32, #tpu.memory_space<vmem>>) dst(%dma_wait3A_41 : memref<10240x128xf32, #tpu.memory_space<vmem_shared>>)
        tpu.yield
      }) : () -> ()
    }
    %scan3A_14 = arith.constant 41 : i32
    %run_scoped3A_15 = arith.constant 1 : i32
    "tpu.region"() ({
      %run_scoped3A_26 = tpu.sem_alloc : memref<!tpu.dma_semaphore, #tpu.memory_space<semaphore_mem>>
      %dma_start3A = arith.constant 0 : i32
      %dma_start3A_27 = arith.constant 0 : i32
      %dma_start3A_28 = tpu.memref_slice %arg2[%add3A, %run_scoped3A_15, %dma_start3A, %dma_start3A_27] : memref<32x2x41x128xi32, #tpu.memory_space<hbm>> -> memref<1x1x41x128xi32, #tpu.memory_space<hbm>>
      %dma_start3A_29 = tpu.memref_squeeze %dma_start3A_28 : memref<1x1x41x128xi32, #tpu.memory_space<hbm>> -> memref<41x128xi32, #tpu.memory_space<hbm>>
      %dma_start3A_30 = arith.constant 0 : i32
      %dma_start3A_31 = arith.constant 0 : i32
      %dma_start3A_32 = tpu.memref_slice %arg2[%add3A, %run_scoped3A_15, %dma_start3A_30, %dma_start3A_31] : memref<32x2x41x128xi32, #tpu.memory_space<hbm>> -> memref<1x1x41x128xi32, #tpu.memory_space<hbm>>
      %dma_start3A_33 = tpu.memref_squeeze %dma_start3A_32 : memref<1x1x41x128xi32, #tpu.memory_space<hbm>> -> memref<41x128xi32, #tpu.memory_space<hbm>>
      tpu.enqueue_dma source(%dma_start3A_33 : memref<41x128xi32, #tpu.memory_space<hbm>>) target(%arg4 : memref<41x128xi32, #tpu.memory_space<vmem>>) target_semaphore(%run_scoped3A_26 : memref<!tpu.dma_semaphore, #tpu.memory_space<semaphore_mem>>)
      %dma_wait3A = arith.constant 0 : i32
      %dma_wait3A_34 = arith.constant 0 : i32
      %dma_wait3A_35 = tpu.memref_slice %arg2[%add3A, %run_scoped3A_15, %dma_wait3A, %dma_wait3A_34] : memref<32x2x41x128xi32, #tpu.memory_space<hbm>> -> memref<1x1x41x128xi32, #tpu.memory_space<hbm>>
      %dma_wait3A_36 = tpu.memref_squeeze %dma_wait3A_35 : memref<1x1x41x128xi32, #tpu.memory_space<hbm>> -> memref<41x128xi32, #tpu.memory_space<hbm>>
      %dma_wait3A_37 = arith.constant 0 : i32
      %dma_wait3A_38 = arith.constant 0 : i32
      %dma_wait3A_39 = tpu.memref_slice %arg2[%add3A, %run_scoped3A_15, %dma_wait3A_37, %dma_wait3A_38] : memref<32x2x41x128xi32, #tpu.memory_space<hbm>> -> memref<1x1x41x128xi32, #tpu.memory_space<hbm>>
      %dma_wait3A_40 = tpu.memref_squeeze %dma_wait3A_39 : memref<1x1x41x128xi32, #tpu.memory_space<hbm>> -> memref<41x128xi32, #tpu.memory_space<hbm>>
      tpu.wait_dma2 semaphore(%run_scoped3A_26 : memref<!tpu.dma_semaphore, #tpu.memory_space<semaphore_mem>>) src(%dma_wait3A_40 : memref<41x128xi32, #tpu.memory_space<hbm>>) dst(%arg4 : memref<41x128xi32, #tpu.memory_space<vmem>>)
      tpu.yield
    }) : () -> ()
    %scan3A_16 = arith.constant 0 : i32
    %scan3A_17 = arith.constant 41 : i32
    %scan3A_18 = arith.addi %scan3A_16, %scan3A_17 : i32
    %scan3A_19 = arith.constant 1 : i32
    scf.for %scan3A_26 = %scan3A_16 to %scan3A_18 step %scan3A_19  : i32 {
      %mul3A_27 = arith.constant 1 : i32
      %mul3A_28 = arith.muli %scan3A_26, %mul3A_27 : i32
      %add3A_29 = arith.constant 0 : i32
      %add3A_30 = arith.addi %add3A_29, %mul3A_28 : i32
      "tpu.region"() ({
        %run_scoped3A_31 = tpu.sem_alloc : memref<!tpu.dma_semaphore, #tpu.memory_space<semaphore_mem>>
        %dma_start3A = arith.constant 0 : i32
        %dma_start3A_32 = tpu.memref_slice %arg4[%add3A_30, %dma_start3A] : memref<41x128xi32, #tpu.memory_space<vmem>> -> memref<1x128xi32, #tpu.memory_space<vmem>>
        %dma_start3A_33 = tpu.memref_squeeze %dma_start3A_32 : memref<1x128xi32, #tpu.memory_space<vmem>> -> memref<128xi32, #tpu.memory_space<vmem>>
        %dma_start3A_34 = arith.constant 0 : i32
        %dma_start3A_35 = arith.constant 0 : i32
        %dma_start3A_36 = tpu.memref_slice %arg7[%dma_start3A_34, %dma_start3A_35] : memref<10240x128xf32, #tpu.memory_space<vmem_shared>> -> memref<10240x128xf32, #tpu.memory_space<vmem_shared>>
        tpu.enqueue_indirect_dma source(%arg6 : memref<128x128xf32, #tpu.memory_space<vmem>>) target(%dma_start3A_36 : memref<10240x128xf32, #tpu.memory_space<vmem_shared>>) offsets(%dma_start3A_33 : memref<128xi32, #tpu.memory_space<vmem>>) semaphore(%run_scoped3A_31 : memref<!tpu.dma_semaphore, #tpu.memory_space<semaphore_mem>>) {add = true}
        %dma_wait3A = arith.constant 0 : i32
        %dma_wait3A_37 = tpu.memref_slice %arg4[%add3A_30, %dma_wait3A] : memref<41x128xi32, #tpu.memory_space<vmem>> -> memref<1x128xi32, #tpu.memory_space<vmem>>
        %dma_wait3A_38 = tpu.memref_squeeze %dma_wait3A_37 : memref<1x128xi32, #tpu.memory_space<vmem>> -> memref<128xi32, #tpu.memory_space<vmem>>
        %dma_wait3A_39 = arith.constant 0 : i32
        %dma_wait3A_40 = arith.constant 0 : i32
        %dma_wait3A_41 = tpu.memref_slice %arg7[%dma_wait3A_39, %dma_wait3A_40] : memref<10240x128xf32, #tpu.memory_space<vmem_shared>> -> memref<10240x128xf32, #tpu.memory_space<vmem_shared>>
        tpu.wait_indirect_dma semaphore(%run_scoped3A_31 : memref<!tpu.dma_semaphore, #tpu.memory_space<semaphore_mem>>) src(%arg6 : memref<128x128xf32, #tpu.memory_space<vmem>>) dst(%dma_wait3A_41 : memref<10240x128xf32, #tpu.memory_space<vmem_shared>>)
        tpu.yield
      }) : () -> ()
    }
    %scan3A_20 = arith.constant 41 : i32
    %barrier3A_21 = arith.constant 0 : index
    tpu.barrier barrier_id(%barrier3A_21)
    %mul3A_22 = arith.constant 640 : i32
    %mul3A_23 = arith.muli %arg1, %mul3A_22 : i32
    %mul3A_24 = arith.constant 640 : i32
    %mul3A_25 = arith.muli %arg1, %mul3A_24 : i32
    "tpu.region"() ({
      %run_scoped3A_26 = tpu.sem_alloc : memref<!tpu.dma_semaphore, #tpu.memory_space<semaphore_mem>>
      %dma_start3A = arith.constant 0 : i32
      %dma_start3A_27 = tpu.memref_slice %arg3[%arg0, %mul3A_25, %dma_start3A] : memref<2x10240x128xf32, #tpu.memory_space<hbm>> -> memref<1x640x128xf32, #tpu.memory_space<hbm>>
      %dma_start3A_28 = tpu.memref_squeeze %dma_start3A_27 : memref<1x640x128xf32, #tpu.memory_space<hbm>> -> memref<640x128xf32, #tpu.memory_space<hbm>>
      %dma_start3A_29 = arith.constant 0 : i32
      %dma_start3A_30 = tpu.memref_slice %arg7[%mul3A_23, %dma_start3A_29] : memref<10240x128xf32, #tpu.memory_space<vmem_shared>> -> memref<640x128xf32, #tpu.memory_space<vmem_shared>>
      tpu.enqueue_dma source(%dma_start3A_30 : memref<640x128xf32, #tpu.memory_space<vmem_shared>>) target(%dma_start3A_28 : memref<640x128xf32, #tpu.memory_space<hbm>>) target_semaphore(%run_scoped3A_26 : memref<!tpu.dma_semaphore, #tpu.memory_space<semaphore_mem>>)
      %dma_wait3A = arith.constant 0 : i32
      %dma_wait3A_31 = tpu.memref_slice %arg3[%arg0, %mul3A_25, %dma_wait3A] : memref<2x10240x128xf32, #tpu.memory_space<hbm>> -> memref<1x640x128xf32, #tpu.memory_space<hbm>>
      %dma_wait3A_32 = tpu.memref_squeeze %dma_wait3A_31 : memref<1x640x128xf32, #tpu.memory_space<hbm>> -> memref<640x128xf32, #tpu.memory_space<hbm>>
      %dma_wait3A_33 = arith.constant 0 : i32
      %dma_wait3A_34 = tpu.memref_slice %arg7[%mul3A_23, %dma_wait3A_33] : memref<10240x128xf32, #tpu.memory_space<vmem_shared>> -> memref<640x128xf32, #tpu.memory_space<vmem_shared>>
      tpu.wait_dma2 semaphore(%run_scoped3A_26 : memref<!tpu.dma_semaphore, #tpu.memory_space<semaphore_mem>>) src(%dma_wait3A_34 : memref<640x128xf32, #tpu.memory_space<vmem_shared>>) dst(%dma_wait3A_32 : memref<640x128xf32, #tpu.memory_space<hbm>>)
      tpu.yield
    }) : () -> ()
    return
  }
}

#map = affine_map<(d0, d1) -> (0, 0)>
#map1 = affine_map<(d0, d1) -> (0, 0, 0, 0)>
#map2 = affine_map<(d0, d1) -> (0, 0, 0)>
module attributes {stable_mosaic.version = 14 : i64} {
  func.func @sc_aggregate(%arg0: i32, %arg1: i32, %arg2: memref<10000x128xf32, #tpu.memory_space<hbm>>, %arg3: memref<32x2x41x128xi32, #tpu.memory_space<hbm>>, %arg4: memref<32x2x41x128xi32, #tpu.memory_space<hbm>>, %arg5: memref<2x10240x128xf32, #tpu.memory_space<hbm>>, %arg6: memref<41x128xi32, #tpu.memory_space<vmem>>, %arg7: memref<41x128xi32, #tpu.memory_space<vmem>>, %arg8: memref<128x128xf32, #tpu.memory_space<vmem>>, %arg9: memref<128x128xf32, #tpu.memory_space<vmem>>, %arg10: memref<10240x128xf32, #tpu.memory_space<vmem_shared>>, %arg11: memref<!tpu.dma_semaphore, #tpu.memory_space<semaphore_mem>>, %arg12: memref<!tpu.dma_semaphore, #tpu.memory_space<semaphore_mem>>, %arg13: memref<!tpu.dma_semaphore, #tpu.memory_space<semaphore_mem>>, %arg14: memref<!tpu.dma_semaphore, #tpu.memory_space<semaphore_mem>>) attributes {dimension_semantics = [#tpu.dimension_semantics<core_parallel>, #tpu.dimension_semantics<subcore_parallel>], iteration_bounds = array<i64: 2, 16>, scalar_prefetch = 0 : i64, scratch_operands = 9 : i64, tpu.core_type = #tpu.core_type<sc_vector_subcore>, window_params = [{transform_indices = #map}, {transform_indices = #map1}, {transform_indices = #map1}, {transform_indices = #map2}]} {
    %mul3A = arith.constant 16 : i32
    %mul3A_0 = arith.muli %arg0, %mul3A : i32
    %add3A = arith.addi %mul3A_0, %arg1 : i32
    %scan3A = arith.constant 0 : i32
    %scan3A_1 = arith.constant 128 : i32
    %scan3A_2 = arith.addi %scan3A, %scan3A_1 : i32
    %scan3A_3 = arith.constant 1 : i32
    scf.for %scan3A_194 = %scan3A to %scan3A_2 step %scan3A_3  : i32 {
      %mul3A_195 = arith.constant 1 : i32
      %mul3A_196 = arith.muli %scan3A_194, %mul3A_195 : i32
      %add3A_197 = arith.constant 0 : i32
      %add3A_198 = arith.addi %add3A_197, %mul3A_196 : i32
      %scan3A_199 = arith.constant 0 : i32
      %scan3A_200 = arith.constant 8 : i32
      %scan3A_201 = arith.addi %scan3A_199, %scan3A_200 : i32
      %scan3A_202 = arith.constant 1 : i32
      scf.for %scan3A_204 = %scan3A_199 to %scan3A_201 step %scan3A_202  : i32 {
        %mul3A_205 = arith.constant 16 : i32
        %mul3A_206 = arith.muli %scan3A_204, %mul3A_205 : i32
        %add3A_207 = arith.constant 0 : i32
        %add3A_208 = arith.addi %add3A_207, %mul3A_206 : i32
        %broadcast_in_dim3A = arith.constant 0.000000e+00 : f32
        %broadcast_in_dim3A_209 = vector.broadcast %broadcast_in_dim3A : f32 to vector<16xf32>
        %swap3A = arith.index_cast %add3A_198 : i32 to index
        %swap3A_210 = arith.index_cast %add3A_208 : i32 to index
        %swap3A_211 = tpu.vector_load %arg8[%swap3A, %swap3A_210] {strides = array<i32>} : memref<128x128xf32, #tpu.memory_space<vmem>>, vector<1x16xf32>,
        %swap3A_212 = vector.shape_cast %swap3A_211 : vector<1x16xf32> to vector<16xf32>
        %swap3A_213 = vector.shape_cast %broadcast_in_dim3A_209 : vector<16xf32> to vector<1x16xf32>
        tpu.vector_store %arg8[%swap3A, %swap3A_210], %swap3A_213 {strides = array<i32>} : memref<128x128xf32, #tpu.memory_space<vmem>>, vector<1x16xf32>,
      }
      %scan3A_203 = arith.constant 8 : i32
    }
    %scan3A_4 = arith.constant 128 : i32
    %scan3A_5 = arith.constant 0 : i32
    %scan3A_6 = arith.constant 5 : i32
    %scan3A_7 = arith.addi %scan3A_5, %scan3A_6 : i32
    %scan3A_8 = arith.constant 1 : i32
    scf.for %scan3A_194 = %scan3A_5 to %scan3A_7 step %scan3A_8  : i32 {
      %mul3A_195 = arith.constant 1 : i32
      %mul3A_196 = arith.muli %scan3A_194, %mul3A_195 : i32
      %add3A_197 = arith.constant 0 : i32
      %add3A_198 = arith.addi %add3A_197, %mul3A_196 : i32
      %mul3A_199 = arith.constant 640 : i32
      %mul3A_200 = arith.muli %arg1, %mul3A_199 : i32
      %mul3A_201 = arith.constant 128 : i32
      %mul3A_202 = arith.muli %add3A_198, %mul3A_201 : i32
      %add3A_203 = arith.addi %mul3A_200, %mul3A_202 : i32
      "tpu.region"() ({
        %run_scoped3A_204 = tpu.sem_alloc : memref<!tpu.dma_semaphore, #tpu.memory_space<semaphore_mem>>
        %dma_start3A_205 = arith.constant 0 : i32
        %dma_start3A_206 = tpu.memref_slice %arg10[%add3A_203, %dma_start3A_205] : memref<10240x128xf32, #tpu.memory_space<vmem_shared>> -> memref<128x128xf32, #tpu.memory_space<vmem_shared>>
        %dma_start3A_207 = arith.constant 0 : i32
        %dma_start3A_208 = tpu.memref_slice %arg10[%add3A_203, %dma_start3A_207] : memref<10240x128xf32, #tpu.memory_space<vmem_shared>> -> memref<128x128xf32, #tpu.memory_space<vmem_shared>>
        tpu.enqueue_dma source(%arg8 : memref<128x128xf32, #tpu.memory_space<vmem>>) target(%dma_start3A_208 : memref<128x128xf32, #tpu.memory_space<vmem_shared>>) target_semaphore(%run_scoped3A_204 : memref<!tpu.dma_semaphore, #tpu.memory_space<semaphore_mem>>)
        %dma_wait3A_209 = arith.constant 0 : i32
        %dma_wait3A_210 = tpu.memref_slice %arg10[%add3A_203, %dma_wait3A_209] : memref<10240x128xf32, #tpu.memory_space<vmem_shared>> -> memref<128x128xf32, #tpu.memory_space<vmem_shared>>
        %dma_wait3A_211 = arith.constant 0 : i32
        %dma_wait3A_212 = tpu.memref_slice %arg10[%add3A_203, %dma_wait3A_211] : memref<10240x128xf32, #tpu.memory_space<vmem_shared>> -> memref<128x128xf32, #tpu.memory_space<vmem_shared>>
        tpu.wait_dma2 semaphore(%run_scoped3A_204 : memref<!tpu.dma_semaphore, #tpu.memory_space<semaphore_mem>>) src(%arg8 : memref<128x128xf32, #tpu.memory_space<vmem>>) dst(%dma_wait3A_212 : memref<128x128xf32, #tpu.memory_space<vmem_shared>>)
        tpu.yield
      }) : () -> ()
    }
    %scan3A_9 = arith.constant 5 : i32
    %barrier3A = arith.constant 0 : index
    tpu.barrier barrier_id(%barrier3A)
    %run_scoped3A = arith.constant 0 : i32
    "tpu.region"() ({
      %run_scoped3A_194 = tpu.sem_alloc : memref<!tpu.dma_semaphore, #tpu.memory_space<semaphore_mem>>
      %dma_start3A_195 = arith.constant 0 : i32
      %dma_start3A_196 = arith.constant 0 : i32
      %dma_start3A_197 = tpu.memref_slice %arg3[%add3A, %run_scoped3A, %dma_start3A_195, %dma_start3A_196] : memref<32x2x41x128xi32, #tpu.memory_space<hbm>> -> memref<1x1x41x128xi32, #tpu.memory_space<hbm>>
      %dma_start3A_198 = tpu.memref_squeeze %dma_start3A_197 : memref<1x1x41x128xi32, #tpu.memory_space<hbm>> -> memref<41x128xi32, #tpu.memory_space<hbm>>
      %dma_start3A_199 = arith.constant 0 : i32
      %dma_start3A_200 = arith.constant 0 : i32
      %dma_start3A_201 = tpu.memref_slice %arg3[%add3A, %run_scoped3A, %dma_start3A_199, %dma_start3A_200] : memref<32x2x41x128xi32, #tpu.memory_space<hbm>> -> memref<1x1x41x128xi32, #tpu.memory_space<hbm>>
      %dma_start3A_202 = tpu.memref_squeeze %dma_start3A_201 : memref<1x1x41x128xi32, #tpu.memory_space<hbm>> -> memref<41x128xi32, #tpu.memory_space<hbm>>
      tpu.enqueue_dma source(%dma_start3A_202 : memref<41x128xi32, #tpu.memory_space<hbm>>) target(%arg6 : memref<41x128xi32, #tpu.memory_space<vmem>>) target_semaphore(%run_scoped3A_194 : memref<!tpu.dma_semaphore, #tpu.memory_space<semaphore_mem>>)
      %dma_wait3A_203 = arith.constant 0 : i32
      %dma_wait3A_204 = arith.constant 0 : i32
      %dma_wait3A_205 = tpu.memref_slice %arg3[%add3A, %run_scoped3A, %dma_wait3A_203, %dma_wait3A_204] : memref<32x2x41x128xi32, #tpu.memory_space<hbm>> -> memref<1x1x41x128xi32, #tpu.memory_space<hbm>>
      %dma_wait3A_206 = tpu.memref_squeeze %dma_wait3A_205 : memref<1x1x41x128xi32, #tpu.memory_space<hbm>> -> memref<41x128xi32, #tpu.memory_space<hbm>>
      %dma_wait3A_207 = arith.constant 0 : i32
      %dma_wait3A_208 = arith.constant 0 : i32
      %dma_wait3A_209 = tpu.memref_slice %arg3[%add3A, %run_scoped3A, %dma_wait3A_207, %dma_wait3A_208] : memref<32x2x41x128xi32, #tpu.memory_space<hbm>> -> memref<1x1x41x128xi32, #tpu.memory_space<hbm>>
      %dma_wait3A_210 = tpu.memref_squeeze %dma_wait3A_209 : memref<1x1x41x128xi32, #tpu.memory_space<hbm>> -> memref<41x128xi32, #tpu.memory_space<hbm>>
      tpu.wait_dma2 semaphore(%run_scoped3A_194 : memref<!tpu.dma_semaphore, #tpu.memory_space<semaphore_mem>>) src(%dma_wait3A_210 : memref<41x128xi32, #tpu.memory_space<hbm>>) dst(%arg6 : memref<41x128xi32, #tpu.memory_space<vmem>>)
      tpu.yield
    }) : () -> ()
    %run_scoped3A_10 = arith.constant 0 : i32
    "tpu.region"() ({
      %run_scoped3A_194 = tpu.sem_alloc : memref<!tpu.dma_semaphore, #tpu.memory_space<semaphore_mem>>
      %dma_start3A_195 = arith.constant 0 : i32
      %dma_start3A_196 = arith.constant 0 : i32
      %dma_start3A_197 = tpu.memref_slice %arg4[%add3A, %run_scoped3A_10, %dma_start3A_195, %dma_start3A_196] : memref<32x2x41x128xi32, #tpu.memory_space<hbm>> -> memref<1x1x41x128xi32, #tpu.memory_space<hbm>>
      %dma_start3A_198 = tpu.memref_squeeze %dma_start3A_197 : memref<1x1x41x128xi32, #tpu.memory_space<hbm>> -> memref<41x128xi32, #tpu.memory_space<hbm>>
      %dma_start3A_199 = arith.constant 0 : i32
      %dma_start3A_200 = arith.constant 0 : i32
      %dma_start3A_201 = tpu.memref_slice %arg4[%add3A, %run_scoped3A_10, %dma_start3A_199, %dma_start3A_200] : memref<32x2x41x128xi32, #tpu.memory_space<hbm>> -> memref<1x1x41x128xi32, #tpu.memory_space<hbm>>
      %dma_start3A_202 = tpu.memref_squeeze %dma_start3A_201 : memref<1x1x41x128xi32, #tpu.memory_space<hbm>> -> memref<41x128xi32, #tpu.memory_space<hbm>>
      tpu.enqueue_dma source(%dma_start3A_202 : memref<41x128xi32, #tpu.memory_space<hbm>>) target(%arg7 : memref<41x128xi32, #tpu.memory_space<vmem>>) target_semaphore(%run_scoped3A_194 : memref<!tpu.dma_semaphore, #tpu.memory_space<semaphore_mem>>)
      %dma_wait3A_203 = arith.constant 0 : i32
      %dma_wait3A_204 = arith.constant 0 : i32
      %dma_wait3A_205 = tpu.memref_slice %arg4[%add3A, %run_scoped3A_10, %dma_wait3A_203, %dma_wait3A_204] : memref<32x2x41x128xi32, #tpu.memory_space<hbm>> -> memref<1x1x41x128xi32, #tpu.memory_space<hbm>>
      %dma_wait3A_206 = tpu.memref_squeeze %dma_wait3A_205 : memref<1x1x41x128xi32, #tpu.memory_space<hbm>> -> memref<41x128xi32, #tpu.memory_space<hbm>>
      %dma_wait3A_207 = arith.constant 0 : i32
      %dma_wait3A_208 = arith.constant 0 : i32
      %dma_wait3A_209 = tpu.memref_slice %arg4[%add3A, %run_scoped3A_10, %dma_wait3A_207, %dma_wait3A_208] : memref<32x2x41x128xi32, #tpu.memory_space<hbm>> -> memref<1x1x41x128xi32, #tpu.memory_space<hbm>>
      %dma_wait3A_210 = tpu.memref_squeeze %dma_wait3A_209 : memref<1x1x41x128xi32, #tpu.memory_space<hbm>> -> memref<41x128xi32, #tpu.memory_space<hbm>>
      tpu.wait_dma2 semaphore(%run_scoped3A_194 : memref<!tpu.dma_semaphore, #tpu.memory_space<semaphore_mem>>) src(%dma_wait3A_210 : memref<41x128xi32, #tpu.memory_space<hbm>>) dst(%arg7 : memref<41x128xi32, #tpu.memory_space<vmem>>)
      tpu.yield
    }) : () -> ()
    %dma_start3A = arith.constant 0 : i32
    %dma_start3A_11 = arith.constant 0 : i32
    %dma_start3A_12 = tpu.memref_slice %arg6[%dma_start3A, %dma_start3A_11] : memref<41x128xi32, #tpu.memory_space<vmem>> -> memref<1x128xi32, #tpu.memory_space<vmem>>
    %dma_start3A_13 = tpu.memref_squeeze %dma_start3A_12 : memref<1x128xi32, #tpu.memory_space<vmem>> -> memref<128xi32, #tpu.memory_space<vmem>>
    %dma_start3A_14 = arith.constant 0 : i32
    %dma_start3A_15 = arith.constant 0 : i32
    %dma_start3A_16 = tpu.memref_slice %arg2[%dma_start3A_14, %dma_start3A_15] : memref<10000x128xf32, #tpu.memory_space<hbm>> -> memref<10000x128xf32, #tpu.memory_space<hbm>>
    tpu.enqueue_indirect_dma source(%dma_start3A_16 : memref<10000x128xf32, #tpu.memory_space<hbm>>) target(%arg8 : memref<128x128xf32, #tpu.memory_space<vmem>>) offsets(%dma_start3A_13 : memref<128xi32, #tpu.memory_space<vmem>>) semaphore(%arg11 : memref<!tpu.dma_semaphore, #tpu.memory_space<semaphore_mem>>)
    %dma_start3A_17 = arith.constant 1 : i32
    %dma_start3A_18 = arith.constant 0 : i32
    %dma_start3A_19 = tpu.memref_slice %arg6[%dma_start3A_17, %dma_start3A_18] : memref<41x128xi32, #tpu.memory_space<vmem>> -> memref<1x128xi32, #tpu.memory_space<vmem>>
    %dma_start3A_20 = tpu.memref_squeeze %dma_start3A_19 : memref<1x128xi32, #tpu.memory_space<vmem>> -> memref<128xi32, #tpu.memory_space<vmem>>
    %dma_start3A_21 = arith.constant 0 : i32
    %dma_start3A_22 = arith.constant 0 : i32
    %dma_start3A_23 = tpu.memref_slice %arg2[%dma_start3A_21, %dma_start3A_22] : memref<10000x128xf32, #tpu.memory_space<hbm>> -> memref<10000x128xf32, #tpu.memory_space<hbm>>
    tpu.enqueue_indirect_dma source(%dma_start3A_23 : memref<10000x128xf32, #tpu.memory_space<hbm>>) target(%arg9 : memref<128x128xf32, #tpu.memory_space<vmem>>) offsets(%dma_start3A_20 : memref<128xi32, #tpu.memory_space<vmem>>) semaphore(%arg12 : memref<!tpu.dma_semaphore, #tpu.memory_space<semaphore_mem>>)
    %dma_wait3A = arith.constant 0 : i32
    %dma_wait3A_24 = arith.constant 0 : i32
    %dma_wait3A_25 = tpu.memref_slice %arg6[%dma_wait3A, %dma_wait3A_24] : memref<41x128xi32, #tpu.memory_space<vmem>> -> memref<1x128xi32, #tpu.memory_space<vmem>>
    %dma_wait3A_26 = tpu.memref_squeeze %dma_wait3A_25 : memref<1x128xi32, #tpu.memory_space<vmem>> -> memref<128xi32, #tpu.memory_space<vmem>>
    %dma_wait3A_27 = arith.constant 0 : i32
    %dma_wait3A_28 = arith.constant 0 : i32
    %dma_wait3A_29 = tpu.memref_slice %arg2[%dma_wait3A_27, %dma_wait3A_28] : memref<10000x128xf32, #tpu.memory_space<hbm>> -> memref<10000x128xf32, #tpu.memory_space<hbm>>
    tpu.wait_indirect_dma semaphore(%arg11 : memref<!tpu.dma_semaphore, #tpu.memory_space<semaphore_mem>>) src(%dma_wait3A_29 : memref<10000x128xf32, #tpu.memory_space<hbm>>) dst(%arg8 : memref<128x128xf32, #tpu.memory_space<vmem>>)
    %dma_start3A_30 = arith.constant 0 : i32
    %dma_start3A_31 = arith.constant 0 : i32
    %dma_start3A_32 = tpu.memref_slice %arg7[%dma_start3A_30, %dma_start3A_31] : memref<41x128xi32, #tpu.memory_space<vmem>> -> memref<1x128xi32, #tpu.memory_space<vmem>>
    %dma_start3A_33 = tpu.memref_squeeze %dma_start3A_32 : memref<1x128xi32, #tpu.memory_space<vmem>> -> memref<128xi32, #tpu.memory_space<vmem>>
    %dma_start3A_34 = arith.constant 0 : i32
    %dma_start3A_35 = arith.constant 0 : i32
    %dma_start3A_36 = tpu.memref_slice %arg10[%dma_start3A_34, %dma_start3A_35] : memref<10240x128xf32, #tpu.memory_space<vmem_shared>> -> memref<10240x128xf32, #tpu.memory_space<vmem_shared>>
    tpu.enqueue_indirect_dma source(%arg8 : memref<128x128xf32, #tpu.memory_space<vmem>>) target(%dma_start3A_36 : memref<10240x128xf32, #tpu.memory_space<vmem_shared>>) offsets(%dma_start3A_33 : memref<128xi32, #tpu.memory_space<vmem>>) semaphore(%arg13 : memref<!tpu.dma_semaphore, #tpu.memory_space<semaphore_mem>>) {add = true}
    %scan3A_37 = arith.constant 0 : i32
    %scan3A_38 = arith.constant 19 : i32
    %scan3A_39 = arith.addi %scan3A_37, %scan3A_38 : i32
    %scan3A_40 = arith.constant 1 : i32
    scf.for %scan3A_194 = %scan3A_37 to %scan3A_39 step %scan3A_40  : i32 {
      %mul3A_195 = arith.constant 1 : i32
      %mul3A_196 = arith.muli %scan3A_194, %mul3A_195 : i32
      %add3A_197 = arith.constant 0 : i32
      %add3A_198 = arith.addi %add3A_197, %mul3A_196 : i32
      %mul3A_199 = arith.constant 2 : i32
      %mul3A_200 = arith.muli %mul3A_199, %add3A_198 : i32
      %dma_wait3A_201 = arith.constant 0 : i32
      %dma_wait3A_202 = arith.constant 0 : i32
      %dma_wait3A_203 = tpu.memref_slice %arg6[%dma_wait3A_201, %dma_wait3A_202] : memref<41x128xi32, #tpu.memory_space<vmem>> -> memref<1x128xi32, #tpu.memory_space<vmem>>
      %dma_wait3A_204 = tpu.memref_squeeze %dma_wait3A_203 : memref<1x128xi32, #tpu.memory_space<vmem>> -> memref<128xi32, #tpu.memory_space<vmem>>
      %dma_wait3A_205 = arith.constant 0 : i32
      %dma_wait3A_206 = arith.constant 0 : i32
      %dma_wait3A_207 = tpu.memref_slice %arg2[%dma_wait3A_205, %dma_wait3A_206] : memref<10000x128xf32, #tpu.memory_space<hbm>> -> memref<10000x128xf32, #tpu.memory_space<hbm>>
      tpu.wait_indirect_dma semaphore(%arg12 : memref<!tpu.dma_semaphore, #tpu.memory_space<semaphore_mem>>) src(%dma_wait3A_207 : memref<10000x128xf32, #tpu.memory_space<hbm>>) dst(%arg9 : memref<128x128xf32, #tpu.memory_space<vmem>>)
      %add3A_208 = arith.constant 1 : i32
      %add3A_209 = arith.addi %mul3A_200, %add3A_208 : i32
      %dma_start3A_210 = arith.constant 0 : i32
      %dma_start3A_211 = tpu.memref_slice %arg7[%add3A_209, %dma_start3A_210] : memref<41x128xi32, #tpu.memory_space<vmem>> -> memref<1x128xi32, #tpu.memory_space<vmem>>
      %dma_start3A_212 = tpu.memref_squeeze %dma_start3A_211 : memref<1x128xi32, #tpu.memory_space<vmem>> -> memref<128xi32, #tpu.memory_space<vmem>>
      %dma_start3A_213 = arith.constant 0 : i32
      %dma_start3A_214 = arith.constant 0 : i32
      %dma_start3A_215 = tpu.memref_slice %arg10[%dma_start3A_213, %dma_start3A_214] : memref<10240x128xf32, #tpu.memory_space<vmem_shared>> -> memref<10240x128xf32, #tpu.memory_space<vmem_shared>>
      tpu.enqueue_indirect_dma source(%arg9 : memref<128x128xf32, #tpu.memory_space<vmem>>) target(%dma_start3A_215 : memref<10240x128xf32, #tpu.memory_space<vmem_shared>>) offsets(%dma_start3A_212 : memref<128xi32, #tpu.memory_space<vmem>>) semaphore(%arg14 : memref<!tpu.dma_semaphore, #tpu.memory_space<semaphore_mem>>) {add = true}
      %dma_wait3A_216 = arith.constant 0 : i32
      %dma_wait3A_217 = arith.constant 0 : i32
      %dma_wait3A_218 = tpu.memref_slice %arg7[%dma_wait3A_216, %dma_wait3A_217] : memref<41x128xi32, #tpu.memory_space<vmem>> -> memref<1x128xi32, #tpu.memory_space<vmem>>
      %dma_wait3A_219 = tpu.memref_squeeze %dma_wait3A_218 : memref<1x128xi32, #tpu.memory_space<vmem>> -> memref<128xi32, #tpu.memory_space<vmem>>
      %dma_wait3A_220 = arith.constant 0 : i32
      %dma_wait3A_221 = arith.constant 0 : i32
      %dma_wait3A_222 = tpu.memref_slice %arg10[%dma_wait3A_220, %dma_wait3A_221] : memref<10240x128xf32, #tpu.memory_space<vmem_shared>> -> memref<10240x128xf32, #tpu.memory_space<vmem_shared>>
      tpu.wait_indirect_dma semaphore(%arg13 : memref<!tpu.dma_semaphore, #tpu.memory_space<semaphore_mem>>) src(%arg8 : memref<128x128xf32, #tpu.memory_space<vmem>>) dst(%dma_wait3A_222 : memref<10240x128xf32, #tpu.memory_space<vmem_shared>>)
      %add3A_223 = arith.constant 2 : i32
      %add3A_224 = arith.addi %mul3A_200, %add3A_223 : i32
      %dma_start3A_225 = arith.constant 0 : i32
      %dma_start3A_226 = tpu.memref_slice %arg6[%add3A_224, %dma_start3A_225] : memref<41x128xi32, #tpu.memory_space<vmem>> -> memref<1x128xi32, #tpu.memory_space<vmem>>
      %dma_start3A_227 = tpu.memref_squeeze %dma_start3A_226 : memref<1x128xi32, #tpu.memory_space<vmem>> -> memref<128xi32, #tpu.memory_space<vmem>>
      %dma_start3A_228 = arith.constant 0 : i32
      %dma_start3A_229 = arith.constant 0 : i32
      %dma_start3A_230 = tpu.memref_slice %arg2[%dma_start3A_228, %dma_start3A_229] : memref<10000x128xf32, #tpu.memory_space<hbm>> -> memref<10000x128xf32, #tpu.memory_space<hbm>>
      tpu.enqueue_indirect_dma source(%dma_start3A_230 : memref<10000x128xf32, #tpu.memory_space<hbm>>) target(%arg8 : memref<128x128xf32, #tpu.memory_space<vmem>>) offsets(%dma_start3A_227 : memref<128xi32, #tpu.memory_space<vmem>>) semaphore(%arg11 : memref<!tpu.dma_semaphore, #tpu.memory_space<semaphore_mem>>)
      %dma_wait3A_231 = arith.constant 0 : i32
      %dma_wait3A_232 = arith.constant 0 : i32
      %dma_wait3A_233 = tpu.memref_slice %arg6[%dma_wait3A_231, %dma_wait3A_232] : memref<41x128xi32, #tpu.memory_space<vmem>> -> memref<1x128xi32, #tpu.memory_space<vmem>>
      %dma_wait3A_234 = tpu.memref_squeeze %dma_wait3A_233 : memref<1x128xi32, #tpu.memory_space<vmem>> -> memref<128xi32, #tpu.memory_space<vmem>>
      %dma_wait3A_235 = arith.constant 0 : i32
      %dma_wait3A_236 = arith.constant 0 : i32
      %dma_wait3A_237 = tpu.memref_slice %arg2[%dma_wait3A_235, %dma_wait3A_236] : memref<10000x128xf32, #tpu.memory_space<hbm>> -> memref<10000x128xf32, #tpu.memory_space<hbm>>
      tpu.wait_indirect_dma semaphore(%arg11 : memref<!tpu.dma_semaphore, #tpu.memory_space<semaphore_mem>>) src(%dma_wait3A_237 : memref<10000x128xf32, #tpu.memory_space<hbm>>) dst(%arg8 : memref<128x128xf32, #tpu.memory_space<vmem>>)
      %add3A_238 = arith.constant 2 : i32
      %add3A_239 = arith.addi %mul3A_200, %add3A_238 : i32
      %dma_start3A_240 = arith.constant 0 : i32
      %dma_start3A_241 = tpu.memref_slice %arg7[%add3A_239, %dma_start3A_240] : memref<41x128xi32, #tpu.memory_space<vmem>> -> memref<1x128xi32, #tpu.memory_space<vmem>>
      %dma_start3A_242 = tpu.memref_squeeze %dma_start3A_241 : memref<1x128xi32, #tpu.memory_space<vmem>> -> memref<128xi32, #tpu.memory_space<vmem>>
      %dma_start3A_243 = arith.constant 0 : i32
      %dma_start3A_244 = arith.constant 0 : i32
      %dma_start3A_245 = tpu.memref_slice %arg10[%dma_start3A_243, %dma_start3A_244] : memref<10240x128xf32, #tpu.memory_space<vmem_shared>> -> memref<10240x128xf32, #tpu.memory_space<vmem_shared>>
      tpu.enqueue_indirect_dma source(%arg8 : memref<128x128xf32, #tpu.memory_space<vmem>>) target(%dma_start3A_245 : memref<10240x128xf32, #tpu.memory_space<vmem_shared>>) offsets(%dma_start3A_242 : memref<128xi32, #tpu.memory_space<vmem>>) semaphore(%arg13 : memref<!tpu.dma_semaphore, #tpu.memory_space<semaphore_mem>>) {add = true}
      %dma_wait3A_246 = arith.constant 0 : i32
      %dma_wait3A_247 = arith.constant 0 : i32
      %dma_wait3A_248 = tpu.memref_slice %arg7[%dma_wait3A_246, %dma_wait3A_247] : memref<41x128xi32, #tpu.memory_space<vmem>> -> memref<1x128xi32, #tpu.memory_space<vmem>>
      %dma_wait3A_249 = tpu.memref_squeeze %dma_wait3A_248 : memref<1x128xi32, #tpu.memory_space<vmem>> -> memref<128xi32, #tpu.memory_space<vmem>>
      %dma_wait3A_250 = arith.constant 0 : i32
      %dma_wait3A_251 = arith.constant 0 : i32
      %dma_wait3A_252 = tpu.memref_slice %arg10[%dma_wait3A_250, %dma_wait3A_251] : memref<10240x128xf32, #tpu.memory_space<vmem_shared>> -> memref<10240x128xf32, #tpu.memory_space<vmem_shared>>
      tpu.wait_indirect_dma semaphore(%arg14 : memref<!tpu.dma_semaphore, #tpu.memory_space<semaphore_mem>>) src(%arg9 : memref<128x128xf32, #tpu.memory_space<vmem>>) dst(%dma_wait3A_252 : memref<10240x128xf32, #tpu.memory_space<vmem_shared>>)
      %add3A_253 = arith.constant 3 : i32
      %add3A_254 = arith.addi %mul3A_200, %add3A_253 : i32
      %dma_start3A_255 = arith.constant 0 : i32
      %dma_start3A_256 = tpu.memref_slice %arg6[%add3A_254, %dma_start3A_255] : memref<41x128xi32, #tpu.memory_space<vmem>> -> memref<1x128xi32, #tpu.memory_space<vmem>>
      %dma_start3A_257 = tpu.memref_squeeze %dma_start3A_256 : memref<1x128xi32, #tpu.memory_space<vmem>> -> memref<128xi32, #tpu.memory_space<vmem>>
      %dma_start3A_258 = arith.constant 0 : i32
      %dma_start3A_259 = arith.constant 0 : i32
      %dma_start3A_260 = tpu.memref_slice %arg2[%dma_start3A_258, %dma_start3A_259] : memref<10000x128xf32, #tpu.memory_space<hbm>> -> memref<10000x128xf32, #tpu.memory_space<hbm>>
      tpu.enqueue_indirect_dma source(%dma_start3A_260 : memref<10000x128xf32, #tpu.memory_space<hbm>>) target(%arg9 : memref<128x128xf32, #tpu.memory_space<vmem>>) offsets(%dma_start3A_257 : memref<128xi32, #tpu.memory_space<vmem>>) semaphore(%arg12 : memref<!tpu.dma_semaphore, #tpu.memory_space<semaphore_mem>>)
    }
    %scan3A_41 = arith.constant 19 : i32
    %dma_wait3A_42 = arith.constant 0 : i32
    %dma_wait3A_43 = arith.constant 0 : i32
    %dma_wait3A_44 = tpu.memref_slice %arg6[%dma_wait3A_42, %dma_wait3A_43] : memref<41x128xi32, #tpu.memory_space<vmem>> -> memref<1x128xi32, #tpu.memory_space<vmem>>
    %dma_wait3A_45 = tpu.memref_squeeze %dma_wait3A_44 : memref<1x128xi32, #tpu.memory_space<vmem>> -> memref<128xi32, #tpu.memory_space<vmem>>
    %dma_wait3A_46 = arith.constant 0 : i32
    %dma_wait3A_47 = arith.constant 0 : i32
    %dma_wait3A_48 = tpu.memref_slice %arg2[%dma_wait3A_46, %dma_wait3A_47] : memref<10000x128xf32, #tpu.memory_space<hbm>> -> memref<10000x128xf32, #tpu.memory_space<hbm>>
    tpu.wait_indirect_dma semaphore(%arg12 : memref<!tpu.dma_semaphore, #tpu.memory_space<semaphore_mem>>) src(%dma_wait3A_48 : memref<10000x128xf32, #tpu.memory_space<hbm>>) dst(%arg9 : memref<128x128xf32, #tpu.memory_space<vmem>>)
    %dma_start3A_49 = arith.constant 39 : i32
    %dma_start3A_50 = arith.constant 0 : i32
    %dma_start3A_51 = tpu.memref_slice %arg7[%dma_start3A_49, %dma_start3A_50] : memref<41x128xi32, #tpu.memory_space<vmem>> -> memref<1x128xi32, #tpu.memory_space<vmem>>
    %dma_start3A_52 = tpu.memref_squeeze %dma_start3A_51 : memref<1x128xi32, #tpu.memory_space<vmem>> -> memref<128xi32, #tpu.memory_space<vmem>>
    %dma_start3A_53 = arith.constant 0 : i32
    %dma_start3A_54 = arith.constant 0 : i32
    %dma_start3A_55 = tpu.memref_slice %arg10[%dma_start3A_53, %dma_start3A_54] : memref<10240x128xf32, #tpu.memory_space<vmem_shared>> -> memref<10240x128xf32, #tpu.memory_space<vmem_shared>>
    tpu.enqueue_indirect_dma source(%arg9 : memref<128x128xf32, #tpu.memory_space<vmem>>) target(%dma_start3A_55 : memref<10240x128xf32, #tpu.memory_space<vmem_shared>>) offsets(%dma_start3A_52 : memref<128xi32, #tpu.memory_space<vmem>>) semaphore(%arg14 : memref<!tpu.dma_semaphore, #tpu.memory_space<semaphore_mem>>) {add = true}
    %dma_wait3A_56 = arith.constant 0 : i32
    %dma_wait3A_57 = arith.constant 0 : i32
    %dma_wait3A_58 = tpu.memref_slice %arg7[%dma_wait3A_56, %dma_wait3A_57] : memref<41x128xi32, #tpu.memory_space<vmem>> -> memref<1x128xi32, #tpu.memory_space<vmem>>
    %dma_wait3A_59 = tpu.memref_squeeze %dma_wait3A_58 : memref<1x128xi32, #tpu.memory_space<vmem>> -> memref<128xi32, #tpu.memory_space<vmem>>
    %dma_wait3A_60 = arith.constant 0 : i32
    %dma_wait3A_61 = arith.constant 0 : i32
    %dma_wait3A_62 = tpu.memref_slice %arg10[%dma_wait3A_60, %dma_wait3A_61] : memref<10240x128xf32, #tpu.memory_space<vmem_shared>> -> memref<10240x128xf32, #tpu.memory_space<vmem_shared>>
    tpu.wait_indirect_dma semaphore(%arg13 : memref<!tpu.dma_semaphore, #tpu.memory_space<semaphore_mem>>) src(%arg8 : memref<128x128xf32, #tpu.memory_space<vmem>>) dst(%dma_wait3A_62 : memref<10240x128xf32, #tpu.memory_space<vmem_shared>>)
    %dma_start3A_63 = arith.constant 40 : i32
    %dma_start3A_64 = arith.constant 0 : i32
    %dma_start3A_65 = tpu.memref_slice %arg6[%dma_start3A_63, %dma_start3A_64] : memref<41x128xi32, #tpu.memory_space<vmem>> -> memref<1x128xi32, #tpu.memory_space<vmem>>
    %dma_start3A_66 = tpu.memref_squeeze %dma_start3A_65 : memref<1x128xi32, #tpu.memory_space<vmem>> -> memref<128xi32, #tpu.memory_space<vmem>>
    %dma_start3A_67 = arith.constant 0 : i32
    %dma_start3A_68 = arith.constant 0 : i32
    %dma_start3A_69 = tpu.memref_slice %arg2[%dma_start3A_67, %dma_start3A_68] : memref<10000x128xf32, #tpu.memory_space<hbm>> -> memref<10000x128xf32, #tpu.memory_space<hbm>>
    tpu.enqueue_indirect_dma source(%dma_start3A_69 : memref<10000x128xf32, #tpu.memory_space<hbm>>) target(%arg8 : memref<128x128xf32, #tpu.memory_space<vmem>>) offsets(%dma_start3A_66 : memref<128xi32, #tpu.memory_space<vmem>>) semaphore(%arg11 : memref<!tpu.dma_semaphore, #tpu.memory_space<semaphore_mem>>)
    %dma_wait3A_70 = arith.constant 0 : i32
    %dma_wait3A_71 = arith.constant 0 : i32
    %dma_wait3A_72 = tpu.memref_slice %arg6[%dma_wait3A_70, %dma_wait3A_71] : memref<41x128xi32, #tpu.memory_space<vmem>> -> memref<1x128xi32, #tpu.memory_space<vmem>>
    %dma_wait3A_73 = tpu.memref_squeeze %dma_wait3A_72 : memref<1x128xi32, #tpu.memory_space<vmem>> -> memref<128xi32, #tpu.memory_space<vmem>>
    %dma_wait3A_74 = arith.constant 0 : i32
    %dma_wait3A_75 = arith.constant 0 : i32
    %dma_wait3A_76 = tpu.memref_slice %arg2[%dma_wait3A_74, %dma_wait3A_75] : memref<10000x128xf32, #tpu.memory_space<hbm>> -> memref<10000x128xf32, #tpu.memory_space<hbm>>
    tpu.wait_indirect_dma semaphore(%arg11 : memref<!tpu.dma_semaphore, #tpu.memory_space<semaphore_mem>>) src(%dma_wait3A_76 : memref<10000x128xf32, #tpu.memory_space<hbm>>) dst(%arg8 : memref<128x128xf32, #tpu.memory_space<vmem>>)
    %dma_start3A_77 = arith.constant 40 : i32
    %dma_start3A_78 = arith.constant 0 : i32
    %dma_start3A_79 = tpu.memref_slice %arg7[%dma_start3A_77, %dma_start3A_78] : memref<41x128xi32, #tpu.memory_space<vmem>> -> memref<1x128xi32, #tpu.memory_space<vmem>>
    %dma_start3A_80 = tpu.memref_squeeze %dma_start3A_79 : memref<1x128xi32, #tpu.memory_space<vmem>> -> memref<128xi32, #tpu.memory_space<vmem>>
    %dma_start3A_81 = arith.constant 0 : i32
    %dma_start3A_82 = arith.constant 0 : i32
    %dma_start3A_83 = tpu.memref_slice %arg10[%dma_start3A_81, %dma_start3A_82] : memref<10240x128xf32, #tpu.memory_space<vmem_shared>> -> memref<10240x128xf32, #tpu.memory_space<vmem_shared>>
    tpu.enqueue_indirect_dma source(%arg8 : memref<128x128xf32, #tpu.memory_space<vmem>>) target(%dma_start3A_83 : memref<10240x128xf32, #tpu.memory_space<vmem_shared>>) offsets(%dma_start3A_80 : memref<128xi32, #tpu.memory_space<vmem>>) semaphore(%arg13 : memref<!tpu.dma_semaphore, #tpu.memory_space<semaphore_mem>>) {add = true}
    %dma_wait3A_84 = arith.constant 0 : i32
    %dma_wait3A_85 = arith.constant 0 : i32
    %dma_wait3A_86 = tpu.memref_slice %arg7[%dma_wait3A_84, %dma_wait3A_85] : memref<41x128xi32, #tpu.memory_space<vmem>> -> memref<1x128xi32, #tpu.memory_space<vmem>>
    %dma_wait3A_87 = tpu.memref_squeeze %dma_wait3A_86 : memref<1x128xi32, #tpu.memory_space<vmem>> -> memref<128xi32, #tpu.memory_space<vmem>>
    %dma_wait3A_88 = arith.constant 0 : i32
    %dma_wait3A_89 = arith.constant 0 : i32
    %dma_wait3A_90 = tpu.memref_slice %arg10[%dma_wait3A_88, %dma_wait3A_89] : memref<10240x128xf32, #tpu.memory_space<vmem_shared>> -> memref<10240x128xf32, #tpu.memory_space<vmem_shared>>
    tpu.wait_indirect_dma semaphore(%arg14 : memref<!tpu.dma_semaphore, #tpu.memory_space<semaphore_mem>>) src(%arg9 : memref<128x128xf32, #tpu.memory_space<vmem>>) dst(%dma_wait3A_90 : memref<10240x128xf32, #tpu.memory_space<vmem_shared>>)
    %dma_wait3A_91 = arith.constant 0 : i32
    %dma_wait3A_92 = arith.constant 0 : i32
    %dma_wait3A_93 = tpu.memref_slice %arg7[%dma_wait3A_91, %dma_wait3A_92] : memref<41x128xi32, #tpu.memory_space<vmem>> -> memref<1x128xi32, #tpu.memory_space<vmem>>
    %dma_wait3A_94 = tpu.memref_squeeze %dma_wait3A_93 : memref<1x128xi32, #tpu.memory_space<vmem>> -> memref<128xi32, #tpu.memory_space<vmem>>
    %dma_wait3A_95 = arith.constant 0 : i32
    %dma_wait3A_96 = arith.constant 0 : i32
    %dma_wait3A_97 = tpu.memref_slice %arg10[%dma_wait3A_95, %dma_wait3A_96] : memref<10240x128xf32, #tpu.memory_space<vmem_shared>> -> memref<10240x128xf32, #tpu.memory_space<vmem_shared>>
    tpu.wait_indirect_dma semaphore(%arg13 : memref<!tpu.dma_semaphore, #tpu.memory_space<semaphore_mem>>) src(%arg8 : memref<128x128xf32, #tpu.memory_space<vmem>>) dst(%dma_wait3A_97 : memref<10240x128xf32, #tpu.memory_space<vmem_shared>>)
    %run_scoped3A_98 = arith.constant 1 : i32
    "tpu.region"() ({
      %run_scoped3A_194 = tpu.sem_alloc : memref<!tpu.dma_semaphore, #tpu.memory_space<semaphore_mem>>
      %dma_start3A_195 = arith.constant 0 : i32
      %dma_start3A_196 = arith.constant 0 : i32
      %dma_start3A_197 = tpu.memref_slice %arg3[%add3A, %run_scoped3A_98, %dma_start3A_195, %dma_start3A_196] : memref<32x2x41x128xi32, #tpu.memory_space<hbm>> -> memref<1x1x41x128xi32, #tpu.memory_space<hbm>>
      %dma_start3A_198 = tpu.memref_squeeze %dma_start3A_197 : memref<1x1x41x128xi32, #tpu.memory_space<hbm>> -> memref<41x128xi32, #tpu.memory_space<hbm>>
      %dma_start3A_199 = arith.constant 0 : i32
      %dma_start3A_200 = arith.constant 0 : i32
      %dma_start3A_201 = tpu.memref_slice %arg3[%add3A, %run_scoped3A_98, %dma_start3A_199, %dma_start3A_200] : memref<32x2x41x128xi32, #tpu.memory_space<hbm>> -> memref<1x1x41x128xi32, #tpu.memory_space<hbm>>
      %dma_start3A_202 = tpu.memref_squeeze %dma_start3A_201 : memref<1x1x41x128xi32, #tpu.memory_space<hbm>> -> memref<41x128xi32, #tpu.memory_space<hbm>>
      tpu.enqueue_dma source(%dma_start3A_202 : memref<41x128xi32, #tpu.memory_space<hbm>>) target(%arg6 : memref<41x128xi32, #tpu.memory_space<vmem>>) target_semaphore(%run_scoped3A_194 : memref<!tpu.dma_semaphore, #tpu.memory_space<semaphore_mem>>)
      %dma_wait3A_203 = arith.constant 0 : i32
      %dma_wait3A_204 = arith.constant 0 : i32
      %dma_wait3A_205 = tpu.memref_slice %arg3[%add3A, %run_scoped3A_98, %dma_wait3A_203, %dma_wait3A_204] : memref<32x2x41x128xi32, #tpu.memory_space<hbm>> -> memref<1x1x41x128xi32, #tpu.memory_space<hbm>>
      %dma_wait3A_206 = tpu.memref_squeeze %dma_wait3A_205 : memref<1x1x41x128xi32, #tpu.memory_space<hbm>> -> memref<41x128xi32, #tpu.memory_space<hbm>>
      %dma_wait3A_207 = arith.constant 0 : i32
      %dma_wait3A_208 = arith.constant 0 : i32
      %dma_wait3A_209 = tpu.memref_slice %arg3[%add3A, %run_scoped3A_98, %dma_wait3A_207, %dma_wait3A_208] : memref<32x2x41x128xi32, #tpu.memory_space<hbm>> -> memref<1x1x41x128xi32, #tpu.memory_space<hbm>>
      %dma_wait3A_210 = tpu.memref_squeeze %dma_wait3A_209 : memref<1x1x41x128xi32, #tpu.memory_space<hbm>> -> memref<41x128xi32, #tpu.memory_space<hbm>>
      tpu.wait_dma2 semaphore(%run_scoped3A_194 : memref<!tpu.dma_semaphore, #tpu.memory_space<semaphore_mem>>) src(%dma_wait3A_210 : memref<41x128xi32, #tpu.memory_space<hbm>>) dst(%arg6 : memref<41x128xi32, #tpu.memory_space<vmem>>)
      tpu.yield
    }) : () -> ()
    %run_scoped3A_99 = arith.constant 1 : i32
    "tpu.region"() ({
      %run_scoped3A_194 = tpu.sem_alloc : memref<!tpu.dma_semaphore, #tpu.memory_space<semaphore_mem>>
      %dma_start3A_195 = arith.constant 0 : i32
      %dma_start3A_196 = arith.constant 0 : i32
      %dma_start3A_197 = tpu.memref_slice %arg4[%add3A, %run_scoped3A_99, %dma_start3A_195, %dma_start3A_196] : memref<32x2x41x128xi32, #tpu.memory_space<hbm>> -> memref<1x1x41x128xi32, #tpu.memory_space<hbm>>
      %dma_start3A_198 = tpu.memref_squeeze %dma_start3A_197 : memref<1x1x41x128xi32, #tpu.memory_space<hbm>> -> memref<41x128xi32, #tpu.memory_space<hbm>>
      %dma_start3A_199 = arith.constant 0 : i32
      %dma_start3A_200 = arith.constant 0 : i32
      %dma_start3A_201 = tpu.memref_slice %arg4[%add3A, %run_scoped3A_99, %dma_start3A_199, %dma_start3A_200] : memref<32x2x41x128xi32, #tpu.memory_space<hbm>> -> memref<1x1x41x128xi32, #tpu.memory_space<hbm>>
      %dma_start3A_202 = tpu.memref_squeeze %dma_start3A_201 : memref<1x1x41x128xi32, #tpu.memory_space<hbm>> -> memref<41x128xi32, #tpu.memory_space<hbm>>
      tpu.enqueue_dma source(%dma_start3A_202 : memref<41x128xi32, #tpu.memory_space<hbm>>) target(%arg7 : memref<41x128xi32, #tpu.memory_space<vmem>>) target_semaphore(%run_scoped3A_194 : memref<!tpu.dma_semaphore, #tpu.memory_space<semaphore_mem>>)
      %dma_wait3A_203 = arith.constant 0 : i32
      %dma_wait3A_204 = arith.constant 0 : i32
      %dma_wait3A_205 = tpu.memref_slice %arg4[%add3A, %run_scoped3A_99, %dma_wait3A_203, %dma_wait3A_204] : memref<32x2x41x128xi32, #tpu.memory_space<hbm>> -> memref<1x1x41x128xi32, #tpu.memory_space<hbm>>
      %dma_wait3A_206 = tpu.memref_squeeze %dma_wait3A_205 : memref<1x1x41x128xi32, #tpu.memory_space<hbm>> -> memref<41x128xi32, #tpu.memory_space<hbm>>
      %dma_wait3A_207 = arith.constant 0 : i32
      %dma_wait3A_208 = arith.constant 0 : i32
      %dma_wait3A_209 = tpu.memref_slice %arg4[%add3A, %run_scoped3A_99, %dma_wait3A_207, %dma_wait3A_208] : memref<32x2x41x128xi32, #tpu.memory_space<hbm>> -> memref<1x1x41x128xi32, #tpu.memory_space<hbm>>
      %dma_wait3A_210 = tpu.memref_squeeze %dma_wait3A_209 : memref<1x1x41x128xi32, #tpu.memory_space<hbm>> -> memref<41x128xi32, #tpu.memory_space<hbm>>
      tpu.wait_dma2 semaphore(%run_scoped3A_194 : memref<!tpu.dma_semaphore, #tpu.memory_space<semaphore_mem>>) src(%dma_wait3A_210 : memref<41x128xi32, #tpu.memory_space<hbm>>) dst(%arg7 : memref<41x128xi32, #tpu.memory_space<vmem>>)
      tpu.yield
    }) : () -> ()
    %dma_start3A_100 = arith.constant 0 : i32
    %dma_start3A_101 = arith.constant 0 : i32
    %dma_start3A_102 = tpu.memref_slice %arg6[%dma_start3A_100, %dma_start3A_101] : memref<41x128xi32, #tpu.memory_space<vmem>> -> memref<1x128xi32, #tpu.memory_space<vmem>>
    %dma_start3A_103 = tpu.memref_squeeze %dma_start3A_102 : memref<1x128xi32, #tpu.memory_space<vmem>> -> memref<128xi32, #tpu.memory_space<vmem>>
    %dma_start3A_104 = arith.constant 0 : i32
    %dma_start3A_105 = arith.constant 0 : i32
    %dma_start3A_106 = tpu.memref_slice %arg2[%dma_start3A_104, %dma_start3A_105] : memref<10000x128xf32, #tpu.memory_space<hbm>> -> memref<10000x128xf32, #tpu.memory_space<hbm>>
    tpu.enqueue_indirect_dma source(%dma_start3A_106 : memref<10000x128xf32, #tpu.memory_space<hbm>>) target(%arg8 : memref<128x128xf32, #tpu.memory_space<vmem>>) offsets(%dma_start3A_103 : memref<128xi32, #tpu.memory_space<vmem>>) semaphore(%arg11 : memref<!tpu.dma_semaphore, #tpu.memory_space<semaphore_mem>>)
    %dma_start3A_107 = arith.constant 1 : i32
    %dma_start3A_108 = arith.constant 0 : i32
    %dma_start3A_109 = tpu.memref_slice %arg6[%dma_start3A_107, %dma_start3A_108] : memref<41x128xi32, #tpu.memory_space<vmem>> -> memref<1x128xi32, #tpu.memory_space<vmem>>
    %dma_start3A_110 = tpu.memref_squeeze %dma_start3A_109 : memref<1x128xi32, #tpu.memory_space<vmem>> -> memref<128xi32, #tpu.memory_space<vmem>>
    %dma_start3A_111 = arith.constant 0 : i32
    %dma_start3A_112 = arith.constant 0 : i32
    %dma_start3A_113 = tpu.memref_slice %arg2[%dma_start3A_111, %dma_start3A_112] : memref<10000x128xf32, #tpu.memory_space<hbm>> -> memref<10000x128xf32, #tpu.memory_space<hbm>>
    tpu.enqueue_indirect_dma source(%dma_start3A_113 : memref<10000x128xf32, #tpu.memory_space<hbm>>) target(%arg9 : memref<128x128xf32, #tpu.memory_space<vmem>>) offsets(%dma_start3A_110 : memref<128xi32, #tpu.memory_space<vmem>>) semaphore(%arg12 : memref<!tpu.dma_semaphore, #tpu.memory_space<semaphore_mem>>)
    %dma_wait3A_114 = arith.constant 0 : i32
    %dma_wait3A_115 = arith.constant 0 : i32
    %dma_wait3A_116 = tpu.memref_slice %arg6[%dma_wait3A_114, %dma_wait3A_115] : memref<41x128xi32, #tpu.memory_space<vmem>> -> memref<1x128xi32, #tpu.memory_space<vmem>>
    %dma_wait3A_117 = tpu.memref_squeeze %dma_wait3A_116 : memref<1x128xi32, #tpu.memory_space<vmem>> -> memref<128xi32, #tpu.memory_space<vmem>>
    %dma_wait3A_118 = arith.constant 0 : i32
    %dma_wait3A_119 = arith.constant 0 : i32
    %dma_wait3A_120 = tpu.memref_slice %arg2[%dma_wait3A_118, %dma_wait3A_119] : memref<10000x128xf32, #tpu.memory_space<hbm>> -> memref<10000x128xf32, #tpu.memory_space<hbm>>
    tpu.wait_indirect_dma semaphore(%arg11 : memref<!tpu.dma_semaphore, #tpu.memory_space<semaphore_mem>>) src(%dma_wait3A_120 : memref<10000x128xf32, #tpu.memory_space<hbm>>) dst(%arg8 : memref<128x128xf32, #tpu.memory_space<vmem>>)
    %dma_start3A_121 = arith.constant 0 : i32
    %dma_start3A_122 = arith.constant 0 : i32
    %dma_start3A_123 = tpu.memref_slice %arg7[%dma_start3A_121, %dma_start3A_122] : memref<41x128xi32, #tpu.memory_space<vmem>> -> memref<1x128xi32, #tpu.memory_space<vmem>>
    %dma_start3A_124 = tpu.memref_squeeze %dma_start3A_123 : memref<1x128xi32, #tpu.memory_space<vmem>> -> memref<128xi32, #tpu.memory_space<vmem>>
    %dma_start3A_125 = arith.constant 0 : i32
    %dma_start3A_126 = arith.constant 0 : i32
    %dma_start3A_127 = tpu.memref_slice %arg10[%dma_start3A_125, %dma_start3A_126] : memref<10240x128xf32, #tpu.memory_space<vmem_shared>> -> memref<10240x128xf32, #tpu.memory_space<vmem_shared>>
    tpu.enqueue_indirect_dma source(%arg8 : memref<128x128xf32, #tpu.memory_space<vmem>>) target(%dma_start3A_127 : memref<10240x128xf32, #tpu.memory_space<vmem_shared>>) offsets(%dma_start3A_124 : memref<128xi32, #tpu.memory_space<vmem>>) semaphore(%arg13 : memref<!tpu.dma_semaphore, #tpu.memory_space<semaphore_mem>>) {add = true}
    %scan3A_128 = arith.constant 0 : i32
    %scan3A_129 = arith.constant 19 : i32
    %scan3A_130 = arith.addi %scan3A_128, %scan3A_129 : i32
    %scan3A_131 = arith.constant 1 : i32
    scf.for %scan3A_194 = %scan3A_128 to %scan3A_130 step %scan3A_131  : i32 {
      %mul3A_195 = arith.constant 1 : i32
      %mul3A_196 = arith.muli %scan3A_194, %mul3A_195 : i32
      %add3A_197 = arith.constant 0 : i32
      %add3A_198 = arith.addi %add3A_197, %mul3A_196 : i32
      %mul3A_199 = arith.constant 2 : i32
      %mul3A_200 = arith.muli %mul3A_199, %add3A_198 : i32
      %dma_wait3A_201 = arith.constant 0 : i32
      %dma_wait3A_202 = arith.constant 0 : i32
      %dma_wait3A_203 = tpu.memref_slice %arg6[%dma_wait3A_201, %dma_wait3A_202] : memref<41x128xi32, #tpu.memory_space<vmem>> -> memref<1x128xi32, #tpu.memory_space<vmem>>
      %dma_wait3A_204 = tpu.memref_squeeze %dma_wait3A_203 : memref<1x128xi32, #tpu.memory_space<vmem>> -> memref<128xi32, #tpu.memory_space<vmem>>
      %dma_wait3A_205 = arith.constant 0 : i32
      %dma_wait3A_206 = arith.constant 0 : i32
      %dma_wait3A_207 = tpu.memref_slice %arg2[%dma_wait3A_205, %dma_wait3A_206] : memref<10000x128xf32, #tpu.memory_space<hbm>> -> memref<10000x128xf32, #tpu.memory_space<hbm>>
      tpu.wait_indirect_dma semaphore(%arg12 : memref<!tpu.dma_semaphore, #tpu.memory_space<semaphore_mem>>) src(%dma_wait3A_207 : memref<10000x128xf32, #tpu.memory_space<hbm>>) dst(%arg9 : memref<128x128xf32, #tpu.memory_space<vmem>>)
      %add3A_208 = arith.constant 1 : i32
      %add3A_209 = arith.addi %mul3A_200, %add3A_208 : i32
      %dma_start3A_210 = arith.constant 0 : i32
      %dma_start3A_211 = tpu.memref_slice %arg7[%add3A_209, %dma_start3A_210] : memref<41x128xi32, #tpu.memory_space<vmem>> -> memref<1x128xi32, #tpu.memory_space<vmem>>
      %dma_start3A_212 = tpu.memref_squeeze %dma_start3A_211 : memref<1x128xi32, #tpu.memory_space<vmem>> -> memref<128xi32, #tpu.memory_space<vmem>>
      %dma_start3A_213 = arith.constant 0 : i32
      %dma_start3A_214 = arith.constant 0 : i32
      %dma_start3A_215 = tpu.memref_slice %arg10[%dma_start3A_213, %dma_start3A_214] : memref<10240x128xf32, #tpu.memory_space<vmem_shared>> -> memref<10240x128xf32, #tpu.memory_space<vmem_shared>>
      tpu.enqueue_indirect_dma source(%arg9 : memref<128x128xf32, #tpu.memory_space<vmem>>) target(%dma_start3A_215 : memref<10240x128xf32, #tpu.memory_space<vmem_shared>>) offsets(%dma_start3A_212 : memref<128xi32, #tpu.memory_space<vmem>>) semaphore(%arg14 : memref<!tpu.dma_semaphore, #tpu.memory_space<semaphore_mem>>) {add = true}
      %dma_wait3A_216 = arith.constant 0 : i32
      %dma_wait3A_217 = arith.constant 0 : i32
      %dma_wait3A_218 = tpu.memref_slice %arg7[%dma_wait3A_216, %dma_wait3A_217] : memref<41x128xi32, #tpu.memory_space<vmem>> -> memref<1x128xi32, #tpu.memory_space<vmem>>
      %dma_wait3A_219 = tpu.memref_squeeze %dma_wait3A_218 : memref<1x128xi32, #tpu.memory_space<vmem>> -> memref<128xi32, #tpu.memory_space<vmem>>
      %dma_wait3A_220 = arith.constant 0 : i32
      %dma_wait3A_221 = arith.constant 0 : i32
      %dma_wait3A_222 = tpu.memref_slice %arg10[%dma_wait3A_220, %dma_wait3A_221] : memref<10240x128xf32, #tpu.memory_space<vmem_shared>> -> memref<10240x128xf32, #tpu.memory_space<vmem_shared>>
      tpu.wait_indirect_dma semaphore(%arg13 : memref<!tpu.dma_semaphore, #tpu.memory_space<semaphore_mem>>) src(%arg8 : memref<128x128xf32, #tpu.memory_space<vmem>>) dst(%dma_wait3A_222 : memref<10240x128xf32, #tpu.memory_space<vmem_shared>>)
      %add3A_223 = arith.constant 2 : i32
      %add3A_224 = arith.addi %mul3A_200, %add3A_223 : i32
      %dma_start3A_225 = arith.constant 0 : i32
      %dma_start3A_226 = tpu.memref_slice %arg6[%add3A_224, %dma_start3A_225] : memref<41x128xi32, #tpu.memory_space<vmem>> -> memref<1x128xi32, #tpu.memory_space<vmem>>
      %dma_start3A_227 = tpu.memref_squeeze %dma_start3A_226 : memref<1x128xi32, #tpu.memory_space<vmem>> -> memref<128xi32, #tpu.memory_space<vmem>>
      %dma_start3A_228 = arith.constant 0 : i32
      %dma_start3A_229 = arith.constant 0 : i32
      %dma_start3A_230 = tpu.memref_slice %arg2[%dma_start3A_228, %dma_start3A_229] : memref<10000x128xf32, #tpu.memory_space<hbm>> -> memref<10000x128xf32, #tpu.memory_space<hbm>>
      tpu.enqueue_indirect_dma source(%dma_start3A_230 : memref<10000x128xf32, #tpu.memory_space<hbm>>) target(%arg8 : memref<128x128xf32, #tpu.memory_space<vmem>>) offsets(%dma_start3A_227 : memref<128xi32, #tpu.memory_space<vmem>>) semaphore(%arg11 : memref<!tpu.dma_semaphore, #tpu.memory_space<semaphore_mem>>)
      %dma_wait3A_231 = arith.constant 0 : i32
      %dma_wait3A_232 = arith.constant 0 : i32
      %dma_wait3A_233 = tpu.memref_slice %arg6[%dma_wait3A_231, %dma_wait3A_232] : memref<41x128xi32, #tpu.memory_space<vmem>> -> memref<1x128xi32, #tpu.memory_space<vmem>>
      %dma_wait3A_234 = tpu.memref_squeeze %dma_wait3A_233 : memref<1x128xi32, #tpu.memory_space<vmem>> -> memref<128xi32, #tpu.memory_space<vmem>>
      %dma_wait3A_235 = arith.constant 0 : i32
      %dma_wait3A_236 = arith.constant 0 : i32
      %dma_wait3A_237 = tpu.memref_slice %arg2[%dma_wait3A_235, %dma_wait3A_236] : memref<10000x128xf32, #tpu.memory_space<hbm>> -> memref<10000x128xf32, #tpu.memory_space<hbm>>
      tpu.wait_indirect_dma semaphore(%arg11 : memref<!tpu.dma_semaphore, #tpu.memory_space<semaphore_mem>>) src(%dma_wait3A_237 : memref<10000x128xf32, #tpu.memory_space<hbm>>) dst(%arg8 : memref<128x128xf32, #tpu.memory_space<vmem>>)
      %add3A_238 = arith.constant 2 : i32
      %add3A_239 = arith.addi %mul3A_200, %add3A_238 : i32
      %dma_start3A_240 = arith.constant 0 : i32
      %dma_start3A_241 = tpu.memref_slice %arg7[%add3A_239, %dma_start3A_240] : memref<41x128xi32, #tpu.memory_space<vmem>> -> memref<1x128xi32, #tpu.memory_space<vmem>>
      %dma_start3A_242 = tpu.memref_squeeze %dma_start3A_241 : memref<1x128xi32, #tpu.memory_space<vmem>> -> memref<128xi32, #tpu.memory_space<vmem>>
      %dma_start3A_243 = arith.constant 0 : i32
      %dma_start3A_244 = arith.constant 0 : i32
      %dma_start3A_245 = tpu.memref_slice %arg10[%dma_start3A_243, %dma_start3A_244] : memref<10240x128xf32, #tpu.memory_space<vmem_shared>> -> memref<10240x128xf32, #tpu.memory_space<vmem_shared>>
      tpu.enqueue_indirect_dma source(%arg8 : memref<128x128xf32, #tpu.memory_space<vmem>>) target(%dma_start3A_245 : memref<10240x128xf32, #tpu.memory_space<vmem_shared>>) offsets(%dma_start3A_242 : memref<128xi32, #tpu.memory_space<vmem>>) semaphore(%arg13 : memref<!tpu.dma_semaphore, #tpu.memory_space<semaphore_mem>>) {add = true}
      %dma_wait3A_246 = arith.constant 0 : i32
      %dma_wait3A_247 = arith.constant 0 : i32
      %dma_wait3A_248 = tpu.memref_slice %arg7[%dma_wait3A_246, %dma_wait3A_247] : memref<41x128xi32, #tpu.memory_space<vmem>> -> memref<1x128xi32, #tpu.memory_space<vmem>>
      %dma_wait3A_249 = tpu.memref_squeeze %dma_wait3A_248 : memref<1x128xi32, #tpu.memory_space<vmem>> -> memref<128xi32, #tpu.memory_space<vmem>>
      %dma_wait3A_250 = arith.constant 0 : i32
      %dma_wait3A_251 = arith.constant 0 : i32
      %dma_wait3A_252 = tpu.memref_slice %arg10[%dma_wait3A_250, %dma_wait3A_251] : memref<10240x128xf32, #tpu.memory_space<vmem_shared>> -> memref<10240x128xf32, #tpu.memory_space<vmem_shared>>
      tpu.wait_indirect_dma semaphore(%arg14 : memref<!tpu.dma_semaphore, #tpu.memory_space<semaphore_mem>>) src(%arg9 : memref<128x128xf32, #tpu.memory_space<vmem>>) dst(%dma_wait3A_252 : memref<10240x128xf32, #tpu.memory_space<vmem_shared>>)
      %add3A_253 = arith.constant 3 : i32
      %add3A_254 = arith.addi %mul3A_200, %add3A_253 : i32
      %dma_start3A_255 = arith.constant 0 : i32
      %dma_start3A_256 = tpu.memref_slice %arg6[%add3A_254, %dma_start3A_255] : memref<41x128xi32, #tpu.memory_space<vmem>> -> memref<1x128xi32, #tpu.memory_space<vmem>>
      %dma_start3A_257 = tpu.memref_squeeze %dma_start3A_256 : memref<1x128xi32, #tpu.memory_space<vmem>> -> memref<128xi32, #tpu.memory_space<vmem>>
      %dma_start3A_258 = arith.constant 0 : i32
      %dma_start3A_259 = arith.constant 0 : i32
      %dma_start3A_260 = tpu.memref_slice %arg2[%dma_start3A_258, %dma_start3A_259] : memref<10000x128xf32, #tpu.memory_space<hbm>> -> memref<10000x128xf32, #tpu.memory_space<hbm>>
      tpu.enqueue_indirect_dma source(%dma_start3A_260 : memref<10000x128xf32, #tpu.memory_space<hbm>>) target(%arg9 : memref<128x128xf32, #tpu.memory_space<vmem>>) offsets(%dma_start3A_257 : memref<128xi32, #tpu.memory_space<vmem>>) semaphore(%arg12 : memref<!tpu.dma_semaphore, #tpu.memory_space<semaphore_mem>>)
    }
    %scan3A_132 = arith.constant 19 : i32
    %dma_wait3A_133 = arith.constant 0 : i32
    %dma_wait3A_134 = arith.constant 0 : i32
    %dma_wait3A_135 = tpu.memref_slice %arg6[%dma_wait3A_133, %dma_wait3A_134] : memref<41x128xi32, #tpu.memory_space<vmem>> -> memref<1x128xi32, #tpu.memory_space<vmem>>
    %dma_wait3A_136 = tpu.memref_squeeze %dma_wait3A_135 : memref<1x128xi32, #tpu.memory_space<vmem>> -> memref<128xi32, #tpu.memory_space<vmem>>
    %dma_wait3A_137 = arith.constant 0 : i32
    %dma_wait3A_138 = arith.constant 0 : i32
    %dma_wait3A_139 = tpu.memref_slice %arg2[%dma_wait3A_137, %dma_wait3A_138] : memref<10000x128xf32, #tpu.memory_space<hbm>> -> memref<10000x128xf32, #tpu.memory_space<hbm>>
    tpu.wait_indirect_dma semaphore(%arg12 : memref<!tpu.dma_semaphore, #tpu.memory_space<semaphore_mem>>) src(%dma_wait3A_139 : memref<10000x128xf32, #tpu.memory_space<hbm>>) dst(%arg9 : memref<128x128xf32, #tpu.memory_space<vmem>>)
    %dma_start3A_140 = arith.constant 39 : i32
    %dma_start3A_141 = arith.constant 0 : i32
    %dma_start3A_142 = tpu.memref_slice %arg7[%dma_start3A_140, %dma_start3A_141] : memref<41x128xi32, #tpu.memory_space<vmem>> -> memref<1x128xi32, #tpu.memory_space<vmem>>
    %dma_start3A_143 = tpu.memref_squeeze %dma_start3A_142 : memref<1x128xi32, #tpu.memory_space<vmem>> -> memref<128xi32, #tpu.memory_space<vmem>>
    %dma_start3A_144 = arith.constant 0 : i32
    %dma_start3A_145 = arith.constant 0 : i32
    %dma_start3A_146 = tpu.memref_slice %arg10[%dma_start3A_144, %dma_start3A_145] : memref<10240x128xf32, #tpu.memory_space<vmem_shared>> -> memref<10240x128xf32, #tpu.memory_space<vmem_shared>>
    tpu.enqueue_indirect_dma source(%arg9 : memref<128x128xf32, #tpu.memory_space<vmem>>) target(%dma_start3A_146 : memref<10240x128xf32, #tpu.memory_space<vmem_shared>>) offsets(%dma_start3A_143 : memref<128xi32, #tpu.memory_space<vmem>>) semaphore(%arg14 : memref<!tpu.dma_semaphore, #tpu.memory_space<semaphore_mem>>) {add = true}
    %dma_wait3A_147 = arith.constant 0 : i32
    %dma_wait3A_148 = arith.constant 0 : i32
    %dma_wait3A_149 = tpu.memref_slice %arg7[%dma_wait3A_147, %dma_wait3A_148] : memref<41x128xi32, #tpu.memory_space<vmem>> -> memref<1x128xi32, #tpu.memory_space<vmem>>
    %dma_wait3A_150 = tpu.memref_squeeze %dma_wait3A_149 : memref<1x128xi32, #tpu.memory_space<vmem>> -> memref<128xi32, #tpu.memory_space<vmem>>
    %dma_wait3A_151 = arith.constant 0 : i32
    %dma_wait3A_152 = arith.constant 0 : i32
    %dma_wait3A_153 = tpu.memref_slice %arg10[%dma_wait3A_151, %dma_wait3A_152] : memref<10240x128xf32, #tpu.memory_space<vmem_shared>> -> memref<10240x128xf32, #tpu.memory_space<vmem_shared>>
    tpu.wait_indirect_dma semaphore(%arg13 : memref<!tpu.dma_semaphore, #tpu.memory_space<semaphore_mem>>) src(%arg8 : memref<128x128xf32, #tpu.memory_space<vmem>>) dst(%dma_wait3A_153 : memref<10240x128xf32, #tpu.memory_space<vmem_shared>>)
    %dma_start3A_154 = arith.constant 40 : i32
    %dma_start3A_155 = arith.constant 0 : i32
    %dma_start3A_156 = tpu.memref_slice %arg6[%dma_start3A_154, %dma_start3A_155] : memref<41x128xi32, #tpu.memory_space<vmem>> -> memref<1x128xi32, #tpu.memory_space<vmem>>
    %dma_start3A_157 = tpu.memref_squeeze %dma_start3A_156 : memref<1x128xi32, #tpu.memory_space<vmem>> -> memref<128xi32, #tpu.memory_space<vmem>>
    %dma_start3A_158 = arith.constant 0 : i32
    %dma_start3A_159 = arith.constant 0 : i32
    %dma_start3A_160 = tpu.memref_slice %arg2[%dma_start3A_158, %dma_start3A_159] : memref<10000x128xf32, #tpu.memory_space<hbm>> -> memref<10000x128xf32, #tpu.memory_space<hbm>>
    tpu.enqueue_indirect_dma source(%dma_start3A_160 : memref<10000x128xf32, #tpu.memory_space<hbm>>) target(%arg8 : memref<128x128xf32, #tpu.memory_space<vmem>>) offsets(%dma_start3A_157 : memref<128xi32, #tpu.memory_space<vmem>>) semaphore(%arg11 : memref<!tpu.dma_semaphore, #tpu.memory_space<semaphore_mem>>)
    %dma_wait3A_161 = arith.constant 0 : i32
    %dma_wait3A_162 = arith.constant 0 : i32
    %dma_wait3A_163 = tpu.memref_slice %arg6[%dma_wait3A_161, %dma_wait3A_162] : memref<41x128xi32, #tpu.memory_space<vmem>> -> memref<1x128xi32, #tpu.memory_space<vmem>>
    %dma_wait3A_164 = tpu.memref_squeeze %dma_wait3A_163 : memref<1x128xi32, #tpu.memory_space<vmem>> -> memref<128xi32, #tpu.memory_space<vmem>>
    %dma_wait3A_165 = arith.constant 0 : i32
    %dma_wait3A_166 = arith.constant 0 : i32
    %dma_wait3A_167 = tpu.memref_slice %arg2[%dma_wait3A_165, %dma_wait3A_166] : memref<10000x128xf32, #tpu.memory_space<hbm>> -> memref<10000x128xf32, #tpu.memory_space<hbm>>
    tpu.wait_indirect_dma semaphore(%arg11 : memref<!tpu.dma_semaphore, #tpu.memory_space<semaphore_mem>>) src(%dma_wait3A_167 : memref<10000x128xf32, #tpu.memory_space<hbm>>) dst(%arg8 : memref<128x128xf32, #tpu.memory_space<vmem>>)
    %dma_start3A_168 = arith.constant 40 : i32
    %dma_start3A_169 = arith.constant 0 : i32
    %dma_start3A_170 = tpu.memref_slice %arg7[%dma_start3A_168, %dma_start3A_169] : memref<41x128xi32, #tpu.memory_space<vmem>> -> memref<1x128xi32, #tpu.memory_space<vmem>>
    %dma_start3A_171 = tpu.memref_squeeze %dma_start3A_170 : memref<1x128xi32, #tpu.memory_space<vmem>> -> memref<128xi32, #tpu.memory_space<vmem>>
    %dma_start3A_172 = arith.constant 0 : i32
    %dma_start3A_173 = arith.constant 0 : i32
    %dma_start3A_174 = tpu.memref_slice %arg10[%dma_start3A_172, %dma_start3A_173] : memref<10240x128xf32, #tpu.memory_space<vmem_shared>> -> memref<10240x128xf32, #tpu.memory_space<vmem_shared>>
    tpu.enqueue_indirect_dma source(%arg8 : memref<128x128xf32, #tpu.memory_space<vmem>>) target(%dma_start3A_174 : memref<10240x128xf32, #tpu.memory_space<vmem_shared>>) offsets(%dma_start3A_171 : memref<128xi32, #tpu.memory_space<vmem>>) semaphore(%arg13 : memref<!tpu.dma_semaphore, #tpu.memory_space<semaphore_mem>>) {add = true}
    %dma_wait3A_175 = arith.constant 0 : i32
    %dma_wait3A_176 = arith.constant 0 : i32
    %dma_wait3A_177 = tpu.memref_slice %arg7[%dma_wait3A_175, %dma_wait3A_176] : memref<41x128xi32, #tpu.memory_space<vmem>> -> memref<1x128xi32, #tpu.memory_space<vmem>>
    %dma_wait3A_178 = tpu.memref_squeeze %dma_wait3A_177 : memref<1x128xi32, #tpu.memory_space<vmem>> -> memref<128xi32, #tpu.memory_space<vmem>>
    %dma_wait3A_179 = arith.constant 0 : i32
    %dma_wait3A_180 = arith.constant 0 : i32
    %dma_wait3A_181 = tpu.memref_slice %arg10[%dma_wait3A_179, %dma_wait3A_180] : memref<10240x128xf32, #tpu.memory_space<vmem_shared>> -> memref<10240x128xf32, #tpu.memory_space<vmem_shared>>
    tpu.wait_indirect_dma semaphore(%arg14 : memref<!tpu.dma_semaphore, #tpu.memory_space<semaphore_mem>>) src(%arg9 : memref<128x128xf32, #tpu.memory_space<vmem>>) dst(%dma_wait3A_181 : memref<10240x128xf32, #tpu.memory_space<vmem_shared>>)
    %dma_wait3A_182 = arith.constant 0 : i32
    %dma_wait3A_183 = arith.constant 0 : i32
    %dma_wait3A_184 = tpu.memref_slice %arg7[%dma_wait3A_182, %dma_wait3A_183] : memref<41x128xi32, #tpu.memory_space<vmem>> -> memref<1x128xi32, #tpu.memory_space<vmem>>
    %dma_wait3A_185 = tpu.memref_squeeze %dma_wait3A_184 : memref<1x128xi32, #tpu.memory_space<vmem>> -> memref<128xi32, #tpu.memory_space<vmem>>
    %dma_wait3A_186 = arith.constant 0 : i32
    %dma_wait3A_187 = arith.constant 0 : i32
    %dma_wait3A_188 = tpu.memref_slice %arg10[%dma_wait3A_186, %dma_wait3A_187] : memref<10240x128xf32, #tpu.memory_space<vmem_shared>> -> memref<10240x128xf32, #tpu.memory_space<vmem_shared>>
    tpu.wait_indirect_dma semaphore(%arg13 : memref<!tpu.dma_semaphore, #tpu.memory_space<semaphore_mem>>) src(%arg8 : memref<128x128xf32, #tpu.memory_space<vmem>>) dst(%dma_wait3A_188 : memref<10240x128xf32, #tpu.memory_space<vmem_shared>>)
    %barrier3A_189 = arith.constant 0 : index
    tpu.barrier barrier_id(%barrier3A_189)
    %mul3A_190 = arith.constant 640 : i32
    %mul3A_191 = arith.muli %arg1, %mul3A_190 : i32
    %mul3A_192 = arith.constant 640 : i32
    %mul3A_193 = arith.muli %arg1, %mul3A_192 : i32
    "tpu.region"() ({
      %run_scoped3A_194 = tpu.sem_alloc : memref<!tpu.dma_semaphore, #tpu.memory_space<semaphore_mem>>
      %dma_start3A_195 = arith.constant 0 : i32
      %dma_start3A_196 = tpu.memref_slice %arg5[%arg0, %mul3A_193, %dma_start3A_195] : memref<2x10240x128xf32, #tpu.memory_space<hbm>> -> memref<1x640x128xf32, #tpu.memory_space<hbm>>
      %dma_start3A_197 = tpu.memref_squeeze %dma_start3A_196 : memref<1x640x128xf32, #tpu.memory_space<hbm>> -> memref<640x128xf32, #tpu.memory_space<hbm>>
      %dma_start3A_198 = arith.constant 0 : i32
      %dma_start3A_199 = tpu.memref_slice %arg10[%mul3A_191, %dma_start3A_198] : memref<10240x128xf32, #tpu.memory_space<vmem_shared>> -> memref<640x128xf32, #tpu.memory_space<vmem_shared>>
      tpu.enqueue_dma source(%dma_start3A_199 : memref<640x128xf32, #tpu.memory_space<vmem_shared>>) target(%dma_start3A_197 : memref<640x128xf32, #tpu.memory_space<hbm>>) target_semaphore(%run_scoped3A_194 : memref<!tpu.dma_semaphore, #tpu.memory_space<semaphore_mem>>)
      %dma_wait3A_200 = arith.constant 0 : i32
      %dma_wait3A_201 = tpu.memref_slice %arg5[%arg0, %mul3A_193, %dma_wait3A_200] : memref<2x10240x128xf32, #tpu.memory_space<hbm>> -> memref<1x640x128xf32, #tpu.memory_space<hbm>>
      %dma_wait3A_202 = tpu.memref_squeeze %dma_wait3A_201 : memref<1x640x128xf32, #tpu.memory_space<hbm>> -> memref<640x128xf32, #tpu.memory_space<hbm>>
      %dma_wait3A_203 = arith.constant 0 : i32
      %dma_wait3A_204 = tpu.memref_slice %arg10[%mul3A_191, %dma_wait3A_203] : memref<10240x128xf32, #tpu.memory_space<vmem_shared>> -> memref<640x128xf32, #tpu.memory_space<vmem_shared>>
      tpu.wait_dma2 semaphore(%run_scoped3A_194 : memref<!tpu.dma_semaphore, #tpu.memory_space<semaphore_mem>>) src(%dma_wait3A_204 : memref<640x128xf32, #tpu.memory_space<vmem_shared>>) dst(%dma_wait3A_202 : memref<640x128xf32, #tpu.memory_space<hbm>>)
      tpu.yield
    }) : () -> ()
    return
  }
}

#map = affine_map<(d0, d1) -> (0, 0)>
#map1 = affine_map<(d0, d1) -> (0, 0, 0, 0)>
#map2 = affine_map<(d0, d1) -> (0, 0, 0)>
module attributes {stable_mosaic.version = 14 : i64} {
  func.func @sc_aggregate(%arg0: i32, %arg1: i32, %arg2: memref<10000x128xf32, #tpu.memory_space<hbm>>, %arg3: memref<32x2x41x128xi32, #tpu.memory_space<hbm>>, %arg4: memref<32x2x41x128xi32, #tpu.memory_space<hbm>>, %arg5: memref<2x10240x128xf32, #tpu.memory_space<hbm>>, %arg6: memref<41x128xi32, #tpu.memory_space<vmem>>, %arg7: memref<41x128xi32, #tpu.memory_space<vmem>>, %arg8: memref<128x128xf32, #tpu.memory_space<vmem>>, %arg9: memref<128x128xf32, #tpu.memory_space<vmem>>, %arg10: memref<10240x128xf32, #tpu.memory_space<vmem_shared>>, %arg11: memref<!tpu.dma_semaphore, #tpu.memory_space<semaphore_mem>>, %arg12: memref<!tpu.dma_semaphore, #tpu.memory_space<semaphore_mem>>, %arg13: memref<!tpu.dma_semaphore, #tpu.memory_space<semaphore_mem>>, %arg14: memref<!tpu.dma_semaphore, #tpu.memory_space<semaphore_mem>>) attributes {dimension_semantics = [#tpu.dimension_semantics<core_parallel>, #tpu.dimension_semantics<subcore_parallel>], iteration_bounds = array<i64: 2, 16>, scalar_prefetch = 0 : i64, scratch_operands = 9 : i64, tpu.core_type = #tpu.core_type<sc_vector_subcore>, window_params = [{transform_indices = #map}, {transform_indices = #map1}, {transform_indices = #map1}, {transform_indices = #map2}]} {
    %mul3A = arith.constant 16 : i32
    %mul3A_0 = arith.muli %arg0, %mul3A : i32
    %add3A = arith.addi %mul3A_0, %arg1 : i32
    %scan3A = arith.constant 0 : i32
    %scan3A_1 = arith.constant 128 : i32
    %scan3A_2 = arith.addi %scan3A, %scan3A_1 : i32
    %scan3A_3 = arith.constant 1 : i32
    scf.for %scan3A_194 = %scan3A to %scan3A_2 step %scan3A_3  : i32 {
      %mul3A_195 = arith.constant 1 : i32
      %mul3A_196 = arith.muli %scan3A_194, %mul3A_195 : i32
      %add3A_197 = arith.constant 0 : i32
      %add3A_198 = arith.addi %add3A_197, %mul3A_196 : i32
      %scan3A_199 = arith.constant 0 : i32
      %scan3A_200 = arith.constant 8 : i32
      %scan3A_201 = arith.addi %scan3A_199, %scan3A_200 : i32
      %scan3A_202 = arith.constant 1 : i32
      scf.for %scan3A_204 = %scan3A_199 to %scan3A_201 step %scan3A_202  : i32 {
        %mul3A_205 = arith.constant 16 : i32
        %mul3A_206 = arith.muli %scan3A_204, %mul3A_205 : i32
        %add3A_207 = arith.constant 0 : i32
        %add3A_208 = arith.addi %add3A_207, %mul3A_206 : i32
        %broadcast_in_dim3A = arith.constant 0.000000e+00 : f32
        %broadcast_in_dim3A_209 = vector.broadcast %broadcast_in_dim3A : f32 to vector<16xf32>
        %swap3A = arith.index_cast %add3A_198 : i32 to index
        %swap3A_210 = arith.index_cast %add3A_208 : i32 to index
        %swap3A_211 = tpu.vector_load %arg8[%swap3A, %swap3A_210] {strides = array<i32>} : memref<128x128xf32, #tpu.memory_space<vmem>>, vector<1x16xf32>,
        %swap3A_212 = vector.shape_cast %swap3A_211 : vector<1x16xf32> to vector<16xf32>
        %swap3A_213 = vector.shape_cast %broadcast_in_dim3A_209 : vector<16xf32> to vector<1x16xf32>
        tpu.vector_store %arg8[%swap3A, %swap3A_210], %swap3A_213 {strides = array<i32>} : memref<128x128xf32, #tpu.memory_space<vmem>>, vector<1x16xf32>,
      }
      %scan3A_203 = arith.constant 8 : i32
    }
    %scan3A_4 = arith.constant 128 : i32
    %scan3A_5 = arith.constant 0 : i32
    %scan3A_6 = arith.constant 5 : i32
    %scan3A_7 = arith.addi %scan3A_5, %scan3A_6 : i32
    %scan3A_8 = arith.constant 1 : i32
    scf.for %scan3A_194 = %scan3A_5 to %scan3A_7 step %scan3A_8  : i32 {
      %mul3A_195 = arith.constant 1 : i32
      %mul3A_196 = arith.muli %scan3A_194, %mul3A_195 : i32
      %add3A_197 = arith.constant 0 : i32
      %add3A_198 = arith.addi %add3A_197, %mul3A_196 : i32
      %mul3A_199 = arith.constant 640 : i32
      %mul3A_200 = arith.muli %arg1, %mul3A_199 : i32
      %mul3A_201 = arith.constant 128 : i32
      %mul3A_202 = arith.muli %add3A_198, %mul3A_201 : i32
      %add3A_203 = arith.addi %mul3A_200, %mul3A_202 : i32
      "tpu.region"() ({
        %run_scoped3A_204 = tpu.sem_alloc : memref<!tpu.dma_semaphore, #tpu.memory_space<semaphore_mem>>
        %dma_start3A_205 = arith.constant 0 : i32
        %dma_start3A_206 = tpu.memref_slice %arg10[%add3A_203, %dma_start3A_205] : memref<10240x128xf32, #tpu.memory_space<vmem_shared>> -> memref<128x128xf32, #tpu.memory_space<vmem_shared>>
        %dma_start3A_207 = arith.constant 0 : i32
        %dma_start3A_208 = tpu.memref_slice %arg10[%add3A_203, %dma_start3A_207] : memref<10240x128xf32, #tpu.memory_space<vmem_shared>> -> memref<128x128xf32, #tpu.memory_space<vmem_shared>>
        tpu.enqueue_dma source(%arg8 : memref<128x128xf32, #tpu.memory_space<vmem>>) target(%dma_start3A_208 : memref<128x128xf32, #tpu.memory_space<vmem_shared>>) target_semaphore(%run_scoped3A_204 : memref<!tpu.dma_semaphore, #tpu.memory_space<semaphore_mem>>)
        %dma_wait3A_209 = arith.constant 0 : i32
        %dma_wait3A_210 = tpu.memref_slice %arg10[%add3A_203, %dma_wait3A_209] : memref<10240x128xf32, #tpu.memory_space<vmem_shared>> -> memref<128x128xf32, #tpu.memory_space<vmem_shared>>
        %dma_wait3A_211 = arith.constant 0 : i32
        %dma_wait3A_212 = tpu.memref_slice %arg10[%add3A_203, %dma_wait3A_211] : memref<10240x128xf32, #tpu.memory_space<vmem_shared>> -> memref<128x128xf32, #tpu.memory_space<vmem_shared>>
        tpu.wait_dma2 semaphore(%run_scoped3A_204 : memref<!tpu.dma_semaphore, #tpu.memory_space<semaphore_mem>>) src(%arg8 : memref<128x128xf32, #tpu.memory_space<vmem>>) dst(%dma_wait3A_212 : memref<128x128xf32, #tpu.memory_space<vmem_shared>>)
        tpu.yield
      }) : () -> ()
    }
    %scan3A_9 = arith.constant 5 : i32
    %barrier3A = arith.constant 0 : index
    tpu.barrier barrier_id(%barrier3A)
    %run_scoped3A = arith.constant 0 : i32
    "tpu.region"() ({
      %run_scoped3A_194 = tpu.sem_alloc : memref<!tpu.dma_semaphore, #tpu.memory_space<semaphore_mem>>
      %dma_start3A_195 = arith.constant 0 : i32
      %dma_start3A_196 = arith.constant 0 : i32
      %dma_start3A_197 = tpu.memref_slice %arg3[%add3A, %run_scoped3A, %dma_start3A_195, %dma_start3A_196] : memref<32x2x41x128xi32, #tpu.memory_space<hbm>> -> memref<1x1x41x128xi32, #tpu.memory_space<hbm>>
      %dma_start3A_198 = tpu.memref_squeeze %dma_start3A_197 : memref<1x1x41x128xi32, #tpu.memory_space<hbm>> -> memref<41x128xi32, #tpu.memory_space<hbm>>
      %dma_start3A_199 = arith.constant 0 : i32
      %dma_start3A_200 = arith.constant 0 : i32
      %dma_start3A_201 = tpu.memref_slice %arg3[%add3A, %run_scoped3A, %dma_start3A_199, %dma_start3A_200] : memref<32x2x41x128xi32, #tpu.memory_space<hbm>> -> memref<1x1x41x128xi32, #tpu.memory_space<hbm>>
      %dma_start3A_202 = tpu.memref_squeeze %dma_start3A_201 : memref<1x1x41x128xi32, #tpu.memory_space<hbm>> -> memref<41x128xi32, #tpu.memory_space<hbm>>
      tpu.enqueue_dma source(%dma_start3A_202 : memref<41x128xi32, #tpu.memory_space<hbm>>) target(%arg6 : memref<41x128xi32, #tpu.memory_space<vmem>>) target_semaphore(%run_scoped3A_194 : memref<!tpu.dma_semaphore, #tpu.memory_space<semaphore_mem>>)
      %dma_wait3A_203 = arith.constant 0 : i32
      %dma_wait3A_204 = arith.constant 0 : i32
      %dma_wait3A_205 = tpu.memref_slice %arg3[%add3A, %run_scoped3A, %dma_wait3A_203, %dma_wait3A_204] : memref<32x2x41x128xi32, #tpu.memory_space<hbm>> -> memref<1x1x41x128xi32, #tpu.memory_space<hbm>>
      %dma_wait3A_206 = tpu.memref_squeeze %dma_wait3A_205 : memref<1x1x41x128xi32, #tpu.memory_space<hbm>> -> memref<41x128xi32, #tpu.memory_space<hbm>>
      %dma_wait3A_207 = arith.constant 0 : i32
      %dma_wait3A_208 = arith.constant 0 : i32
      %dma_wait3A_209 = tpu.memref_slice %arg3[%add3A, %run_scoped3A, %dma_wait3A_207, %dma_wait3A_208] : memref<32x2x41x128xi32, #tpu.memory_space<hbm>> -> memref<1x1x41x128xi32, #tpu.memory_space<hbm>>
      %dma_wait3A_210 = tpu.memref_squeeze %dma_wait3A_209 : memref<1x1x41x128xi32, #tpu.memory_space<hbm>> -> memref<41x128xi32, #tpu.memory_space<hbm>>
      tpu.wait_dma2 semaphore(%run_scoped3A_194 : memref<!tpu.dma_semaphore, #tpu.memory_space<semaphore_mem>>) src(%dma_wait3A_210 : memref<41x128xi32, #tpu.memory_space<hbm>>) dst(%arg6 : memref<41x128xi32, #tpu.memory_space<vmem>>)
      tpu.yield
    }) : () -> ()
    %run_scoped3A_10 = arith.constant 0 : i32
    "tpu.region"() ({
      %run_scoped3A_194 = tpu.sem_alloc : memref<!tpu.dma_semaphore, #tpu.memory_space<semaphore_mem>>
      %dma_start3A_195 = arith.constant 0 : i32
      %dma_start3A_196 = arith.constant 0 : i32
      %dma_start3A_197 = tpu.memref_slice %arg4[%add3A, %run_scoped3A_10, %dma_start3A_195, %dma_start3A_196] : memref<32x2x41x128xi32, #tpu.memory_space<hbm>> -> memref<1x1x41x128xi32, #tpu.memory_space<hbm>>
      %dma_start3A_198 = tpu.memref_squeeze %dma_start3A_197 : memref<1x1x41x128xi32, #tpu.memory_space<hbm>> -> memref<41x128xi32, #tpu.memory_space<hbm>>
      %dma_start3A_199 = arith.constant 0 : i32
      %dma_start3A_200 = arith.constant 0 : i32
      %dma_start3A_201 = tpu.memref_slice %arg4[%add3A, %run_scoped3A_10, %dma_start3A_199, %dma_start3A_200] : memref<32x2x41x128xi32, #tpu.memory_space<hbm>> -> memref<1x1x41x128xi32, #tpu.memory_space<hbm>>
      %dma_start3A_202 = tpu.memref_squeeze %dma_start3A_201 : memref<1x1x41x128xi32, #tpu.memory_space<hbm>> -> memref<41x128xi32, #tpu.memory_space<hbm>>
      tpu.enqueue_dma source(%dma_start3A_202 : memref<41x128xi32, #tpu.memory_space<hbm>>) target(%arg7 : memref<41x128xi32, #tpu.memory_space<vmem>>) target_semaphore(%run_scoped3A_194 : memref<!tpu.dma_semaphore, #tpu.memory_space<semaphore_mem>>)
      %dma_wait3A_203 = arith.constant 0 : i32
      %dma_wait3A_204 = arith.constant 0 : i32
      %dma_wait3A_205 = tpu.memref_slice %arg4[%add3A, %run_scoped3A_10, %dma_wait3A_203, %dma_wait3A_204] : memref<32x2x41x128xi32, #tpu.memory_space<hbm>> -> memref<1x1x41x128xi32, #tpu.memory_space<hbm>>
      %dma_wait3A_206 = tpu.memref_squeeze %dma_wait3A_205 : memref<1x1x41x128xi32, #tpu.memory_space<hbm>> -> memref<41x128xi32, #tpu.memory_space<hbm>>
      %dma_wait3A_207 = arith.constant 0 : i32
      %dma_wait3A_208 = arith.constant 0 : i32
      %dma_wait3A_209 = tpu.memref_slice %arg4[%add3A, %run_scoped3A_10, %dma_wait3A_207, %dma_wait3A_208] : memref<32x2x41x128xi32, #tpu.memory_space<hbm>> -> memref<1x1x41x128xi32, #tpu.memory_space<hbm>>
      %dma_wait3A_210 = tpu.memref_squeeze %dma_wait3A_209 : memref<1x1x41x128xi32, #tpu.memory_space<hbm>> -> memref<41x128xi32, #tpu.memory_space<hbm>>
      tpu.wait_dma2 semaphore(%run_scoped3A_194 : memref<!tpu.dma_semaphore, #tpu.memory_space<semaphore_mem>>) src(%dma_wait3A_210 : memref<41x128xi32, #tpu.memory_space<hbm>>) dst(%arg7 : memref<41x128xi32, #tpu.memory_space<vmem>>)
      tpu.yield
    }) : () -> ()
    %dma_start3A = arith.constant 0 : i32
    %dma_start3A_11 = arith.constant 0 : i32
    %dma_start3A_12 = tpu.memref_slice %arg6[%dma_start3A, %dma_start3A_11] : memref<41x128xi32, #tpu.memory_space<vmem>> -> memref<1x128xi32, #tpu.memory_space<vmem>>
    %dma_start3A_13 = tpu.memref_squeeze %dma_start3A_12 : memref<1x128xi32, #tpu.memory_space<vmem>> -> memref<128xi32, #tpu.memory_space<vmem>>
    %dma_start3A_14 = arith.constant 0 : i32
    %dma_start3A_15 = arith.constant 0 : i32
    %dma_start3A_16 = tpu.memref_slice %arg2[%dma_start3A_14, %dma_start3A_15] : memref<10000x128xf32, #tpu.memory_space<hbm>> -> memref<10000x128xf32, #tpu.memory_space<hbm>>
    tpu.enqueue_indirect_dma source(%dma_start3A_16 : memref<10000x128xf32, #tpu.memory_space<hbm>>) target(%arg8 : memref<128x128xf32, #tpu.memory_space<vmem>>) offsets(%dma_start3A_13 : memref<128xi32, #tpu.memory_space<vmem>>) semaphore(%arg11 : memref<!tpu.dma_semaphore, #tpu.memory_space<semaphore_mem>>)
    %dma_start3A_17 = arith.constant 1 : i32
    %dma_start3A_18 = arith.constant 0 : i32
    %dma_start3A_19 = tpu.memref_slice %arg6[%dma_start3A_17, %dma_start3A_18] : memref<41x128xi32, #tpu.memory_space<vmem>> -> memref<1x128xi32, #tpu.memory_space<vmem>>
    %dma_start3A_20 = tpu.memref_squeeze %dma_start3A_19 : memref<1x128xi32, #tpu.memory_space<vmem>> -> memref<128xi32, #tpu.memory_space<vmem>>
    %dma_start3A_21 = arith.constant 0 : i32
    %dma_start3A_22 = arith.constant 0 : i32
    %dma_start3A_23 = tpu.memref_slice %arg2[%dma_start3A_21, %dma_start3A_22] : memref<10000x128xf32, #tpu.memory_space<hbm>> -> memref<10000x128xf32, #tpu.memory_space<hbm>>
    tpu.enqueue_indirect_dma source(%dma_start3A_23 : memref<10000x128xf32, #tpu.memory_space<hbm>>) target(%arg9 : memref<128x128xf32, #tpu.memory_space<vmem>>) offsets(%dma_start3A_20 : memref<128xi32, #tpu.memory_space<vmem>>) semaphore(%arg12 : memref<!tpu.dma_semaphore, #tpu.memory_space<semaphore_mem>>)
    %dma_wait3A = arith.constant 0 : i32
    %dma_wait3A_24 = arith.constant 0 : i32
    %dma_wait3A_25 = tpu.memref_slice %arg6[%dma_wait3A, %dma_wait3A_24] : memref<41x128xi32, #tpu.memory_space<vmem>> -> memref<1x128xi32, #tpu.memory_space<vmem>>
    %dma_wait3A_26 = tpu.memref_squeeze %dma_wait3A_25 : memref<1x128xi32, #tpu.memory_space<vmem>> -> memref<128xi32, #tpu.memory_space<vmem>>
    %dma_wait3A_27 = arith.constant 0 : i32
    %dma_wait3A_28 = arith.constant 0 : i32
    %dma_wait3A_29 = tpu.memref_slice %arg2[%dma_wait3A_27, %dma_wait3A_28] : memref<10000x128xf32, #tpu.memory_space<hbm>> -> memref<10000x128xf32, #tpu.memory_space<hbm>>
    tpu.wait_indirect_dma semaphore(%arg11 : memref<!tpu.dma_semaphore, #tpu.memory_space<semaphore_mem>>) src(%dma_wait3A_29 : memref<10000x128xf32, #tpu.memory_space<hbm>>) dst(%arg8 : memref<128x128xf32, #tpu.memory_space<vmem>>)
    %dma_start3A_30 = arith.constant 0 : i32
    %dma_start3A_31 = arith.constant 0 : i32
    %dma_start3A_32 = tpu.memref_slice %arg7[%dma_start3A_30, %dma_start3A_31] : memref<41x128xi32, #tpu.memory_space<vmem>> -> memref<1x128xi32, #tpu.memory_space<vmem>>
    %dma_start3A_33 = tpu.memref_squeeze %dma_start3A_32 : memref<1x128xi32, #tpu.memory_space<vmem>> -> memref<128xi32, #tpu.memory_space<vmem>>
    %dma_start3A_34 = arith.constant 0 : i32
    %dma_start3A_35 = arith.constant 0 : i32
    %dma_start3A_36 = tpu.memref_slice %arg10[%dma_start3A_34, %dma_start3A_35] : memref<10240x128xf32, #tpu.memory_space<vmem_shared>> -> memref<10240x128xf32, #tpu.memory_space<vmem_shared>>
    tpu.enqueue_indirect_dma source(%arg8 : memref<128x128xf32, #tpu.memory_space<vmem>>) target(%dma_start3A_36 : memref<10240x128xf32, #tpu.memory_space<vmem_shared>>) offsets(%dma_start3A_33 : memref<128xi32, #tpu.memory_space<vmem>>) semaphore(%arg13 : memref<!tpu.dma_semaphore, #tpu.memory_space<semaphore_mem>>) {add = true}
    %scan3A_37 = arith.constant 0 : i32
    %scan3A_38 = arith.constant 19 : i32
    %scan3A_39 = arith.addi %scan3A_37, %scan3A_38 : i32
    %scan3A_40 = arith.constant 1 : i32
    scf.for %scan3A_194 = %scan3A_37 to %scan3A_39 step %scan3A_40  : i32 {
      %mul3A_195 = arith.constant 1 : i32
      %mul3A_196 = arith.muli %scan3A_194, %mul3A_195 : i32
      %add3A_197 = arith.constant 0 : i32
      %add3A_198 = arith.addi %add3A_197, %mul3A_196 : i32
      %mul3A_199 = arith.constant 2 : i32
      %mul3A_200 = arith.muli %mul3A_199, %add3A_198 : i32
      %dma_wait3A_201 = arith.constant 0 : i32
      %dma_wait3A_202 = arith.constant 0 : i32
      %dma_wait3A_203 = tpu.memref_slice %arg6[%dma_wait3A_201, %dma_wait3A_202] : memref<41x128xi32, #tpu.memory_space<vmem>> -> memref<1x128xi32, #tpu.memory_space<vmem>>
      %dma_wait3A_204 = tpu.memref_squeeze %dma_wait3A_203 : memref<1x128xi32, #tpu.memory_space<vmem>> -> memref<128xi32, #tpu.memory_space<vmem>>
      %dma_wait3A_205 = arith.constant 0 : i32
      %dma_wait3A_206 = arith.constant 0 : i32
      %dma_wait3A_207 = tpu.memref_slice %arg2[%dma_wait3A_205, %dma_wait3A_206] : memref<10000x128xf32, #tpu.memory_space<hbm>> -> memref<10000x128xf32, #tpu.memory_space<hbm>>
      tpu.wait_indirect_dma semaphore(%arg12 : memref<!tpu.dma_semaphore, #tpu.memory_space<semaphore_mem>>) src(%dma_wait3A_207 : memref<10000x128xf32, #tpu.memory_space<hbm>>) dst(%arg9 : memref<128x128xf32, #tpu.memory_space<vmem>>)
      %add3A_208 = arith.constant 1 : i32
      %add3A_209 = arith.addi %mul3A_200, %add3A_208 : i32
      %dma_start3A_210 = arith.constant 0 : i32
      %dma_start3A_211 = tpu.memref_slice %arg7[%add3A_209, %dma_start3A_210] : memref<41x128xi32, #tpu.memory_space<vmem>> -> memref<1x128xi32, #tpu.memory_space<vmem>>
      %dma_start3A_212 = tpu.memref_squeeze %dma_start3A_211 : memref<1x128xi32, #tpu.memory_space<vmem>> -> memref<128xi32, #tpu.memory_space<vmem>>
      %dma_start3A_213 = arith.constant 0 : i32
      %dma_start3A_214 = arith.constant 0 : i32
      %dma_start3A_215 = tpu.memref_slice %arg10[%dma_start3A_213, %dma_start3A_214] : memref<10240x128xf32, #tpu.memory_space<vmem_shared>> -> memref<10240x128xf32, #tpu.memory_space<vmem_shared>>
      tpu.enqueue_indirect_dma source(%arg9 : memref<128x128xf32, #tpu.memory_space<vmem>>) target(%dma_start3A_215 : memref<10240x128xf32, #tpu.memory_space<vmem_shared>>) offsets(%dma_start3A_212 : memref<128xi32, #tpu.memory_space<vmem>>) semaphore(%arg14 : memref<!tpu.dma_semaphore, #tpu.memory_space<semaphore_mem>>) {add = true}
      %dma_wait3A_216 = arith.constant 0 : i32
      %dma_wait3A_217 = arith.constant 0 : i32
      %dma_wait3A_218 = tpu.memref_slice %arg7[%dma_wait3A_216, %dma_wait3A_217] : memref<41x128xi32, #tpu.memory_space<vmem>> -> memref<1x128xi32, #tpu.memory_space<vmem>>
      %dma_wait3A_219 = tpu.memref_squeeze %dma_wait3A_218 : memref<1x128xi32, #tpu.memory_space<vmem>> -> memref<128xi32, #tpu.memory_space<vmem>>
      %dma_wait3A_220 = arith.constant 0 : i32
      %dma_wait3A_221 = arith.constant 0 : i32
      %dma_wait3A_222 = tpu.memref_slice %arg10[%dma_wait3A_220, %dma_wait3A_221] : memref<10240x128xf32, #tpu.memory_space<vmem_shared>> -> memref<10240x128xf32, #tpu.memory_space<vmem_shared>>
      tpu.wait_indirect_dma semaphore(%arg13 : memref<!tpu.dma_semaphore, #tpu.memory_space<semaphore_mem>>) src(%arg8 : memref<128x128xf32, #tpu.memory_space<vmem>>) dst(%dma_wait3A_222 : memref<10240x128xf32, #tpu.memory_space<vmem_shared>>)
      %add3A_223 = arith.constant 2 : i32
      %add3A_224 = arith.addi %mul3A_200, %add3A_223 : i32
      %dma_start3A_225 = arith.constant 0 : i32
      %dma_start3A_226 = tpu.memref_slice %arg6[%add3A_224, %dma_start3A_225] : memref<41x128xi32, #tpu.memory_space<vmem>> -> memref<1x128xi32, #tpu.memory_space<vmem>>
      %dma_start3A_227 = tpu.memref_squeeze %dma_start3A_226 : memref<1x128xi32, #tpu.memory_space<vmem>> -> memref<128xi32, #tpu.memory_space<vmem>>
      %dma_start3A_228 = arith.constant 0 : i32
      %dma_start3A_229 = arith.constant 0 : i32
      %dma_start3A_230 = tpu.memref_slice %arg2[%dma_start3A_228, %dma_start3A_229] : memref<10000x128xf32, #tpu.memory_space<hbm>> -> memref<10000x128xf32, #tpu.memory_space<hbm>>
      tpu.enqueue_indirect_dma source(%dma_start3A_230 : memref<10000x128xf32, #tpu.memory_space<hbm>>) target(%arg8 : memref<128x128xf32, #tpu.memory_space<vmem>>) offsets(%dma_start3A_227 : memref<128xi32, #tpu.memory_space<vmem>>) semaphore(%arg11 : memref<!tpu.dma_semaphore, #tpu.memory_space<semaphore_mem>>)
      %dma_wait3A_231 = arith.constant 0 : i32
      %dma_wait3A_232 = arith.constant 0 : i32
      %dma_wait3A_233 = tpu.memref_slice %arg6[%dma_wait3A_231, %dma_wait3A_232] : memref<41x128xi32, #tpu.memory_space<vmem>> -> memref<1x128xi32, #tpu.memory_space<vmem>>
      %dma_wait3A_234 = tpu.memref_squeeze %dma_wait3A_233 : memref<1x128xi32, #tpu.memory_space<vmem>> -> memref<128xi32, #tpu.memory_space<vmem>>
      %dma_wait3A_235 = arith.constant 0 : i32
      %dma_wait3A_236 = arith.constant 0 : i32
      %dma_wait3A_237 = tpu.memref_slice %arg2[%dma_wait3A_235, %dma_wait3A_236] : memref<10000x128xf32, #tpu.memory_space<hbm>> -> memref<10000x128xf32, #tpu.memory_space<hbm>>
      tpu.wait_indirect_dma semaphore(%arg11 : memref<!tpu.dma_semaphore, #tpu.memory_space<semaphore_mem>>) src(%dma_wait3A_237 : memref<10000x128xf32, #tpu.memory_space<hbm>>) dst(%arg8 : memref<128x128xf32, #tpu.memory_space<vmem>>)
      %add3A_238 = arith.constant 2 : i32
      %add3A_239 = arith.addi %mul3A_200, %add3A_238 : i32
      %dma_start3A_240 = arith.constant 0 : i32
      %dma_start3A_241 = tpu.memref_slice %arg7[%add3A_239, %dma_start3A_240] : memref<41x128xi32, #tpu.memory_space<vmem>> -> memref<1x128xi32, #tpu.memory_space<vmem>>
      %dma_start3A_242 = tpu.memref_squeeze %dma_start3A_241 : memref<1x128xi32, #tpu.memory_space<vmem>> -> memref<128xi32, #tpu.memory_space<vmem>>
      %dma_start3A_243 = arith.constant 0 : i32
      %dma_start3A_244 = arith.constant 0 : i32
      %dma_start3A_245 = tpu.memref_slice %arg10[%dma_start3A_243, %dma_start3A_244] : memref<10240x128xf32, #tpu.memory_space<vmem_shared>> -> memref<10240x128xf32, #tpu.memory_space<vmem_shared>>
      tpu.enqueue_indirect_dma source(%arg8 : memref<128x128xf32, #tpu.memory_space<vmem>>) target(%dma_start3A_245 : memref<10240x128xf32, #tpu.memory_space<vmem_shared>>) offsets(%dma_start3A_242 : memref<128xi32, #tpu.memory_space<vmem>>) semaphore(%arg13 : memref<!tpu.dma_semaphore, #tpu.memory_space<semaphore_mem>>) {add = true}
      %dma_wait3A_246 = arith.constant 0 : i32
      %dma_wait3A_247 = arith.constant 0 : i32
      %dma_wait3A_248 = tpu.memref_slice %arg7[%dma_wait3A_246, %dma_wait3A_247] : memref<41x128xi32, #tpu.memory_space<vmem>> -> memref<1x128xi32, #tpu.memory_space<vmem>>
      %dma_wait3A_249 = tpu.memref_squeeze %dma_wait3A_248 : memref<1x128xi32, #tpu.memory_space<vmem>> -> memref<128xi32, #tpu.memory_space<vmem>>
      %dma_wait3A_250 = arith.constant 0 : i32
      %dma_wait3A_251 = arith.constant 0 : i32
      %dma_wait3A_252 = tpu.memref_slice %arg10[%dma_wait3A_250, %dma_wait3A_251] : memref<10240x128xf32, #tpu.memory_space<vmem_shared>> -> memref<10240x128xf32, #tpu.memory_space<vmem_shared>>
      tpu.wait_indirect_dma semaphore(%arg14 : memref<!tpu.dma_semaphore, #tpu.memory_space<semaphore_mem>>) src(%arg9 : memref<128x128xf32, #tpu.memory_space<vmem>>) dst(%dma_wait3A_252 : memref<10240x128xf32, #tpu.memory_space<vmem_shared>>)
      %add3A_253 = arith.constant 3 : i32
      %add3A_254 = arith.addi %mul3A_200, %add3A_253 : i32
      %dma_start3A_255 = arith.constant 0 : i32
      %dma_start3A_256 = tpu.memref_slice %arg6[%add3A_254, %dma_start3A_255] : memref<41x128xi32, #tpu.memory_space<vmem>> -> memref<1x128xi32, #tpu.memory_space<vmem>>
      %dma_start3A_257 = tpu.memref_squeeze %dma_start3A_256 : memref<1x128xi32, #tpu.memory_space<vmem>> -> memref<128xi32, #tpu.memory_space<vmem>>
      %dma_start3A_258 = arith.constant 0 : i32
      %dma_start3A_259 = arith.constant 0 : i32
      %dma_start3A_260 = tpu.memref_slice %arg2[%dma_start3A_258, %dma_start3A_259] : memref<10000x128xf32, #tpu.memory_space<hbm>> -> memref<10000x128xf32, #tpu.memory_space<hbm>>
      tpu.enqueue_indirect_dma source(%dma_start3A_260 : memref<10000x128xf32, #tpu.memory_space<hbm>>) target(%arg9 : memref<128x128xf32, #tpu.memory_space<vmem>>) offsets(%dma_start3A_257 : memref<128xi32, #tpu.memory_space<vmem>>) semaphore(%arg12 : memref<!tpu.dma_semaphore, #tpu.memory_space<semaphore_mem>>)
    }
    %scan3A_41 = arith.constant 19 : i32
    %dma_wait3A_42 = arith.constant 0 : i32
    %dma_wait3A_43 = arith.constant 0 : i32
    %dma_wait3A_44 = tpu.memref_slice %arg6[%dma_wait3A_42, %dma_wait3A_43] : memref<41x128xi32, #tpu.memory_space<vmem>> -> memref<1x128xi32, #tpu.memory_space<vmem>>
    %dma_wait3A_45 = tpu.memref_squeeze %dma_wait3A_44 : memref<1x128xi32, #tpu.memory_space<vmem>> -> memref<128xi32, #tpu.memory_space<vmem>>
    %dma_wait3A_46 = arith.constant 0 : i32
    %dma_wait3A_47 = arith.constant 0 : i32
    %dma_wait3A_48 = tpu.memref_slice %arg2[%dma_wait3A_46, %dma_wait3A_47] : memref<10000x128xf32, #tpu.memory_space<hbm>> -> memref<10000x128xf32, #tpu.memory_space<hbm>>
    tpu.wait_indirect_dma semaphore(%arg12 : memref<!tpu.dma_semaphore, #tpu.memory_space<semaphore_mem>>) src(%dma_wait3A_48 : memref<10000x128xf32, #tpu.memory_space<hbm>>) dst(%arg9 : memref<128x128xf32, #tpu.memory_space<vmem>>)
    %dma_start3A_49 = arith.constant 39 : i32
    %dma_start3A_50 = arith.constant 0 : i32
    %dma_start3A_51 = tpu.memref_slice %arg7[%dma_start3A_49, %dma_start3A_50] : memref<41x128xi32, #tpu.memory_space<vmem>> -> memref<1x128xi32, #tpu.memory_space<vmem>>
    %dma_start3A_52 = tpu.memref_squeeze %dma_start3A_51 : memref<1x128xi32, #tpu.memory_space<vmem>> -> memref<128xi32, #tpu.memory_space<vmem>>
    %dma_start3A_53 = arith.constant 0 : i32
    %dma_start3A_54 = arith.constant 0 : i32
    %dma_start3A_55 = tpu.memref_slice %arg10[%dma_start3A_53, %dma_start3A_54] : memref<10240x128xf32, #tpu.memory_space<vmem_shared>> -> memref<10240x128xf32, #tpu.memory_space<vmem_shared>>
    tpu.enqueue_indirect_dma source(%arg9 : memref<128x128xf32, #tpu.memory_space<vmem>>) target(%dma_start3A_55 : memref<10240x128xf32, #tpu.memory_space<vmem_shared>>) offsets(%dma_start3A_52 : memref<128xi32, #tpu.memory_space<vmem>>) semaphore(%arg14 : memref<!tpu.dma_semaphore, #tpu.memory_space<semaphore_mem>>) {add = true}
    %dma_wait3A_56 = arith.constant 0 : i32
    %dma_wait3A_57 = arith.constant 0 : i32
    %dma_wait3A_58 = tpu.memref_slice %arg7[%dma_wait3A_56, %dma_wait3A_57] : memref<41x128xi32, #tpu.memory_space<vmem>> -> memref<1x128xi32, #tpu.memory_space<vmem>>
    %dma_wait3A_59 = tpu.memref_squeeze %dma_wait3A_58 : memref<1x128xi32, #tpu.memory_space<vmem>> -> memref<128xi32, #tpu.memory_space<vmem>>
    %dma_wait3A_60 = arith.constant 0 : i32
    %dma_wait3A_61 = arith.constant 0 : i32
    %dma_wait3A_62 = tpu.memref_slice %arg10[%dma_wait3A_60, %dma_wait3A_61] : memref<10240x128xf32, #tpu.memory_space<vmem_shared>> -> memref<10240x128xf32, #tpu.memory_space<vmem_shared>>
    tpu.wait_indirect_dma semaphore(%arg13 : memref<!tpu.dma_semaphore, #tpu.memory_space<semaphore_mem>>) src(%arg8 : memref<128x128xf32, #tpu.memory_space<vmem>>) dst(%dma_wait3A_62 : memref<10240x128xf32, #tpu.memory_space<vmem_shared>>)
    %dma_start3A_63 = arith.constant 40 : i32
    %dma_start3A_64 = arith.constant 0 : i32
    %dma_start3A_65 = tpu.memref_slice %arg6[%dma_start3A_63, %dma_start3A_64] : memref<41x128xi32, #tpu.memory_space<vmem>> -> memref<1x128xi32, #tpu.memory_space<vmem>>
    %dma_start3A_66 = tpu.memref_squeeze %dma_start3A_65 : memref<1x128xi32, #tpu.memory_space<vmem>> -> memref<128xi32, #tpu.memory_space<vmem>>
    %dma_start3A_67 = arith.constant 0 : i32
    %dma_start3A_68 = arith.constant 0 : i32
    %dma_start3A_69 = tpu.memref_slice %arg2[%dma_start3A_67, %dma_start3A_68] : memref<10000x128xf32, #tpu.memory_space<hbm>> -> memref<10000x128xf32, #tpu.memory_space<hbm>>
    tpu.enqueue_indirect_dma source(%dma_start3A_69 : memref<10000x128xf32, #tpu.memory_space<hbm>>) target(%arg8 : memref<128x128xf32, #tpu.memory_space<vmem>>) offsets(%dma_start3A_66 : memref<128xi32, #tpu.memory_space<vmem>>) semaphore(%arg11 : memref<!tpu.dma_semaphore, #tpu.memory_space<semaphore_mem>>)
    %dma_wait3A_70 = arith.constant 0 : i32
    %dma_wait3A_71 = arith.constant 0 : i32
    %dma_wait3A_72 = tpu.memref_slice %arg6[%dma_wait3A_70, %dma_wait3A_71] : memref<41x128xi32, #tpu.memory_space<vmem>> -> memref<1x128xi32, #tpu.memory_space<vmem>>
    %dma_wait3A_73 = tpu.memref_squeeze %dma_wait3A_72 : memref<1x128xi32, #tpu.memory_space<vmem>> -> memref<128xi32, #tpu.memory_space<vmem>>
    %dma_wait3A_74 = arith.constant 0 : i32
    %dma_wait3A_75 = arith.constant 0 : i32
    %dma_wait3A_76 = tpu.memref_slice %arg2[%dma_wait3A_74, %dma_wait3A_75] : memref<10000x128xf32, #tpu.memory_space<hbm>> -> memref<10000x128xf32, #tpu.memory_space<hbm>>
    tpu.wait_indirect_dma semaphore(%arg11 : memref<!tpu.dma_semaphore, #tpu.memory_space<semaphore_mem>>) src(%dma_wait3A_76 : memref<10000x128xf32, #tpu.memory_space<hbm>>) dst(%arg8 : memref<128x128xf32, #tpu.memory_space<vmem>>)
    %dma_start3A_77 = arith.constant 40 : i32
    %dma_start3A_78 = arith.constant 0 : i32
    %dma_start3A_79 = tpu.memref_slice %arg7[%dma_start3A_77, %dma_start3A_78] : memref<41x128xi32, #tpu.memory_space<vmem>> -> memref<1x128xi32, #tpu.memory_space<vmem>>
    %dma_start3A_80 = tpu.memref_squeeze %dma_start3A_79 : memref<1x128xi32, #tpu.memory_space<vmem>> -> memref<128xi32, #tpu.memory_space<vmem>>
    %dma_start3A_81 = arith.constant 0 : i32
    %dma_start3A_82 = arith.constant 0 : i32
    %dma_start3A_83 = tpu.memref_slice %arg10[%dma_start3A_81, %dma_start3A_82] : memref<10240x128xf32, #tpu.memory_space<vmem_shared>> -> memref<10240x128xf32, #tpu.memory_space<vmem_shared>>
    tpu.enqueue_indirect_dma source(%arg8 : memref<128x128xf32, #tpu.memory_space<vmem>>) target(%dma_start3A_83 : memref<10240x128xf32, #tpu.memory_space<vmem_shared>>) offsets(%dma_start3A_80 : memref<128xi32, #tpu.memory_space<vmem>>) semaphore(%arg13 : memref<!tpu.dma_semaphore, #tpu.memory_space<semaphore_mem>>) {add = true}
    %dma_wait3A_84 = arith.constant 0 : i32
    %dma_wait3A_85 = arith.constant 0 : i32
    %dma_wait3A_86 = tpu.memref_slice %arg7[%dma_wait3A_84, %dma_wait3A_85] : memref<41x128xi32, #tpu.memory_space<vmem>> -> memref<1x128xi32, #tpu.memory_space<vmem>>
    %dma_wait3A_87 = tpu.memref_squeeze %dma_wait3A_86 : memref<1x128xi32, #tpu.memory_space<vmem>> -> memref<128xi32, #tpu.memory_space<vmem>>
    %dma_wait3A_88 = arith.constant 0 : i32
    %dma_wait3A_89 = arith.constant 0 : i32
    %dma_wait3A_90 = tpu.memref_slice %arg10[%dma_wait3A_88, %dma_wait3A_89] : memref<10240x128xf32, #tpu.memory_space<vmem_shared>> -> memref<10240x128xf32, #tpu.memory_space<vmem_shared>>
    tpu.wait_indirect_dma semaphore(%arg14 : memref<!tpu.dma_semaphore, #tpu.memory_space<semaphore_mem>>) src(%arg9 : memref<128x128xf32, #tpu.memory_space<vmem>>) dst(%dma_wait3A_90 : memref<10240x128xf32, #tpu.memory_space<vmem_shared>>)
    %dma_wait3A_91 = arith.constant 0 : i32
    %dma_wait3A_92 = arith.constant 0 : i32
    %dma_wait3A_93 = tpu.memref_slice %arg7[%dma_wait3A_91, %dma_wait3A_92] : memref<41x128xi32, #tpu.memory_space<vmem>> -> memref<1x128xi32, #tpu.memory_space<vmem>>
    %dma_wait3A_94 = tpu.memref_squeeze %dma_wait3A_93 : memref<1x128xi32, #tpu.memory_space<vmem>> -> memref<128xi32, #tpu.memory_space<vmem>>
    %dma_wait3A_95 = arith.constant 0 : i32
    %dma_wait3A_96 = arith.constant 0 : i32
    %dma_wait3A_97 = tpu.memref_slice %arg10[%dma_wait3A_95, %dma_wait3A_96] : memref<10240x128xf32, #tpu.memory_space<vmem_shared>> -> memref<10240x128xf32, #tpu.memory_space<vmem_shared>>
    tpu.wait_indirect_dma semaphore(%arg13 : memref<!tpu.dma_semaphore, #tpu.memory_space<semaphore_mem>>) src(%arg8 : memref<128x128xf32, #tpu.memory_space<vmem>>) dst(%dma_wait3A_97 : memref<10240x128xf32, #tpu.memory_space<vmem_shared>>)
    %run_scoped3A_98 = arith.constant 1 : i32
    "tpu.region"() ({
      %run_scoped3A_194 = tpu.sem_alloc : memref<!tpu.dma_semaphore, #tpu.memory_space<semaphore_mem>>
      %dma_start3A_195 = arith.constant 0 : i32
      %dma_start3A_196 = arith.constant 0 : i32
      %dma_start3A_197 = tpu.memref_slice %arg3[%add3A, %run_scoped3A_98, %dma_start3A_195, %dma_start3A_196] : memref<32x2x41x128xi32, #tpu.memory_space<hbm>> -> memref<1x1x41x128xi32, #tpu.memory_space<hbm>>
      %dma_start3A_198 = tpu.memref_squeeze %dma_start3A_197 : memref<1x1x41x128xi32, #tpu.memory_space<hbm>> -> memref<41x128xi32, #tpu.memory_space<hbm>>
      %dma_start3A_199 = arith.constant 0 : i32
      %dma_start3A_200 = arith.constant 0 : i32
      %dma_start3A_201 = tpu.memref_slice %arg3[%add3A, %run_scoped3A_98, %dma_start3A_199, %dma_start3A_200] : memref<32x2x41x128xi32, #tpu.memory_space<hbm>> -> memref<1x1x41x128xi32, #tpu.memory_space<hbm>>
      %dma_start3A_202 = tpu.memref_squeeze %dma_start3A_201 : memref<1x1x41x128xi32, #tpu.memory_space<hbm>> -> memref<41x128xi32, #tpu.memory_space<hbm>>
      tpu.enqueue_dma source(%dma_start3A_202 : memref<41x128xi32, #tpu.memory_space<hbm>>) target(%arg6 : memref<41x128xi32, #tpu.memory_space<vmem>>) target_semaphore(%run_scoped3A_194 : memref<!tpu.dma_semaphore, #tpu.memory_space<semaphore_mem>>)
      %dma_wait3A_203 = arith.constant 0 : i32
      %dma_wait3A_204 = arith.constant 0 : i32
      %dma_wait3A_205 = tpu.memref_slice %arg3[%add3A, %run_scoped3A_98, %dma_wait3A_203, %dma_wait3A_204] : memref<32x2x41x128xi32, #tpu.memory_space<hbm>> -> memref<1x1x41x128xi32, #tpu.memory_space<hbm>>
      %dma_wait3A_206 = tpu.memref_squeeze %dma_wait3A_205 : memref<1x1x41x128xi32, #tpu.memory_space<hbm>> -> memref<41x128xi32, #tpu.memory_space<hbm>>
      %dma_wait3A_207 = arith.constant 0 : i32
      %dma_wait3A_208 = arith.constant 0 : i32
      %dma_wait3A_209 = tpu.memref_slice %arg3[%add3A, %run_scoped3A_98, %dma_wait3A_207, %dma_wait3A_208] : memref<32x2x41x128xi32, #tpu.memory_space<hbm>> -> memref<1x1x41x128xi32, #tpu.memory_space<hbm>>
      %dma_wait3A_210 = tpu.memref_squeeze %dma_wait3A_209 : memref<1x1x41x128xi32, #tpu.memory_space<hbm>> -> memref<41x128xi32, #tpu.memory_space<hbm>>
      tpu.wait_dma2 semaphore(%run_scoped3A_194 : memref<!tpu.dma_semaphore, #tpu.memory_space<semaphore_mem>>) src(%dma_wait3A_210 : memref<41x128xi32, #tpu.memory_space<hbm>>) dst(%arg6 : memref<41x128xi32, #tpu.memory_space<vmem>>)
      tpu.yield
    }) : () -> ()
    %run_scoped3A_99 = arith.constant 1 : i32
    "tpu.region"() ({
      %run_scoped3A_194 = tpu.sem_alloc : memref<!tpu.dma_semaphore, #tpu.memory_space<semaphore_mem>>
      %dma_start3A_195 = arith.constant 0 : i32
      %dma_start3A_196 = arith.constant 0 : i32
      %dma_start3A_197 = tpu.memref_slice %arg4[%add3A, %run_scoped3A_99, %dma_start3A_195, %dma_start3A_196] : memref<32x2x41x128xi32, #tpu.memory_space<hbm>> -> memref<1x1x41x128xi32, #tpu.memory_space<hbm>>
      %dma_start3A_198 = tpu.memref_squeeze %dma_start3A_197 : memref<1x1x41x128xi32, #tpu.memory_space<hbm>> -> memref<41x128xi32, #tpu.memory_space<hbm>>
      %dma_start3A_199 = arith.constant 0 : i32
      %dma_start3A_200 = arith.constant 0 : i32
      %dma_start3A_201 = tpu.memref_slice %arg4[%add3A, %run_scoped3A_99, %dma_start3A_199, %dma_start3A_200] : memref<32x2x41x128xi32, #tpu.memory_space<hbm>> -> memref<1x1x41x128xi32, #tpu.memory_space<hbm>>
      %dma_start3A_202 = tpu.memref_squeeze %dma_start3A_201 : memref<1x1x41x128xi32, #tpu.memory_space<hbm>> -> memref<41x128xi32, #tpu.memory_space<hbm>>
      tpu.enqueue_dma source(%dma_start3A_202 : memref<41x128xi32, #tpu.memory_space<hbm>>) target(%arg7 : memref<41x128xi32, #tpu.memory_space<vmem>>) target_semaphore(%run_scoped3A_194 : memref<!tpu.dma_semaphore, #tpu.memory_space<semaphore_mem>>)
      %dma_wait3A_203 = arith.constant 0 : i32
      %dma_wait3A_204 = arith.constant 0 : i32
      %dma_wait3A_205 = tpu.memref_slice %arg4[%add3A, %run_scoped3A_99, %dma_wait3A_203, %dma_wait3A_204] : memref<32x2x41x128xi32, #tpu.memory_space<hbm>> -> memref<1x1x41x128xi32, #tpu.memory_space<hbm>>
      %dma_wait3A_206 = tpu.memref_squeeze %dma_wait3A_205 : memref<1x1x41x128xi32, #tpu.memory_space<hbm>> -> memref<41x128xi32, #tpu.memory_space<hbm>>
      %dma_wait3A_207 = arith.constant 0 : i32
      %dma_wait3A_208 = arith.constant 0 : i32
      %dma_wait3A_209 = tpu.memref_slice %arg4[%add3A, %run_scoped3A_99, %dma_wait3A_207, %dma_wait3A_208] : memref<32x2x41x128xi32, #tpu.memory_space<hbm>> -> memref<1x1x41x128xi32, #tpu.memory_space<hbm>>
      %dma_wait3A_210 = tpu.memref_squeeze %dma_wait3A_209 : memref<1x1x41x128xi32, #tpu.memory_space<hbm>> -> memref<41x128xi32, #tpu.memory_space<hbm>>
      tpu.wait_dma2 semaphore(%run_scoped3A_194 : memref<!tpu.dma_semaphore, #tpu.memory_space<semaphore_mem>>) src(%dma_wait3A_210 : memref<41x128xi32, #tpu.memory_space<hbm>>) dst(%arg7 : memref<41x128xi32, #tpu.memory_space<vmem>>)
      tpu.yield
    }) : () -> ()
    %dma_start3A_100 = arith.constant 0 : i32
    %dma_start3A_101 = arith.constant 0 : i32
    %dma_start3A_102 = tpu.memref_slice %arg6[%dma_start3A_100, %dma_start3A_101] : memref<41x128xi32, #tpu.memory_space<vmem>> -> memref<1x128xi32, #tpu.memory_space<vmem>>
    %dma_start3A_103 = tpu.memref_squeeze %dma_start3A_102 : memref<1x128xi32, #tpu.memory_space<vmem>> -> memref<128xi32, #tpu.memory_space<vmem>>
    %dma_start3A_104 = arith.constant 0 : i32
    %dma_start3A_105 = arith.constant 0 : i32
    %dma_start3A_106 = tpu.memref_slice %arg2[%dma_start3A_104, %dma_start3A_105] : memref<10000x128xf32, #tpu.memory_space<hbm>> -> memref<10000x128xf32, #tpu.memory_space<hbm>>
    tpu.enqueue_indirect_dma source(%dma_start3A_106 : memref<10000x128xf32, #tpu.memory_space<hbm>>) target(%arg8 : memref<128x128xf32, #tpu.memory_space<vmem>>) offsets(%dma_start3A_103 : memref<128xi32, #tpu.memory_space<vmem>>) semaphore(%arg11 : memref<!tpu.dma_semaphore, #tpu.memory_space<semaphore_mem>>)
    %dma_start3A_107 = arith.constant 1 : i32
    %dma_start3A_108 = arith.constant 0 : i32
    %dma_start3A_109 = tpu.memref_slice %arg6[%dma_start3A_107, %dma_start3A_108] : memref<41x128xi32, #tpu.memory_space<vmem>> -> memref<1x128xi32, #tpu.memory_space<vmem>>
    %dma_start3A_110 = tpu.memref_squeeze %dma_start3A_109 : memref<1x128xi32, #tpu.memory_space<vmem>> -> memref<128xi32, #tpu.memory_space<vmem>>
    %dma_start3A_111 = arith.constant 0 : i32
    %dma_start3A_112 = arith.constant 0 : i32
    %dma_start3A_113 = tpu.memref_slice %arg2[%dma_start3A_111, %dma_start3A_112] : memref<10000x128xf32, #tpu.memory_space<hbm>> -> memref<10000x128xf32, #tpu.memory_space<hbm>>
    tpu.enqueue_indirect_dma source(%dma_start3A_113 : memref<10000x128xf32, #tpu.memory_space<hbm>>) target(%arg9 : memref<128x128xf32, #tpu.memory_space<vmem>>) offsets(%dma_start3A_110 : memref<128xi32, #tpu.memory_space<vmem>>) semaphore(%arg12 : memref<!tpu.dma_semaphore, #tpu.memory_space<semaphore_mem>>)
    %dma_wait3A_114 = arith.constant 0 : i32
    %dma_wait3A_115 = arith.constant 0 : i32
    %dma_wait3A_116 = tpu.memref_slice %arg6[%dma_wait3A_114, %dma_wait3A_115] : memref<41x128xi32, #tpu.memory_space<vmem>> -> memref<1x128xi32, #tpu.memory_space<vmem>>
    %dma_wait3A_117 = tpu.memref_squeeze %dma_wait3A_116 : memref<1x128xi32, #tpu.memory_space<vmem>> -> memref<128xi32, #tpu.memory_space<vmem>>
    %dma_wait3A_118 = arith.constant 0 : i32
    %dma_wait3A_119 = arith.constant 0 : i32
    %dma_wait3A_120 = tpu.memref_slice %arg2[%dma_wait3A_118, %dma_wait3A_119] : memref<10000x128xf32, #tpu.memory_space<hbm>> -> memref<10000x128xf32, #tpu.memory_space<hbm>>
    tpu.wait_indirect_dma semaphore(%arg11 : memref<!tpu.dma_semaphore, #tpu.memory_space<semaphore_mem>>) src(%dma_wait3A_120 : memref<10000x128xf32, #tpu.memory_space<hbm>>) dst(%arg8 : memref<128x128xf32, #tpu.memory_space<vmem>>)
    %dma_start3A_121 = arith.constant 0 : i32
    %dma_start3A_122 = arith.constant 0 : i32
    %dma_start3A_123 = tpu.memref_slice %arg7[%dma_start3A_121, %dma_start3A_122] : memref<41x128xi32, #tpu.memory_space<vmem>> -> memref<1x128xi32, #tpu.memory_space<vmem>>
    %dma_start3A_124 = tpu.memref_squeeze %dma_start3A_123 : memref<1x128xi32, #tpu.memory_space<vmem>> -> memref<128xi32, #tpu.memory_space<vmem>>
    %dma_start3A_125 = arith.constant 0 : i32
    %dma_start3A_126 = arith.constant 0 : i32
    %dma_start3A_127 = tpu.memref_slice %arg10[%dma_start3A_125, %dma_start3A_126] : memref<10240x128xf32, #tpu.memory_space<vmem_shared>> -> memref<10240x128xf32, #tpu.memory_space<vmem_shared>>
    tpu.enqueue_indirect_dma source(%arg8 : memref<128x128xf32, #tpu.memory_space<vmem>>) target(%dma_start3A_127 : memref<10240x128xf32, #tpu.memory_space<vmem_shared>>) offsets(%dma_start3A_124 : memref<128xi32, #tpu.memory_space<vmem>>) semaphore(%arg13 : memref<!tpu.dma_semaphore, #tpu.memory_space<semaphore_mem>>) {add = true}
    %scan3A_128 = arith.constant 0 : i32
    %scan3A_129 = arith.constant 19 : i32
    %scan3A_130 = arith.addi %scan3A_128, %scan3A_129 : i32
    %scan3A_131 = arith.constant 1 : i32
    scf.for %scan3A_194 = %scan3A_128 to %scan3A_130 step %scan3A_131  : i32 {
      %mul3A_195 = arith.constant 1 : i32
      %mul3A_196 = arith.muli %scan3A_194, %mul3A_195 : i32
      %add3A_197 = arith.constant 0 : i32
      %add3A_198 = arith.addi %add3A_197, %mul3A_196 : i32
      %mul3A_199 = arith.constant 2 : i32
      %mul3A_200 = arith.muli %mul3A_199, %add3A_198 : i32
      %dma_wait3A_201 = arith.constant 0 : i32
      %dma_wait3A_202 = arith.constant 0 : i32
      %dma_wait3A_203 = tpu.memref_slice %arg6[%dma_wait3A_201, %dma_wait3A_202] : memref<41x128xi32, #tpu.memory_space<vmem>> -> memref<1x128xi32, #tpu.memory_space<vmem>>
      %dma_wait3A_204 = tpu.memref_squeeze %dma_wait3A_203 : memref<1x128xi32, #tpu.memory_space<vmem>> -> memref<128xi32, #tpu.memory_space<vmem>>
      %dma_wait3A_205 = arith.constant 0 : i32
      %dma_wait3A_206 = arith.constant 0 : i32
      %dma_wait3A_207 = tpu.memref_slice %arg2[%dma_wait3A_205, %dma_wait3A_206] : memref<10000x128xf32, #tpu.memory_space<hbm>> -> memref<10000x128xf32, #tpu.memory_space<hbm>>
      tpu.wait_indirect_dma semaphore(%arg12 : memref<!tpu.dma_semaphore, #tpu.memory_space<semaphore_mem>>) src(%dma_wait3A_207 : memref<10000x128xf32, #tpu.memory_space<hbm>>) dst(%arg9 : memref<128x128xf32, #tpu.memory_space<vmem>>)
      %add3A_208 = arith.constant 1 : i32
      %add3A_209 = arith.addi %mul3A_200, %add3A_208 : i32
      %dma_start3A_210 = arith.constant 0 : i32
      %dma_start3A_211 = tpu.memref_slice %arg7[%add3A_209, %dma_start3A_210] : memref<41x128xi32, #tpu.memory_space<vmem>> -> memref<1x128xi32, #tpu.memory_space<vmem>>
      %dma_start3A_212 = tpu.memref_squeeze %dma_start3A_211 : memref<1x128xi32, #tpu.memory_space<vmem>> -> memref<128xi32, #tpu.memory_space<vmem>>
      %dma_start3A_213 = arith.constant 0 : i32
      %dma_start3A_214 = arith.constant 0 : i32
      %dma_start3A_215 = tpu.memref_slice %arg10[%dma_start3A_213, %dma_start3A_214] : memref<10240x128xf32, #tpu.memory_space<vmem_shared>> -> memref<10240x128xf32, #tpu.memory_space<vmem_shared>>
      tpu.enqueue_indirect_dma source(%arg9 : memref<128x128xf32, #tpu.memory_space<vmem>>) target(%dma_start3A_215 : memref<10240x128xf32, #tpu.memory_space<vmem_shared>>) offsets(%dma_start3A_212 : memref<128xi32, #tpu.memory_space<vmem>>) semaphore(%arg14 : memref<!tpu.dma_semaphore, #tpu.memory_space<semaphore_mem>>) {add = true}
      %dma_wait3A_216 = arith.constant 0 : i32
      %dma_wait3A_217 = arith.constant 0 : i32
      %dma_wait3A_218 = tpu.memref_slice %arg7[%dma_wait3A_216, %dma_wait3A_217] : memref<41x128xi32, #tpu.memory_space<vmem>> -> memref<1x128xi32, #tpu.memory_space<vmem>>
      %dma_wait3A_219 = tpu.memref_squeeze %dma_wait3A_218 : memref<1x128xi32, #tpu.memory_space<vmem>> -> memref<128xi32, #tpu.memory_space<vmem>>
      %dma_wait3A_220 = arith.constant 0 : i32
      %dma_wait3A_221 = arith.constant 0 : i32
      %dma_wait3A_222 = tpu.memref_slice %arg10[%dma_wait3A_220, %dma_wait3A_221] : memref<10240x128xf32, #tpu.memory_space<vmem_shared>> -> memref<10240x128xf32, #tpu.memory_space<vmem_shared>>
      tpu.wait_indirect_dma semaphore(%arg13 : memref<!tpu.dma_semaphore, #tpu.memory_space<semaphore_mem>>) src(%arg8 : memref<128x128xf32, #tpu.memory_space<vmem>>) dst(%dma_wait3A_222 : memref<10240x128xf32, #tpu.memory_space<vmem_shared>>)
      %add3A_223 = arith.constant 2 : i32
      %add3A_224 = arith.addi %mul3A_200, %add3A_223 : i32
      %dma_start3A_225 = arith.constant 0 : i32
      %dma_start3A_226 = tpu.memref_slice %arg6[%add3A_224, %dma_start3A_225] : memref<41x128xi32, #tpu.memory_space<vmem>> -> memref<1x128xi32, #tpu.memory_space<vmem>>
      %dma_start3A_227 = tpu.memref_squeeze %dma_start3A_226 : memref<1x128xi32, #tpu.memory_space<vmem>> -> memref<128xi32, #tpu.memory_space<vmem>>
      %dma_start3A_228 = arith.constant 0 : i32
      %dma_start3A_229 = arith.constant 0 : i32
      %dma_start3A_230 = tpu.memref_slice %arg2[%dma_start3A_228, %dma_start3A_229] : memref<10000x128xf32, #tpu.memory_space<hbm>> -> memref<10000x128xf32, #tpu.memory_space<hbm>>
      tpu.enqueue_indirect_dma source(%dma_start3A_230 : memref<10000x128xf32, #tpu.memory_space<hbm>>) target(%arg8 : memref<128x128xf32, #tpu.memory_space<vmem>>) offsets(%dma_start3A_227 : memref<128xi32, #tpu.memory_space<vmem>>) semaphore(%arg11 : memref<!tpu.dma_semaphore, #tpu.memory_space<semaphore_mem>>)
      %dma_wait3A_231 = arith.constant 0 : i32
      %dma_wait3A_232 = arith.constant 0 : i32
      %dma_wait3A_233 = tpu.memref_slice %arg6[%dma_wait3A_231, %dma_wait3A_232] : memref<41x128xi32, #tpu.memory_space<vmem>> -> memref<1x128xi32, #tpu.memory_space<vmem>>
      %dma_wait3A_234 = tpu.memref_squeeze %dma_wait3A_233 : memref<1x128xi32, #tpu.memory_space<vmem>> -> memref<128xi32, #tpu.memory_space<vmem>>
      %dma_wait3A_235 = arith.constant 0 : i32
      %dma_wait3A_236 = arith.constant 0 : i32
      %dma_wait3A_237 = tpu.memref_slice %arg2[%dma_wait3A_235, %dma_wait3A_236] : memref<10000x128xf32, #tpu.memory_space<hbm>> -> memref<10000x128xf32, #tpu.memory_space<hbm>>
      tpu.wait_indirect_dma semaphore(%arg11 : memref<!tpu.dma_semaphore, #tpu.memory_space<semaphore_mem>>) src(%dma_wait3A_237 : memref<10000x128xf32, #tpu.memory_space<hbm>>) dst(%arg8 : memref<128x128xf32, #tpu.memory_space<vmem>>)
      %add3A_238 = arith.constant 2 : i32
      %add3A_239 = arith.addi %mul3A_200, %add3A_238 : i32
      %dma_start3A_240 = arith.constant 0 : i32
      %dma_start3A_241 = tpu.memref_slice %arg7[%add3A_239, %dma_start3A_240] : memref<41x128xi32, #tpu.memory_space<vmem>> -> memref<1x128xi32, #tpu.memory_space<vmem>>
      %dma_start3A_242 = tpu.memref_squeeze %dma_start3A_241 : memref<1x128xi32, #tpu.memory_space<vmem>> -> memref<128xi32, #tpu.memory_space<vmem>>
      %dma_start3A_243 = arith.constant 0 : i32
      %dma_start3A_244 = arith.constant 0 : i32
      %dma_start3A_245 = tpu.memref_slice %arg10[%dma_start3A_243, %dma_start3A_244] : memref<10240x128xf32, #tpu.memory_space<vmem_shared>> -> memref<10240x128xf32, #tpu.memory_space<vmem_shared>>
      tpu.enqueue_indirect_dma source(%arg8 : memref<128x128xf32, #tpu.memory_space<vmem>>) target(%dma_start3A_245 : memref<10240x128xf32, #tpu.memory_space<vmem_shared>>) offsets(%dma_start3A_242 : memref<128xi32, #tpu.memory_space<vmem>>) semaphore(%arg13 : memref<!tpu.dma_semaphore, #tpu.memory_space<semaphore_mem>>) {add = true}
      %dma_wait3A_246 = arith.constant 0 : i32
      %dma_wait3A_247 = arith.constant 0 : i32
      %dma_wait3A_248 = tpu.memref_slice %arg7[%dma_wait3A_246, %dma_wait3A_247] : memref<41x128xi32, #tpu.memory_space<vmem>> -> memref<1x128xi32, #tpu.memory_space<vmem>>
      %dma_wait3A_249 = tpu.memref_squeeze %dma_wait3A_248 : memref<1x128xi32, #tpu.memory_space<vmem>> -> memref<128xi32, #tpu.memory_space<vmem>>
      %dma_wait3A_250 = arith.constant 0 : i32
      %dma_wait3A_251 = arith.constant 0 : i32
      %dma_wait3A_252 = tpu.memref_slice %arg10[%dma_wait3A_250, %dma_wait3A_251] : memref<10240x128xf32, #tpu.memory_space<vmem_shared>> -> memref<10240x128xf32, #tpu.memory_space<vmem_shared>>
      tpu.wait_indirect_dma semaphore(%arg14 : memref<!tpu.dma_semaphore, #tpu.memory_space<semaphore_mem>>) src(%arg9 : memref<128x128xf32, #tpu.memory_space<vmem>>) dst(%dma_wait3A_252 : memref<10240x128xf32, #tpu.memory_space<vmem_shared>>)
      %add3A_253 = arith.constant 3 : i32
      %add3A_254 = arith.addi %mul3A_200, %add3A_253 : i32
      %dma_start3A_255 = arith.constant 0 : i32
      %dma_start3A_256 = tpu.memref_slice %arg6[%add3A_254, %dma_start3A_255] : memref<41x128xi32, #tpu.memory_space<vmem>> -> memref<1x128xi32, #tpu.memory_space<vmem>>
      %dma_start3A_257 = tpu.memref_squeeze %dma_start3A_256 : memref<1x128xi32, #tpu.memory_space<vmem>> -> memref<128xi32, #tpu.memory_space<vmem>>
      %dma_start3A_258 = arith.constant 0 : i32
      %dma_start3A_259 = arith.constant 0 : i32
      %dma_start3A_260 = tpu.memref_slice %arg2[%dma_start3A_258, %dma_start3A_259] : memref<10000x128xf32, #tpu.memory_space<hbm>> -> memref<10000x128xf32, #tpu.memory_space<hbm>>
      tpu.enqueue_indirect_dma source(%dma_start3A_260 : memref<10000x128xf32, #tpu.memory_space<hbm>>) target(%arg9 : memref<128x128xf32, #tpu.memory_space<vmem>>) offsets(%dma_start3A_257 : memref<128xi32, #tpu.memory_space<vmem>>) semaphore(%arg12 : memref<!tpu.dma_semaphore, #tpu.memory_space<semaphore_mem>>)
    }
    %scan3A_132 = arith.constant 19 : i32
    %dma_wait3A_133 = arith.constant 0 : i32
    %dma_wait3A_134 = arith.constant 0 : i32
    %dma_wait3A_135 = tpu.memref_slice %arg6[%dma_wait3A_133, %dma_wait3A_134] : memref<41x128xi32, #tpu.memory_space<vmem>> -> memref<1x128xi32, #tpu.memory_space<vmem>>
    %dma_wait3A_136 = tpu.memref_squeeze %dma_wait3A_135 : memref<1x128xi32, #tpu.memory_space<vmem>> -> memref<128xi32, #tpu.memory_space<vmem>>
    %dma_wait3A_137 = arith.constant 0 : i32
    %dma_wait3A_138 = arith.constant 0 : i32
    %dma_wait3A_139 = tpu.memref_slice %arg2[%dma_wait3A_137, %dma_wait3A_138] : memref<10000x128xf32, #tpu.memory_space<hbm>> -> memref<10000x128xf32, #tpu.memory_space<hbm>>
    tpu.wait_indirect_dma semaphore(%arg12 : memref<!tpu.dma_semaphore, #tpu.memory_space<semaphore_mem>>) src(%dma_wait3A_139 : memref<10000x128xf32, #tpu.memory_space<hbm>>) dst(%arg9 : memref<128x128xf32, #tpu.memory_space<vmem>>)
    %dma_start3A_140 = arith.constant 39 : i32
    %dma_start3A_141 = arith.constant 0 : i32
    %dma_start3A_142 = tpu.memref_slice %arg7[%dma_start3A_140, %dma_start3A_141] : memref<41x128xi32, #tpu.memory_space<vmem>> -> memref<1x128xi32, #tpu.memory_space<vmem>>
    %dma_start3A_143 = tpu.memref_squeeze %dma_start3A_142 : memref<1x128xi32, #tpu.memory_space<vmem>> -> memref<128xi32, #tpu.memory_space<vmem>>
    %dma_start3A_144 = arith.constant 0 : i32
    %dma_start3A_145 = arith.constant 0 : i32
    %dma_start3A_146 = tpu.memref_slice %arg10[%dma_start3A_144, %dma_start3A_145] : memref<10240x128xf32, #tpu.memory_space<vmem_shared>> -> memref<10240x128xf32, #tpu.memory_space<vmem_shared>>
    tpu.enqueue_indirect_dma source(%arg9 : memref<128x128xf32, #tpu.memory_space<vmem>>) target(%dma_start3A_146 : memref<10240x128xf32, #tpu.memory_space<vmem_shared>>) offsets(%dma_start3A_143 : memref<128xi32, #tpu.memory_space<vmem>>) semaphore(%arg14 : memref<!tpu.dma_semaphore, #tpu.memory_space<semaphore_mem>>) {add = true}
    %dma_wait3A_147 = arith.constant 0 : i32
    %dma_wait3A_148 = arith.constant 0 : i32
    %dma_wait3A_149 = tpu.memref_slice %arg7[%dma_wait3A_147, %dma_wait3A_148] : memref<41x128xi32, #tpu.memory_space<vmem>> -> memref<1x128xi32, #tpu.memory_space<vmem>>
    %dma_wait3A_150 = tpu.memref_squeeze %dma_wait3A_149 : memref<1x128xi32, #tpu.memory_space<vmem>> -> memref<128xi32, #tpu.memory_space<vmem>>
    %dma_wait3A_151 = arith.constant 0 : i32
    %dma_wait3A_152 = arith.constant 0 : i32
    %dma_wait3A_153 = tpu.memref_slice %arg10[%dma_wait3A_151, %dma_wait3A_152] : memref<10240x128xf32, #tpu.memory_space<vmem_shared>> -> memref<10240x128xf32, #tpu.memory_space<vmem_shared>>
    tpu.wait_indirect_dma semaphore(%arg13 : memref<!tpu.dma_semaphore, #tpu.memory_space<semaphore_mem>>) src(%arg8 : memref<128x128xf32, #tpu.memory_space<vmem>>) dst(%dma_wait3A_153 : memref<10240x128xf32, #tpu.memory_space<vmem_shared>>)
    %dma_start3A_154 = arith.constant 40 : i32
    %dma_start3A_155 = arith.constant 0 : i32
    %dma_start3A_156 = tpu.memref_slice %arg6[%dma_start3A_154, %dma_start3A_155] : memref<41x128xi32, #tpu.memory_space<vmem>> -> memref<1x128xi32, #tpu.memory_space<vmem>>
    %dma_start3A_157 = tpu.memref_squeeze %dma_start3A_156 : memref<1x128xi32, #tpu.memory_space<vmem>> -> memref<128xi32, #tpu.memory_space<vmem>>
    %dma_start3A_158 = arith.constant 0 : i32
    %dma_start3A_159 = arith.constant 0 : i32
    %dma_start3A_160 = tpu.memref_slice %arg2[%dma_start3A_158, %dma_start3A_159] : memref<10000x128xf32, #tpu.memory_space<hbm>> -> memref<10000x128xf32, #tpu.memory_space<hbm>>
    tpu.enqueue_indirect_dma source(%dma_start3A_160 : memref<10000x128xf32, #tpu.memory_space<hbm>>) target(%arg8 : memref<128x128xf32, #tpu.memory_space<vmem>>) offsets(%dma_start3A_157 : memref<128xi32, #tpu.memory_space<vmem>>) semaphore(%arg11 : memref<!tpu.dma_semaphore, #tpu.memory_space<semaphore_mem>>)
    %dma_wait3A_161 = arith.constant 0 : i32
    %dma_wait3A_162 = arith.constant 0 : i32
    %dma_wait3A_163 = tpu.memref_slice %arg6[%dma_wait3A_161, %dma_wait3A_162] : memref<41x128xi32, #tpu.memory_space<vmem>> -> memref<1x128xi32, #tpu.memory_space<vmem>>
    %dma_wait3A_164 = tpu.memref_squeeze %dma_wait3A_163 : memref<1x128xi32, #tpu.memory_space<vmem>> -> memref<128xi32, #tpu.memory_space<vmem>>
    %dma_wait3A_165 = arith.constant 0 : i32
    %dma_wait3A_166 = arith.constant 0 : i32
    %dma_wait3A_167 = tpu.memref_slice %arg2[%dma_wait3A_165, %dma_wait3A_166] : memref<10000x128xf32, #tpu.memory_space<hbm>> -> memref<10000x128xf32, #tpu.memory_space<hbm>>
    tpu.wait_indirect_dma semaphore(%arg11 : memref<!tpu.dma_semaphore, #tpu.memory_space<semaphore_mem>>) src(%dma_wait3A_167 : memref<10000x128xf32, #tpu.memory_space<hbm>>) dst(%arg8 : memref<128x128xf32, #tpu.memory_space<vmem>>)
    %dma_start3A_168 = arith.constant 40 : i32
    %dma_start3A_169 = arith.constant 0 : i32
    %dma_start3A_170 = tpu.memref_slice %arg7[%dma_start3A_168, %dma_start3A_169] : memref<41x128xi32, #tpu.memory_space<vmem>> -> memref<1x128xi32, #tpu.memory_space<vmem>>
    %dma_start3A_171 = tpu.memref_squeeze %dma_start3A_170 : memref<1x128xi32, #tpu.memory_space<vmem>> -> memref<128xi32, #tpu.memory_space<vmem>>
    %dma_start3A_172 = arith.constant 0 : i32
    %dma_start3A_173 = arith.constant 0 : i32
    %dma_start3A_174 = tpu.memref_slice %arg10[%dma_start3A_172, %dma_start3A_173] : memref<10240x128xf32, #tpu.memory_space<vmem_shared>> -> memref<10240x128xf32, #tpu.memory_space<vmem_shared>>
    tpu.enqueue_indirect_dma source(%arg8 : memref<128x128xf32, #tpu.memory_space<vmem>>) target(%dma_start3A_174 : memref<10240x128xf32, #tpu.memory_space<vmem_shared>>) offsets(%dma_start3A_171 : memref<128xi32, #tpu.memory_space<vmem>>) semaphore(%arg13 : memref<!tpu.dma_semaphore, #tpu.memory_space<semaphore_mem>>) {add = true}
    %dma_wait3A_175 = arith.constant 0 : i32
    %dma_wait3A_176 = arith.constant 0 : i32
    %dma_wait3A_177 = tpu.memref_slice %arg7[%dma_wait3A_175, %dma_wait3A_176] : memref<41x128xi32, #tpu.memory_space<vmem>> -> memref<1x128xi32, #tpu.memory_space<vmem>>
    %dma_wait3A_178 = tpu.memref_squeeze %dma_wait3A_177 : memref<1x128xi32, #tpu.memory_space<vmem>> -> memref<128xi32, #tpu.memory_space<vmem>>
    %dma_wait3A_179 = arith.constant 0 : i32
    %dma_wait3A_180 = arith.constant 0 : i32
    %dma_wait3A_181 = tpu.memref_slice %arg10[%dma_wait3A_179, %dma_wait3A_180] : memref<10240x128xf32, #tpu.memory_space<vmem_shared>> -> memref<10240x128xf32, #tpu.memory_space<vmem_shared>>
    tpu.wait_indirect_dma semaphore(%arg14 : memref<!tpu.dma_semaphore, #tpu.memory_space<semaphore_mem>>) src(%arg9 : memref<128x128xf32, #tpu.memory_space<vmem>>) dst(%dma_wait3A_181 : memref<10240x128xf32, #tpu.memory_space<vmem_shared>>)
    %dma_wait3A_182 = arith.constant 0 : i32
    %dma_wait3A_183 = arith.constant 0 : i32
    %dma_wait3A_184 = tpu.memref_slice %arg7[%dma_wait3A_182, %dma_wait3A_183] : memref<41x128xi32, #tpu.memory_space<vmem>> -> memref<1x128xi32, #tpu.memory_space<vmem>>
    %dma_wait3A_185 = tpu.memref_squeeze %dma_wait3A_184 : memref<1x128xi32, #tpu.memory_space<vmem>> -> memref<128xi32, #tpu.memory_space<vmem>>
    %dma_wait3A_186 = arith.constant 0 : i32
    %dma_wait3A_187 = arith.constant 0 : i32
    %dma_wait3A_188 = tpu.memref_slice %arg10[%dma_wait3A_186, %dma_wait3A_187] : memref<10240x128xf32, #tpu.memory_space<vmem_shared>> -> memref<10240x128xf32, #tpu.memory_space<vmem_shared>>
    tpu.wait_indirect_dma semaphore(%arg13 : memref<!tpu.dma_semaphore, #tpu.memory_space<semaphore_mem>>) src(%arg8 : memref<128x128xf32, #tpu.memory_space<vmem>>) dst(%dma_wait3A_188 : memref<10240x128xf32, #tpu.memory_space<vmem_shared>>)
    %barrier3A_189 = arith.constant 0 : index
    tpu.barrier barrier_id(%barrier3A_189)
    %mul3A_190 = arith.constant 640 : i32
    %mul3A_191 = arith.muli %arg1, %mul3A_190 : i32
    %mul3A_192 = arith.constant 640 : i32
    %mul3A_193 = arith.muli %arg1, %mul3A_192 : i32
    "tpu.region"() ({
      %run_scoped3A_194 = tpu.sem_alloc : memref<!tpu.dma_semaphore, #tpu.memory_space<semaphore_mem>>
      %dma_start3A_195 = arith.constant 0 : i32
      %dma_start3A_196 = tpu.memref_slice %arg5[%arg0, %mul3A_193, %dma_start3A_195] : memref<2x10240x128xf32, #tpu.memory_space<hbm>> -> memref<1x640x128xf32, #tpu.memory_space<hbm>>
      %dma_start3A_197 = tpu.memref_squeeze %dma_start3A_196 : memref<1x640x128xf32, #tpu.memory_space<hbm>> -> memref<640x128xf32, #tpu.memory_space<hbm>>
      %dma_start3A_198 = arith.constant 0 : i32
      %dma_start3A_199 = tpu.memref_slice %arg10[%mul3A_191, %dma_start3A_198] : memref<10240x128xf32, #tpu.memory_space<vmem_shared>> -> memref<640x128xf32, #tpu.memory_space<vmem_shared>>
      tpu.enqueue_dma source(%dma_start3A_199 : memref<640x128xf32, #tpu.memory_space<vmem_shared>>) target(%dma_start3A_197 : memref<640x128xf32, #tpu.memory_space<hbm>>) target_semaphore(%run_scoped3A_194 : memref<!tpu.dma_semaphore, #tpu.memory_space<semaphore_mem>>)
      %dma_wait3A_200 = arith.constant 0 : i32
      %dma_wait3A_201 = tpu.memref_slice %arg5[%arg0, %mul3A_193, %dma_wait3A_200] : memref<2x10240x128xf32, #tpu.memory_space<hbm>> -> memref<1x640x128xf32, #tpu.memory_space<hbm>>
      %dma_wait3A_202 = tpu.memref_squeeze %dma_wait3A_201 : memref<1x640x128xf32, #tpu.memory_space<hbm>> -> memref<640x128xf32, #tpu.memory_space<hbm>>
      %dma_wait3A_203 = arith.constant 0 : i32
      %dma_wait3A_204 = tpu.memref_slice %arg10[%mul3A_191, %dma_wait3A_203] : memref<10240x128xf32, #tpu.memory_space<vmem_shared>> -> memref<640x128xf32, #tpu.memory_space<vmem_shared>>
      tpu.wait_dma2 semaphore(%run_scoped3A_194 : memref<!tpu.dma_semaphore, #tpu.memory_space<semaphore_mem>>) src(%dma_wait3A_204 : memref<640x128xf32, #tpu.memory_space<vmem_shared>>) dst(%dma_wait3A_202 : memref<640x128xf32, #tpu.memory_space<hbm>>)
      tpu.yield
    }) : () -> ()
    return
  }
}

#map = affine_map<(d0, d1) -> (0, 0)>
#map1 = affine_map<(d0, d1) -> (0, 0, 0, 0)>
#map2 = affine_map<(d0, d1) -> (0, 0, 0)>
module attributes {stable_mosaic.version = 14 : i64} {
  func.func @sc_aggregate(%arg0: i32, %arg1: i32, %arg2: memref<10000x128xf32, #tpu.memory_space<hbm>>, %arg3: memref<32x2x41x128xi32, #tpu.memory_space<hbm>>, %arg4: memref<32x2x41x128xi32, #tpu.memory_space<hbm>>, %arg5: memref<2x10240x128xf32, #tpu.memory_space<hbm>>, %arg6: memref<41x128xi32, #tpu.memory_space<vmem>>, %arg7: memref<41x128xi32, #tpu.memory_space<vmem>>, %arg8: memref<128x128xf32, #tpu.memory_space<vmem>>, %arg9: memref<128x128xf32, #tpu.memory_space<vmem>>, %arg10: memref<10240x128xf32, #tpu.memory_space<vmem_shared>>, %arg11: memref<!tpu.dma_semaphore, #tpu.memory_space<semaphore_mem>>, %arg12: memref<!tpu.dma_semaphore, #tpu.memory_space<semaphore_mem>>, %arg13: memref<!tpu.dma_semaphore, #tpu.memory_space<semaphore_mem>>, %arg14: memref<!tpu.dma_semaphore, #tpu.memory_space<semaphore_mem>>) attributes {dimension_semantics = [#tpu.dimension_semantics<core_parallel>, #tpu.dimension_semantics<subcore_parallel>], iteration_bounds = array<i64: 2, 16>, scalar_prefetch = 0 : i64, scratch_operands = 9 : i64, tpu.core_type = #tpu.core_type<sc_vector_subcore>, window_params = [{transform_indices = #map}, {transform_indices = #map1}, {transform_indices = #map1}, {transform_indices = #map2}]} {
    %mul3A = arith.constant 16 : i32
    %mul3A_0 = arith.muli %arg0, %mul3A : i32
    %add3A = arith.addi %mul3A_0, %arg1 : i32
    %scan3A = arith.constant 0 : i32
    %scan3A_1 = arith.constant 128 : i32
    %scan3A_2 = arith.addi %scan3A, %scan3A_1 : i32
    %scan3A_3 = arith.constant 1 : i32
    scf.for %scan3A_194 = %scan3A to %scan3A_2 step %scan3A_3  : i32 {
      %mul3A_195 = arith.constant 1 : i32
      %mul3A_196 = arith.muli %scan3A_194, %mul3A_195 : i32
      %add3A_197 = arith.constant 0 : i32
      %add3A_198 = arith.addi %add3A_197, %mul3A_196 : i32
      %scan3A_199 = arith.constant 0 : i32
      %scan3A_200 = arith.constant 8 : i32
      %scan3A_201 = arith.addi %scan3A_199, %scan3A_200 : i32
      %scan3A_202 = arith.constant 1 : i32
      scf.for %scan3A_204 = %scan3A_199 to %scan3A_201 step %scan3A_202  : i32 {
        %mul3A_205 = arith.constant 16 : i32
        %mul3A_206 = arith.muli %scan3A_204, %mul3A_205 : i32
        %add3A_207 = arith.constant 0 : i32
        %add3A_208 = arith.addi %add3A_207, %mul3A_206 : i32
        %broadcast_in_dim3A = arith.constant 0.000000e+00 : f32
        %broadcast_in_dim3A_209 = vector.broadcast %broadcast_in_dim3A : f32 to vector<16xf32>
        %swap3A = arith.index_cast %add3A_198 : i32 to index
        %swap3A_210 = arith.index_cast %add3A_208 : i32 to index
        %swap3A_211 = tpu.vector_load %arg8[%swap3A, %swap3A_210] {strides = array<i32>} : memref<128x128xf32, #tpu.memory_space<vmem>>, vector<1x16xf32>,
        %swap3A_212 = vector.shape_cast %swap3A_211 : vector<1x16xf32> to vector<16xf32>
        %swap3A_213 = vector.shape_cast %broadcast_in_dim3A_209 : vector<16xf32> to vector<1x16xf32>
        tpu.vector_store %arg8[%swap3A, %swap3A_210], %swap3A_213 {strides = array<i32>} : memref<128x128xf32, #tpu.memory_space<vmem>>, vector<1x16xf32>,
      }
      %scan3A_203 = arith.constant 8 : i32
    }
    %scan3A_4 = arith.constant 128 : i32
    %scan3A_5 = arith.constant 0 : i32
    %scan3A_6 = arith.constant 5 : i32
    %scan3A_7 = arith.addi %scan3A_5, %scan3A_6 : i32
    %scan3A_8 = arith.constant 1 : i32
    scf.for %scan3A_194 = %scan3A_5 to %scan3A_7 step %scan3A_8  : i32 {
      %mul3A_195 = arith.constant 1 : i32
      %mul3A_196 = arith.muli %scan3A_194, %mul3A_195 : i32
      %add3A_197 = arith.constant 0 : i32
      %add3A_198 = arith.addi %add3A_197, %mul3A_196 : i32
      %mul3A_199 = arith.constant 640 : i32
      %mul3A_200 = arith.muli %arg1, %mul3A_199 : i32
      %mul3A_201 = arith.constant 128 : i32
      %mul3A_202 = arith.muli %add3A_198, %mul3A_201 : i32
      %add3A_203 = arith.addi %mul3A_200, %mul3A_202 : i32
      "tpu.region"() ({
        %run_scoped3A_204 = tpu.sem_alloc : memref<!tpu.dma_semaphore, #tpu.memory_space<semaphore_mem>>
        %dma_start3A_205 = arith.constant 0 : i32
        %dma_start3A_206 = tpu.memref_slice %arg10[%add3A_203, %dma_start3A_205] : memref<10240x128xf32, #tpu.memory_space<vmem_shared>> -> memref<128x128xf32, #tpu.memory_space<vmem_shared>>
        %dma_start3A_207 = arith.constant 0 : i32
        %dma_start3A_208 = tpu.memref_slice %arg10[%add3A_203, %dma_start3A_207] : memref<10240x128xf32, #tpu.memory_space<vmem_shared>> -> memref<128x128xf32, #tpu.memory_space<vmem_shared>>
        tpu.enqueue_dma source(%arg8 : memref<128x128xf32, #tpu.memory_space<vmem>>) target(%dma_start3A_208 : memref<128x128xf32, #tpu.memory_space<vmem_shared>>) target_semaphore(%run_scoped3A_204 : memref<!tpu.dma_semaphore, #tpu.memory_space<semaphore_mem>>)
        %dma_wait3A_209 = arith.constant 0 : i32
        %dma_wait3A_210 = tpu.memref_slice %arg10[%add3A_203, %dma_wait3A_209] : memref<10240x128xf32, #tpu.memory_space<vmem_shared>> -> memref<128x128xf32, #tpu.memory_space<vmem_shared>>
        %dma_wait3A_211 = arith.constant 0 : i32
        %dma_wait3A_212 = tpu.memref_slice %arg10[%add3A_203, %dma_wait3A_211] : memref<10240x128xf32, #tpu.memory_space<vmem_shared>> -> memref<128x128xf32, #tpu.memory_space<vmem_shared>>
        tpu.wait_dma2 semaphore(%run_scoped3A_204 : memref<!tpu.dma_semaphore, #tpu.memory_space<semaphore_mem>>) src(%arg8 : memref<128x128xf32, #tpu.memory_space<vmem>>) dst(%dma_wait3A_212 : memref<128x128xf32, #tpu.memory_space<vmem_shared>>)
        tpu.yield
      }) : () -> ()
    }
    %scan3A_9 = arith.constant 5 : i32
    %barrier3A = arith.constant 0 : index
    tpu.barrier barrier_id(%barrier3A)
    %run_scoped3A = arith.constant 0 : i32
    "tpu.region"() ({
      %run_scoped3A_194 = tpu.sem_alloc : memref<!tpu.dma_semaphore, #tpu.memory_space<semaphore_mem>>
      %dma_start3A_195 = arith.constant 0 : i32
      %dma_start3A_196 = arith.constant 0 : i32
      %dma_start3A_197 = tpu.memref_slice %arg3[%add3A, %run_scoped3A, %dma_start3A_195, %dma_start3A_196] : memref<32x2x41x128xi32, #tpu.memory_space<hbm>> -> memref<1x1x41x128xi32, #tpu.memory_space<hbm>>
      %dma_start3A_198 = tpu.memref_squeeze %dma_start3A_197 : memref<1x1x41x128xi32, #tpu.memory_space<hbm>> -> memref<41x128xi32, #tpu.memory_space<hbm>>
      %dma_start3A_199 = arith.constant 0 : i32
      %dma_start3A_200 = arith.constant 0 : i32
      %dma_start3A_201 = tpu.memref_slice %arg3[%add3A, %run_scoped3A, %dma_start3A_199, %dma_start3A_200] : memref<32x2x41x128xi32, #tpu.memory_space<hbm>> -> memref<1x1x41x128xi32, #tpu.memory_space<hbm>>
      %dma_start3A_202 = tpu.memref_squeeze %dma_start3A_201 : memref<1x1x41x128xi32, #tpu.memory_space<hbm>> -> memref<41x128xi32, #tpu.memory_space<hbm>>
      tpu.enqueue_dma source(%dma_start3A_202 : memref<41x128xi32, #tpu.memory_space<hbm>>) target(%arg6 : memref<41x128xi32, #tpu.memory_space<vmem>>) target_semaphore(%run_scoped3A_194 : memref<!tpu.dma_semaphore, #tpu.memory_space<semaphore_mem>>)
      %dma_wait3A_203 = arith.constant 0 : i32
      %dma_wait3A_204 = arith.constant 0 : i32
      %dma_wait3A_205 = tpu.memref_slice %arg3[%add3A, %run_scoped3A, %dma_wait3A_203, %dma_wait3A_204] : memref<32x2x41x128xi32, #tpu.memory_space<hbm>> -> memref<1x1x41x128xi32, #tpu.memory_space<hbm>>
      %dma_wait3A_206 = tpu.memref_squeeze %dma_wait3A_205 : memref<1x1x41x128xi32, #tpu.memory_space<hbm>> -> memref<41x128xi32, #tpu.memory_space<hbm>>
      %dma_wait3A_207 = arith.constant 0 : i32
      %dma_wait3A_208 = arith.constant 0 : i32
      %dma_wait3A_209 = tpu.memref_slice %arg3[%add3A, %run_scoped3A, %dma_wait3A_207, %dma_wait3A_208] : memref<32x2x41x128xi32, #tpu.memory_space<hbm>> -> memref<1x1x41x128xi32, #tpu.memory_space<hbm>>
      %dma_wait3A_210 = tpu.memref_squeeze %dma_wait3A_209 : memref<1x1x41x128xi32, #tpu.memory_space<hbm>> -> memref<41x128xi32, #tpu.memory_space<hbm>>
      tpu.wait_dma2 semaphore(%run_scoped3A_194 : memref<!tpu.dma_semaphore, #tpu.memory_space<semaphore_mem>>) src(%dma_wait3A_210 : memref<41x128xi32, #tpu.memory_space<hbm>>) dst(%arg6 : memref<41x128xi32, #tpu.memory_space<vmem>>)
      tpu.yield
    }) : () -> ()
    %run_scoped3A_10 = arith.constant 0 : i32
    "tpu.region"() ({
      %run_scoped3A_194 = tpu.sem_alloc : memref<!tpu.dma_semaphore, #tpu.memory_space<semaphore_mem>>
      %dma_start3A_195 = arith.constant 0 : i32
      %dma_start3A_196 = arith.constant 0 : i32
      %dma_start3A_197 = tpu.memref_slice %arg4[%add3A, %run_scoped3A_10, %dma_start3A_195, %dma_start3A_196] : memref<32x2x41x128xi32, #tpu.memory_space<hbm>> -> memref<1x1x41x128xi32, #tpu.memory_space<hbm>>
      %dma_start3A_198 = tpu.memref_squeeze %dma_start3A_197 : memref<1x1x41x128xi32, #tpu.memory_space<hbm>> -> memref<41x128xi32, #tpu.memory_space<hbm>>
      %dma_start3A_199 = arith.constant 0 : i32
      %dma_start3A_200 = arith.constant 0 : i32
      %dma_start3A_201 = tpu.memref_slice %arg4[%add3A, %run_scoped3A_10, %dma_start3A_199, %dma_start3A_200] : memref<32x2x41x128xi32, #tpu.memory_space<hbm>> -> memref<1x1x41x128xi32, #tpu.memory_space<hbm>>
      %dma_start3A_202 = tpu.memref_squeeze %dma_start3A_201 : memref<1x1x41x128xi32, #tpu.memory_space<hbm>> -> memref<41x128xi32, #tpu.memory_space<hbm>>
      tpu.enqueue_dma source(%dma_start3A_202 : memref<41x128xi32, #tpu.memory_space<hbm>>) target(%arg7 : memref<41x128xi32, #tpu.memory_space<vmem>>) target_semaphore(%run_scoped3A_194 : memref<!tpu.dma_semaphore, #tpu.memory_space<semaphore_mem>>)
      %dma_wait3A_203 = arith.constant 0 : i32
      %dma_wait3A_204 = arith.constant 0 : i32
      %dma_wait3A_205 = tpu.memref_slice %arg4[%add3A, %run_scoped3A_10, %dma_wait3A_203, %dma_wait3A_204] : memref<32x2x41x128xi32, #tpu.memory_space<hbm>> -> memref<1x1x41x128xi32, #tpu.memory_space<hbm>>
      %dma_wait3A_206 = tpu.memref_squeeze %dma_wait3A_205 : memref<1x1x41x128xi32, #tpu.memory_space<hbm>> -> memref<41x128xi32, #tpu.memory_space<hbm>>
      %dma_wait3A_207 = arith.constant 0 : i32
      %dma_wait3A_208 = arith.constant 0 : i32
      %dma_wait3A_209 = tpu.memref_slice %arg4[%add3A, %run_scoped3A_10, %dma_wait3A_207, %dma_wait3A_208] : memref<32x2x41x128xi32, #tpu.memory_space<hbm>> -> memref<1x1x41x128xi32, #tpu.memory_space<hbm>>
      %dma_wait3A_210 = tpu.memref_squeeze %dma_wait3A_209 : memref<1x1x41x128xi32, #tpu.memory_space<hbm>> -> memref<41x128xi32, #tpu.memory_space<hbm>>
      tpu.wait_dma2 semaphore(%run_scoped3A_194 : memref<!tpu.dma_semaphore, #tpu.memory_space<semaphore_mem>>) src(%dma_wait3A_210 : memref<41x128xi32, #tpu.memory_space<hbm>>) dst(%arg7 : memref<41x128xi32, #tpu.memory_space<vmem>>)
      tpu.yield
    }) : () -> ()
    %dma_start3A = arith.constant 0 : i32
    %dma_start3A_11 = arith.constant 0 : i32
    %dma_start3A_12 = tpu.memref_slice %arg6[%dma_start3A, %dma_start3A_11] : memref<41x128xi32, #tpu.memory_space<vmem>> -> memref<1x128xi32, #tpu.memory_space<vmem>>
    %dma_start3A_13 = tpu.memref_squeeze %dma_start3A_12 : memref<1x128xi32, #tpu.memory_space<vmem>> -> memref<128xi32, #tpu.memory_space<vmem>>
    %dma_start3A_14 = arith.constant 0 : i32
    %dma_start3A_15 = arith.constant 0 : i32
    %dma_start3A_16 = tpu.memref_slice %arg2[%dma_start3A_14, %dma_start3A_15] : memref<10000x128xf32, #tpu.memory_space<hbm>> -> memref<10000x128xf32, #tpu.memory_space<hbm>>
    tpu.enqueue_indirect_dma source(%dma_start3A_16 : memref<10000x128xf32, #tpu.memory_space<hbm>>) target(%arg8 : memref<128x128xf32, #tpu.memory_space<vmem>>) offsets(%dma_start3A_13 : memref<128xi32, #tpu.memory_space<vmem>>) semaphore(%arg11 : memref<!tpu.dma_semaphore, #tpu.memory_space<semaphore_mem>>)
    %dma_start3A_17 = arith.constant 1 : i32
    %dma_start3A_18 = arith.constant 0 : i32
    %dma_start3A_19 = tpu.memref_slice %arg6[%dma_start3A_17, %dma_start3A_18] : memref<41x128xi32, #tpu.memory_space<vmem>> -> memref<1x128xi32, #tpu.memory_space<vmem>>
    %dma_start3A_20 = tpu.memref_squeeze %dma_start3A_19 : memref<1x128xi32, #tpu.memory_space<vmem>> -> memref<128xi32, #tpu.memory_space<vmem>>
    %dma_start3A_21 = arith.constant 0 : i32
    %dma_start3A_22 = arith.constant 0 : i32
    %dma_start3A_23 = tpu.memref_slice %arg2[%dma_start3A_21, %dma_start3A_22] : memref<10000x128xf32, #tpu.memory_space<hbm>> -> memref<10000x128xf32, #tpu.memory_space<hbm>>
    tpu.enqueue_indirect_dma source(%dma_start3A_23 : memref<10000x128xf32, #tpu.memory_space<hbm>>) target(%arg9 : memref<128x128xf32, #tpu.memory_space<vmem>>) offsets(%dma_start3A_20 : memref<128xi32, #tpu.memory_space<vmem>>) semaphore(%arg12 : memref<!tpu.dma_semaphore, #tpu.memory_space<semaphore_mem>>)
    %dma_wait3A = arith.constant 0 : i32
    %dma_wait3A_24 = arith.constant 0 : i32
    %dma_wait3A_25 = tpu.memref_slice %arg6[%dma_wait3A, %dma_wait3A_24] : memref<41x128xi32, #tpu.memory_space<vmem>> -> memref<1x128xi32, #tpu.memory_space<vmem>>
    %dma_wait3A_26 = tpu.memref_squeeze %dma_wait3A_25 : memref<1x128xi32, #tpu.memory_space<vmem>> -> memref<128xi32, #tpu.memory_space<vmem>>
    %dma_wait3A_27 = arith.constant 0 : i32
    %dma_wait3A_28 = arith.constant 0 : i32
    %dma_wait3A_29 = tpu.memref_slice %arg2[%dma_wait3A_27, %dma_wait3A_28] : memref<10000x128xf32, #tpu.memory_space<hbm>> -> memref<10000x128xf32, #tpu.memory_space<hbm>>
    tpu.wait_indirect_dma semaphore(%arg11 : memref<!tpu.dma_semaphore, #tpu.memory_space<semaphore_mem>>) src(%dma_wait3A_29 : memref<10000x128xf32, #tpu.memory_space<hbm>>) dst(%arg8 : memref<128x128xf32, #tpu.memory_space<vmem>>)
    %dma_start3A_30 = arith.constant 0 : i32
    %dma_start3A_31 = arith.constant 0 : i32
    %dma_start3A_32 = tpu.memref_slice %arg7[%dma_start3A_30, %dma_start3A_31] : memref<41x128xi32, #tpu.memory_space<vmem>> -> memref<1x128xi32, #tpu.memory_space<vmem>>
    %dma_start3A_33 = tpu.memref_squeeze %dma_start3A_32 : memref<1x128xi32, #tpu.memory_space<vmem>> -> memref<128xi32, #tpu.memory_space<vmem>>
    %dma_start3A_34 = arith.constant 0 : i32
    %dma_start3A_35 = arith.constant 0 : i32
    %dma_start3A_36 = tpu.memref_slice %arg10[%dma_start3A_34, %dma_start3A_35] : memref<10240x128xf32, #tpu.memory_space<vmem_shared>> -> memref<10240x128xf32, #tpu.memory_space<vmem_shared>>
    tpu.enqueue_indirect_dma source(%arg8 : memref<128x128xf32, #tpu.memory_space<vmem>>) target(%dma_start3A_36 : memref<10240x128xf32, #tpu.memory_space<vmem_shared>>) offsets(%dma_start3A_33 : memref<128xi32, #tpu.memory_space<vmem>>) semaphore(%arg13 : memref<!tpu.dma_semaphore, #tpu.memory_space<semaphore_mem>>) {add = true}
    %scan3A_37 = arith.constant 0 : i32
    %scan3A_38 = arith.constant 19 : i32
    %scan3A_39 = arith.addi %scan3A_37, %scan3A_38 : i32
    %scan3A_40 = arith.constant 1 : i32
    scf.for %scan3A_194 = %scan3A_37 to %scan3A_39 step %scan3A_40  : i32 {
      %mul3A_195 = arith.constant 1 : i32
      %mul3A_196 = arith.muli %scan3A_194, %mul3A_195 : i32
      %add3A_197 = arith.constant 0 : i32
      %add3A_198 = arith.addi %add3A_197, %mul3A_196 : i32
      %mul3A_199 = arith.constant 2 : i32
      %mul3A_200 = arith.muli %mul3A_199, %add3A_198 : i32
      %dma_wait3A_201 = arith.constant 0 : i32
      %dma_wait3A_202 = arith.constant 0 : i32
      %dma_wait3A_203 = tpu.memref_slice %arg6[%dma_wait3A_201, %dma_wait3A_202] : memref<41x128xi32, #tpu.memory_space<vmem>> -> memref<1x128xi32, #tpu.memory_space<vmem>>
      %dma_wait3A_204 = tpu.memref_squeeze %dma_wait3A_203 : memref<1x128xi32, #tpu.memory_space<vmem>> -> memref<128xi32, #tpu.memory_space<vmem>>
      %dma_wait3A_205 = arith.constant 0 : i32
      %dma_wait3A_206 = arith.constant 0 : i32
      %dma_wait3A_207 = tpu.memref_slice %arg2[%dma_wait3A_205, %dma_wait3A_206] : memref<10000x128xf32, #tpu.memory_space<hbm>> -> memref<10000x128xf32, #tpu.memory_space<hbm>>
      tpu.wait_indirect_dma semaphore(%arg12 : memref<!tpu.dma_semaphore, #tpu.memory_space<semaphore_mem>>) src(%dma_wait3A_207 : memref<10000x128xf32, #tpu.memory_space<hbm>>) dst(%arg9 : memref<128x128xf32, #tpu.memory_space<vmem>>)
      %add3A_208 = arith.constant 1 : i32
      %add3A_209 = arith.addi %mul3A_200, %add3A_208 : i32
      %dma_start3A_210 = arith.constant 0 : i32
      %dma_start3A_211 = tpu.memref_slice %arg7[%add3A_209, %dma_start3A_210] : memref<41x128xi32, #tpu.memory_space<vmem>> -> memref<1x128xi32, #tpu.memory_space<vmem>>
      %dma_start3A_212 = tpu.memref_squeeze %dma_start3A_211 : memref<1x128xi32, #tpu.memory_space<vmem>> -> memref<128xi32, #tpu.memory_space<vmem>>
      %dma_start3A_213 = arith.constant 0 : i32
      %dma_start3A_214 = arith.constant 0 : i32
      %dma_start3A_215 = tpu.memref_slice %arg10[%dma_start3A_213, %dma_start3A_214] : memref<10240x128xf32, #tpu.memory_space<vmem_shared>> -> memref<10240x128xf32, #tpu.memory_space<vmem_shared>>
      tpu.enqueue_indirect_dma source(%arg9 : memref<128x128xf32, #tpu.memory_space<vmem>>) target(%dma_start3A_215 : memref<10240x128xf32, #tpu.memory_space<vmem_shared>>) offsets(%dma_start3A_212 : memref<128xi32, #tpu.memory_space<vmem>>) semaphore(%arg14 : memref<!tpu.dma_semaphore, #tpu.memory_space<semaphore_mem>>) {add = true}
      %dma_wait3A_216 = arith.constant 0 : i32
      %dma_wait3A_217 = arith.constant 0 : i32
      %dma_wait3A_218 = tpu.memref_slice %arg7[%dma_wait3A_216, %dma_wait3A_217] : memref<41x128xi32, #tpu.memory_space<vmem>> -> memref<1x128xi32, #tpu.memory_space<vmem>>
      %dma_wait3A_219 = tpu.memref_squeeze %dma_wait3A_218 : memref<1x128xi32, #tpu.memory_space<vmem>> -> memref<128xi32, #tpu.memory_space<vmem>>
      %dma_wait3A_220 = arith.constant 0 : i32
      %dma_wait3A_221 = arith.constant 0 : i32
      %dma_wait3A_222 = tpu.memref_slice %arg10[%dma_wait3A_220, %dma_wait3A_221] : memref<10240x128xf32, #tpu.memory_space<vmem_shared>> -> memref<10240x128xf32, #tpu.memory_space<vmem_shared>>
      tpu.wait_indirect_dma semaphore(%arg13 : memref<!tpu.dma_semaphore, #tpu.memory_space<semaphore_mem>>) src(%arg8 : memref<128x128xf32, #tpu.memory_space<vmem>>) dst(%dma_wait3A_222 : memref<10240x128xf32, #tpu.memory_space<vmem_shared>>)
      %add3A_223 = arith.constant 2 : i32
      %add3A_224 = arith.addi %mul3A_200, %add3A_223 : i32
      %dma_start3A_225 = arith.constant 0 : i32
      %dma_start3A_226 = tpu.memref_slice %arg6[%add3A_224, %dma_start3A_225] : memref<41x128xi32, #tpu.memory_space<vmem>> -> memref<1x128xi32, #tpu.memory_space<vmem>>
      %dma_start3A_227 = tpu.memref_squeeze %dma_start3A_226 : memref<1x128xi32, #tpu.memory_space<vmem>> -> memref<128xi32, #tpu.memory_space<vmem>>
      %dma_start3A_228 = arith.constant 0 : i32
      %dma_start3A_229 = arith.constant 0 : i32
      %dma_start3A_230 = tpu.memref_slice %arg2[%dma_start3A_228, %dma_start3A_229] : memref<10000x128xf32, #tpu.memory_space<hbm>> -> memref<10000x128xf32, #tpu.memory_space<hbm>>
      tpu.enqueue_indirect_dma source(%dma_start3A_230 : memref<10000x128xf32, #tpu.memory_space<hbm>>) target(%arg8 : memref<128x128xf32, #tpu.memory_space<vmem>>) offsets(%dma_start3A_227 : memref<128xi32, #tpu.memory_space<vmem>>) semaphore(%arg11 : memref<!tpu.dma_semaphore, #tpu.memory_space<semaphore_mem>>)
      %dma_wait3A_231 = arith.constant 0 : i32
      %dma_wait3A_232 = arith.constant 0 : i32
      %dma_wait3A_233 = tpu.memref_slice %arg6[%dma_wait3A_231, %dma_wait3A_232] : memref<41x128xi32, #tpu.memory_space<vmem>> -> memref<1x128xi32, #tpu.memory_space<vmem>>
      %dma_wait3A_234 = tpu.memref_squeeze %dma_wait3A_233 : memref<1x128xi32, #tpu.memory_space<vmem>> -> memref<128xi32, #tpu.memory_space<vmem>>
      %dma_wait3A_235 = arith.constant 0 : i32
      %dma_wait3A_236 = arith.constant 0 : i32
      %dma_wait3A_237 = tpu.memref_slice %arg2[%dma_wait3A_235, %dma_wait3A_236] : memref<10000x128xf32, #tpu.memory_space<hbm>> -> memref<10000x128xf32, #tpu.memory_space<hbm>>
      tpu.wait_indirect_dma semaphore(%arg11 : memref<!tpu.dma_semaphore, #tpu.memory_space<semaphore_mem>>) src(%dma_wait3A_237 : memref<10000x128xf32, #tpu.memory_space<hbm>>) dst(%arg8 : memref<128x128xf32, #tpu.memory_space<vmem>>)
      %add3A_238 = arith.constant 2 : i32
      %add3A_239 = arith.addi %mul3A_200, %add3A_238 : i32
      %dma_start3A_240 = arith.constant 0 : i32
      %dma_start3A_241 = tpu.memref_slice %arg7[%add3A_239, %dma_start3A_240] : memref<41x128xi32, #tpu.memory_space<vmem>> -> memref<1x128xi32, #tpu.memory_space<vmem>>
      %dma_start3A_242 = tpu.memref_squeeze %dma_start3A_241 : memref<1x128xi32, #tpu.memory_space<vmem>> -> memref<128xi32, #tpu.memory_space<vmem>>
      %dma_start3A_243 = arith.constant 0 : i32
      %dma_start3A_244 = arith.constant 0 : i32
      %dma_start3A_245 = tpu.memref_slice %arg10[%dma_start3A_243, %dma_start3A_244] : memref<10240x128xf32, #tpu.memory_space<vmem_shared>> -> memref<10240x128xf32, #tpu.memory_space<vmem_shared>>
      tpu.enqueue_indirect_dma source(%arg8 : memref<128x128xf32, #tpu.memory_space<vmem>>) target(%dma_start3A_245 : memref<10240x128xf32, #tpu.memory_space<vmem_shared>>) offsets(%dma_start3A_242 : memref<128xi32, #tpu.memory_space<vmem>>) semaphore(%arg13 : memref<!tpu.dma_semaphore, #tpu.memory_space<semaphore_mem>>) {add = true}
      %dma_wait3A_246 = arith.constant 0 : i32
      %dma_wait3A_247 = arith.constant 0 : i32
      %dma_wait3A_248 = tpu.memref_slice %arg7[%dma_wait3A_246, %dma_wait3A_247] : memref<41x128xi32, #tpu.memory_space<vmem>> -> memref<1x128xi32, #tpu.memory_space<vmem>>
      %dma_wait3A_249 = tpu.memref_squeeze %dma_wait3A_248 : memref<1x128xi32, #tpu.memory_space<vmem>> -> memref<128xi32, #tpu.memory_space<vmem>>
      %dma_wait3A_250 = arith.constant 0 : i32
      %dma_wait3A_251 = arith.constant 0 : i32
      %dma_wait3A_252 = tpu.memref_slice %arg10[%dma_wait3A_250, %dma_wait3A_251] : memref<10240x128xf32, #tpu.memory_space<vmem_shared>> -> memref<10240x128xf32, #tpu.memory_space<vmem_shared>>
      tpu.wait_indirect_dma semaphore(%arg14 : memref<!tpu.dma_semaphore, #tpu.memory_space<semaphore_mem>>) src(%arg9 : memref<128x128xf32, #tpu.memory_space<vmem>>) dst(%dma_wait3A_252 : memref<10240x128xf32, #tpu.memory_space<vmem_shared>>)
      %add3A_253 = arith.constant 3 : i32
      %add3A_254 = arith.addi %mul3A_200, %add3A_253 : i32
      %dma_start3A_255 = arith.constant 0 : i32
      %dma_start3A_256 = tpu.memref_slice %arg6[%add3A_254, %dma_start3A_255] : memref<41x128xi32, #tpu.memory_space<vmem>> -> memref<1x128xi32, #tpu.memory_space<vmem>>
      %dma_start3A_257 = tpu.memref_squeeze %dma_start3A_256 : memref<1x128xi32, #tpu.memory_space<vmem>> -> memref<128xi32, #tpu.memory_space<vmem>>
      %dma_start3A_258 = arith.constant 0 : i32
      %dma_start3A_259 = arith.constant 0 : i32
      %dma_start3A_260 = tpu.memref_slice %arg2[%dma_start3A_258, %dma_start3A_259] : memref<10000x128xf32, #tpu.memory_space<hbm>> -> memref<10000x128xf32, #tpu.memory_space<hbm>>
      tpu.enqueue_indirect_dma source(%dma_start3A_260 : memref<10000x128xf32, #tpu.memory_space<hbm>>) target(%arg9 : memref<128x128xf32, #tpu.memory_space<vmem>>) offsets(%dma_start3A_257 : memref<128xi32, #tpu.memory_space<vmem>>) semaphore(%arg12 : memref<!tpu.dma_semaphore, #tpu.memory_space<semaphore_mem>>)
    }
    %scan3A_41 = arith.constant 19 : i32
    %dma_wait3A_42 = arith.constant 0 : i32
    %dma_wait3A_43 = arith.constant 0 : i32
    %dma_wait3A_44 = tpu.memref_slice %arg6[%dma_wait3A_42, %dma_wait3A_43] : memref<41x128xi32, #tpu.memory_space<vmem>> -> memref<1x128xi32, #tpu.memory_space<vmem>>
    %dma_wait3A_45 = tpu.memref_squeeze %dma_wait3A_44 : memref<1x128xi32, #tpu.memory_space<vmem>> -> memref<128xi32, #tpu.memory_space<vmem>>
    %dma_wait3A_46 = arith.constant 0 : i32
    %dma_wait3A_47 = arith.constant 0 : i32
    %dma_wait3A_48 = tpu.memref_slice %arg2[%dma_wait3A_46, %dma_wait3A_47] : memref<10000x128xf32, #tpu.memory_space<hbm>> -> memref<10000x128xf32, #tpu.memory_space<hbm>>
    tpu.wait_indirect_dma semaphore(%arg12 : memref<!tpu.dma_semaphore, #tpu.memory_space<semaphore_mem>>) src(%dma_wait3A_48 : memref<10000x128xf32, #tpu.memory_space<hbm>>) dst(%arg9 : memref<128x128xf32, #tpu.memory_space<vmem>>)
    %dma_start3A_49 = arith.constant 39 : i32
    %dma_start3A_50 = arith.constant 0 : i32
    %dma_start3A_51 = tpu.memref_slice %arg7[%dma_start3A_49, %dma_start3A_50] : memref<41x128xi32, #tpu.memory_space<vmem>> -> memref<1x128xi32, #tpu.memory_space<vmem>>
    %dma_start3A_52 = tpu.memref_squeeze %dma_start3A_51 : memref<1x128xi32, #tpu.memory_space<vmem>> -> memref<128xi32, #tpu.memory_space<vmem>>
    %dma_start3A_53 = arith.constant 0 : i32
    %dma_start3A_54 = arith.constant 0 : i32
    %dma_start3A_55 = tpu.memref_slice %arg10[%dma_start3A_53, %dma_start3A_54] : memref<10240x128xf32, #tpu.memory_space<vmem_shared>> -> memref<10240x128xf32, #tpu.memory_space<vmem_shared>>
    tpu.enqueue_indirect_dma source(%arg9 : memref<128x128xf32, #tpu.memory_space<vmem>>) target(%dma_start3A_55 : memref<10240x128xf32, #tpu.memory_space<vmem_shared>>) offsets(%dma_start3A_52 : memref<128xi32, #tpu.memory_space<vmem>>) semaphore(%arg14 : memref<!tpu.dma_semaphore, #tpu.memory_space<semaphore_mem>>) {add = true}
    %dma_wait3A_56 = arith.constant 0 : i32
    %dma_wait3A_57 = arith.constant 0 : i32
    %dma_wait3A_58 = tpu.memref_slice %arg7[%dma_wait3A_56, %dma_wait3A_57] : memref<41x128xi32, #tpu.memory_space<vmem>> -> memref<1x128xi32, #tpu.memory_space<vmem>>
    %dma_wait3A_59 = tpu.memref_squeeze %dma_wait3A_58 : memref<1x128xi32, #tpu.memory_space<vmem>> -> memref<128xi32, #tpu.memory_space<vmem>>
    %dma_wait3A_60 = arith.constant 0 : i32
    %dma_wait3A_61 = arith.constant 0 : i32
    %dma_wait3A_62 = tpu.memref_slice %arg10[%dma_wait3A_60, %dma_wait3A_61] : memref<10240x128xf32, #tpu.memory_space<vmem_shared>> -> memref<10240x128xf32, #tpu.memory_space<vmem_shared>>
    tpu.wait_indirect_dma semaphore(%arg13 : memref<!tpu.dma_semaphore, #tpu.memory_space<semaphore_mem>>) src(%arg8 : memref<128x128xf32, #tpu.memory_space<vmem>>) dst(%dma_wait3A_62 : memref<10240x128xf32, #tpu.memory_space<vmem_shared>>)
    %dma_start3A_63 = arith.constant 40 : i32
    %dma_start3A_64 = arith.constant 0 : i32
    %dma_start3A_65 = tpu.memref_slice %arg6[%dma_start3A_63, %dma_start3A_64] : memref<41x128xi32, #tpu.memory_space<vmem>> -> memref<1x128xi32, #tpu.memory_space<vmem>>
    %dma_start3A_66 = tpu.memref_squeeze %dma_start3A_65 : memref<1x128xi32, #tpu.memory_space<vmem>> -> memref<128xi32, #tpu.memory_space<vmem>>
    %dma_start3A_67 = arith.constant 0 : i32
    %dma_start3A_68 = arith.constant 0 : i32
    %dma_start3A_69 = tpu.memref_slice %arg2[%dma_start3A_67, %dma_start3A_68] : memref<10000x128xf32, #tpu.memory_space<hbm>> -> memref<10000x128xf32, #tpu.memory_space<hbm>>
    tpu.enqueue_indirect_dma source(%dma_start3A_69 : memref<10000x128xf32, #tpu.memory_space<hbm>>) target(%arg8 : memref<128x128xf32, #tpu.memory_space<vmem>>) offsets(%dma_start3A_66 : memref<128xi32, #tpu.memory_space<vmem>>) semaphore(%arg11 : memref<!tpu.dma_semaphore, #tpu.memory_space<semaphore_mem>>)
    %dma_wait3A_70 = arith.constant 0 : i32
    %dma_wait3A_71 = arith.constant 0 : i32
    %dma_wait3A_72 = tpu.memref_slice %arg6[%dma_wait3A_70, %dma_wait3A_71] : memref<41x128xi32, #tpu.memory_space<vmem>> -> memref<1x128xi32, #tpu.memory_space<vmem>>
    %dma_wait3A_73 = tpu.memref_squeeze %dma_wait3A_72 : memref<1x128xi32, #tpu.memory_space<vmem>> -> memref<128xi32, #tpu.memory_space<vmem>>
    %dma_wait3A_74 = arith.constant 0 : i32
    %dma_wait3A_75 = arith.constant 0 : i32
    %dma_wait3A_76 = tpu.memref_slice %arg2[%dma_wait3A_74, %dma_wait3A_75] : memref<10000x128xf32, #tpu.memory_space<hbm>> -> memref<10000x128xf32, #tpu.memory_space<hbm>>
    tpu.wait_indirect_dma semaphore(%arg11 : memref<!tpu.dma_semaphore, #tpu.memory_space<semaphore_mem>>) src(%dma_wait3A_76 : memref<10000x128xf32, #tpu.memory_space<hbm>>) dst(%arg8 : memref<128x128xf32, #tpu.memory_space<vmem>>)
    %dma_start3A_77 = arith.constant 40 : i32
    %dma_start3A_78 = arith.constant 0 : i32
    %dma_start3A_79 = tpu.memref_slice %arg7[%dma_start3A_77, %dma_start3A_78] : memref<41x128xi32, #tpu.memory_space<vmem>> -> memref<1x128xi32, #tpu.memory_space<vmem>>
    %dma_start3A_80 = tpu.memref_squeeze %dma_start3A_79 : memref<1x128xi32, #tpu.memory_space<vmem>> -> memref<128xi32, #tpu.memory_space<vmem>>
    %dma_start3A_81 = arith.constant 0 : i32
    %dma_start3A_82 = arith.constant 0 : i32
    %dma_start3A_83 = tpu.memref_slice %arg10[%dma_start3A_81, %dma_start3A_82] : memref<10240x128xf32, #tpu.memory_space<vmem_shared>> -> memref<10240x128xf32, #tpu.memory_space<vmem_shared>>
    tpu.enqueue_indirect_dma source(%arg8 : memref<128x128xf32, #tpu.memory_space<vmem>>) target(%dma_start3A_83 : memref<10240x128xf32, #tpu.memory_space<vmem_shared>>) offsets(%dma_start3A_80 : memref<128xi32, #tpu.memory_space<vmem>>) semaphore(%arg13 : memref<!tpu.dma_semaphore, #tpu.memory_space<semaphore_mem>>) {add = true}
    %dma_wait3A_84 = arith.constant 0 : i32
    %dma_wait3A_85 = arith.constant 0 : i32
    %dma_wait3A_86 = tpu.memref_slice %arg7[%dma_wait3A_84, %dma_wait3A_85] : memref<41x128xi32, #tpu.memory_space<vmem>> -> memref<1x128xi32, #tpu.memory_space<vmem>>
    %dma_wait3A_87 = tpu.memref_squeeze %dma_wait3A_86 : memref<1x128xi32, #tpu.memory_space<vmem>> -> memref<128xi32, #tpu.memory_space<vmem>>
    %dma_wait3A_88 = arith.constant 0 : i32
    %dma_wait3A_89 = arith.constant 0 : i32
    %dma_wait3A_90 = tpu.memref_slice %arg10[%dma_wait3A_88, %dma_wait3A_89] : memref<10240x128xf32, #tpu.memory_space<vmem_shared>> -> memref<10240x128xf32, #tpu.memory_space<vmem_shared>>
    tpu.wait_indirect_dma semaphore(%arg14 : memref<!tpu.dma_semaphore, #tpu.memory_space<semaphore_mem>>) src(%arg9 : memref<128x128xf32, #tpu.memory_space<vmem>>) dst(%dma_wait3A_90 : memref<10240x128xf32, #tpu.memory_space<vmem_shared>>)
    %dma_wait3A_91 = arith.constant 0 : i32
    %dma_wait3A_92 = arith.constant 0 : i32
    %dma_wait3A_93 = tpu.memref_slice %arg7[%dma_wait3A_91, %dma_wait3A_92] : memref<41x128xi32, #tpu.memory_space<vmem>> -> memref<1x128xi32, #tpu.memory_space<vmem>>
    %dma_wait3A_94 = tpu.memref_squeeze %dma_wait3A_93 : memref<1x128xi32, #tpu.memory_space<vmem>> -> memref<128xi32, #tpu.memory_space<vmem>>
    %dma_wait3A_95 = arith.constant 0 : i32
    %dma_wait3A_96 = arith.constant 0 : i32
    %dma_wait3A_97 = tpu.memref_slice %arg10[%dma_wait3A_95, %dma_wait3A_96] : memref<10240x128xf32, #tpu.memory_space<vmem_shared>> -> memref<10240x128xf32, #tpu.memory_space<vmem_shared>>
    tpu.wait_indirect_dma semaphore(%arg13 : memref<!tpu.dma_semaphore, #tpu.memory_space<semaphore_mem>>) src(%arg8 : memref<128x128xf32, #tpu.memory_space<vmem>>) dst(%dma_wait3A_97 : memref<10240x128xf32, #tpu.memory_space<vmem_shared>>)
    %run_scoped3A_98 = arith.constant 1 : i32
    "tpu.region"() ({
      %run_scoped3A_194 = tpu.sem_alloc : memref<!tpu.dma_semaphore, #tpu.memory_space<semaphore_mem>>
      %dma_start3A_195 = arith.constant 0 : i32
      %dma_start3A_196 = arith.constant 0 : i32
      %dma_start3A_197 = tpu.memref_slice %arg3[%add3A, %run_scoped3A_98, %dma_start3A_195, %dma_start3A_196] : memref<32x2x41x128xi32, #tpu.memory_space<hbm>> -> memref<1x1x41x128xi32, #tpu.memory_space<hbm>>
      %dma_start3A_198 = tpu.memref_squeeze %dma_start3A_197 : memref<1x1x41x128xi32, #tpu.memory_space<hbm>> -> memref<41x128xi32, #tpu.memory_space<hbm>>
      %dma_start3A_199 = arith.constant 0 : i32
      %dma_start3A_200 = arith.constant 0 : i32
      %dma_start3A_201 = tpu.memref_slice %arg3[%add3A, %run_scoped3A_98, %dma_start3A_199, %dma_start3A_200] : memref<32x2x41x128xi32, #tpu.memory_space<hbm>> -> memref<1x1x41x128xi32, #tpu.memory_space<hbm>>
      %dma_start3A_202 = tpu.memref_squeeze %dma_start3A_201 : memref<1x1x41x128xi32, #tpu.memory_space<hbm>> -> memref<41x128xi32, #tpu.memory_space<hbm>>
      tpu.enqueue_dma source(%dma_start3A_202 : memref<41x128xi32, #tpu.memory_space<hbm>>) target(%arg6 : memref<41x128xi32, #tpu.memory_space<vmem>>) target_semaphore(%run_scoped3A_194 : memref<!tpu.dma_semaphore, #tpu.memory_space<semaphore_mem>>)
      %dma_wait3A_203 = arith.constant 0 : i32
      %dma_wait3A_204 = arith.constant 0 : i32
      %dma_wait3A_205 = tpu.memref_slice %arg3[%add3A, %run_scoped3A_98, %dma_wait3A_203, %dma_wait3A_204] : memref<32x2x41x128xi32, #tpu.memory_space<hbm>> -> memref<1x1x41x128xi32, #tpu.memory_space<hbm>>
      %dma_wait3A_206 = tpu.memref_squeeze %dma_wait3A_205 : memref<1x1x41x128xi32, #tpu.memory_space<hbm>> -> memref<41x128xi32, #tpu.memory_space<hbm>>
      %dma_wait3A_207 = arith.constant 0 : i32
      %dma_wait3A_208 = arith.constant 0 : i32
      %dma_wait3A_209 = tpu.memref_slice %arg3[%add3A, %run_scoped3A_98, %dma_wait3A_207, %dma_wait3A_208] : memref<32x2x41x128xi32, #tpu.memory_space<hbm>> -> memref<1x1x41x128xi32, #tpu.memory_space<hbm>>
      %dma_wait3A_210 = tpu.memref_squeeze %dma_wait3A_209 : memref<1x1x41x128xi32, #tpu.memory_space<hbm>> -> memref<41x128xi32, #tpu.memory_space<hbm>>
      tpu.wait_dma2 semaphore(%run_scoped3A_194 : memref<!tpu.dma_semaphore, #tpu.memory_space<semaphore_mem>>) src(%dma_wait3A_210 : memref<41x128xi32, #tpu.memory_space<hbm>>) dst(%arg6 : memref<41x128xi32, #tpu.memory_space<vmem>>)
      tpu.yield
    }) : () -> ()
    %run_scoped3A_99 = arith.constant 1 : i32
    "tpu.region"() ({
      %run_scoped3A_194 = tpu.sem_alloc : memref<!tpu.dma_semaphore, #tpu.memory_space<semaphore_mem>>
      %dma_start3A_195 = arith.constant 0 : i32
      %dma_start3A_196 = arith.constant 0 : i32
      %dma_start3A_197 = tpu.memref_slice %arg4[%add3A, %run_scoped3A_99, %dma_start3A_195, %dma_start3A_196] : memref<32x2x41x128xi32, #tpu.memory_space<hbm>> -> memref<1x1x41x128xi32, #tpu.memory_space<hbm>>
      %dma_start3A_198 = tpu.memref_squeeze %dma_start3A_197 : memref<1x1x41x128xi32, #tpu.memory_space<hbm>> -> memref<41x128xi32, #tpu.memory_space<hbm>>
      %dma_start3A_199 = arith.constant 0 : i32
      %dma_start3A_200 = arith.constant 0 : i32
      %dma_start3A_201 = tpu.memref_slice %arg4[%add3A, %run_scoped3A_99, %dma_start3A_199, %dma_start3A_200] : memref<32x2x41x128xi32, #tpu.memory_space<hbm>> -> memref<1x1x41x128xi32, #tpu.memory_space<hbm>>
      %dma_start3A_202 = tpu.memref_squeeze %dma_start3A_201 : memref<1x1x41x128xi32, #tpu.memory_space<hbm>> -> memref<41x128xi32, #tpu.memory_space<hbm>>
      tpu.enqueue_dma source(%dma_start3A_202 : memref<41x128xi32, #tpu.memory_space<hbm>>) target(%arg7 : memref<41x128xi32, #tpu.memory_space<vmem>>) target_semaphore(%run_scoped3A_194 : memref<!tpu.dma_semaphore, #tpu.memory_space<semaphore_mem>>)
      %dma_wait3A_203 = arith.constant 0 : i32
      %dma_wait3A_204 = arith.constant 0 : i32
      %dma_wait3A_205 = tpu.memref_slice %arg4[%add3A, %run_scoped3A_99, %dma_wait3A_203, %dma_wait3A_204] : memref<32x2x41x128xi32, #tpu.memory_space<hbm>> -> memref<1x1x41x128xi32, #tpu.memory_space<hbm>>
      %dma_wait3A_206 = tpu.memref_squeeze %dma_wait3A_205 : memref<1x1x41x128xi32, #tpu.memory_space<hbm>> -> memref<41x128xi32, #tpu.memory_space<hbm>>
      %dma_wait3A_207 = arith.constant 0 : i32
      %dma_wait3A_208 = arith.constant 0 : i32
      %dma_wait3A_209 = tpu.memref_slice %arg4[%add3A, %run_scoped3A_99, %dma_wait3A_207, %dma_wait3A_208] : memref<32x2x41x128xi32, #tpu.memory_space<hbm>> -> memref<1x1x41x128xi32, #tpu.memory_space<hbm>>
      %dma_wait3A_210 = tpu.memref_squeeze %dma_wait3A_209 : memref<1x1x41x128xi32, #tpu.memory_space<hbm>> -> memref<41x128xi32, #tpu.memory_space<hbm>>
      tpu.wait_dma2 semaphore(%run_scoped3A_194 : memref<!tpu.dma_semaphore, #tpu.memory_space<semaphore_mem>>) src(%dma_wait3A_210 : memref<41x128xi32, #tpu.memory_space<hbm>>) dst(%arg7 : memref<41x128xi32, #tpu.memory_space<vmem>>)
      tpu.yield
    }) : () -> ()
    %dma_start3A_100 = arith.constant 0 : i32
    %dma_start3A_101 = arith.constant 0 : i32
    %dma_start3A_102 = tpu.memref_slice %arg6[%dma_start3A_100, %dma_start3A_101] : memref<41x128xi32, #tpu.memory_space<vmem>> -> memref<1x128xi32, #tpu.memory_space<vmem>>
    %dma_start3A_103 = tpu.memref_squeeze %dma_start3A_102 : memref<1x128xi32, #tpu.memory_space<vmem>> -> memref<128xi32, #tpu.memory_space<vmem>>
    %dma_start3A_104 = arith.constant 0 : i32
    %dma_start3A_105 = arith.constant 0 : i32
    %dma_start3A_106 = tpu.memref_slice %arg2[%dma_start3A_104, %dma_start3A_105] : memref<10000x128xf32, #tpu.memory_space<hbm>> -> memref<10000x128xf32, #tpu.memory_space<hbm>>
    tpu.enqueue_indirect_dma source(%dma_start3A_106 : memref<10000x128xf32, #tpu.memory_space<hbm>>) target(%arg8 : memref<128x128xf32, #tpu.memory_space<vmem>>) offsets(%dma_start3A_103 : memref<128xi32, #tpu.memory_space<vmem>>) semaphore(%arg11 : memref<!tpu.dma_semaphore, #tpu.memory_space<semaphore_mem>>)
    %dma_start3A_107 = arith.constant 1 : i32
    %dma_start3A_108 = arith.constant 0 : i32
    %dma_start3A_109 = tpu.memref_slice %arg6[%dma_start3A_107, %dma_start3A_108] : memref<41x128xi32, #tpu.memory_space<vmem>> -> memref<1x128xi32, #tpu.memory_space<vmem>>
    %dma_start3A_110 = tpu.memref_squeeze %dma_start3A_109 : memref<1x128xi32, #tpu.memory_space<vmem>> -> memref<128xi32, #tpu.memory_space<vmem>>
    %dma_start3A_111 = arith.constant 0 : i32
    %dma_start3A_112 = arith.constant 0 : i32
    %dma_start3A_113 = tpu.memref_slice %arg2[%dma_start3A_111, %dma_start3A_112] : memref<10000x128xf32, #tpu.memory_space<hbm>> -> memref<10000x128xf32, #tpu.memory_space<hbm>>
    tpu.enqueue_indirect_dma source(%dma_start3A_113 : memref<10000x128xf32, #tpu.memory_space<hbm>>) target(%arg9 : memref<128x128xf32, #tpu.memory_space<vmem>>) offsets(%dma_start3A_110 : memref<128xi32, #tpu.memory_space<vmem>>) semaphore(%arg12 : memref<!tpu.dma_semaphore, #tpu.memory_space<semaphore_mem>>)
    %dma_wait3A_114 = arith.constant 0 : i32
    %dma_wait3A_115 = arith.constant 0 : i32
    %dma_wait3A_116 = tpu.memref_slice %arg6[%dma_wait3A_114, %dma_wait3A_115] : memref<41x128xi32, #tpu.memory_space<vmem>> -> memref<1x128xi32, #tpu.memory_space<vmem>>
    %dma_wait3A_117 = tpu.memref_squeeze %dma_wait3A_116 : memref<1x128xi32, #tpu.memory_space<vmem>> -> memref<128xi32, #tpu.memory_space<vmem>>
    %dma_wait3A_118 = arith.constant 0 : i32
    %dma_wait3A_119 = arith.constant 0 : i32
    %dma_wait3A_120 = tpu.memref_slice %arg2[%dma_wait3A_118, %dma_wait3A_119] : memref<10000x128xf32, #tpu.memory_space<hbm>> -> memref<10000x128xf32, #tpu.memory_space<hbm>>
    tpu.wait_indirect_dma semaphore(%arg11 : memref<!tpu.dma_semaphore, #tpu.memory_space<semaphore_mem>>) src(%dma_wait3A_120 : memref<10000x128xf32, #tpu.memory_space<hbm>>) dst(%arg8 : memref<128x128xf32, #tpu.memory_space<vmem>>)
    %dma_start3A_121 = arith.constant 0 : i32
    %dma_start3A_122 = arith.constant 0 : i32
    %dma_start3A_123 = tpu.memref_slice %arg7[%dma_start3A_121, %dma_start3A_122] : memref<41x128xi32, #tpu.memory_space<vmem>> -> memref<1x128xi32, #tpu.memory_space<vmem>>
    %dma_start3A_124 = tpu.memref_squeeze %dma_start3A_123 : memref<1x128xi32, #tpu.memory_space<vmem>> -> memref<128xi32, #tpu.memory_space<vmem>>
    %dma_start3A_125 = arith.constant 0 : i32
    %dma_start3A_126 = arith.constant 0 : i32
    %dma_start3A_127 = tpu.memref_slice %arg10[%dma_start3A_125, %dma_start3A_126] : memref<10240x128xf32, #tpu.memory_space<vmem_shared>> -> memref<10240x128xf32, #tpu.memory_space<vmem_shared>>
    tpu.enqueue_indirect_dma source(%arg8 : memref<128x128xf32, #tpu.memory_space<vmem>>) target(%dma_start3A_127 : memref<10240x128xf32, #tpu.memory_space<vmem_shared>>) offsets(%dma_start3A_124 : memref<128xi32, #tpu.memory_space<vmem>>) semaphore(%arg13 : memref<!tpu.dma_semaphore, #tpu.memory_space<semaphore_mem>>) {add = true}
    %scan3A_128 = arith.constant 0 : i32
    %scan3A_129 = arith.constant 19 : i32
    %scan3A_130 = arith.addi %scan3A_128, %scan3A_129 : i32
    %scan3A_131 = arith.constant 1 : i32
    scf.for %scan3A_194 = %scan3A_128 to %scan3A_130 step %scan3A_131  : i32 {
      %mul3A_195 = arith.constant 1 : i32
      %mul3A_196 = arith.muli %scan3A_194, %mul3A_195 : i32
      %add3A_197 = arith.constant 0 : i32
      %add3A_198 = arith.addi %add3A_197, %mul3A_196 : i32
      %mul3A_199 = arith.constant 2 : i32
      %mul3A_200 = arith.muli %mul3A_199, %add3A_198 : i32
      %dma_wait3A_201 = arith.constant 0 : i32
      %dma_wait3A_202 = arith.constant 0 : i32
      %dma_wait3A_203 = tpu.memref_slice %arg6[%dma_wait3A_201, %dma_wait3A_202] : memref<41x128xi32, #tpu.memory_space<vmem>> -> memref<1x128xi32, #tpu.memory_space<vmem>>
      %dma_wait3A_204 = tpu.memref_squeeze %dma_wait3A_203 : memref<1x128xi32, #tpu.memory_space<vmem>> -> memref<128xi32, #tpu.memory_space<vmem>>
      %dma_wait3A_205 = arith.constant 0 : i32
      %dma_wait3A_206 = arith.constant 0 : i32
      %dma_wait3A_207 = tpu.memref_slice %arg2[%dma_wait3A_205, %dma_wait3A_206] : memref<10000x128xf32, #tpu.memory_space<hbm>> -> memref<10000x128xf32, #tpu.memory_space<hbm>>
      tpu.wait_indirect_dma semaphore(%arg12 : memref<!tpu.dma_semaphore, #tpu.memory_space<semaphore_mem>>) src(%dma_wait3A_207 : memref<10000x128xf32, #tpu.memory_space<hbm>>) dst(%arg9 : memref<128x128xf32, #tpu.memory_space<vmem>>)
      %add3A_208 = arith.constant 1 : i32
      %add3A_209 = arith.addi %mul3A_200, %add3A_208 : i32
      %dma_start3A_210 = arith.constant 0 : i32
      %dma_start3A_211 = tpu.memref_slice %arg7[%add3A_209, %dma_start3A_210] : memref<41x128xi32, #tpu.memory_space<vmem>> -> memref<1x128xi32, #tpu.memory_space<vmem>>
      %dma_start3A_212 = tpu.memref_squeeze %dma_start3A_211 : memref<1x128xi32, #tpu.memory_space<vmem>> -> memref<128xi32, #tpu.memory_space<vmem>>
      %dma_start3A_213 = arith.constant 0 : i32
      %dma_start3A_214 = arith.constant 0 : i32
      %dma_start3A_215 = tpu.memref_slice %arg10[%dma_start3A_213, %dma_start3A_214] : memref<10240x128xf32, #tpu.memory_space<vmem_shared>> -> memref<10240x128xf32, #tpu.memory_space<vmem_shared>>
      tpu.enqueue_indirect_dma source(%arg9 : memref<128x128xf32, #tpu.memory_space<vmem>>) target(%dma_start3A_215 : memref<10240x128xf32, #tpu.memory_space<vmem_shared>>) offsets(%dma_start3A_212 : memref<128xi32, #tpu.memory_space<vmem>>) semaphore(%arg14 : memref<!tpu.dma_semaphore, #tpu.memory_space<semaphore_mem>>) {add = true}
      %dma_wait3A_216 = arith.constant 0 : i32
      %dma_wait3A_217 = arith.constant 0 : i32
      %dma_wait3A_218 = tpu.memref_slice %arg7[%dma_wait3A_216, %dma_wait3A_217] : memref<41x128xi32, #tpu.memory_space<vmem>> -> memref<1x128xi32, #tpu.memory_space<vmem>>
      %dma_wait3A_219 = tpu.memref_squeeze %dma_wait3A_218 : memref<1x128xi32, #tpu.memory_space<vmem>> -> memref<128xi32, #tpu.memory_space<vmem>>
      %dma_wait3A_220 = arith.constant 0 : i32
      %dma_wait3A_221 = arith.constant 0 : i32
      %dma_wait3A_222 = tpu.memref_slice %arg10[%dma_wait3A_220, %dma_wait3A_221] : memref<10240x128xf32, #tpu.memory_space<vmem_shared>> -> memref<10240x128xf32, #tpu.memory_space<vmem_shared>>
      tpu.wait_indirect_dma semaphore(%arg13 : memref<!tpu.dma_semaphore, #tpu.memory_space<semaphore_mem>>) src(%arg8 : memref<128x128xf32, #tpu.memory_space<vmem>>) dst(%dma_wait3A_222 : memref<10240x128xf32, #tpu.memory_space<vmem_shared>>)
      %add3A_223 = arith.constant 2 : i32
      %add3A_224 = arith.addi %mul3A_200, %add3A_223 : i32
      %dma_start3A_225 = arith.constant 0 : i32
      %dma_start3A_226 = tpu.memref_slice %arg6[%add3A_224, %dma_start3A_225] : memref<41x128xi32, #tpu.memory_space<vmem>> -> memref<1x128xi32, #tpu.memory_space<vmem>>
      %dma_start3A_227 = tpu.memref_squeeze %dma_start3A_226 : memref<1x128xi32, #tpu.memory_space<vmem>> -> memref<128xi32, #tpu.memory_space<vmem>>
      %dma_start3A_228 = arith.constant 0 : i32
      %dma_start3A_229 = arith.constant 0 : i32
      %dma_start3A_230 = tpu.memref_slice %arg2[%dma_start3A_228, %dma_start3A_229] : memref<10000x128xf32, #tpu.memory_space<hbm>> -> memref<10000x128xf32, #tpu.memory_space<hbm>>
      tpu.enqueue_indirect_dma source(%dma_start3A_230 : memref<10000x128xf32, #tpu.memory_space<hbm>>) target(%arg8 : memref<128x128xf32, #tpu.memory_space<vmem>>) offsets(%dma_start3A_227 : memref<128xi32, #tpu.memory_space<vmem>>) semaphore(%arg11 : memref<!tpu.dma_semaphore, #tpu.memory_space<semaphore_mem>>)
      %dma_wait3A_231 = arith.constant 0 : i32
      %dma_wait3A_232 = arith.constant 0 : i32
      %dma_wait3A_233 = tpu.memref_slice %arg6[%dma_wait3A_231, %dma_wait3A_232] : memref<41x128xi32, #tpu.memory_space<vmem>> -> memref<1x128xi32, #tpu.memory_space<vmem>>
      %dma_wait3A_234 = tpu.memref_squeeze %dma_wait3A_233 : memref<1x128xi32, #tpu.memory_space<vmem>> -> memref<128xi32, #tpu.memory_space<vmem>>
      %dma_wait3A_235 = arith.constant 0 : i32
      %dma_wait3A_236 = arith.constant 0 : i32
      %dma_wait3A_237 = tpu.memref_slice %arg2[%dma_wait3A_235, %dma_wait3A_236] : memref<10000x128xf32, #tpu.memory_space<hbm>> -> memref<10000x128xf32, #tpu.memory_space<hbm>>
      tpu.wait_indirect_dma semaphore(%arg11 : memref<!tpu.dma_semaphore, #tpu.memory_space<semaphore_mem>>) src(%dma_wait3A_237 : memref<10000x128xf32, #tpu.memory_space<hbm>>) dst(%arg8 : memref<128x128xf32, #tpu.memory_space<vmem>>)
      %add3A_238 = arith.constant 2 : i32
      %add3A_239 = arith.addi %mul3A_200, %add3A_238 : i32
      %dma_start3A_240 = arith.constant 0 : i32
      %dma_start3A_241 = tpu.memref_slice %arg7[%add3A_239, %dma_start3A_240] : memref<41x128xi32, #tpu.memory_space<vmem>> -> memref<1x128xi32, #tpu.memory_space<vmem>>
      %dma_start3A_242 = tpu.memref_squeeze %dma_start3A_241 : memref<1x128xi32, #tpu.memory_space<vmem>> -> memref<128xi32, #tpu.memory_space<vmem>>
      %dma_start3A_243 = arith.constant 0 : i32
      %dma_start3A_244 = arith.constant 0 : i32
      %dma_start3A_245 = tpu.memref_slice %arg10[%dma_start3A_243, %dma_start3A_244] : memref<10240x128xf32, #tpu.memory_space<vmem_shared>> -> memref<10240x128xf32, #tpu.memory_space<vmem_shared>>
      tpu.enqueue_indirect_dma source(%arg8 : memref<128x128xf32, #tpu.memory_space<vmem>>) target(%dma_start3A_245 : memref<10240x128xf32, #tpu.memory_space<vmem_shared>>) offsets(%dma_start3A_242 : memref<128xi32, #tpu.memory_space<vmem>>) semaphore(%arg13 : memref<!tpu.dma_semaphore, #tpu.memory_space<semaphore_mem>>) {add = true}
      %dma_wait3A_246 = arith.constant 0 : i32
      %dma_wait3A_247 = arith.constant 0 : i32
      %dma_wait3A_248 = tpu.memref_slice %arg7[%dma_wait3A_246, %dma_wait3A_247] : memref<41x128xi32, #tpu.memory_space<vmem>> -> memref<1x128xi32, #tpu.memory_space<vmem>>
      %dma_wait3A_249 = tpu.memref_squeeze %dma_wait3A_248 : memref<1x128xi32, #tpu.memory_space<vmem>> -> memref<128xi32, #tpu.memory_space<vmem>>
      %dma_wait3A_250 = arith.constant 0 : i32
      %dma_wait3A_251 = arith.constant 0 : i32
      %dma_wait3A_252 = tpu.memref_slice %arg10[%dma_wait3A_250, %dma_wait3A_251] : memref<10240x128xf32, #tpu.memory_space<vmem_shared>> -> memref<10240x128xf32, #tpu.memory_space<vmem_shared>>
      tpu.wait_indirect_dma semaphore(%arg14 : memref<!tpu.dma_semaphore, #tpu.memory_space<semaphore_mem>>) src(%arg9 : memref<128x128xf32, #tpu.memory_space<vmem>>) dst(%dma_wait3A_252 : memref<10240x128xf32, #tpu.memory_space<vmem_shared>>)
      %add3A_253 = arith.constant 3 : i32
      %add3A_254 = arith.addi %mul3A_200, %add3A_253 : i32
      %dma_start3A_255 = arith.constant 0 : i32
      %dma_start3A_256 = tpu.memref_slice %arg6[%add3A_254, %dma_start3A_255] : memref<41x128xi32, #tpu.memory_space<vmem>> -> memref<1x128xi32, #tpu.memory_space<vmem>>
      %dma_start3A_257 = tpu.memref_squeeze %dma_start3A_256 : memref<1x128xi32, #tpu.memory_space<vmem>> -> memref<128xi32, #tpu.memory_space<vmem>>
      %dma_start3A_258 = arith.constant 0 : i32
      %dma_start3A_259 = arith.constant 0 : i32
      %dma_start3A_260 = tpu.memref_slice %arg2[%dma_start3A_258, %dma_start3A_259] : memref<10000x128xf32, #tpu.memory_space<hbm>> -> memref<10000x128xf32, #tpu.memory_space<hbm>>
      tpu.enqueue_indirect_dma source(%dma_start3A_260 : memref<10000x128xf32, #tpu.memory_space<hbm>>) target(%arg9 : memref<128x128xf32, #tpu.memory_space<vmem>>) offsets(%dma_start3A_257 : memref<128xi32, #tpu.memory_space<vmem>>) semaphore(%arg12 : memref<!tpu.dma_semaphore, #tpu.memory_space<semaphore_mem>>)
    }
    %scan3A_132 = arith.constant 19 : i32
    %dma_wait3A_133 = arith.constant 0 : i32
    %dma_wait3A_134 = arith.constant 0 : i32
    %dma_wait3A_135 = tpu.memref_slice %arg6[%dma_wait3A_133, %dma_wait3A_134] : memref<41x128xi32, #tpu.memory_space<vmem>> -> memref<1x128xi32, #tpu.memory_space<vmem>>
    %dma_wait3A_136 = tpu.memref_squeeze %dma_wait3A_135 : memref<1x128xi32, #tpu.memory_space<vmem>> -> memref<128xi32, #tpu.memory_space<vmem>>
    %dma_wait3A_137 = arith.constant 0 : i32
    %dma_wait3A_138 = arith.constant 0 : i32
    %dma_wait3A_139 = tpu.memref_slice %arg2[%dma_wait3A_137, %dma_wait3A_138] : memref<10000x128xf32, #tpu.memory_space<hbm>> -> memref<10000x128xf32, #tpu.memory_space<hbm>>
    tpu.wait_indirect_dma semaphore(%arg12 : memref<!tpu.dma_semaphore, #tpu.memory_space<semaphore_mem>>) src(%dma_wait3A_139 : memref<10000x128xf32, #tpu.memory_space<hbm>>) dst(%arg9 : memref<128x128xf32, #tpu.memory_space<vmem>>)
    %dma_start3A_140 = arith.constant 39 : i32
    %dma_start3A_141 = arith.constant 0 : i32
    %dma_start3A_142 = tpu.memref_slice %arg7[%dma_start3A_140, %dma_start3A_141] : memref<41x128xi32, #tpu.memory_space<vmem>> -> memref<1x128xi32, #tpu.memory_space<vmem>>
    %dma_start3A_143 = tpu.memref_squeeze %dma_start3A_142 : memref<1x128xi32, #tpu.memory_space<vmem>> -> memref<128xi32, #tpu.memory_space<vmem>>
    %dma_start3A_144 = arith.constant 0 : i32
    %dma_start3A_145 = arith.constant 0 : i32
    %dma_start3A_146 = tpu.memref_slice %arg10[%dma_start3A_144, %dma_start3A_145] : memref<10240x128xf32, #tpu.memory_space<vmem_shared>> -> memref<10240x128xf32, #tpu.memory_space<vmem_shared>>
    tpu.enqueue_indirect_dma source(%arg9 : memref<128x128xf32, #tpu.memory_space<vmem>>) target(%dma_start3A_146 : memref<10240x128xf32, #tpu.memory_space<vmem_shared>>) offsets(%dma_start3A_143 : memref<128xi32, #tpu.memory_space<vmem>>) semaphore(%arg14 : memref<!tpu.dma_semaphore, #tpu.memory_space<semaphore_mem>>) {add = true}
    %dma_wait3A_147 = arith.constant 0 : i32
    %dma_wait3A_148 = arith.constant 0 : i32
    %dma_wait3A_149 = tpu.memref_slice %arg7[%dma_wait3A_147, %dma_wait3A_148] : memref<41x128xi32, #tpu.memory_space<vmem>> -> memref<1x128xi32, #tpu.memory_space<vmem>>
    %dma_wait3A_150 = tpu.memref_squeeze %dma_wait3A_149 : memref<1x128xi32, #tpu.memory_space<vmem>> -> memref<128xi32, #tpu.memory_space<vmem>>
    %dma_wait3A_151 = arith.constant 0 : i32
    %dma_wait3A_152 = arith.constant 0 : i32
    %dma_wait3A_153 = tpu.memref_slice %arg10[%dma_wait3A_151, %dma_wait3A_152] : memref<10240x128xf32, #tpu.memory_space<vmem_shared>> -> memref<10240x128xf32, #tpu.memory_space<vmem_shared>>
    tpu.wait_indirect_dma semaphore(%arg13 : memref<!tpu.dma_semaphore, #tpu.memory_space<semaphore_mem>>) src(%arg8 : memref<128x128xf32, #tpu.memory_space<vmem>>) dst(%dma_wait3A_153 : memref<10240x128xf32, #tpu.memory_space<vmem_shared>>)
    %dma_start3A_154 = arith.constant 40 : i32
    %dma_start3A_155 = arith.constant 0 : i32
    %dma_start3A_156 = tpu.memref_slice %arg6[%dma_start3A_154, %dma_start3A_155] : memref<41x128xi32, #tpu.memory_space<vmem>> -> memref<1x128xi32, #tpu.memory_space<vmem>>
    %dma_start3A_157 = tpu.memref_squeeze %dma_start3A_156 : memref<1x128xi32, #tpu.memory_space<vmem>> -> memref<128xi32, #tpu.memory_space<vmem>>
    %dma_start3A_158 = arith.constant 0 : i32
    %dma_start3A_159 = arith.constant 0 : i32
    %dma_start3A_160 = tpu.memref_slice %arg2[%dma_start3A_158, %dma_start3A_159] : memref<10000x128xf32, #tpu.memory_space<hbm>> -> memref<10000x128xf32, #tpu.memory_space<hbm>>
    tpu.enqueue_indirect_dma source(%dma_start3A_160 : memref<10000x128xf32, #tpu.memory_space<hbm>>) target(%arg8 : memref<128x128xf32, #tpu.memory_space<vmem>>) offsets(%dma_start3A_157 : memref<128xi32, #tpu.memory_space<vmem>>) semaphore(%arg11 : memref<!tpu.dma_semaphore, #tpu.memory_space<semaphore_mem>>)
    %dma_wait3A_161 = arith.constant 0 : i32
    %dma_wait3A_162 = arith.constant 0 : i32
    %dma_wait3A_163 = tpu.memref_slice %arg6[%dma_wait3A_161, %dma_wait3A_162] : memref<41x128xi32, #tpu.memory_space<vmem>> -> memref<1x128xi32, #tpu.memory_space<vmem>>
    %dma_wait3A_164 = tpu.memref_squeeze %dma_wait3A_163 : memref<1x128xi32, #tpu.memory_space<vmem>> -> memref<128xi32, #tpu.memory_space<vmem>>
    %dma_wait3A_165 = arith.constant 0 : i32
    %dma_wait3A_166 = arith.constant 0 : i32
    %dma_wait3A_167 = tpu.memref_slice %arg2[%dma_wait3A_165, %dma_wait3A_166] : memref<10000x128xf32, #tpu.memory_space<hbm>> -> memref<10000x128xf32, #tpu.memory_space<hbm>>
    tpu.wait_indirect_dma semaphore(%arg11 : memref<!tpu.dma_semaphore, #tpu.memory_space<semaphore_mem>>) src(%dma_wait3A_167 : memref<10000x128xf32, #tpu.memory_space<hbm>>) dst(%arg8 : memref<128x128xf32, #tpu.memory_space<vmem>>)
    %dma_start3A_168 = arith.constant 40 : i32
    %dma_start3A_169 = arith.constant 0 : i32
    %dma_start3A_170 = tpu.memref_slice %arg7[%dma_start3A_168, %dma_start3A_169] : memref<41x128xi32, #tpu.memory_space<vmem>> -> memref<1x128xi32, #tpu.memory_space<vmem>>
    %dma_start3A_171 = tpu.memref_squeeze %dma_start3A_170 : memref<1x128xi32, #tpu.memory_space<vmem>> -> memref<128xi32, #tpu.memory_space<vmem>>
    %dma_start3A_172 = arith.constant 0 : i32
    %dma_start3A_173 = arith.constant 0 : i32
    %dma_start3A_174 = tpu.memref_slice %arg10[%dma_start3A_172, %dma_start3A_173] : memref<10240x128xf32, #tpu.memory_space<vmem_shared>> -> memref<10240x128xf32, #tpu.memory_space<vmem_shared>>
    tpu.enqueue_indirect_dma source(%arg8 : memref<128x128xf32, #tpu.memory_space<vmem>>) target(%dma_start3A_174 : memref<10240x128xf32, #tpu.memory_space<vmem_shared>>) offsets(%dma_start3A_171 : memref<128xi32, #tpu.memory_space<vmem>>) semaphore(%arg13 : memref<!tpu.dma_semaphore, #tpu.memory_space<semaphore_mem>>) {add = true}
    %dma_wait3A_175 = arith.constant 0 : i32
    %dma_wait3A_176 = arith.constant 0 : i32
    %dma_wait3A_177 = tpu.memref_slice %arg7[%dma_wait3A_175, %dma_wait3A_176] : memref<41x128xi32, #tpu.memory_space<vmem>> -> memref<1x128xi32, #tpu.memory_space<vmem>>
    %dma_wait3A_178 = tpu.memref_squeeze %dma_wait3A_177 : memref<1x128xi32, #tpu.memory_space<vmem>> -> memref<128xi32, #tpu.memory_space<vmem>>
    %dma_wait3A_179 = arith.constant 0 : i32
    %dma_wait3A_180 = arith.constant 0 : i32
    %dma_wait3A_181 = tpu.memref_slice %arg10[%dma_wait3A_179, %dma_wait3A_180] : memref<10240x128xf32, #tpu.memory_space<vmem_shared>> -> memref<10240x128xf32, #tpu.memory_space<vmem_shared>>
    tpu.wait_indirect_dma semaphore(%arg14 : memref<!tpu.dma_semaphore, #tpu.memory_space<semaphore_mem>>) src(%arg9 : memref<128x128xf32, #tpu.memory_space<vmem>>) dst(%dma_wait3A_181 : memref<10240x128xf32, #tpu.memory_space<vmem_shared>>)
    %dma_wait3A_182 = arith.constant 0 : i32
    %dma_wait3A_183 = arith.constant 0 : i32
    %dma_wait3A_184 = tpu.memref_slice %arg7[%dma_wait3A_182, %dma_wait3A_183] : memref<41x128xi32, #tpu.memory_space<vmem>> -> memref<1x128xi32, #tpu.memory_space<vmem>>
    %dma_wait3A_185 = tpu.memref_squeeze %dma_wait3A_184 : memref<1x128xi32, #tpu.memory_space<vmem>> -> memref<128xi32, #tpu.memory_space<vmem>>
    %dma_wait3A_186 = arith.constant 0 : i32
    %dma_wait3A_187 = arith.constant 0 : i32
    %dma_wait3A_188 = tpu.memref_slice %arg10[%dma_wait3A_186, %dma_wait3A_187] : memref<10240x128xf32, #tpu.memory_space<vmem_shared>> -> memref<10240x128xf32, #tpu.memory_space<vmem_shared>>
    tpu.wait_indirect_dma semaphore(%arg13 : memref<!tpu.dma_semaphore, #tpu.memory_space<semaphore_mem>>) src(%arg8 : memref<128x128xf32, #tpu.memory_space<vmem>>) dst(%dma_wait3A_188 : memref<10240x128xf32, #tpu.memory_space<vmem_shared>>)
    %barrier3A_189 = arith.constant 0 : index
    tpu.barrier barrier_id(%barrier3A_189)
    %mul3A_190 = arith.constant 640 : i32
    %mul3A_191 = arith.muli %arg1, %mul3A_190 : i32
    %mul3A_192 = arith.constant 640 : i32
    %mul3A_193 = arith.muli %arg1, %mul3A_192 : i32
    "tpu.region"() ({
      %run_scoped3A_194 = tpu.sem_alloc : memref<!tpu.dma_semaphore, #tpu.memory_space<semaphore_mem>>
      %dma_start3A_195 = arith.constant 0 : i32
      %dma_start3A_196 = tpu.memref_slice %arg5[%arg0, %mul3A_193, %dma_start3A_195] : memref<2x10240x128xf32, #tpu.memory_space<hbm>> -> memref<1x640x128xf32, #tpu.memory_space<hbm>>
      %dma_start3A_197 = tpu.memref_squeeze %dma_start3A_196 : memref<1x640x128xf32, #tpu.memory_space<hbm>> -> memref<640x128xf32, #tpu.memory_space<hbm>>
      %dma_start3A_198 = arith.constant 0 : i32
      %dma_start3A_199 = tpu.memref_slice %arg10[%mul3A_191, %dma_start3A_198] : memref<10240x128xf32, #tpu.memory_space<vmem_shared>> -> memref<640x128xf32, #tpu.memory_space<vmem_shared>>
      tpu.enqueue_dma source(%dma_start3A_199 : memref<640x128xf32, #tpu.memory_space<vmem_shared>>) target(%dma_start3A_197 : memref<640x128xf32, #tpu.memory_space<hbm>>) target_semaphore(%run_scoped3A_194 : memref<!tpu.dma_semaphore, #tpu.memory_space<semaphore_mem>>)
      %dma_wait3A_200 = arith.constant 0 : i32
      %dma_wait3A_201 = tpu.memref_slice %arg5[%arg0, %mul3A_193, %dma_wait3A_200] : memref<2x10240x128xf32, #tpu.memory_space<hbm>> -> memref<1x640x128xf32, #tpu.memory_space<hbm>>
      %dma_wait3A_202 = tpu.memref_squeeze %dma_wait3A_201 : memref<1x640x128xf32, #tpu.memory_space<hbm>> -> memref<640x128xf32, #tpu.memory_space<hbm>>
      %dma_wait3A_203 = arith.constant 0 : i32
      %dma_wait3A_204 = tpu.memref_slice %arg10[%mul3A_191, %dma_wait3A_203] : memref<10240x128xf32, #tpu.memory_space<vmem_shared>> -> memref<640x128xf32, #tpu.memory_space<vmem_shared>>
      tpu.wait_dma2 semaphore(%run_scoped3A_194 : memref<!tpu.dma_semaphore, #tpu.memory_space<semaphore_mem>>) src(%dma_wait3A_204 : memref<640x128xf32, #tpu.memory_space<vmem_shared>>) dst(%dma_wait3A_202 : memref<640x128xf32, #tpu.memory_space<hbm>>)
      tpu.yield
    }) : () -> ()
    return
  }
}

module attributes {stable_mosaic.version = 14 : i64} {
  func.func @_tc_h_body(%arg0: i32, %arg1: memref<2000x128xf32, #tpu.memory_space<vmem>>, %arg2: memref<128x128xf32, #tpu.memory_space<vmem>>, %arg3: memref<1x128xf32, #tpu.memory_space<vmem>>, %arg4: memref<128x64xf32, #tpu.memory_space<vmem>>, %arg5: memref<1x64xf32, #tpu.memory_space<vmem>>, %arg6: memref<2000x128xf32, #tpu.memory_space<vmem>>, %arg7: memref<2000x64xf32, #tpu.memory_space<vmem>>) attributes {dimension_semantics = [#tpu.dimension_semantics<arbitrary>], iteration_bounds = array<i64: 5>, scalar_prefetch = 0 : i64, scratch_operands = 0 : i64, tpu.core_type = #tpu.core_type<tc>, window_params = [{transform_indices = @transform_0, window_bounds = array<i64: 2000, 128>}, {pipeline_mode = #tpu.pipeline_mode<synchronous>, transform_indices = @transform_1, window_bounds = array<i64: 128, 128>}, {pipeline_mode = #tpu.pipeline_mode<synchronous>, transform_indices = @transform_2, window_bounds = array<i64: 1, 128>}, {pipeline_mode = #tpu.pipeline_mode<synchronous>, transform_indices = @transform_3, window_bounds = array<i64: 128, 64>}, {pipeline_mode = #tpu.pipeline_mode<synchronous>, transform_indices = @transform_4, window_bounds = array<i64: 1, 64>}, {transform_indices = @transform_5, window_bounds = array<i64: 2000, 128>}, {transform_indices = @transform_6, window_bounds = array<i64: 2000, 64>}]} {
    %get3A = arith.constant 0 : index
    %get3A_0 = arith.constant 0 : index
    %get3A_1 = vector.load %arg1[%get3A, %get3A_0] : memref<2000x128xf32, #tpu.memory_space<vmem>>, vector<2000x128xf32>
    %get3A_2 = arith.constant 0 : index
    %get3A_3 = arith.constant 0 : index
    %get3A_4 = vector.load %arg2[%get3A_2, %get3A_3] : memref<128x128xf32, #tpu.memory_space<vmem>>, vector<128x128xf32>
    %dot_general3A = arith.constant dense<0.000000e+00> : vector<2000x128xf32>
    %dot_general3A_5 = tpu.matmul %get3A_1, %get3A_4, %dot_general3A {dimension_numbers = #tpu.dot_dimension_numbers<[1], [0], [0], [1], [0, 0, 1, 1], [], []>, transpose_lhs_hint = false} : vector<2000x128xf32>, vector<128x128xf32>, vector<2000x128xf32> -> vector<2000x128xf32>
    %get3A_6 = arith.constant 0 : index
    %get3A_7 = arith.constant 0 : index
    %get3A_8 = vector.load %arg3[%get3A_6, %get3A_7] : memref<1x128xf32, #tpu.memory_space<vmem>>, vector<1x128xf32>
    %add3A = vector.broadcast %get3A_8 : vector<1x128xf32> to vector<2000x128xf32>
    %add3A_9 = arith.addf %dot_general3A_5, %add3A : vector<2000x128xf32>
    %max3A = arith.constant 0.000000e+00 : f32
    %max3A_10 = vector.broadcast %max3A : f32 to vector<2000x128xf32>
    %max3A_11 = arith.maximumf %add3A_9, %max3A_10 : vector<2000x128xf32>
    %swap3A = arith.constant 0 : index
    %swap3A_12 = arith.constant 0 : index
    %swap3A_13 = vector.load %arg6[%swap3A, %swap3A_12] : memref<2000x128xf32, #tpu.memory_space<vmem>>, vector<2000x128xf32>
    tpu.vector_store %arg6[%swap3A, %swap3A_12], %max3A_11 {strides = array<i32>} : memref<2000x128xf32, #tpu.memory_space<vmem>>, vector<2000x128xf32>,
    %get3A_14 = arith.constant 0 : index
    %get3A_15 = arith.constant 0 : index
    %get3A_16 = vector.load %arg4[%get3A_14, %get3A_15] : memref<128x64xf32, #tpu.memory_space<vmem>>, vector<128x64xf32>
    %dot_general3A_17 = arith.constant dense<0.000000e+00> : vector<2000x64xf32>
    %dot_general3A_18 = tpu.matmul %max3A_11, %get3A_16, %dot_general3A_17 {dimension_numbers = #tpu.dot_dimension_numbers<[1], [0], [0], [1], [0, 0, 1, 1], [], []>, transpose_lhs_hint = false} : vector<2000x128xf32>, vector<128x64xf32>, vector<2000x64xf32> -> vector<2000x64xf32>
    %get3A_19 = arith.constant 0 : index
    %get3A_20 = arith.constant 0 : index
    %get3A_21 = vector.load %arg5[%get3A_19, %get3A_20] : memref<1x64xf32, #tpu.memory_space<vmem>>, vector<1x64xf32>
    %add3A_22 = vector.broadcast %get3A_21 : vector<1x64xf32> to vector<2000x64xf32>
    %add3A_23 = arith.addf %dot_general3A_18, %add3A_22 : vector<2000x64xf32>
    %swap3A_24 = arith.constant 0 : index
    %swap3A_25 = arith.constant 0 : index
    %swap3A_26 = vector.load %arg7[%swap3A_24, %swap3A_25] : memref<2000x64xf32, #tpu.memory_space<vmem>>, vector<2000x64xf32>
    tpu.vector_store %arg7[%swap3A_24, %swap3A_25], %add3A_23 {strides = array<i32>} : memref<2000x64xf32, #tpu.memory_space<vmem>>, vector<2000x64xf32>,
    return
  }
  func.func @transform_0(%arg0: i32) -> (i32, i32) {
    %c0_i32 = arith.constant 0 : i32
    %c0_i32_0 = arith.constant 0 : i32
    return %arg0, %c0_i32 : i32, i32
  }
  func.func @transform_1(%arg0: i32) -> (i32, i32) {
    %c0_i32 = arith.constant 0 : i32
    %c0_i32_0 = arith.constant 0 : i32
    %c0_i32_1 = arith.constant 0 : i32
    return %c0_i32, %c0_i32_0 : i32, i32
  }
  func.func @transform_2(%arg0: i32) -> (i32, i32) {
    %c0_i32 = arith.constant 0 : i32
    %c0_i32_0 = arith.constant 0 : i32
    %c0_i32_1 = arith.constant 0 : i32
    return %c0_i32, %c0_i32_0 : i32, i32
  }
  func.func @transform_3(%arg0: i32) -> (i32, i32) {
    %c0_i32 = arith.constant 0 : i32
    %c0_i32_0 = arith.constant 0 : i32
    %c0_i32_1 = arith.constant 0 : i32
    return %c0_i32, %c0_i32_0 : i32, i32
  }
  func.func @transform_4(%arg0: i32) -> (i32, i32) {
    %c0_i32 = arith.constant 0 : i32
    %c0_i32_0 = arith.constant 0 : i32
    %c0_i32_1 = arith.constant 0 : i32
    return %c0_i32, %c0_i32_0 : i32, i32
  }
  func.func @transform_5(%arg0: i32) -> (i32, i32) {
    %c0_i32 = arith.constant 0 : i32
    %c0_i32_0 = arith.constant 0 : i32
    return %arg0, %c0_i32 : i32, i32
  }
  func.func @transform_6(%arg0: i32) -> (i32, i32) {
    %c0_i32 = arith.constant 0 : i32
    %c0_i32_0 = arith.constant 0 : i32
    return %arg0, %c0_i32 : i32, i32
  }
}

module attributes {stable_mosaic.version = 14 : i64} {
  func.func @_tc_g_body(%arg0: i32, %arg1: memref<2x2000x128xf32, #tpu.memory_space<vmem>>, %arg2: memref<2000x128xf32, #tpu.memory_space<vmem>>, %arg3: memref<2000x128xf32, #tpu.memory_space<vmem>>, %arg4: memref<2000x128xf32, #tpu.memory_space<vmem>>) attributes {dimension_semantics = [#tpu.dimension_semantics<arbitrary>], iteration_bounds = array<i64: 5>, scalar_prefetch = 0 : i64, scratch_operands = 0 : i64, tpu.core_type = #tpu.core_type<tc>, window_params = [{transform_indices = @transform_0, window_bounds = array<i64: 2, 2000, 128>}, {transform_indices = @transform_1, window_bounds = array<i64: 2000, 128>}, {transform_indices = @transform_2, window_bounds = array<i64: 2000, 128>}, {transform_indices = @transform_3, window_bounds = array<i64: 2000, 128>}]} {
    %get3A = arith.constant 0 : index
    %get3A_0 = arith.constant 0 : index
    %get3A_1 = arith.constant 0 : index
    %get3A_2 = vector.load %arg1[%get3A, %get3A_0, %get3A_1] : memref<2x2000x128xf32, #tpu.memory_space<vmem>>, vector<1x2000x128xf32>
    %get3A_3 = vector.shape_cast %get3A_2 : vector<1x2000x128xf32> to vector<2000x128xf32>
    %get3A_4 = arith.constant 1 : index
    %get3A_5 = arith.constant 0 : index
    %get3A_6 = arith.constant 0 : index
    %get3A_7 = vector.load %arg1[%get3A_4, %get3A_5, %get3A_6] : memref<2x2000x128xf32, #tpu.memory_space<vmem>>, vector<1x2000x128xf32>
    %get3A_8 = vector.shape_cast %get3A_7 : vector<1x2000x128xf32> to vector<2000x128xf32>
    %add3A = arith.addf %get3A_3, %get3A_8 : vector<2000x128xf32>
    %add3A_9 = arith.constant 1.000000e+00 : f32
    %add3A_10 = vector.broadcast %add3A_9 : f32 to vector<2000x128xf32>
    %add3A_11 = arith.addf %add3A, %add3A_10 : vector<2000x128xf32>
    %rsqrt3A = math.rsqrt %add3A_11 : vector<2000x128xf32>
    %get3A_12 = arith.constant 0 : index
    %get3A_13 = arith.constant 0 : index
    %get3A_14 = vector.load %arg2[%get3A_12, %get3A_13] : memref<2000x128xf32, #tpu.memory_space<vmem>>, vector<2000x128xf32>
    %mul3A = arith.mulf %get3A_14, %rsqrt3A : vector<2000x128xf32>
    %swap3A = arith.constant 0 : index
    %swap3A_15 = arith.constant 0 : index
    %swap3A_16 = vector.load %arg3[%swap3A, %swap3A_15] : memref<2000x128xf32, #tpu.memory_space<vmem>>, vector<2000x128xf32>
    tpu.vector_store %arg3[%swap3A, %swap3A_15], %mul3A {strides = array<i32>} : memref<2000x128xf32, #tpu.memory_space<vmem>>, vector<2000x128xf32>,
    %swap3A_17 = arith.constant 0 : index
    %swap3A_18 = arith.constant 0 : index
    %swap3A_19 = vector.load %arg4[%swap3A_17, %swap3A_18] : memref<2000x128xf32, #tpu.memory_space<vmem>>, vector<2000x128xf32>
    tpu.vector_store %arg4[%swap3A_17, %swap3A_18], %rsqrt3A {strides = array<i32>} : memref<2000x128xf32, #tpu.memory_space<vmem>>, vector<2000x128xf32>,
    return
  }
  func.func @transform_0(%arg0: i32) -> (i32, i32, i32) {
    %c0_i32 = arith.constant 0 : i32
    %c0_i32_0 = arith.constant 0 : i32
    %c0_i32_1 = arith.constant 0 : i32
    return %c0_i32, %arg0, %c0_i32_0 : i32, i32, i32
  }
  func.func @transform_1(%arg0: i32) -> (i32, i32) {
    %c0_i32 = arith.constant 0 : i32
    %c0_i32_0 = arith.constant 0 : i32
    return %arg0, %c0_i32 : i32, i32
  }
  func.func @transform_2(%arg0: i32) -> (i32, i32) {
    %c0_i32 = arith.constant 0 : i32
    %c0_i32_0 = arith.constant 0 : i32
    return %arg0, %c0_i32 : i32, i32
  }
  func.func @transform_3(%arg0: i32) -> (i32, i32) {
    %c0_i32 = arith.constant 0 : i32
    %c0_i32_0 = arith.constant 0 : i32
    return %arg0, %c0_i32 : i32, i32
  }
}

module attributes {stable_mosaic.version = 14 : i64} {
  func.func @_tc_layer_body(%arg0: i32, %arg1: memref<2x2000x128xf32, #tpu.memory_space<vmem>>, %arg2: memref<2000x128xf32, #tpu.memory_space<vmem>>, %arg3: memref<2000x128xf32, #tpu.memory_space<vmem>>, %arg4: memref<128x128xf32, #tpu.memory_space<vmem>>, %arg5: memref<1x128xf32, #tpu.memory_space<vmem>>, %arg6: memref<128x64xf32, #tpu.memory_space<vmem>>, %arg7: memref<2000x64xf32, #tpu.memory_space<vmem>>, %arg8: memref<2000x128xf32, #tpu.memory_space<vmem>>, %arg9: memref<2000x64xf32, #tpu.memory_space<vmem>>) attributes {dimension_semantics = [#tpu.dimension_semantics<arbitrary>], iteration_bounds = array<i64: 5>, scalar_prefetch = 0 : i64, scratch_operands = 0 : i64, tpu.core_type = #tpu.core_type<tc>, window_params = [{transform_indices = @transform_0, window_bounds = array<i64: 2, 2000, 128>}, {transform_indices = @transform_1, window_bounds = array<i64: 2000, 128>}, {transform_indices = @transform_2, window_bounds = array<i64: 2000, 128>}, {pipeline_mode = #tpu.pipeline_mode<synchronous>, transform_indices = @transform_3, window_bounds = array<i64: 128, 128>}, {pipeline_mode = #tpu.pipeline_mode<synchronous>, transform_indices = @transform_4, window_bounds = array<i64: 1, 128>}, {pipeline_mode = #tpu.pipeline_mode<synchronous>, transform_indices = @transform_5, window_bounds = array<i64: 128, 64>}, {transform_indices = @transform_6, window_bounds = array<i64: 2000, 64>}, {transform_indices = @transform_7, window_bounds = array<i64: 2000, 128>}, {transform_indices = @transform_8, window_bounds = array<i64: 2000, 64>}]} {
    %get3A = arith.constant 0 : index
    %get3A_0 = arith.constant 0 : index
    %get3A_1 = vector.load %arg3[%get3A, %get3A_0] : memref<2000x128xf32, #tpu.memory_space<vmem>>, vector<2000x128xf32>
    %get3A_2 = arith.constant 0 : index
    %get3A_3 = arith.constant 0 : index
    %get3A_4 = arith.constant 0 : index
    %get3A_5 = vector.load %arg1[%get3A_2, %get3A_3, %get3A_4] : memref<2x2000x128xf32, #tpu.memory_space<vmem>>, vector<1x2000x128xf32>
    %get3A_6 = vector.shape_cast %get3A_5 : vector<1x2000x128xf32> to vector<2000x128xf32>
    %get3A_7 = arith.constant 1 : index
    %get3A_8 = arith.constant 0 : index
    %get3A_9 = arith.constant 0 : index
    %get3A_10 = vector.load %arg1[%get3A_7, %get3A_8, %get3A_9] : memref<2x2000x128xf32, #tpu.memory_space<vmem>>, vector<1x2000x128xf32>
    %get3A_11 = vector.shape_cast %get3A_10 : vector<1x2000x128xf32> to vector<2000x128xf32>
    %add3A = arith.addf %get3A_6, %get3A_11 : vector<2000x128xf32>
    %get3A_12 = arith.constant 0 : index
    %get3A_13 = arith.constant 0 : index
    %get3A_14 = vector.load %arg2[%get3A_12, %get3A_13] : memref<2000x128xf32, #tpu.memory_space<vmem>>, vector<2000x128xf32>
    %add3A_15 = arith.addf %add3A, %get3A_14 : vector<2000x128xf32>
    %mul3A = arith.mulf %get3A_1, %add3A_15 : vector<2000x128xf32>
    %get3A_16 = arith.constant 0 : index
    %get3A_17 = arith.constant 0 : index
    %get3A_18 = vector.load %arg4[%get3A_16, %get3A_17] : memref<128x128xf32, #tpu.memory_space<vmem>>, vector<128x128xf32>
    %dot_general3A = arith.constant dense<0.000000e+00> : vector<2000x128xf32>
    %dot_general3A_19 = tpu.matmul %mul3A, %get3A_18, %dot_general3A {dimension_numbers = #tpu.dot_dimension_numbers<[1], [0], [0], [1], [0, 0, 1, 1], [], []>, transpose_lhs_hint = false} : vector<2000x128xf32>, vector<128x128xf32>, vector<2000x128xf32> -> vector<2000x128xf32>
    %get3A_20 = arith.constant 0 : index
    %get3A_21 = arith.constant 0 : index
    %get3A_22 = vector.load %arg5[%get3A_20, %get3A_21] : memref<1x128xf32, #tpu.memory_space<vmem>>, vector<1x128xf32>
    %add3A_23 = vector.broadcast %get3A_22 : vector<1x128xf32> to vector<2000x128xf32>
    %add3A_24 = arith.addf %dot_general3A_19, %add3A_23 : vector<2000x128xf32>
    %max3A = arith.constant 0.000000e+00 : f32
    %max3A_25 = vector.broadcast %max3A : f32 to vector<2000x128xf32>
    %max3A_26 = arith.maximumf %add3A_24, %max3A_25 : vector<2000x128xf32>
    %mul3A_27 = arith.mulf %max3A_26, %get3A_1 : vector<2000x128xf32>
    %swap3A = arith.constant 0 : index
    %swap3A_28 = arith.constant 0 : index
    %swap3A_29 = vector.load %arg8[%swap3A, %swap3A_28] : memref<2000x128xf32, #tpu.memory_space<vmem>>, vector<2000x128xf32>
    tpu.vector_store %arg8[%swap3A, %swap3A_28], %mul3A_27 {strides = array<i32>} : memref<2000x128xf32, #tpu.memory_space<vmem>>, vector<2000x128xf32>,
    %get3A_30 = arith.constant 0 : index
    %get3A_31 = arith.constant 0 : index
    %get3A_32 = vector.load %arg7[%get3A_30, %get3A_31] : memref<2000x64xf32, #tpu.memory_space<vmem>>, vector<2000x64xf32>
    %get3A_33 = arith.constant 0 : index
    %get3A_34 = arith.constant 0 : index
    %get3A_35 = vector.load %arg6[%get3A_33, %get3A_34] : memref<128x64xf32, #tpu.memory_space<vmem>>, vector<128x64xf32>
    %dot_general3A_36 = arith.constant dense<0.000000e+00> : vector<2000x64xf32>
    %dot_general3A_37 = tpu.matmul %max3A_26, %get3A_35, %dot_general3A_36 {dimension_numbers = #tpu.dot_dimension_numbers<[1], [0], [0], [1], [0, 0, 1, 1], [], []>, transpose_lhs_hint = false} : vector<2000x128xf32>, vector<128x64xf32>, vector<2000x64xf32> -> vector<2000x64xf32>
    %add3A_38 = arith.addf %get3A_32, %dot_general3A_37 : vector<2000x64xf32>
    %swap3A_39 = arith.constant 0 : index
    %swap3A_40 = arith.constant 0 : index
    %swap3A_41 = vector.load %arg9[%swap3A_39, %swap3A_40] : memref<2000x64xf32, #tpu.memory_space<vmem>>, vector<2000x64xf32>
    tpu.vector_store %arg9[%swap3A_39, %swap3A_40], %add3A_38 {strides = array<i32>} : memref<2000x64xf32, #tpu.memory_space<vmem>>, vector<2000x64xf32>,
    return
  }
  func.func @transform_0(%arg0: i32) -> (i32, i32, i32) {
    %c0_i32 = arith.constant 0 : i32
    %c0_i32_0 = arith.constant 0 : i32
    %c0_i32_1 = arith.constant 0 : i32
    return %c0_i32, %arg0, %c0_i32_0 : i32, i32, i32
  }
  func.func @transform_1(%arg0: i32) -> (i32, i32) {
    %c0_i32 = arith.constant 0 : i32
    %c0_i32_0 = arith.constant 0 : i32
    return %arg0, %c0_i32 : i32, i32
  }
  func.func @transform_2(%arg0: i32) -> (i32, i32) {
    %c0_i32 = arith.constant 0 : i32
    %c0_i32_0 = arith.constant 0 : i32
    return %arg0, %c0_i32 : i32, i32
  }
  func.func @transform_3(%arg0: i32) -> (i32, i32) {
    %c0_i32 = arith.constant 0 : i32
    %c0_i32_0 = arith.constant 0 : i32
    %c0_i32_1 = arith.constant 0 : i32
    return %c0_i32, %c0_i32_0 : i32, i32
  }
  func.func @transform_4(%arg0: i32) -> (i32, i32) {
    %c0_i32 = arith.constant 0 : i32
    %c0_i32_0 = arith.constant 0 : i32
    %c0_i32_1 = arith.constant 0 : i32
    return %c0_i32, %c0_i32_0 : i32, i32
  }
  func.func @transform_5(%arg0: i32) -> (i32, i32) {
    %c0_i32 = arith.constant 0 : i32
    %c0_i32_0 = arith.constant 0 : i32
    %c0_i32_1 = arith.constant 0 : i32
    return %c0_i32, %c0_i32_0 : i32, i32
  }
  func.func @transform_6(%arg0: i32) -> (i32, i32) {
    %c0_i32 = arith.constant 0 : i32
    %c0_i32_0 = arith.constant 0 : i32
    return %arg0, %c0_i32 : i32, i32
  }
  func.func @transform_7(%arg0: i32) -> (i32, i32) {
    %c0_i32 = arith.constant 0 : i32
    %c0_i32_0 = arith.constant 0 : i32
    return %arg0, %c0_i32 : i32, i32
  }
  func.func @transform_8(%arg0: i32) -> (i32, i32) {
    %c0_i32 = arith.constant 0 : i32
    %c0_i32_0 = arith.constant 0 : i32
    return %arg0, %c0_i32 : i32, i32
  }
}

module attributes {stable_mosaic.version = 14 : i64} {
  func.func @_tc_layer_body(%arg0: i32, %arg1: memref<2x2000x128xf32, #tpu.memory_space<vmem>>, %arg2: memref<2000x128xf32, #tpu.memory_space<vmem>>, %arg3: memref<2000x128xf32, #tpu.memory_space<vmem>>, %arg4: memref<128x128xf32, #tpu.memory_space<vmem>>, %arg5: memref<1x128xf32, #tpu.memory_space<vmem>>, %arg6: memref<128x64xf32, #tpu.memory_space<vmem>>, %arg7: memref<2000x64xf32, #tpu.memory_space<vmem>>, %arg8: memref<2000x128xf32, #tpu.memory_space<vmem>>, %arg9: memref<2000x64xf32, #tpu.memory_space<vmem>>) attributes {dimension_semantics = [#tpu.dimension_semantics<arbitrary>], iteration_bounds = array<i64: 5>, scalar_prefetch = 0 : i64, scratch_operands = 0 : i64, tpu.core_type = #tpu.core_type<tc>, window_params = [{transform_indices = @transform_0, window_bounds = array<i64: 2, 2000, 128>}, {transform_indices = @transform_1, window_bounds = array<i64: 2000, 128>}, {transform_indices = @transform_2, window_bounds = array<i64: 2000, 128>}, {pipeline_mode = #tpu.pipeline_mode<synchronous>, transform_indices = @transform_3, window_bounds = array<i64: 128, 128>}, {pipeline_mode = #tpu.pipeline_mode<synchronous>, transform_indices = @transform_4, window_bounds = array<i64: 1, 128>}, {pipeline_mode = #tpu.pipeline_mode<synchronous>, transform_indices = @transform_5, window_bounds = array<i64: 128, 64>}, {transform_indices = @transform_6, window_bounds = array<i64: 2000, 64>}, {transform_indices = @transform_7, window_bounds = array<i64: 2000, 128>}, {transform_indices = @transform_8, window_bounds = array<i64: 2000, 64>}]} {
    %get3A = arith.constant 0 : index
    %get3A_0 = arith.constant 0 : index
    %get3A_1 = vector.load %arg3[%get3A, %get3A_0] : memref<2000x128xf32, #tpu.memory_space<vmem>>, vector<2000x128xf32>
    %get3A_2 = arith.constant 0 : index
    %get3A_3 = arith.constant 0 : index
    %get3A_4 = arith.constant 0 : index
    %get3A_5 = vector.load %arg1[%get3A_2, %get3A_3, %get3A_4] : memref<2x2000x128xf32, #tpu.memory_space<vmem>>, vector<1x2000x128xf32>
    %get3A_6 = vector.shape_cast %get3A_5 : vector<1x2000x128xf32> to vector<2000x128xf32>
    %get3A_7 = arith.constant 1 : index
    %get3A_8 = arith.constant 0 : index
    %get3A_9 = arith.constant 0 : index
    %get3A_10 = vector.load %arg1[%get3A_7, %get3A_8, %get3A_9] : memref<2x2000x128xf32, #tpu.memory_space<vmem>>, vector<1x2000x128xf32>
    %get3A_11 = vector.shape_cast %get3A_10 : vector<1x2000x128xf32> to vector<2000x128xf32>
    %add3A = arith.addf %get3A_6, %get3A_11 : vector<2000x128xf32>
    %get3A_12 = arith.constant 0 : index
    %get3A_13 = arith.constant 0 : index
    %get3A_14 = vector.load %arg2[%get3A_12, %get3A_13] : memref<2000x128xf32, #tpu.memory_space<vmem>>, vector<2000x128xf32>
    %add3A_15 = arith.addf %add3A, %get3A_14 : vector<2000x128xf32>
    %mul3A = arith.mulf %get3A_1, %add3A_15 : vector<2000x128xf32>
    %get3A_16 = arith.constant 0 : index
    %get3A_17 = arith.constant 0 : index
    %get3A_18 = vector.load %arg4[%get3A_16, %get3A_17] : memref<128x128xf32, #tpu.memory_space<vmem>>, vector<128x128xf32>
    %dot_general3A = arith.constant dense<0.000000e+00> : vector<2000x128xf32>
    %dot_general3A_19 = tpu.matmul %mul3A, %get3A_18, %dot_general3A {dimension_numbers = #tpu.dot_dimension_numbers<[1], [0], [0], [1], [0, 0, 1, 1], [], []>, transpose_lhs_hint = false} : vector<2000x128xf32>, vector<128x128xf32>, vector<2000x128xf32> -> vector<2000x128xf32>
    %get3A_20 = arith.constant 0 : index
    %get3A_21 = arith.constant 0 : index
    %get3A_22 = vector.load %arg5[%get3A_20, %get3A_21] : memref<1x128xf32, #tpu.memory_space<vmem>>, vector<1x128xf32>
    %add3A_23 = vector.broadcast %get3A_22 : vector<1x128xf32> to vector<2000x128xf32>
    %add3A_24 = arith.addf %dot_general3A_19, %add3A_23 : vector<2000x128xf32>
    %max3A = arith.constant 0.000000e+00 : f32
    %max3A_25 = vector.broadcast %max3A : f32 to vector<2000x128xf32>
    %max3A_26 = arith.maximumf %add3A_24, %max3A_25 : vector<2000x128xf32>
    %mul3A_27 = arith.mulf %max3A_26, %get3A_1 : vector<2000x128xf32>
    %swap3A = arith.constant 0 : index
    %swap3A_28 = arith.constant 0 : index
    %swap3A_29 = vector.load %arg8[%swap3A, %swap3A_28] : memref<2000x128xf32, #tpu.memory_space<vmem>>, vector<2000x128xf32>
    tpu.vector_store %arg8[%swap3A, %swap3A_28], %mul3A_27 {strides = array<i32>} : memref<2000x128xf32, #tpu.memory_space<vmem>>, vector<2000x128xf32>,
    %get3A_30 = arith.constant 0 : index
    %get3A_31 = arith.constant 0 : index
    %get3A_32 = vector.load %arg7[%get3A_30, %get3A_31] : memref<2000x64xf32, #tpu.memory_space<vmem>>, vector<2000x64xf32>
    %get3A_33 = arith.constant 0 : index
    %get3A_34 = arith.constant 0 : index
    %get3A_35 = vector.load %arg6[%get3A_33, %get3A_34] : memref<128x64xf32, #tpu.memory_space<vmem>>, vector<128x64xf32>
    %dot_general3A_36 = arith.constant dense<0.000000e+00> : vector<2000x64xf32>
    %dot_general3A_37 = tpu.matmul %max3A_26, %get3A_35, %dot_general3A_36 {dimension_numbers = #tpu.dot_dimension_numbers<[1], [0], [0], [1], [0, 0, 1, 1], [], []>, transpose_lhs_hint = false} : vector<2000x128xf32>, vector<128x64xf32>, vector<2000x64xf32> -> vector<2000x64xf32>
    %add3A_38 = arith.addf %get3A_32, %dot_general3A_37 : vector<2000x64xf32>
    %swap3A_39 = arith.constant 0 : index
    %swap3A_40 = arith.constant 0 : index
    %swap3A_41 = vector.load %arg9[%swap3A_39, %swap3A_40] : memref<2000x64xf32, #tpu.memory_space<vmem>>, vector<2000x64xf32>
    tpu.vector_store %arg9[%swap3A_39, %swap3A_40], %add3A_38 {strides = array<i32>} : memref<2000x64xf32, #tpu.memory_space<vmem>>, vector<2000x64xf32>,
    return
  }
  func.func @transform_0(%arg0: i32) -> (i32, i32, i32) {
    %c0_i32 = arith.constant 0 : i32
    %c0_i32_0 = arith.constant 0 : i32
    %c0_i32_1 = arith.constant 0 : i32
    return %c0_i32, %arg0, %c0_i32_0 : i32, i32, i32
  }
  func.func @transform_1(%arg0: i32) -> (i32, i32) {
    %c0_i32 = arith.constant 0 : i32
    %c0_i32_0 = arith.constant 0 : i32
    return %arg0, %c0_i32 : i32, i32
  }
  func.func @transform_2(%arg0: i32) -> (i32, i32) {
    %c0_i32 = arith.constant 0 : i32
    %c0_i32_0 = arith.constant 0 : i32
    return %arg0, %c0_i32 : i32, i32
  }
  func.func @transform_3(%arg0: i32) -> (i32, i32) {
    %c0_i32 = arith.constant 0 : i32
    %c0_i32_0 = arith.constant 0 : i32
    %c0_i32_1 = arith.constant 0 : i32
    return %c0_i32, %c0_i32_0 : i32, i32
  }
  func.func @transform_4(%arg0: i32) -> (i32, i32) {
    %c0_i32 = arith.constant 0 : i32
    %c0_i32_0 = arith.constant 0 : i32
    %c0_i32_1 = arith.constant 0 : i32
    return %c0_i32, %c0_i32_0 : i32, i32
  }
  func.func @transform_5(%arg0: i32) -> (i32, i32) {
    %c0_i32 = arith.constant 0 : i32
    %c0_i32_0 = arith.constant 0 : i32
    %c0_i32_1 = arith.constant 0 : i32
    return %c0_i32, %c0_i32_0 : i32, i32
  }
  func.func @transform_6(%arg0: i32) -> (i32, i32) {
    %c0_i32 = arith.constant 0 : i32
    %c0_i32_0 = arith.constant 0 : i32
    return %arg0, %c0_i32 : i32, i32
  }
  func.func @transform_7(%arg0: i32) -> (i32, i32) {
    %c0_i32 = arith.constant 0 : i32
    %c0_i32_0 = arith.constant 0 : i32
    return %arg0, %c0_i32 : i32, i32
  }
  func.func @transform_8(%arg0: i32) -> (i32, i32) {
    %c0_i32 = arith.constant 0 : i32
    %c0_i32_0 = arith.constant 0 : i32
    return %arg0, %c0_i32 : i32, i32
  }
}

</mosaic_0001>

<sc_bundles>
// kernel: kernel.11.cloned.1.call-start
scs
__scs_entry_jumppad:
0x0: {  	(pc) =	sbr.rel $0x88, $3  }
0x1: {  	(tag) =	ssettag $0x0;
	lr =	simm.s32 $0x1  }
0x2: {  	[smem:$0x3F99] =	sst lr;
	_ =	strace $0xD0000000  }
0x3: {  	_ = 	snop  }
0x4: {  	_ = 	snop  }
0x5: {  	_ = 	snop  }
0x6: {  	_ = 	snop  }
0x7: {  	_ = 	snop  }
__scs_overlays_trampoline_lowered:
0x8: {  	[smem:$0x3FA8] =	sst s0  }
0x9: {  	[smem:$0x3FA9] =	sst s1  }
0xa: {  	[smem:$0x3FAA] =	sst s2  }
0xb: {  	[smem:$0x3FAB] =	sst s3  }
0xc: {  	[smem:$0x3FAC] =	sst s4  }
0xd: {  	[smem:$0x3FAD] =	sst s5  }
0xe: {  	[smem:$0x3FAE] =	sst s6  }
0xf: {  	[smem:$0x3FAF] =	sst s7  }
0x10: {  	[smem:$0x3FB0] =	sst s8  }
0x11: {  	[smem:$0x3FB1] =	sst s9;
	s0 =	simm.s32 @!p0 $0x0  }
0x12: {  	s1 =	sld [smem:$0x3F97];
	s0 =	simm.s32 @p0 $0x1  }
0x13: {  	[smem:$0x3FB2] =	sst s0;
	s0 =	simm.s32 @!p1 $0x0  }
0x14: {  	s2 =	sld [smem:$0x3F96];
	s0 =	simm.s32 @p1 $0x1  }
0x15: {  	[smem:$0x3FB3] =	sst s0;
	s0 =	simm.s32 @!p2 $0x0  }
0x16: {  	s3 =	sld [smem:$0x3FDB];
	s0 =	simm.s32 @p2 $0x1  }
0x17: {  	s4 =	simm.s32 $0x1BF5;
	[smem:$0x3FB5] =	sst s0  }
0x18: {  	s0 =	sld [smem:$0x3F98];
	_ =	swait.ge [sflag:s4], $0x0  }
0x19: {  	s7 =	sld [smem:$0x3F99]  }
0x1a: {  	s8 =	sadd.s32 $0xFFFFE003, lr  }
0x1b: {  	s9 =	sadd.s32 $0xFFFFFEF7, lr;
	s5 =	simm.s32 $0xFFFFFFFF;
	p2 =	slt.u32 s8, $0xFFFFF086  }
0x1c: {  	p1 =	slt.u32 s9, $0xF7A;
	s5 =	simm.s32 @!p2 $0x0  }
0x1d: {  	s5 =	simm.s32 @p1 $0x1;
	p0 =	seq.s32 s7, s2  }
0x1e: {  	s7 =	smul.u32 @!p0 $0xF7A, s2;
	p2 =	seq.s32 @!p0 s5, $0x0  }
0x1f: {  	s9 =	smul.u32 $0xF7A, s1;
	s8 =	simm.s32 @!p0 $0x1BF5;
	p2 =	por !p2, p0  }
0x20: {  	[sflag:s8] =	ssyncset.s32 @!p0 $0xFFFFF086;
	s6 =	sadd.s32 @!p0 s3, s7;
	s7 =	simm.s32 @!p0 $0x108  }
0x21: {  	s3 =	sadd.s32 s3, s9;
	s6 =	sadd.s32 @!p0 $0x88, s6;
	s7 =	simm.s32 @p2 $0x1082  }
0x22: {  	[simem:s7], [sflag:s8] =	dma.local @!p0 [hbm:s6], $0xF7A  }
0x23: {  	s9 =	sor.u32 $0xD0000000, s2;
	s6 =	simm.s32 $0x108;
	_ =	swait.ge @!p0 [sflag:s8], $0x0  }
0x24: {  	s3 =	sadd.s32 $0x88, s3;
	s6 =	simm.s32 @!p1 $0x1082;
	[sflag:s4] =	ssyncset.s32 $0xFFFFF086  }
0x25: {  	[simem:s6], [sflag:s4] =	dma.local [hbm:s3], $0xF7A  }
0x26: {  	[smem:$0x3F99] =	sst s1;
	(tag) =	ssettag s2;
	_ =	strace s9  }
0x27: {  	s1 =	sld [smem:$0x3FA9]  }
0x28: {  	s2 =	sld [smem:$0x3FAA]  }
0x29: {  	s4 =	sld [smem:$0x3FAC]  }
0x2a: {  	p0 =	seq.s32 s5, $0x0;
	s5 =	sld [smem:$0x3FAD]  }
0x2b: {  	s6 =	sld [smem:$0x3FAE]  }
0x2c: {  	s7 =	sld [smem:$0x3FAF]  }
0x2d: {  	s3 =	simm.s32 $0x108;
	s8 =	sld [smem:$0x3FB0]  }
0x2e: {  	s3 =	simm.s32 @!p0 $0x1082;
	s9 =	sld [smem:$0x3FB1]  }
0x2f: {  	lr =	sadd.s32 s0, s3;
	s0 =	sld [smem:$0x3FA8]  }
0x30: {  	s3 =	sld [smem:$0x3FAB]  }
0x31: {  	[smem:$0x3FB4] =	sst s10  }
0x32: {  	s10 =	sld [smem:$0x3FB2];
	_ =	sdelay $0x3  }
0x33: {  	p0 =	seq.s32 s10, $0x1;
	s10 =	sld [smem:$0x3FB4];
	_ =	sdelay $0x3  }
0x34: {  	[smem:$0x3FB4] =	sst s10  }
0x35: {  	s10 =	sld [smem:$0x3FB3];
	_ =	sdelay $0x3  }
0x36: {  	p1 =	seq.s32 s10, $0x1;
	s10 =	sld [smem:$0x3FB4];
	_ =	sdelay $0x3  }
0x37: {  	[smem:$0x3FB4] =	sst s10  }
0x38: {  	s10 =	sld [smem:$0x3FB5]  }
0x39: {  	_ = 	snop;
	(pc) =	sbr.ind lr, $3  }
0x3a: {  	_ = 	snop  }
0x3b: {  	_ = 	snop  }
0x3c: {  	p2 =	seq.s32 s10, $0x1;
	s10 =	sld [smem:$0x3FB4]  }
0x3d: {  	_ =	shalt  }
0x3e: {  	_ =	shalt  }
0x3f: {  	_ =	shalt  }
0x40: {  	_ =	shalt  }
0x41: {  	_ =	shalt  }
0x42: {  	_ =	shalt  }
0x43: {  	_ =	shalt  }
0x44: {  	_ =	shalt  }
0x45: {  	_ =	shalt  }
0x46: {  	_ =	shalt  }
0x47: {  	_ =	shalt  }
0x48: {  	_ =	shalt  }
0x49: {  	_ =	shalt  }
0x4a: {  	_ =	shalt  }
0x4b: {  	_ =	shalt  }
0x4c: {  	_ =	shalt  }
0x4d: {  	_ =	shalt  }
0x4e: {  	_ =	shalt  }
0x4f: {  	_ =	shalt  }
0x50: {  	_ =	shalt  }
0x51: {  	_ =	shalt  }
0x52: {  	_ =	shalt  }
0x53: {  	_ =	shalt  }
0x54: {  	_ =	shalt  }
0x55: {  	_ =	shalt  }
0x56: {  	_ =	shalt  }
0x57: {  	_ =	shalt  }
0x58: {  	_ =	shalt  }
0x59: {  	_ =	shalt  }
0x5a: {  	_ =	shalt  }
0x5b: {  	_ =	shalt  }
0x5c: {  	_ =	shalt  }
0x5d: {  	_ =	shalt  }
0x5e: {  	_ =	shalt  }
0x5f: {  	_ =	shalt  }
0x60: {  	_ =	shalt  }
0x61: {  	_ =	shalt  }
0x62: {  	_ =	shalt  }
0x63: {  	_ =	shalt  }
0x64: {  	_ =	shalt  }
0x65: {  	_ =	shalt  }
0x66: {  	_ =	shalt  }
0x67: {  	_ =	shalt  }
0x68: {  	_ =	shalt  }
0x69: {  	_ =	shalt  }
0x6a: {  	_ =	shalt  }
0x6b: {  	_ =	shalt  }
0x6c: {  	_ =	shalt  }
0x6d: {  	_ =	shalt  }
0x6e: {  	_ =	shalt  }
0x6f: {  	_ =	shalt  }
0x70: {  	_ =	shalt  }
0x71: {  	_ =	shalt  }
0x72: {  	_ =	shalt  }
0x73: {  	_ =	shalt  }
0x74: {  	_ =	shalt  }
0x75: {  	_ =	shalt  }
0x76: {  	_ =	shalt  }
0x77: {  	_ =	shalt  }
0x78: {  	_ =	shalt  }
0x79: {  	_ =	shalt  }
0x7a: {  	_ =	shalt  }
0x7b: {  	_ =	shalt  }
0x7c: {  	_ =	shalt  }
0x7d: {  	_ =	shalt  }
0x7e: {  	_ =	shalt  }
0x7f: {  	_ =	shalt  }
0x80: {  	_ =	shalt  }
0x81: {  	_ =	shalt  }
0x82: {  	_ =	shalt  }
0x83: {  	_ =	shalt  }
0x84: {  	_ =	shalt  }
0x85: {  	_ =	shalt  }
0x86: {  	_ =	shalt  }
0x87: {  	_ =	shalt  }
.Lfunc_end0:
.L_simem_size_0:
called_computation_lowered:
.L_overlay_start_0:
0x88: {  	s2 =	sld [smem:$0x3FD9]  }
0x89: {  	s3 =	sld [smem:$0x3FFE];
	_ =	sdelay $0x1  }
0x8a: {  	s1 =	srdreg.scid  }
0x8b: {  	s0 =	sand.u32 $0x1, s1  }
0x8c: {  	s17 =	sshll.u32 s0, $0xA;
	s2 =	sadd.s32 s3, s2  }
0x8d: {  	s2 =	sadd.s32 s2, s17  }
0x8e: {  	[smem:$0x3FC0] =	sst s2  }
0x8f: {  	_ = 	snop  }
0x90: {  	s2 =	sld [smem:$0x3FD0];
	(tm) =	ssettm $0x1  }
0x91: {  	s18 =	sld [smem:$0x3FFB];
	_ =	sdelay $0x3  }
0x92: {  	_ =	strace s18  }
0x93: {  	s3 =	sld [smem:$0x3FFC];
	_ =	sdelay $0x3  }
0x94: {  	_ =	strace s3  }
0x95: {  	s3 =	sld [smem:$0x3FFD];
	_ =	sdelay $0x3  }
0x96: {  	_ =	strace s3  }
0x97: {  	_ =	strace $0x8FFFFFFF  }
0x98: {  	s19 =	sld [smem:$0x3FDB];
	_ =	sdelay $0x1  }
0x99: {  	s4 =	simm.s32 $_scs_section_size  }
0x9a: {  	s5 =	simm.s32 $_size__tile_overlayer_lowered;
	s6 =	simm.s32 $_tile_overlayer_lowered  }
0x9b: {  	s22 =	simm.s32 $0x1BFF;
	s21 =	sshll.u32 s6, $0x1;
	s3 =	sadd.s32 s4, s19  }
0x9c: {  	s7 =	simm.s32 $0x0;
	s20 =	sshll.u32 s5, $0x1;
	s5 =	sadd.s32 s21, s3  }
0x9d: {  	[timem:s7], [sflag:s22] =	dma.local [hbm:s5], s20  }
0x9e: {  	_ =	swait.ge [sflag:s22], s20  }
0x9f: {  	s4 =	ssub.s32 $0x0, s20;
	[sflag:s22] =	ssyncset.done $0x0  }
0xa0: {  	[sflag:s22] =	ssyncadd.s32 s4;
	_ =	sdelay $0x1  }
0xa1: {  	s23 =	simm.s32 $0x1B8B  }
0xa2: {  	_ =	swait.ge [sflag:s23], $0x1  }
0xa3: {  	[sflag:s23] =	ssyncset.done $0x0  }
0xa4: {  	s25 =	simm.s32 $0x1B8E;
	s24 =	sld [smem:$0x3FFE];
	[sflag:s23] =	ssyncadd.s32 $0xFFFFFFFF  }
0xa5: {  	s26 =	simm.s32 $execute0_lowered;
	[smem:$0x3FD2] =	sst s25  }
0xa6: {  	s5 =	sshll.u32 s26, $0x1;
	_ =	strace $0x80000046;
	[dreg:$0x1] =	wrdreg $0xFFFFFFFF  }
0xa7: {  	s28 =	simm.s32 $_size_execute0_lowered;
	s3 =	sadd.s32 s3, s5;
	[dreg:$0x0] =	wrdreg $0x0  }
0xa8: {  	s5 =	sshll.u32 s28, $0x1;
	[dreg:$0x2] =	wrdreg s3  }
0xa9: {  	[dreg:$0x3] =	wrdreg s5  }
0xaa: {  	[dreg:$0x4] =	wrdreg $0xC0  }
0xab: {  	_ =	task [dreg:s7], $0x5FFFF  }
0xac: {  	[dreg:$0x1] =	wrdreg $0xFFFFFFFF  }
0xad: {  	[dreg:$0x0] =	wrdreg $0x60  }
0xae: {  	[dreg:$0x2] =	wrdreg s2  }
0xaf: {  	[dreg:$0x3] =	wrdreg s24  }
0xb0: {  	[dreg:$0x4] =	wrdreg $0x98000  }
0xb1: {  	[dreg:$0x5] =	wrdreg $0x9  }
0xb2: {  	_ =	task.clear_ibuf [dreg:s7], $0x6FFFF;
	_ =	strace $0x90000046  }
0xb3: {  	s29 =	simm.s32 $0x9;
	_ =	strace $0x80000048  }
0xb4: {  	_ =	swait.ge [sflag:s29], $0x1  }
0xb5: {  	[sflag:s29] =	ssyncadd.s32 $0xFFFFFFFF  }
0xb6: {  	_ =	strace $0x90000048  }
0xb7: {  	_ =	sfence  }
0xb8: {  	s30 =	sld [smem:$0x0];
	_ =	sdelay $0x2  }
0xb9: {  	s31 =	sshll.u32 s1, $0xD;
	s1 =	sshrl.u32 s1, $0x2  }
0xba: {  	s3 =	sand.u32 $0x4000, s31;
	s1 =	sadd.s32 s1, s30  }
0xbb: {  	s0 =	sor.u32 s3, s0;
	s1 =	sshll.u32 s1, $0x11  }
0xbc: {  	s0 =	sor.u32 s1, s0  }
0xbd: {  	s0 =	sadd.s32 $0x8F2B, s0  }
0xbe: {  	[sflag:s0] =	ssyncadd.remote.s32 $0x1  }
0xbf: {  	_ =	sfence.sel $0xFFFF  }
0xc0: {  	[dreg:$0x0] =	wrdreg $0xFFFFFFFF;
	(pc) =	sbr.abs _section_cstart, $3  }
0xc1: {  	[dreg:$0x1] =	wrdreg $0xFFFFFFFF  }
0xc2: {  	_ =	task.clear_ibuf [dreg:s7], $0x2FFFF;
	_ =	strace $0x9FFFFFFF  }
0xc3: {  	(tm) =	ssettm $0x7FFFFFFF  }
tec
execute0_lowered:
.L_overlay_start_1:
0x0: {  	(tag) =	ssettag $0x1  }
0x1: {  	s4 =	rddreg [dreg:$0x0]  }
0x2: {  	s5 =	rddreg [dreg:$0x1]  }
0x3: {  	s2 =	rddreg [dreg:$0x2];
	s1 =	srdreg.scid  }
0x4: {  	s0 =	rddreg [dreg:$0x3];
	s3 =	simm.s32 $0x0;
	s13 =	simm.s32 $0x1800  }
0x5: {  	s14 =	simm.s32 $0x1;
	s15 =	simm.s32 $0x80;
	s6 =	sand.u32 $0x1, s1  }
0x6: {  	s16 =	simm.s32 $0x5800;
	s1 =	stileid.u32;
	s7 =	smul.u32 $0x140000, s6  }
0x7: {  	[smem:$0x7FF] =	sst s3;
	s8 =	smul.u32 $0x14000, s1;
	s9 =	sshll.u32 s6, $0x4  }
0x8: {  	_ =	strace $0x80000047;
	s6 =	ssub.s32 $0x2, s6;
	s29 =	smul.u32 $0x50000, s1  }
0x9: {  	s17 =	sshll.u32 s1, $0x6;
	s9 =	sor.u32 s1, s9;
	s30 =	sshrl.u32 s6, $0x1  }
0xa: {  	s17 =	sor.u32 $0x1C01, s17;
	s7 =	sadd.s32 s8, s7;
	s28 =	smul.u32 $0x3000, s9  }
0xb: {  	s10 =	ssub.s32 s6, s30;
	s31 =	sshrl.u32 s29, $0x2;
	s7 =	sshrl.u32 s7, $0x3  }
0xc: {  	s7 =	sadd.s32 s7, s5;
	s8 =	sshrl.u32 s28, $0x3;
	s5 =	sadd.s32 s31, s2  }
0xd: {  	s4 =	sadd.s32 s4, s8;
	s7 =	sadd.s32 $0x5200, s7;
	s8 =	smax.u32 s10, $0x1  }
0xe: {  	s9 =	sadd.s32 $0x4000, s5;
	s10 =	sadd.s32 $0x8000, s5;
	s11 =	sadd.s32 $0xC000, s5  }
0xf: {  	v0 =	vimm.f32 $0.0e+00;
	v1 =	vimm.f32 $1.000000000e+00;
	s12 =	sadd.s32 $0x10000, s5;
	s18 =	sshrl.u32 s5, $0x3;
	s6 =	sadd.s32 $0x300, s4  }
.LBB2_1:
0x10: {  	s19 =	simm.s32 $0x0;
	s20 =	simm.s32 $0x200  }
.LBB2_2:
0x11: {  	p0 =	sne.s32 s20, $0xFE00;
	[tilespmem:s19+$0x5870] =	vst v1  }
0x12: {  	[tilespmem:s19+$0x1800] =	vst v0  }
0x13: {  	[tilespmem:s19+$0x5800] =	vst v1  }
0x14: {  	[tilespmem:s19+$0x1810] =	vst v0  }
0x15: {  	[tilespmem:s19+$0x5810] =	vst v1  }
0x16: {  	[tilespmem:s19+$0x1820] =	vst v0  }
0x17: {  	[tilespmem:s19+$0x5820] =	vst v1  }
0x18: {  	[tilespmem:s19+$0x1830] =	vst v0  }
0x19: {  	[tilespmem:s19+$0x5830] =	vst v1  }
0x1a: {  	[tilespmem:s19+$0x1840] =	vst v0  }
0x1b: {  	[tilespmem:s19+$0x5840] =	vst v1  }
.Ltmp0:
0x1c: {  	[tilespmem:s19+$0x1850] =	vst v0;
	(pc) =	sbr.rel @p0 .LBB2_2-.Ltmp0, $4  }
0x1d: {  	[tilespmem:s19+$0x5850] =	vst v1  }
0x1e: {  	[tilespmem:s19+$0x1860] =	vst v0  }
0x1f: {  	[tilespmem:s19+$0x5860] =	vst v1  }
0x20: {  	[tilespmem:s19+$0x1870] =	vst v0;
	s19 =	sshra.s32 s20, $0x2;
	s20 =	sadd.s32 $0x200, s20  }
0x21: {  	[tilespmem:s19+$0x5870] =	vst v1  }
0x22: {  	[tilespmem:s19+$0x1800] =	vst v0  }
0x23: {  	[tilespmem:s19+$0x5800] =	vst v1  }
0x24: {  	[tilespmem:s19+$0x1810] =	vst v0  }
0x25: {  	[tilespmem:s19+$0x5810] =	vst v1  }
0x26: {  	[tilespmem:s19+$0x1820] =	vst v0  }
0x27: {  	[tilespmem:s19+$0x5820] =	vst v1  }
0x28: {  	[tilespmem:s19+$0x1830] =	vst v0  }
0x29: {  	[tilespmem:s19+$0x5830] =	vst v1  }
0x2a: {  	[tilespmem:s19+$0x1840] =	vst v0  }
0x2b: {  	[tilespmem:s19+$0x5840] =	vst v1  }
0x2c: {  	[tilespmem:s19+$0x1850] =	vst v0  }
0x2d: {  	[tilespmem:s19+$0x5850] =	vst v1  }
0x2e: {  	[tilespmem:s19+$0x1860] =	vst v0  }
0x2f: {  	[tilespmem:s19+$0x5860] =	vst v1  }
0x30: {  	[tilespmem:s19+$0x1870] =	vst v0  }
0x31: {  	[spmem:s5] =	stream.linear.scatter [tilespmem:s13], [sflag:$0x1], $0x4000, $0x38;
	[tilespmem:$0x1D800] =	vst v63  }
0x32: {  	_ =	swait.ge [sflag:s14], $0x4000  }
0x33: {  	[sflag:s14] =	ssyncset.done $0x0  }
0x34: {  	[sflag:s14] =	ssyncadd.s32 $0xFFFFC000  }
0x35: {  	[spmem:s9] =	stream.linear.scatter [tilespmem:s13], [sflag:$0x1], $0x4000, $0x38;
	[tilespmem:$0x1D800] =	vst v63  }
0x36: {  	_ =	swait.ge [sflag:s14], $0x4000  }
0x37: {  	[sflag:s14] =	ssyncset.done $0x0  }
0x38: {  	[sflag:s14] =	ssyncadd.s32 $0xFFFFC000  }
0x39: {  	[spmem:s10] =	stream.linear.scatter [tilespmem:s13], [sflag:$0x1], $0x4000, $0x38;
	[tilespmem:$0x1D800] =	vst v63  }
0x3a: {  	_ =	swait.ge [sflag:s14], $0x4000  }
0x3b: {  	[sflag:s14] =	ssyncset.done $0x0  }
0x3c: {  	[sflag:s14] =	ssyncadd.s32 $0xFFFFC000  }
0x3d: {  	[spmem:s11] =	stream.linear.scatter [tilespmem:s13], [sflag:$0x1], $0x4000, $0x38;
	[tilespmem:$0x1D800] =	vst v63  }
0x3e: {  	_ =	swait.ge [sflag:s14], $0x4000  }
0x3f: {  	[sflag:s14] =	ssyncset.done $0x0  }
0x40: {  	[sflag:s14] =	ssyncadd.s32 $0xFFFFC000  }
0x41: {  	[spmem:s12] =	stream.linear.scatter [tilespmem:s13], [sflag:$0x1], $0x4000, $0x38;
	[tilespmem:$0x1D800] =	vst v63  }
0x42: {  	_ =	swait.ge [sflag:s14], $0x4000  }
0x43: {  	[sflag:s14] =	ssyncset.done $0x0  }
0x44: {  	[sflag:s14] =	ssyncadd.s32 $0xFFFFC000  }
0x45: {  	s30 =	simm.s32 $0x0;
	[bflag:$0x0] =	sbarrier.arrive $0xFFFF  }
0x46: {  	[tilespmem:s30], [sflag:$0x1] =	stream.linear.gather [hbm4b:s4+s30], $0x1480, $0x38;
	[tilespmem:$0x1D800] =	vst v63  }
0x47: {  	_ =	swait.ge [sflag:s14], $0x1480  }
0x48: {  	[sflag:s14] =	ssyncset.done $0x0  }
0x49: {  	s31 =	simm.s32 $0x0;
	[sflag:s14] =	ssyncadd.s32 $0xFFFFEB80  }
0x4a: {  	[spmem:s2] =	stream.indirect.scatter.add.f32 [tilespmem:s16], [sflag:$0x1], $0x80, s31, s15, $0xb8;
	[tilespmem:$0x1D800] =	vst v63  }
0x4b: {  	_ =	swait.ge [sflag:s14], $0x4000  }
0x4c: {  	s19 =	simm.s32 $0x200;
	[sflag:s14] =	ssyncset.done $0x0  }
.LBB2_4:
0x4d: {  	s20 =	sshra.s32 s19, $0x2;
	[sflag:s14] =	ssyncadd.s32 $0xFFFFC000;
	p0 =	sne.s32 s19, $0x5000  }
0x4e: {  	[spmem:s2] =	stream.indirect.scatter.add.f32 [tilespmem:s16], [sflag:$0x1], $0x80, s20, s15, $0xb8;
	[tilespmem:$0x1D800] =	vst v63  }
.Ltmp1:
0x4f: {  	_ = 	snop;
	(pc) =	sbr.rel @p0 .LBB2_4-.Ltmp1, $4  }
0x50: {  	_ = 	snop  }
0x51: {  	s19 =	sadd.s32 $0x200, s19  }
0x52: {  	_ =	swait.ge [sflag:s14], $0x4000  }
0x53: {  	[sflag:s14] =	ssyncset.done $0x0  }
0x54: {  	[sflag:s14] =	ssyncadd.s32 $0xFFFFC000;
	s19 =	simm.s32 $0x0  }
0x55: {  	[tilespmem:s19], [sflag:$0x1] =	stream.linear.gather [hbm4b:s6+s19], $0x1480, $0x38;
	[tilespmem:$0x1D800] =	vst v63  }
0x56: {  	_ =	swait.ge [sflag:s14], $0x1480  }
0x57: {  	[sflag:s14] =	ssyncset.done $0x0  }
0x58: {  	s31 =	simm.s32 $0x0;
	[sflag:s14] =	ssyncadd.s32 $0xFFFFEB80  }
0x59: {  	[spmem:s2] =	stream.indirect.scatter.add.f32 [tilespmem:s16], [sflag:$0x1], $0x80, s31, s15, $0xb8;
	[tilespmem:$0x1D800] =	vst v63  }
0x5a: {  	_ =	swait.ge [sflag:s14], $0x4000  }
0x5b: {  	s19 =	simm.s32 $0x200;
	[sflag:s14] =	ssyncset.done $0x0  }
.LBB2_6:
0x5c: {  	s20 =	sshra.s32 s19, $0x2;
	[sflag:s14] =	ssyncadd.s32 $0xFFFFC000;
	p0 =	sne.s32 s19, $0x5000  }
0x5d: {  	[spmem:s2] =	stream.indirect.scatter.add.f32 [tilespmem:s16], [sflag:$0x1], $0x80, s20, s15, $0xb8;
	[tilespmem:$0x1D800] =	vst v63  }
.Ltmp2:
0x5e: {  	_ = 	snop;
	(pc) =	sbr.rel @p0 .LBB2_6-.Ltmp2, $4  }
0x5f: {  	_ = 	snop  }
0x60: {  	s19 =	sadd.s32 $0x200, s19  }
0x61: {  	_ =	swait.ge [sflag:s14], $0x4000  }
0x62: {  	[sflag:s14] =	ssyncset.done $0x0  }
0x63: {  	s3 =	sadd.s32 $0x1, s3  }
0x64: {  	[sflag:s14] =	ssyncadd.s32 $0xFFFFC000;
	p0 =	sne.s32 s3, s8  }
.Ltmp3:
0x65: {  	[bflag:$0x0] =	sbarrier.arrive $0xFFFF;
	(pc) =	sbr.rel @p0 .LBB2_1-.Ltmp3, $4  }
0x66: {  	[hbm:s7], [sflag:s17] =	dma.local [spmem:s18], $0x2800  }
0x67: {  	_ =	swait.ge [sflag:s14], $0x2800  }
0x68: {  	[sflag:s14] =	ssyncset.done $0x0  }
0x69: {  	[sflag:s14] =	ssyncadd.s32 $0xFFFFD800  }
0x6a: {  	_ =	sfence.sel $0x180000  }
0x6b: {  	[bflag:$0x0] =	sbarrier.arrive $0xFFFF  }
0x6c: {  	p0 =	sne.s32 s1, $0x0;
	_ =	strace $0x90000047  }
0x6d: {  	s0 =	sadd.s32 @!p0 $0x100000, s0;
	[bflag:$0x2] =	sbarrier.arrive $0xFFFF  }
0x6e: {  	[sflag:s0] =	ssyncadd.tile.s32 @!p0 $0x1;
	_ =	shalt  }
.Lfunc_end2:
_tile_overlayer_lowered:
.L_overlay_start_2:
0x6f: {  	(tag) =	ssettag $0x2  }
0x70: {  	s0 =	rddreg [dreg:$0x0];
	s2 =	stileid.u32  }
0x71: {  	s1 =	rddreg [dreg:$0x1];
	p0 =	sne.s32 s2, $0x0  }
0x72: {  	s3 =	rddreg [dreg:$0x2];
	[bflag:$0x3] =	sbarrier.arrive $0xFFFF;
	s2 =	simm.s32 @!p0 $0x1C01  }
0x73: {  	[timem:s3], [sflag:s2] =	dma.local @!p0 [hbm:s0], s1  }
0x74: {  	s0 =	simm.s32 @!p0 $0x1  }
0x75: {  	_ =	swait.ge @!p0 [sflag:s0], s1  }
0x76: {  	s1 =	ssub.s32 @!p0 $0x0, s1;
	[sflag:s0] =	ssyncset.done @!p0 $0x0  }
0x77: {  	[sflag:s0] =	ssyncadd.s32 @!p0 s1  }
0x78: {  	[bflag:$0x3] =	sbarrier.arrive $0xFFFF  }
0x79: {  	_ =	shalt  }

// kernel: kernel.14.cloned.1.call-start
scs
__scs_entry_jumppad:
0x0: {  	(pc) =	sbr.rel $0x88, $3  }
0x1: {  	(tag) =	ssettag $0x0;
	lr =	simm.s32 $0x1  }
0x2: {  	[smem:$0x3F99] =	sst lr;
	_ =	strace $0xD0000000  }
0x3: {  	_ = 	snop  }
0x4: {  	_ = 	snop  }
0x5: {  	_ = 	snop  }
0x6: {  	_ = 	snop  }
0x7: {  	_ = 	snop  }
__scs_overlays_trampoline_lowered:
0x8: {  	[smem:$0x3FA8] =	sst s0  }
0x9: {  	[smem:$0x3FA9] =	sst s1  }
0xa: {  	[smem:$0x3FAA] =	sst s2  }
0xb: {  	[smem:$0x3FAB] =	sst s3  }
0xc: {  	[smem:$0x3FAC] =	sst s4  }
0xd: {  	[smem:$0x3FAD] =	sst s5  }
0xe: {  	[smem:$0x3FAE] =	sst s6  }
0xf: {  	[smem:$0x3FAF] =	sst s7  }
0x10: {  	[smem:$0x3FB0] =	sst s8  }
0x11: {  	[smem:$0x3FB1] =	sst s9;
	s0 =	simm.s32 @!p0 $0x0  }
0x12: {  	s1 =	sld [smem:$0x3F97];
	s0 =	simm.s32 @p0 $0x1  }
0x13: {  	[smem:$0x3FB2] =	sst s0;
	s0 =	simm.s32 @!p1 $0x0  }
0x14: {  	s2 =	sld [smem:$0x3F96];
	s0 =	simm.s32 @p1 $0x1  }
0x15: {  	[smem:$0x3FB3] =	sst s0;
	s0 =	simm.s32 @!p2 $0x0  }
0x16: {  	s3 =	sld [smem:$0x3FDB];
	s0 =	simm.s32 @p2 $0x1  }
0x17: {  	s4 =	simm.s32 $0x1BF5;
	[smem:$0x3FB5] =	sst s0  }
0x18: {  	s0 =	sld [smem:$0x3F98];
	_ =	swait.ge [sflag:s4], $0x0  }
0x19: {  	s7 =	sld [smem:$0x3F99]  }
0x1a: {  	s8 =	sadd.s32 $0xFFFFE003, lr  }
0x1b: {  	s9 =	sadd.s32 $0xFFFFFEF7, lr;
	s5 =	simm.s32 $0xFFFFFFFF;
	p2 =	slt.u32 s8, $0xFFFFF086  }
0x1c: {  	p1 =	slt.u32 s9, $0xF7A;
	s5 =	simm.s32 @!p2 $0x0  }
0x1d: {  	s5 =	simm.s32 @p1 $0x1;
	p0 =	seq.s32 s7, s2  }
0x1e: {  	s7 =	smul.u32 @!p0 $0xF7A, s2;
	p2 =	seq.s32 @!p0 s5, $0x0  }
0x1f: {  	s9 =	smul.u32 $0xF7A, s1;
	s8 =	simm.s32 @!p0 $0x1BF5;
	p2 =	por !p2, p0  }
0x20: {  	[sflag:s8] =	ssyncset.s32 @!p0 $0xFFFFF086;
	s6 =	sadd.s32 @!p0 s3, s7;
	s7 =	simm.s32 @!p0 $0x108  }
0x21: {  	s3 =	sadd.s32 s3, s9;
	s6 =	sadd.s32 @!p0 $0x88, s6;
	s7 =	simm.s32 @p2 $0x1082  }
0x22: {  	[simem:s7], [sflag:s8] =	dma.local @!p0 [hbm:s6], $0xF7A  }
0x23: {  	s9 =	sor.u32 $0xD0000000, s2;
	s6 =	simm.s32 $0x108;
	_ =	swait.ge @!p0 [sflag:s8], $0x0  }
0x24: {  	s3 =	sadd.s32 $0x88, s3;
	s6 =	simm.s32 @!p1 $0x1082;
	[sflag:s4] =	ssyncset.s32 $0xFFFFF086  }
0x25: {  	[simem:s6], [sflag:s4] =	dma.local [hbm:s3], $0xF7A  }
0x26: {  	[smem:$0x3F99] =	sst s1;
	(tag) =	ssettag s2;
	_ =	strace s9  }
0x27: {  	s1 =	sld [smem:$0x3FA9]  }
0x28: {  	s2 =	sld [smem:$0x3FAA]  }
0x29: {  	s4 =	sld [smem:$0x3FAC]  }
0x2a: {  	p0 =	seq.s32 s5, $0x0;
	s5 =	sld [smem:$0x3FAD]  }
0x2b: {  	s6 =	sld [smem:$0x3FAE]  }
0x2c: {  	s7 =	sld [smem:$0x3FAF]  }
0x2d: {  	s3 =	simm.s32 $0x108;
	s8 =	sld [smem:$0x3FB0]  }
0x2e: {  	s3 =	simm.s32 @!p0 $0x1082;
	s9 =	sld [smem:$0x3FB1]  }
0x2f: {  	lr =	sadd.s32 s0, s3;
	s0 =	sld [smem:$0x3FA8]  }
0x30: {  	s3 =	sld [smem:$0x3FAB]  }
0x31: {  	[smem:$0x3FB4] =	sst s10  }
0x32: {  	s10 =	sld [smem:$0x3FB2];
	_ =	sdelay $0x3  }
0x33: {  	p0 =	seq.s32 s10, $0x1;
	s10 =	sld [smem:$0x3FB4];
	_ =	sdelay $0x3  }
0x34: {  	[smem:$0x3FB4] =	sst s10  }
0x35: {  	s10 =	sld [smem:$0x3FB3];
	_ =	sdelay $0x3  }
0x36: {  	p1 =	seq.s32 s10, $0x1;
	s10 =	sld [smem:$0x3FB4];
	_ =	sdelay $0x3  }
0x37: {  	[smem:$0x3FB4] =	sst s10  }
0x38: {  	s10 =	sld [smem:$0x3FB5]  }
0x39: {  	_ = 	snop;
	(pc) =	sbr.ind lr, $3  }
0x3a: {  	_ = 	snop  }
0x3b: {  	_ = 	snop  }
0x3c: {  	p2 =	seq.s32 s10, $0x1;
	s10 =	sld [smem:$0x3FB4]  }
0x3d: {  	_ =	shalt  }
0x3e: {  	_ =	shalt  }
0x3f: {  	_ =	shalt  }
0x40: {  	_ =	shalt  }
0x41: {  	_ =	shalt  }
0x42: {  	_ =	shalt  }
0x43: {  	_ =	shalt  }
0x44: {  	_ =	shalt  }
0x45: {  	_ =	shalt  }
0x46: {  	_ =	shalt  }
0x47: {  	_ =	shalt  }
0x48: {  	_ =	shalt  }
0x49: {  	_ =	shalt  }
0x4a: {  	_ =	shalt  }
0x4b: {  	_ =	shalt  }
0x4c: {  	_ =	shalt  }
0x4d: {  	_ =	shalt  }
0x4e: {  	_ =	shalt  }
0x4f: {  	_ =	shalt  }
0x50: {  	_ =	shalt  }
0x51: {  	_ =	shalt  }
0x52: {  	_ =	shalt  }
0x53: {  	_ =	shalt  }
0x54: {  	_ =	shalt  }
0x55: {  	_ =	shalt  }
0x56: {  	_ =	shalt  }
0x57: {  	_ =	shalt  }
0x58: {  	_ =	shalt  }
0x59: {  	_ =	shalt  }
0x5a: {  	_ =	shalt  }
0x5b: {  	_ =	shalt  }
0x5c: {  	_ =	shalt  }
0x5d: {  	_ =	shalt  }
0x5e: {  	_ =	shalt  }
0x5f: {  	_ =	shalt  }
0x60: {  	_ =	shalt  }
0x61: {  	_ =	shalt  }
0x62: {  	_ =	shalt  }
0x63: {  	_ =	shalt  }
0x64: {  	_ =	shalt  }
0x65: {  	_ =	shalt  }
0x66: {  	_ =	shalt  }
0x67: {  	_ =	shalt  }
0x68: {  	_ =	shalt  }
0x69: {  	_ =	shalt  }
0x6a: {  	_ =	shalt  }
0x6b: {  	_ =	shalt  }
0x6c: {  	_ =	shalt  }
0x6d: {  	_ =	shalt  }
0x6e: {  	_ =	shalt  }
0x6f: {  	_ =	shalt  }
0x70: {  	_ =	shalt  }
0x71: {  	_ =	shalt  }
0x72: {  	_ =	shalt  }
0x73: {  	_ =	shalt  }
0x74: {  	_ =	shalt  }
0x75: {  	_ =	shalt  }
0x76: {  	_ =	shalt  }
0x77: {  	_ =	shalt  }
0x78: {  	_ =	shalt  }
0x79: {  	_ =	shalt  }
0x7a: {  	_ =	shalt  }
0x7b: {  	_ =	shalt  }
0x7c: {  	_ =	shalt  }
0x7d: {  	_ =	shalt  }
0x7e: {  	_ =	shalt  }
0x7f: {  	_ =	shalt  }
0x80: {  	_ =	shalt  }
0x81: {  	_ =	shalt  }
0x82: {  	_ =	shalt  }
0x83: {  	_ =	shalt  }
0x84: {  	_ =	shalt  }
0x85: {  	_ =	shalt  }
0x86: {  	_ =	shalt  }
0x87: {  	_ =	shalt  }
.Lfunc_end0:
.L_simem_size_0:
called_computation.1_lowered:
.L_overlay_start_0:
0x88: {  	s2 =	sld [smem:$0x3FD9]  }
0x89: {  	s3 =	sld [smem:$0x3FFE];
	_ =	sdelay $0x1  }
0x8a: {  	s1 =	srdreg.scid  }
0x8b: {  	s0 =	sand.u32 $0x1, s1  }
0x8c: {  	s17 =	sshll.u32 s0, $0xA;
	s2 =	sadd.s32 s3, s2  }
0x8d: {  	s2 =	sadd.s32 s2, s17  }
0x8e: {  	[smem:$0x3FC0] =	sst s2  }
0x8f: {  	_ = 	snop  }
0x90: {  	s2 =	sld [smem:$0x3FD0];
	(tm) =	ssettm $0x1  }
0x91: {  	s18 =	sld [smem:$0x3FFB];
	_ =	sdelay $0x3  }
0x92: {  	_ =	strace s18  }
0x93: {  	s3 =	sld [smem:$0x3FFC];
	_ =	sdelay $0x3  }
0x94: {  	_ =	strace s3  }
0x95: {  	s3 =	sld [smem:$0x3FFD];
	_ =	sdelay $0x3  }
0x96: {  	_ =	strace s3  }
0x97: {  	_ =	strace $0x8FFFFFFF  }
0x98: {  	s19 =	sld [smem:$0x3FDB];
	_ =	sdelay $0x1  }
0x99: {  	s4 =	simm.s32 $_scs_section_size  }
0x9a: {  	s5 =	simm.s32 $_size__tile_overlayer_lowered;
	s6 =	simm.s32 $_tile_overlayer_lowered  }
0x9b: {  	s22 =	simm.s32 $0x1BFF;
	s21 =	sshll.u32 s6, $0x1;
	s3 =	sadd.s32 s4, s19  }
0x9c: {  	s7 =	simm.s32 $0x0;
	s20 =	sshll.u32 s5, $0x1;
	s5 =	sadd.s32 s21, s3  }
0x9d: {  	[timem:s7], [sflag:s22] =	dma.local [hbm:s5], s20  }
0x9e: {  	_ =	swait.ge [sflag:s22], s20  }
0x9f: {  	s4 =	ssub.s32 $0x0, s20;
	[sflag:s22] =	ssyncset.done $0x0  }
0xa0: {  	[sflag:s22] =	ssyncadd.s32 s4;
	_ =	sdelay $0x1  }
0xa1: {  	s23 =	simm.s32 $0x1B8B  }
0xa2: {  	_ =	swait.ge [sflag:s23], $0x1  }
0xa3: {  	[sflag:s23] =	ssyncset.done $0x0  }
0xa4: {  	s25 =	simm.s32 $0x1B8E;
	s24 =	sld [smem:$0x3FFE];
	[sflag:s23] =	ssyncadd.s32 $0xFFFFFFFF  }
0xa5: {  	s26 =	simm.s32 $execute0_lowered;
	[smem:$0x3FD2] =	sst s25  }
0xa6: {  	s5 =	sshll.u32 s26, $0x1;
	_ =	strace $0x80000049;
	[dreg:$0x1] =	wrdreg $0xFFFFFFFF  }
0xa7: {  	s28 =	simm.s32 $_size_execute0_lowered;
	s3 =	sadd.s32 s3, s5;
	[dreg:$0x0] =	wrdreg $0x0  }
0xa8: {  	s5 =	sshll.u32 s28, $0x1;
	[dreg:$0x2] =	wrdreg s3  }
0xa9: {  	[dreg:$0x3] =	wrdreg s5  }
0xaa: {  	[dreg:$0x4] =	wrdreg $0xC0  }
0xab: {  	_ =	task [dreg:s7], $0x5FFFF  }
0xac: {  	[dreg:$0x1] =	wrdreg $0xFFFFFFFF  }
0xad: {  	[dreg:$0x0] =	wrdreg $0x60  }
0xae: {  	[dreg:$0x2] =	wrdreg s24  }
0xaf: {  	[dreg:$0x3] =	wrdreg s2  }
0xb0: {  	[dreg:$0x4] =	wrdreg $0xB0000  }
0xb1: {  	[dreg:$0x5] =	wrdreg $0x9  }
0xb2: {  	_ =	task.clear_ibuf [dreg:s7], $0x6FFFF;
	_ =	strace $0x90000049  }
0xb3: {  	s29 =	simm.s32 $0x9;
	_ =	strace $0x8000004B  }
0xb4: {  	_ =	swait.ge [sflag:s29], $0x1  }
0xb5: {  	[sflag:s29] =	ssyncadd.s32 $0xFFFFFFFF  }
0xb6: {  	_ =	strace $0x9000004B  }
0xb7: {  	_ =	sfence  }
0xb8: {  	s30 =	sld [smem:$0x0];
	_ =	sdelay $0x2  }
0xb9: {  	s31 =	sshll.u32 s1, $0xD;
	s1 =	sshrl.u32 s1, $0x2  }
0xba: {  	s3 =	sand.u32 $0x4000, s31;
	s1 =	sadd.s32 s1, s30  }
0xbb: {  	s0 =	sor.u32 s3, s0;
	s1 =	sshll.u32 s1, $0x11  }
0xbc: {  	s0 =	sor.u32 s1, s0  }
0xbd: {  	s0 =	sadd.s32 $0x8F2B, s0  }
0xbe: {  	[sflag:s0] =	ssyncadd.remote.s32 $0x1  }
0xbf: {  	_ =	sfence.sel $0xFFFF  }
0xc0: {  	[dreg:$0x0] =	wrdreg $0xFFFFFFFF;
	(pc) =	sbr.abs _section_cstart, $3  }
0xc1: {  	[dreg:$0x1] =	wrdreg $0xFFFFFFFF  }
0xc2: {  	_ =	task.clear_ibuf [dreg:s7], $0x2FFFF;
	_ =	strace $0x9FFFFFFF  }
0xc3: {  	(tm) =	ssettm $0x7FFFFFFF  }
tec
execute0_lowered:
.L_overlay_start_1:
0x0: {  	(tag) =	ssettag $0x1  }
0x1: {  	s5 =	rddreg [dreg:$0x0]  }
0x2: {  	s9 =	rddreg [dreg:$0x1]  }
0x3: {  	s1 =	rddreg [dreg:$0x2];
	s3 =	simm.s32 $0x0;
	s2 =	srdreg.scid  }
0x4: {  	s16 =	simm.s32 $0x3000;
	s17 =	simm.s32 $0x5;
	s18 =	simm.s32 $0x1800  }
0x5: {  	s19 =	simm.s32 $0x80;
	s20 =	simm.s32 $0x7000;
	s21 =	simm.s32 $0x1  }
0x6: {  	s22 =	simm.s32 $0x2;
	s23 =	simm.s32 $0x3;
	s28 =	simm.s32 $0x2C00  }
0x7: {  	s29 =	simm.s32 $0x0;
	[smem:$0x7FF] =	sst s3;
	s6 =	sand.u32 $0x1, s2  }
0x8: {  	s2 =	stileid.u32;
	s4 =	sadd.s32 $0x5200, s5;
	s7 =	smul.u32 $0x140000, s6  }
0x9: {  	s10 =	sadd.s32 $0x55200, s5;
	_ =	strace $0x8000004A;
	s8 =	smul.u32 $0x14000, s2  }
0xa: {  	s11 =	sshll.u32 s6, $0x4;
	s25 =	smul.u32 $0x50000, s2;
	s6 =	ssub.s32 $0x2, s6  }
0xb: {  	s24 =	sor.u32 s2, s11;
	s26 =	sshrl.u32 s6, $0x1;
	s7 =	sadd.s32 s8, s7  }
0xc: {  	s8 =	smul.u32 $0x3000, s24;
	s30 =	sshrl.u32 s25, $0x2;
	s31 =	ssub.s32 s6, s26  }
0xd: {  	s24 =	simm.s32 $0x4;
	s25 =	simm.s32 $0x2B80;
	s26 =	simm.s32 $0x1400  }
0xe: {  	s7 =	sshrl.u32 s7, $0x3;
	s11 =	smax.u32 s31, $0x1;
	s8 =	sshrl.u32 s8, $0x3  }
0xf: {  	s12 =	sadd.s32 s7, s5;
	s5 =	sadd.s32 s30, s1;
	s6 =	sadd.s32 s10, s8  }
0x10: {  	s7 =	sadd.s32 s9, s8;
	s13 =	sadd.s32 $0x300, s8;
	s14 =	sadd.s32 $0xC000, s5  }
0x11: {  	s15 =	sadd.s32 $0x10000, s5;
	s8 =	sadd.s32 s10, s13;
	s9 =	sadd.s32 s9, s13  }
0x12: {  	v0 =	vimm.f32 $0.0e+00;
	s10 =	sadd.s32 $0x88400, s12;
	s12 =	sadd.s32 $0x4000, s5;
	s13 =	sadd.s32 $0x8000, s5  }
.LBB2_1:
0x13: {  	s30 =	simm.s32 $0x0;
	s31 =	simm.s32 $0x200  }
.LBB2_2:
0x14: {  	p0 =	sne.s32 s31, $0xFE00;
	[tilespmem:s30+$0x3070] =	vst v0  }
0x15: {  	[tilespmem:s30+$0x3000] =	vst v0  }
0x16: {  	[tilespmem:s30+$0x3010] =	vst v0  }
.Ltmp0:
0x17: {  	[tilespmem:s30+$0x3020] =	vst v0;
	(pc) =	sbr.rel @p0 .LBB2_2-.Ltmp0, $4  }
0x18: {  	[tilespmem:s30+$0x3030] =	vst v0  }
0x19: {  	[tilespmem:s30+$0x3040] =	vst v0  }
0x1a: {  	[tilespmem:s30+$0x3050] =	vst v0  }
0x1b: {  	[tilespmem:s30+$0x3060] =	vst v0;
	s30 =	sshra.s32 s31, $0x2;
	s31 =	sadd.s32 $0x200, s31  }
0x1c: {  	[tilespmem:s30+$0x3070] =	vst v0  }
0x1d: {  	[tilespmem:s30+$0x3000] =	vst v0  }
0x1e: {  	[tilespmem:s30+$0x3010] =	vst v0  }
0x1f: {  	[tilespmem:s30+$0x3020] =	vst v0  }
0x20: {  	[tilespmem:s30+$0x3030] =	vst v0  }
0x21: {  	[tilespmem:s30+$0x3040] =	vst v0  }
0x22: {  	[tilespmem:s30+$0x3050] =	vst v0  }
0x23: {  	[tilespmem:s30+$0x3060] =	vst v0  }
0x24: {  	[spmem:s5] =	stream.linear.scatter [tilespmem:s16], [sflag:$0x5], $0x4000, $0x38;
	[tilespmem:$0x1F000] =	vst v63  }
0x25: {  	_ =	swait.ge [sflag:s17], $0x4000  }
0x26: {  	[sflag:s17] =	ssyncset.done $0x0  }
0x27: {  	[sflag:s17] =	ssyncadd.s32 $0xFFFFC000  }
0x28: {  	[spmem:s12] =	stream.linear.scatter [tilespmem:s16], [sflag:$0x5], $0x4000, $0x38;
	[tilespmem:$0x1F000] =	vst v63  }
0x29: {  	_ =	swait.ge [sflag:s17], $0x4000  }
0x2a: {  	[sflag:s17] =	ssyncset.done $0x0  }
0x2b: {  	[sflag:s17] =	ssyncadd.s32 $0xFFFFC000  }
0x2c: {  	[spmem:s13] =	stream.linear.scatter [tilespmem:s16], [sflag:$0x5], $0x4000, $0x38;
	[tilespmem:$0x1F000] =	vst v63  }
0x2d: {  	_ =	swait.ge [sflag:s17], $0x4000  }
0x2e: {  	[sflag:s17] =	ssyncset.done $0x0  }
0x2f: {  	[sflag:s17] =	ssyncadd.s32 $0xFFFFC000  }
0x30: {  	[spmem:s14] =	stream.linear.scatter [tilespmem:s16], [sflag:$0x5], $0x4000, $0x38;
	[tilespmem:$0x1F000] =	vst v63  }
0x31: {  	_ =	swait.ge [sflag:s17], $0x4000  }
0x32: {  	[sflag:s17] =	ssyncset.done $0x0  }
0x33: {  	[sflag:s17] =	ssyncadd.s32 $0xFFFFC000  }
0x34: {  	[spmem:s15] =	stream.linear.scatter [tilespmem:s16], [sflag:$0x5], $0x4000, $0x38;
	[tilespmem:$0x1F000] =	vst v63  }
0x35: {  	_ =	swait.ge [sflag:s17], $0x4000  }
0x36: {  	[sflag:s17] =	ssyncset.done $0x0  }
0x37: {  	[sflag:s17] =	ssyncadd.s32 $0xFFFFC000  }
0x38: {  	[bflag:$0x0] =	sbarrier.arrive $0xFFFF  }
0x39: {  	[tilespmem:s3], [sflag:$0x5] =	stream.linear.gather [hbm4b:s6+s3], $0x1480, $0x38;
	[tilespmem:$0x1F000] =	vst v63  }
0x3a: {  	_ =	swait.ge [sflag:s17], $0x1480  }
0x3b: {  	[sflag:s17] =	ssyncset.done $0x0  }
0x3c: {  	[sflag:s17] =	ssyncadd.s32 $0xFFFFEB80  }
0x3d: {  	[tilespmem:s18], [sflag:$0x5] =	stream.linear.gather [hbm4b:s7+s3], $0x1480, $0x38;
	[tilespmem:$0x1F000] =	vst v63  }
0x3e: {  	_ =	swait.ge [sflag:s17], $0x1480  }
0x3f: {  	[sflag:s17] =	ssyncset.done $0x0  }
0x40: {  	[sflag:s17] =	ssyncadd.s32 $0xFFFFEB80  }
0x41: {  	[tilespmem:s16], [sflag:$0x1] =	stream.indirect.gather [hbm4b:s4+s19], $0x80, s3, s19, $0xb8;
	[tilespmem:$0x1F000] =	vst v63  }
0x42: {  	_ = 	snop  }
0x43: {  	[tilespmem:s20], [sflag:$0x2] =	stream.indirect.gather [hbm4b:s4+s19], $0x80, s19, s19, $0xb8;
	[tilespmem:$0x1F000] =	vst v63  }
0x44: {  	_ =	swait.ge [sflag:s21], $0x4000  }
0x45: {  	[sflag:s21] =	ssyncset.done $0x0  }
0x46: {  	[sflag:s21] =	ssyncadd.s32 $0xFFFFC000  }
0x47: {  	[spmem:s1] =	stream.indirect.scatter.add.f32 [tilespmem:s16], [sflag:$0x3], $0x80, s18, s19, $0xb8;
	[tilespmem:$0x1F000] =	vst v63  }
0x48: {  	_ =	swait.ge [sflag:s22], $0x4000  }
0x49: {  	[sflag:s22] =	ssyncset.done $0x0  }
0x4a: {  	s30 =	simm.s32 $0x1880;
	[sflag:s22] =	ssyncadd.s32 $0xFFFFC000  }
0x4b: {  	[spmem:s1] =	stream.indirect.scatter.add.f32 [tilespmem:s20], [sflag:$0x4], $0x80, s30, s19, $0xb8;
	[tilespmem:$0x1F000] =	vst v63  }
0x4c: {  	_ =	swait.ge [sflag:s23], $0x4000  }
0x4d: {  	[sflag:s23] =	ssyncset.done $0x0  }
0x4e: {  	s30 =	simm.s32 $0x100;
	[sflag:s23] =	ssyncadd.s32 $0xFFFFC000  }
0x4f: {  	[tilespmem:s16], [sflag:$0x1] =	stream.indirect.gather [hbm4b:s4+s19], $0x80, s30, s19, $0xb8;
	[tilespmem:$0x1F000] =	vst v63  }
0x50: {  	_ =	swait.ge [sflag:s21], $0x4000  }
0x51: {  	[sflag:s21] =	ssyncset.done $0x0  }
0x52: {  	s30 =	simm.s32 $0x1900;
	[sflag:s21] =	ssyncadd.s32 $0xFFFFC000  }
0x53: {  	[spmem:s1] =	stream.indirect.scatter.add.f32 [tilespmem:s16], [sflag:$0x3], $0x80, s30, s19, $0xb8;
	[tilespmem:$0x1F000] =	vst v63  }
0x54: {  	_ =	swait.ge [sflag:s24], $0x4000  }
0x55: {  	[sflag:s24] =	ssyncset.done $0x0  }
0x56: {  	s31 =	simm.s32 $0x180;
	s30 =	simm.s32 $0xFFFFB800;
	[sflag:s24] =	ssyncadd.s32 $0xFFFFC000  }
.LBB2_4:
0x57: {  	[tilespmem:s20], [sflag:$0x2] =	stream.indirect.gather [hbm4b:s4+s19], $0x80, s31, s19, $0xb8;
	[tilespmem:$0x1F000] =	vst v63  }
0x58: {  	s31 =	smov.u32 s30  }
0x59: {  	p0 =	sne.s32 s30, $0xFFFFFC00;
	s30 =	sadd.s32 $0x400, s30;
	_ =	swait.ge [sflag:s22], $0x4000  }
0x5a: {  	s31 =	sshra.s32 s31, $0x2;
	[sflag:s22] =	ssyncset.done $0x0  }
0x5b: {  	s0 =	sadd.s32 $0x2B80, s31;
	[sflag:s22] =	ssyncadd.s32 $0xFFFFC000  }
0x5c: {  	[spmem:s1] =	stream.indirect.scatter.add.f32 [tilespmem:s20], [sflag:$0x4], $0x80, s0, s19, $0xb8;
	[tilespmem:$0x1F000] =	vst v63  }
0x5d: {  	_ =	swait.ge [sflag:s23], $0x4000  }
0x5e: {  	[sflag:s23] =	ssyncset.done $0x0  }
0x5f: {  	s0 =	sadd.s32 $0x1400, s31;
	[sflag:s23] =	ssyncadd.s32 $0xFFFFC000  }
0x60: {  	[tilespmem:s16], [sflag:$0x1] =	stream.indirect.gather [hbm4b:s4+s19], $0x80, s0, s19, $0xb8;
	[tilespmem:$0x1F000] =	vst v63  }
0x61: {  	_ =	swait.ge [sflag:s21], $0x4000  }
0x62: {  	[sflag:s21] =	ssyncset.done $0x0  }
.Ltmp1:
0x63: {  	s0 =	sadd.s32 $0x2C00, s31;
	[sflag:s21] =	ssyncadd.s32 $0xFFFFC000;
	(pc) =	sbr.rel @p0 .LBB2_4-.Ltmp1, $4  }
0x64: {  	[spmem:s1] =	stream.indirect.scatter.add.f32 [tilespmem:s16], [sflag:$0x3], $0x80, s0, s19, $0xb8;
	[tilespmem:$0x1F000] =	vst v63  }
0x65: {  	_ =	swait.ge [sflag:s24], $0x4000  }
0x66: {  	[sflag:s24] =	ssyncset.done $0x0  }
0x67: {  	s31 =	sadd.s32 $0x1480, s31;
	[sflag:s24] =	ssyncadd.s32 $0xFFFFC000  }
0x68: {  	[tilespmem:s20], [sflag:$0x2] =	stream.indirect.gather [hbm4b:s4+s19], $0x80, s31, s19, $0xb8;
	[tilespmem:$0x1F000] =	vst v63  }
0x69: {  	_ =	swait.ge [sflag:s22], $0x4000  }
0x6a: {  	[sflag:s22] =	ssyncset.done $0x0  }
0x6b: {  	[sflag:s22] =	ssyncadd.s32 $0xFFFFC000  }
0x6c: {  	[spmem:s1] =	stream.indirect.scatter.add.f32 [tilespmem:s20], [sflag:$0x4], $0x80, s25, s19, $0xb8;
	[tilespmem:$0x1F000] =	vst v63  }
0x6d: {  	_ =	swait.ge [sflag:s23], $0x4000  }
0x6e: {  	[sflag:s23] =	ssyncset.done $0x0  }
0x6f: {  	[sflag:s23] =	ssyncadd.s32 $0xFFFFC000  }
0x70: {  	[tilespmem:s16], [sflag:$0x1] =	stream.indirect.gather [hbm4b:s4+s19], $0x80, s26, s19, $0xb8;
	[tilespmem:$0x1F000] =	vst v63  }
0x71: {  	_ =	swait.ge [sflag:s21], $0x4000  }
0x72: {  	[sflag:s21] =	ssyncset.done $0x0  }
0x73: {  	[sflag:s21] =	ssyncadd.s32 $0xFFFFC000  }
0x74: {  	[spmem:s1] =	stream.indirect.scatter.add.f32 [tilespmem:s16], [sflag:$0x3], $0x80, s28, s19, $0xb8;
	[tilespmem:$0x1F000] =	vst v63  }
0x75: {  	_ =	swait.ge [sflag:s24], $0x4000  }
0x76: {  	[sflag:s24] =	ssyncset.done $0x0  }
0x77: {  	[sflag:s24] =	ssyncadd.s32 $0xFFFFC000  }
0x78: {  	_ =	swait.ge [sflag:s23], $0x4000  }
0x79: {  	[sflag:s23] =	ssyncset.done $0x0  }
0x7a: {  	[sflag:s23] =	ssyncadd.s32 $0xFFFFC000  }
0x7b: {  	[tilespmem:s3], [sflag:$0x5] =	stream.linear.gather [hbm4b:s8+s3], $0x1480, $0x38;
	[tilespmem:$0x1F000] =	vst v63  }
0x7c: {  	_ =	swait.ge [sflag:s17], $0x1480  }
0x7d: {  	[sflag:s17] =	ssyncset.done $0x0  }
0x7e: {  	[sflag:s17] =	ssyncadd.s32 $0xFFFFEB80  }
0x7f: {  	[tilespmem:s18], [sflag:$0x5] =	stream.linear.gather [hbm4b:s9+s3], $0x1480, $0x38;
	[tilespmem:$0x1F000] =	vst v63  }
0x80: {  	_ =	swait.ge [sflag:s17], $0x1480  }
0x81: {  	[sflag:s17] =	ssyncset.done $0x0  }
0x82: {  	[sflag:s17] =	ssyncadd.s32 $0xFFFFEB80  }
0x83: {  	[tilespmem:s16], [sflag:$0x1] =	stream.indirect.gather [hbm4b:s4+s19], $0x80, s3, s19, $0xb8;
	[tilespmem:$0x1F000] =	vst v63  }
0x84: {  	_ = 	snop  }
0x85: {  	[tilespmem:s20], [sflag:$0x2] =	stream.indirect.gather [hbm4b:s4+s19], $0x80, s19, s19, $0xb8;
	[tilespmem:$0x1F000] =	vst v63  }
0x86: {  	_ =	swait.ge [sflag:s21], $0x4000  }
0x87: {  	[sflag:s21] =	ssyncset.done $0x0  }
0x88: {  	[sflag:s21] =	ssyncadd.s32 $0xFFFFC000  }
0x89: {  	[spmem:s1] =	stream.indirect.scatter.add.f32 [tilespmem:s16], [sflag:$0x3], $0x80, s18, s19, $0xb8;
	[tilespmem:$0x1F000] =	vst v63  }
0x8a: {  	_ =	swait.ge [sflag:s22], $0x4000  }
0x8b: {  	[sflag:s22] =	ssyncset.done $0x0  }
0x8c: {  	s0 =	simm.s32 $0x1880;
	[sflag:s22] =	ssyncadd.s32 $0xFFFFC000  }
0x8d: {  	[spmem:s1] =	stream.indirect.scatter.add.f32 [tilespmem:s20], [sflag:$0x4], $0x80, s0, s19, $0xb8;
	[tilespmem:$0x1F000] =	vst v63  }
0x8e: {  	_ =	swait.ge [sflag:s23], $0x4000  }
0x8f: {  	[sflag:s23] =	ssyncset.done $0x0  }
0x90: {  	s0 =	simm.s32 $0x100;
	[sflag:s23] =	ssyncadd.s32 $0xFFFFC000  }
0x91: {  	[tilespmem:s16], [sflag:$0x1] =	stream.indirect.gather [hbm4b:s4+s19], $0x80, s0, s19, $0xb8;
	[tilespmem:$0x1F000] =	vst v63  }
0x92: {  	_ =	swait.ge [sflag:s21], $0x4000  }
0x93: {  	[sflag:s21] =	ssyncset.done $0x0  }
0x94: {  	s0 =	simm.s32 $0x1900;
	[sflag:s21] =	ssyncadd.s32 $0xFFFFC000  }
0x95: {  	[spmem:s1] =	stream.indirect.scatter.add.f32 [tilespmem:s16], [sflag:$0x3], $0x80, s0, s19, $0xb8;
	[tilespmem:$0x1F000] =	vst v63  }
0x96: {  	_ =	swait.ge [sflag:s24], $0x4000  }
0x97: {  	[sflag:s24] =	ssyncset.done $0x0  }
0x98: {  	s30 =	simm.s32 $0xFFFFB800;
	s31 =	simm.s32 $0x180;
	[sflag:s24] =	ssyncadd.s32 $0xFFFFC000  }
.LBB2_6:
0x99: {  	[tilespmem:s20], [sflag:$0x2] =	stream.indirect.gather [hbm4b:s4+s19], $0x80, s31, s19, $0xb8;
	[tilespmem:$0x1F000] =	vst v63  }
0x9a: {  	s0 =	smov.u32 s30  }
0x9b: {  	p0 =	sne.s32 s30, $0xFFFFFC00;
	s30 =	sadd.s32 $0x400, s30;
	_ =	swait.ge [sflag:s22], $0x4000  }
0x9c: {  	s0 =	sshra.s32 s0, $0x2;
	[sflag:s22] =	ssyncset.done $0x0  }
0x9d: {  	s31 =	sadd.s32 $0x2B80, s0;
	[sflag:s22] =	ssyncadd.s32 $0xFFFFC000  }
0x9e: {  	[spmem:s1] =	stream.indirect.scatter.add.f32 [tilespmem:s20], [sflag:$0x4], $0x80, s31, s19, $0xb8;
	[tilespmem:$0x1F000] =	vst v63  }
0x9f: {  	_ =	swait.ge [sflag:s23], $0x4000  }
0xa0: {  	[sflag:s23] =	ssyncset.done $0x0  }
0xa1: {  	s31 =	sadd.s32 $0x1400, s0;
	[sflag:s23] =	ssyncadd.s32 $0xFFFFC000  }
0xa2: {  	[tilespmem:s16], [sflag:$0x1] =	stream.indirect.gather [hbm4b:s4+s19], $0x80, s31, s19, $0xb8;
	[tilespmem:$0x1F000] =	vst v63  }
0xa3: {  	_ =	swait.ge [sflag:s21], $0x4000  }
0xa4: {  	[sflag:s21] =	ssyncset.done $0x0  }
.Ltmp2:
0xa5: {  	s31 =	sadd.s32 $0x2C00, s0;
	[sflag:s21] =	ssyncadd.s32 $0xFFFFC000;
	(pc) =	sbr.rel @p0 .LBB2_6-.Ltmp2, $4  }
0xa6: {  	[spmem:s1] =	stream.indirect.scatter.add.f32 [tilespmem:s16], [sflag:$0x3], $0x80, s31, s19, $0xb8;
	[tilespmem:$0x1F000] =	vst v63  }
0xa7: {  	_ =	swait.ge [sflag:s24], $0x4000  }
0xa8: {  	[sflag:s24] =	ssyncset.done $0x0  }
0xa9: {  	s31 =	sadd.s32 $0x1480, s0;
	[sflag:s24] =	ssyncadd.s32 $0xFFFFC000  }
0xaa: {  	[tilespmem:s20], [sflag:$0x2] =	stream.indirect.gather [hbm4b:s4+s19], $0x80, s31, s19, $0xb8;
	[tilespmem:$0x1F000] =	vst v63  }
0xab: {  	_ =	swait.ge [sflag:s22], $0x4000  }
0xac: {  	[sflag:s22] =	ssyncset.done $0x0  }
0xad: {  	[sflag:s22] =	ssyncadd.s32 $0xFFFFC000  }
0xae: {  	[spmem:s1] =	stream.indirect.scatter.add.f32 [tilespmem:s20], [sflag:$0x4], $0x80, s25, s19, $0xb8;
	[tilespmem:$0x1F000] =	vst v63  }
0xaf: {  	_ =	swait.ge [sflag:s23], $0x4000  }
0xb0: {  	[sflag:s23] =	ssyncset.done $0x0  }
0xb1: {  	[sflag:s23] =	ssyncadd.s32 $0xFFFFC000  }
0xb2: {  	[tilespmem:s16], [sflag:$0x1] =	stream.indirect.gather [hbm4b:s4+s19], $0x80, s26, s19, $0xb8;
	[tilespmem:$0x1F000] =	vst v63  }
0xb3: {  	_ =	swait.ge [sflag:s21], $0x4000  }
0xb4: {  	[sflag:s21] =	ssyncset.done $0x0  }
0xb5: {  	[sflag:s21] =	ssyncadd.s32 $0xFFFFC000  }
0xb6: {  	[spmem:s1] =	stream.indirect.scatter.add.f32 [tilespmem:s16], [sflag:$0x3], $0x80, s28, s19, $0xb8;
	[tilespmem:$0x1F000] =	vst v63  }
0xb7: {  	_ =	swait.ge [sflag:s24], $0x4000  }
0xb8: {  	[sflag:s24] =	ssyncset.done $0x0  }
0xb9: {  	[sflag:s24] =	ssyncadd.s32 $0xFFFFC000  }
0xba: {  	_ =	swait.ge [sflag:s23], $0x4000  }
0xbb: {  	s0 =	sshll.u32 s2, $0x6;
	s29 =	sadd.s32 $0x1, s29;
	[sflag:s23] =	ssyncset.done $0x0  }
0xbc: {  	s30 =	sshrl.u32 s5, $0x3;
	p0 =	sne.s32 s29, s11;
	[sflag:s23] =	ssyncadd.s32 $0xFFFFC000  }
.Ltmp3:
0xbd: {  	s0 =	sor.u32 $0x1C05, s0;
	[bflag:$0x0] =	sbarrier.arrive $0xFFFF;
	(pc) =	sbr.rel @p0 .LBB2_1-.Ltmp3, $4  }
0xbe: {  	[hbm:s10], [sflag:s0] =	dma.local [spmem:s30], $0x2800  }
0xbf: {  	_ =	swait.ge [sflag:s17], $0x2800  }
0xc0: {  	[sflag:s17] =	ssyncset.done $0x0  }
0xc1: {  	[sflag:s17] =	ssyncadd.s32 $0xFFFFD800  }
0xc2: {  	_ =	sfence.sel $0x180000  }
0xc3: {  	[bflag:$0x0] =	sbarrier.arrive $0xFFFF  }
0xc4: {  	_ =	strace $0x9000004A  }
0xc5: {  	[bflag:$0x2] =	sbarrier.arrive $0xFFFF  }
0xc6: {  	p0 =	sne.s32 s2, $0x0;
	s0 =	rddreg [dreg:$0x3]  }
0xc7: {  	s0 =	sadd.s32 @!p0 $0x100000, s0  }
0xc8: {  	[sflag:s0] =	ssyncadd.tile.s32 @!p0 $0x1;
	_ =	shalt  }
.Lfunc_end2:
_tile_overlayer_lowered:
.L_overlay_start_2:
0xc9: {  	(tag) =	ssettag $0x2  }
0xca: {  	s0 =	rddreg [dreg:$0x0];
	s2 =	stileid.u32  }
0xcb: {  	s1 =	rddreg [dreg:$0x1];
	p0 =	sne.s32 s2, $0x0  }
0xcc: {  	s3 =	rddreg [dreg:$0x2];
	[bflag:$0x3] =	sbarrier.arrive $0xFFFF;
	s2 =	simm.s32 @!p0 $0x1C05  }
0xcd: {  	[timem:s3], [sflag:s2] =	dma.local @!p0 [hbm:s0], s1  }
0xce: {  	s0 =	simm.s32 @!p0 $0x5  }
0xcf: {  	_ =	swait.ge @!p0 [sflag:s0], s1  }
0xd0: {  	s1 =	ssub.s32 @!p0 $0x0, s1;
	[sflag:s0] =	ssyncset.done @!p0 $0x0  }
0xd1: {  	[sflag:s0] =	ssyncadd.s32 @!p0 s1  }
0xd2: {  	[bflag:$0x3] =	sbarrier.arrive $0xFFFF  }
0xd3: {  	_ =	shalt  }

// kernel: kernel.17.cloned.1.call-start
scs
__scs_entry_jumppad:
0x0: {  	(pc) =	sbr.rel $0x88, $3  }
0x1: {  	(tag) =	ssettag $0x0;
	lr =	simm.s32 $0x1  }
0x2: {  	[smem:$0x3F99] =	sst lr;
	_ =	strace $0xD0000000  }
0x3: {  	_ = 	snop  }
0x4: {  	_ = 	snop  }
0x5: {  	_ = 	snop  }
0x6: {  	_ = 	snop  }
0x7: {  	_ = 	snop  }
__scs_overlays_trampoline_lowered:
0x8: {  	[smem:$0x3FA8] =	sst s0  }
0x9: {  	[smem:$0x3FA9] =	sst s1  }
0xa: {  	[smem:$0x3FAA] =	sst s2  }
0xb: {  	[smem:$0x3FAB] =	sst s3  }
0xc: {  	[smem:$0x3FAC] =	sst s4  }
0xd: {  	[smem:$0x3FAD] =	sst s5  }
0xe: {  	[smem:$0x3FAE] =	sst s6  }
0xf: {  	[smem:$0x3FAF] =	sst s7  }
0x10: {  	[smem:$0x3FB0] =	sst s8  }
0x11: {  	[smem:$0x3FB1] =	sst s9;
	s0 =	simm.s32 @!p0 $0x0  }
0x12: {  	s1 =	sld [smem:$0x3F97];
	s0 =	simm.s32 @p0 $0x1  }
0x13: {  	[smem:$0x3FB2] =	sst s0;
	s0 =	simm.s32 @!p1 $0x0  }
0x14: {  	s2 =	sld [smem:$0x3F96];
	s0 =	simm.s32 @p1 $0x1  }
0x15: {  	[smem:$0x3FB3] =	sst s0;
	s0 =	simm.s32 @!p2 $0x0  }
0x16: {  	s3 =	sld [smem:$0x3FDB];
	s0 =	simm.s32 @p2 $0x1  }
0x17: {  	s4 =	simm.s32 $0x1BF5;
	[smem:$0x3FB5] =	sst s0  }
0x18: {  	s0 =	sld [smem:$0x3F98];
	_ =	swait.ge [sflag:s4], $0x0  }
0x19: {  	s7 =	sld [smem:$0x3F99]  }
0x1a: {  	s8 =	sadd.s32 $0xFFFFE003, lr  }
0x1b: {  	s9 =	sadd.s32 $0xFFFFFEF7, lr;
	s5 =	simm.s32 $0xFFFFFFFF;
	p2 =	slt.u32 s8, $0xFFFFF086  }
0x1c: {  	p1 =	slt.u32 s9, $0xF7A;
	s5 =	simm.s32 @!p2 $0x0  }
0x1d: {  	s5 =	simm.s32 @p1 $0x1;
	p0 =	seq.s32 s7, s2  }
0x1e: {  	s7 =	smul.u32 @!p0 $0xF7A, s2;
	p2 =	seq.s32 @!p0 s5, $0x0  }
0x1f: {  	s9 =	smul.u32 $0xF7A, s1;
	s8 =	simm.s32 @!p0 $0x1BF5;
	p2 =	por !p2, p0  }
0x20: {  	[sflag:s8] =	ssyncset.s32 @!p0 $0xFFFFF086;
	s6 =	sadd.s32 @!p0 s3, s7;
	s7 =	simm.s32 @!p0 $0x108  }
0x21: {  	s3 =	sadd.s32 s3, s9;
	s6 =	sadd.s32 @!p0 $0x88, s6;
	s7 =	simm.s32 @p2 $0x1082  }
0x22: {  	[simem:s7], [sflag:s8] =	dma.local @!p0 [hbm:s6], $0xF7A  }
0x23: {  	s9 =	sor.u32 $0xD0000000, s2;
	s6 =	simm.s32 $0x108;
	_ =	swait.ge @!p0 [sflag:s8], $0x0  }
0x24: {  	s3 =	sadd.s32 $0x88, s3;
	s6 =	simm.s32 @!p1 $0x1082;
	[sflag:s4] =	ssyncset.s32 $0xFFFFF086  }
0x25: {  	[simem:s6], [sflag:s4] =	dma.local [hbm:s3], $0xF7A  }
0x26: {  	[smem:$0x3F99] =	sst s1;
	(tag) =	ssettag s2;
	_ =	strace s9  }
0x27: {  	s1 =	sld [smem:$0x3FA9]  }
0x28: {  	s2 =	sld [smem:$0x3FAA]  }
0x29: {  	s4 =	sld [smem:$0x3FAC]  }
0x2a: {  	p0 =	seq.s32 s5, $0x0;
	s5 =	sld [smem:$0x3FAD]  }
0x2b: {  	s6 =	sld [smem:$0x3FAE]  }
0x2c: {  	s7 =	sld [smem:$0x3FAF]  }
0x2d: {  	s3 =	simm.s32 $0x108;
	s8 =	sld [smem:$0x3FB0]  }
0x2e: {  	s3 =	simm.s32 @!p0 $0x1082;
	s9 =	sld [smem:$0x3FB1]  }
0x2f: {  	lr =	sadd.s32 s0, s3;
	s0 =	sld [smem:$0x3FA8]  }
0x30: {  	s3 =	sld [smem:$0x3FAB]  }
0x31: {  	[smem:$0x3FB4] =	sst s10  }
0x32: {  	s10 =	sld [smem:$0x3FB2];
	_ =	sdelay $0x3  }
0x33: {  	p0 =	seq.s32 s10, $0x1;
	s10 =	sld [smem:$0x3FB4];
	_ =	sdelay $0x3  }
0x34: {  	[smem:$0x3FB4] =	sst s10  }
0x35: {  	s10 =	sld [smem:$0x3FB3];
	_ =	sdelay $0x3  }
0x36: {  	p1 =	seq.s32 s10, $0x1;
	s10 =	sld [smem:$0x3FB4];
	_ =	sdelay $0x3  }
0x37: {  	[smem:$0x3FB4] =	sst s10  }
0x38: {  	s10 =	sld [smem:$0x3FB5]  }
0x39: {  	_ = 	snop;
	(pc) =	sbr.ind lr, $3  }
0x3a: {  	_ = 	snop  }
0x3b: {  	_ = 	snop  }
0x3c: {  	p2 =	seq.s32 s10, $0x1;
	s10 =	sld [smem:$0x3FB4]  }
0x3d: {  	_ =	shalt  }
0x3e: {  	_ =	shalt  }
0x3f: {  	_ =	shalt  }
0x40: {  	_ =	shalt  }
0x41: {  	_ =	shalt  }
0x42: {  	_ =	shalt  }
0x43: {  	_ =	shalt  }
0x44: {  	_ =	shalt  }
0x45: {  	_ =	shalt  }
0x46: {  	_ =	shalt  }
0x47: {  	_ =	shalt  }
0x48: {  	_ =	shalt  }
0x49: {  	_ =	shalt  }
0x4a: {  	_ =	shalt  }
0x4b: {  	_ =	shalt  }
0x4c: {  	_ =	shalt  }
0x4d: {  	_ =	shalt  }
0x4e: {  	_ =	shalt  }
0x4f: {  	_ =	shalt  }
0x50: {  	_ =	shalt  }
0x51: {  	_ =	shalt  }
0x52: {  	_ =	shalt  }
0x53: {  	_ =	shalt  }
0x54: {  	_ =	shalt  }
0x55: {  	_ =	shalt  }
0x56: {  	_ =	shalt  }
0x57: {  	_ =	shalt  }
0x58: {  	_ =	shalt  }
0x59: {  	_ =	shalt  }
0x5a: {  	_ =	shalt  }
0x5b: {  	_ =	shalt  }
0x5c: {  	_ =	shalt  }
0x5d: {  	_ =	shalt  }
0x5e: {  	_ =	shalt  }
0x5f: {  	_ =	shalt  }
0x60: {  	_ =	shalt  }
0x61: {  	_ =	shalt  }
0x62: {  	_ =	shalt  }
0x63: {  	_ =	shalt  }
0x64: {  	_ =	shalt  }
0x65: {  	_ =	shalt  }
0x66: {  	_ =	shalt  }
0x67: {  	_ =	shalt  }
0x68: {  	_ =	shalt  }
0x69: {  	_ =	shalt  }
0x6a: {  	_ =	shalt  }
0x6b: {  	_ =	shalt  }
0x6c: {  	_ =	shalt  }
0x6d: {  	_ =	shalt  }
0x6e: {  	_ =	shalt  }
0x6f: {  	_ =	shalt  }
0x70: {  	_ =	shalt  }
0x71: {  	_ =	shalt  }
0x72: {  	_ =	shalt  }
0x73: {  	_ =	shalt  }
0x74: {  	_ =	shalt  }
0x75: {  	_ =	shalt  }
0x76: {  	_ =	shalt  }
0x77: {  	_ =	shalt  }
0x78: {  	_ =	shalt  }
0x79: {  	_ =	shalt  }
0x7a: {  	_ =	shalt  }
0x7b: {  	_ =	shalt  }
0x7c: {  	_ =	shalt  }
0x7d: {  	_ =	shalt  }
0x7e: {  	_ =	shalt  }
0x7f: {  	_ =	shalt  }
0x80: {  	_ =	shalt  }
0x81: {  	_ =	shalt  }
0x82: {  	_ =	shalt  }
0x83: {  	_ =	shalt  }
0x84: {  	_ =	shalt  }
0x85: {  	_ =	shalt  }
0x86: {  	_ =	shalt  }
0x87: {  	_ =	shalt  }
.Lfunc_end0:
.L_simem_size_0:
called_computation.2_lowered:
.L_overlay_start_0:
0x88: {  	s2 =	sld [smem:$0x3FD9]  }
0x89: {  	s3 =	sld [smem:$0x3FFE];
	_ =	sdelay $0x1  }
0x8a: {  	s1 =	srdreg.scid  }
0x8b: {  	s0 =	sand.u32 $0x1, s1  }
0x8c: {  	s17 =	sshll.u32 s0, $0xA;
	s2 =	sadd.s32 s3, s2  }
0x8d: {  	s2 =	sadd.s32 s2, s17  }
0x8e: {  	[smem:$0x3FC0] =	sst s2  }
0x8f: {  	_ = 	snop  }
0x90: {  	s2 =	sld [smem:$0x3FD0];
	(tm) =	ssettm $0x1  }
0x91: {  	s18 =	sld [smem:$0x3FFB];
	_ =	sdelay $0x3  }
0x92: {  	_ =	strace s18  }
0x93: {  	s3 =	sld [smem:$0x3FFC];
	_ =	sdelay $0x3  }
0x94: {  	_ =	strace s3  }
0x95: {  	s3 =	sld [smem:$0x3FFD];
	_ =	sdelay $0x3  }
0x96: {  	_ =	strace s3  }
0x97: {  	_ =	strace $0x8FFFFFFF  }
0x98: {  	s19 =	sld [smem:$0x3FDB];
	_ =	sdelay $0x1  }
0x99: {  	s4 =	simm.s32 $_scs_section_size  }
0x9a: {  	s5 =	simm.s32 $_size__tile_overlayer_lowered;
	s6 =	simm.s32 $_tile_overlayer_lowered  }
0x9b: {  	s22 =	simm.s32 $0x1BFF;
	s21 =	sshll.u32 s6, $0x1;
	s3 =	sadd.s32 s4, s19  }
0x9c: {  	s7 =	simm.s32 $0x0;
	s20 =	sshll.u32 s5, $0x1;
	s5 =	sadd.s32 s21, s3  }
0x9d: {  	[timem:s7], [sflag:s22] =	dma.local [hbm:s5], s20  }
0x9e: {  	_ =	swait.ge [sflag:s22], s20  }
0x9f: {  	s4 =	ssub.s32 $0x0, s20;
	[sflag:s22] =	ssyncset.done $0x0  }
0xa0: {  	[sflag:s22] =	ssyncadd.s32 s4;
	_ =	sdelay $0x1  }
0xa1: {  	s23 =	simm.s32 $0x1B8B  }
0xa2: {  	_ =	swait.ge [sflag:s23], $0x1  }
0xa3: {  	[sflag:s23] =	ssyncset.done $0x0  }
0xa4: {  	s25 =	simm.s32 $0x1B8E;
	s24 =	sld [smem:$0x3FFE];
	[sflag:s23] =	ssyncadd.s32 $0xFFFFFFFF  }
0xa5: {  	s26 =	simm.s32 $execute0_lowered;
	[smem:$0x3FD2] =	sst s25  }
0xa6: {  	s5 =	sshll.u32 s26, $0x1;
	_ =	strace $0x8000004C;
	[dreg:$0x1] =	wrdreg $0xFFFFFFFF  }
0xa7: {  	s28 =	simm.s32 $_size_execute0_lowered;
	s3 =	sadd.s32 s3, s5;
	[dreg:$0x0] =	wrdreg $0x0  }
0xa8: {  	s5 =	sshll.u32 s28, $0x1;
	[dreg:$0x2] =	wrdreg s3  }
0xa9: {  	[dreg:$0x3] =	wrdreg s5  }
0xaa: {  	[dreg:$0x4] =	wrdreg $0xC0  }
0xab: {  	_ =	task [dreg:s7], $0x5FFFF  }
0xac: {  	[dreg:$0x1] =	wrdreg $0xFFFFFFFF  }
0xad: {  	[dreg:$0x0] =	wrdreg $0x60  }
0xae: {  	[dreg:$0x2] =	wrdreg s24  }
0xaf: {  	[dreg:$0x3] =	wrdreg s2  }
0xb0: {  	[dreg:$0x4] =	wrdreg $0xB0000  }
0xb1: {  	[dreg:$0x5] =	wrdreg $0x9  }
0xb2: {  	_ =	task.clear_ibuf [dreg:s7], $0x6FFFF;
	_ =	strace $0x9000004C  }
0xb3: {  	s29 =	simm.s32 $0x9;
	_ =	strace $0x8000004E  }
0xb4: {  	_ =	swait.ge [sflag:s29], $0x1  }
0xb5: {  	[sflag:s29] =	ssyncadd.s32 $0xFFFFFFFF  }
0xb6: {  	_ =	strace $0x9000004E  }
0xb7: {  	_ =	sfence  }
0xb8: {  	s30 =	sld [smem:$0x0];
	_ =	sdelay $0x2  }
0xb9: {  	s31 =	sshll.u32 s1, $0xD;
	s1 =	sshrl.u32 s1, $0x2  }
0xba: {  	s3 =	sand.u32 $0x4000, s31;
	s1 =	sadd.s32 s1, s30  }
0xbb: {  	s0 =	sor.u32 s3, s0;
	s1 =	sshll.u32 s1, $0x11  }
0xbc: {  	s0 =	sor.u32 s1, s0  }
0xbd: {  	s0 =	sadd.s32 $0x8F2B, s0  }
0xbe: {  	[sflag:s0] =	ssyncadd.remote.s32 $0x1  }
0xbf: {  	_ =	sfence.sel $0xFFFF  }
0xc0: {  	[dreg:$0x0] =	wrdreg $0xFFFFFFFF;
	(pc) =	sbr.abs _section_cstart, $3  }
0xc1: {  	[dreg:$0x1] =	wrdreg $0xFFFFFFFF  }
0xc2: {  	_ =	task.clear_ibuf [dreg:s7], $0x2FFFF;
	_ =	strace $0x9FFFFFFF  }
0xc3: {  	(tm) =	ssettm $0x7FFFFFFF  }
tec
execute0_lowered:
.L_overlay_start_1:
0x0: {  	(tag) =	ssettag $0x1  }
0x1: {  	s5 =	rddreg [dreg:$0x0]  }
0x2: {  	s9 =	rddreg [dreg:$0x1]  }
0x3: {  	s1 =	rddreg [dreg:$0x2];
	s3 =	simm.s32 $0x0;
	s2 =	srdreg.scid  }
0x4: {  	s16 =	simm.s32 $0x3000;
	s17 =	simm.s32 $0x5;
	s18 =	simm.s32 $0x1800  }
0x5: {  	s19 =	simm.s32 $0x80;
	s20 =	simm.s32 $0x7000;
	s21 =	simm.s32 $0x1  }
0x6: {  	s22 =	simm.s32 $0x2;
	s23 =	simm.s32 $0x3;
	s28 =	simm.s32 $0x2C00  }
0x7: {  	s29 =	simm.s32 $0x0;
	[smem:$0x7FF] =	sst s3;
	s6 =	sand.u32 $0x1, s2  }
0x8: {  	s2 =	stileid.u32;
	s4 =	sadd.s32 $0x5200, s5;
	s7 =	smul.u32 $0x140000, s6  }
0x9: {  	s10 =	sadd.s32 $0x55200, s5;
	_ =	strace $0x8000004D;
	s8 =	smul.u32 $0x14000, s2  }
0xa: {  	s11 =	sshll.u32 s6, $0x4;
	s25 =	smul.u32 $0x50000, s2;
	s6 =	ssub.s32 $0x2, s6  }
0xb: {  	s24 =	sor.u32 s2, s11;
	s26 =	sshrl.u32 s6, $0x1;
	s7 =	sadd.s32 s8, s7  }
0xc: {  	s8 =	smul.u32 $0x3000, s24;
	s30 =	sshrl.u32 s25, $0x2;
	s31 =	ssub.s32 s6, s26  }
0xd: {  	s24 =	simm.s32 $0x4;
	s25 =	simm.s32 $0x2B80;
	s26 =	simm.s32 $0x1400  }
0xe: {  	s7 =	sshrl.u32 s7, $0x3;
	s11 =	smax.u32 s31, $0x1;
	s8 =	sshrl.u32 s8, $0x3  }
0xf: {  	s12 =	sadd.s32 s7, s5;
	s5 =	sadd.s32 s30, s1;
	s6 =	sadd.s32 s10, s8  }
0x10: {  	s7 =	sadd.s32 s9, s8;
	s13 =	sadd.s32 $0x300, s8;
	s14 =	sadd.s32 $0xC000, s5  }
0x11: {  	s15 =	sadd.s32 $0x10000, s5;
	s8 =	sadd.s32 s10, s13;
	s9 =	sadd.s32 s9, s13  }
0x12: {  	v0 =	vimm.f32 $0.0e+00;
	s10 =	sadd.s32 $0x61200, s12;
	s12 =	sadd.s32 $0x4000, s5;
	s13 =	sadd.s32 $0x8000, s5  }
.LBB2_1:
0x13: {  	s30 =	simm.s32 $0x0;
	s31 =	simm.s32 $0x200  }
.LBB2_2:
0x14: {  	p0 =	sne.s32 s31, $0xFE00;
	[tilespmem:s30+$0x3070] =	vst v0  }
0x15: {  	[tilespmem:s30+$0x3000] =	vst v0  }
0x16: {  	[tilespmem:s30+$0x3010] =	vst v0  }
.Ltmp0:
0x17: {  	[tilespmem:s30+$0x3020] =	vst v0;
	(pc) =	sbr.rel @p0 .LBB2_2-.Ltmp0, $4  }
0x18: {  	[tilespmem:s30+$0x3030] =	vst v0  }
0x19: {  	[tilespmem:s30+$0x3040] =	vst v0  }
0x1a: {  	[tilespmem:s30+$0x3050] =	vst v0  }
0x1b: {  	[tilespmem:s30+$0x3060] =	vst v0;
	s30 =	sshra.s32 s31, $0x2;
	s31 =	sadd.s32 $0x200, s31  }
0x1c: {  	[tilespmem:s30+$0x3070] =	vst v0  }
0x1d: {  	[tilespmem:s30+$0x3000] =	vst v0  }
0x1e: {  	[tilespmem:s30+$0x3010] =	vst v0  }
0x1f: {  	[tilespmem:s30+$0x3020] =	vst v0  }
0x20: {  	[tilespmem:s30+$0x3030] =	vst v0  }
0x21: {  	[tilespmem:s30+$0x3040] =	vst v0  }
0x22: {  	[tilespmem:s30+$0x3050] =	vst v0  }
0x23: {  	[tilespmem:s30+$0x3060] =	vst v0  }
0x24: {  	[spmem:s5] =	stream.linear.scatter [tilespmem:s16], [sflag:$0x5], $0x4000, $0x38;
	[tilespmem:$0x1F000] =	vst v63  }
0x25: {  	_ =	swait.ge [sflag:s17], $0x4000  }
0x26: {  	[sflag:s17] =	ssyncset.done $0x0  }
0x27: {  	[sflag:s17] =	ssyncadd.s32 $0xFFFFC000  }
0x28: {  	[spmem:s12] =	stream.linear.scatter [tilespmem:s16], [sflag:$0x5], $0x4000, $0x38;
	[tilespmem:$0x1F000] =	vst v63  }
0x29: {  	_ =	swait.ge [sflag:s17], $0x4000  }
0x2a: {  	[sflag:s17] =	ssyncset.done $0x0  }
0x2b: {  	[sflag:s17] =	ssyncadd.s32 $0xFFFFC000  }
0x2c: {  	[spmem:s13] =	stream.linear.scatter [tilespmem:s16], [sflag:$0x5], $0x4000, $0x38;
	[tilespmem:$0x1F000] =	vst v63  }
0x2d: {  	_ =	swait.ge [sflag:s17], $0x4000  }
0x2e: {  	[sflag:s17] =	ssyncset.done $0x0  }
0x2f: {  	[sflag:s17] =	ssyncadd.s32 $0xFFFFC000  }
0x30: {  	[spmem:s14] =	stream.linear.scatter [tilespmem:s16], [sflag:$0x5], $0x4000, $0x38;
	[tilespmem:$0x1F000] =	vst v63  }
0x31: {  	_ =	swait.ge [sflag:s17], $0x4000  }
0x32: {  	[sflag:s17] =	ssyncset.done $0x0  }
0x33: {  	[sflag:s17] =	ssyncadd.s32 $0xFFFFC000  }
0x34: {  	[spmem:s15] =	stream.linear.scatter [tilespmem:s16], [sflag:$0x5], $0x4000, $0x38;
	[tilespmem:$0x1F000] =	vst v63  }
0x35: {  	_ =	swait.ge [sflag:s17], $0x4000  }
0x36: {  	[sflag:s17] =	ssyncset.done $0x0  }
0x37: {  	[sflag:s17] =	ssyncadd.s32 $0xFFFFC000  }
0x38: {  	[bflag:$0x0] =	sbarrier.arrive $0xFFFF  }
0x39: {  	[tilespmem:s3], [sflag:$0x5] =	stream.linear.gather [hbm4b:s6+s3], $0x1480, $0x38;
	[tilespmem:$0x1F000] =	vst v63  }
0x3a: {  	_ =	swait.ge [sflag:s17], $0x1480  }
0x3b: {  	[sflag:s17] =	ssyncset.done $0x0  }
0x3c: {  	[sflag:s17] =	ssyncadd.s32 $0xFFFFEB80  }
0x3d: {  	[tilespmem:s18], [sflag:$0x5] =	stream.linear.gather [hbm4b:s7+s3], $0x1480, $0x38;
	[tilespmem:$0x1F000] =	vst v63  }
0x3e: {  	_ =	swait.ge [sflag:s17], $0x1480  }
0x3f: {  	[sflag:s17] =	ssyncset.done $0x0  }
0x40: {  	[sflag:s17] =	ssyncadd.s32 $0xFFFFEB80  }
0x41: {  	[tilespmem:s16], [sflag:$0x1] =	stream.indirect.gather [hbm4b:s4+s19], $0x80, s3, s19, $0xb8;
	[tilespmem:$0x1F000] =	vst v63  }
0x42: {  	_ = 	snop  }
0x43: {  	[tilespmem:s20], [sflag:$0x2] =	stream.indirect.gather [hbm4b:s4+s19], $0x80, s19, s19, $0xb8;
	[tilespmem:$0x1F000] =	vst v63  }
0x44: {  	_ =	swait.ge [sflag:s21], $0x4000  }
0x45: {  	[sflag:s21] =	ssyncset.done $0x0  }
0x46: {  	[sflag:s21] =	ssyncadd.s32 $0xFFFFC000  }
0x47: {  	[spmem:s1] =	stream.indirect.scatter.add.f32 [tilespmem:s16], [sflag:$0x3], $0x80, s18, s19, $0xb8;
	[tilespmem:$0x1F000] =	vst v63  }
0x48: {  	_ =	swait.ge [sflag:s22], $0x4000  }
0x49: {  	[sflag:s22] =	ssyncset.done $0x0  }
0x4a: {  	s30 =	simm.s32 $0x1880;
	[sflag:s22] =	ssyncadd.s32 $0xFFFFC000  }
0x4b: {  	[spmem:s1] =	stream.indirect.scatter.add.f32 [tilespmem:s20], [sflag:$0x4], $0x80, s30, s19, $0xb8;
	[tilespmem:$0x1F000] =	vst v63  }
0x4c: {  	_ =	swait.ge [sflag:s23], $0x4000  }
0x4d: {  	[sflag:s23] =	ssyncset.done $0x0  }
0x4e: {  	s30 =	simm.s32 $0x100;
	[sflag:s23] =	ssyncadd.s32 $0xFFFFC000  }
0x4f: {  	[tilespmem:s16], [sflag:$0x1] =	stream.indirect.gather [hbm4b:s4+s19], $0x80, s30, s19, $0xb8;
	[tilespmem:$0x1F000] =	vst v63  }
0x50: {  	_ =	swait.ge [sflag:s21], $0x4000  }
0x51: {  	[sflag:s21] =	ssyncset.done $0x0  }
0x52: {  	s30 =	simm.s32 $0x1900;
	[sflag:s21] =	ssyncadd.s32 $0xFFFFC000  }
0x53: {  	[spmem:s1] =	stream.indirect.scatter.add.f32 [tilespmem:s16], [sflag:$0x3], $0x80, s30, s19, $0xb8;
	[tilespmem:$0x1F000] =	vst v63  }
0x54: {  	_ =	swait.ge [sflag:s24], $0x4000  }
0x55: {  	[sflag:s24] =	ssyncset.done $0x0  }
0x56: {  	s31 =	simm.s32 $0x180;
	s30 =	simm.s32 $0xFFFFB800;
	[sflag:s24] =	ssyncadd.s32 $0xFFFFC000  }
.LBB2_4:
0x57: {  	[tilespmem:s20], [sflag:$0x2] =	stream.indirect.gather [hbm4b:s4+s19], $0x80, s31, s19, $0xb8;
	[tilespmem:$0x1F000] =	vst v63  }
0x58: {  	s31 =	smov.u32 s30  }
0x59: {  	p0 =	sne.s32 s30, $0xFFFFFC00;
	s30 =	sadd.s32 $0x400, s30;
	_ =	swait.ge [sflag:s22], $0x4000  }
0x5a: {  	s31 =	sshra.s32 s31, $0x2;
	[sflag:s22] =	ssyncset.done $0x0  }
0x5b: {  	s0 =	sadd.s32 $0x2B80, s31;
	[sflag:s22] =	ssyncadd.s32 $0xFFFFC000  }
0x5c: {  	[spmem:s1] =	stream.indirect.scatter.add.f32 [tilespmem:s20], [sflag:$0x4], $0x80, s0, s19, $0xb8;
	[tilespmem:$0x1F000] =	vst v63  }
0x5d: {  	_ =	swait.ge [sflag:s23], $0x4000  }
0x5e: {  	[sflag:s23] =	ssyncset.done $0x0  }
0x5f: {  	s0 =	sadd.s32 $0x1400, s31;
	[sflag:s23] =	ssyncadd.s32 $0xFFFFC000  }
0x60: {  	[tilespmem:s16], [sflag:$0x1] =	stream.indirect.gather [hbm4b:s4+s19], $0x80, s0, s19, $0xb8;
	[tilespmem:$0x1F000] =	vst v63  }
0x61: {  	_ =	swait.ge [sflag:s21], $0x4000  }
0x62: {  	[sflag:s21] =	ssyncset.done $0x0  }
.Ltmp1:
0x63: {  	s0 =	sadd.s32 $0x2C00, s31;
	[sflag:s21] =	ssyncadd.s32 $0xFFFFC000;
	(pc) =	sbr.rel @p0 .LBB2_4-.Ltmp1, $4  }
0x64: {  	[spmem:s1] =	stream.indirect.scatter.add.f32 [tilespmem:s16], [sflag:$0x3], $0x80, s0, s19, $0xb8;
	[tilespmem:$0x1F000] =	vst v63  }
0x65: {  	_ =	swait.ge [sflag:s24], $0x4000  }
0x66: {  	[sflag:s24] =	ssyncset.done $0x0  }
0x67: {  	s31 =	sadd.s32 $0x1480, s31;
	[sflag:s24] =	ssyncadd.s32 $0xFFFFC000  }
0x68: {  	[tilespmem:s20], [sflag:$0x2] =	stream.indirect.gather [hbm4b:s4+s19], $0x80, s31, s19, $0xb8;
	[tilespmem:$0x1F000] =	vst v63  }
0x69: {  	_ =	swait.ge [sflag:s22], $0x4000  }
0x6a: {  	[sflag:s22] =	ssyncset.done $0x0  }
0x6b: {  	[sflag:s22] =	ssyncadd.s32 $0xFFFFC000  }
0x6c: {  	[spmem:s1] =	stream.indirect.scatter.add.f32 [tilespmem:s20], [sflag:$0x4], $0x80, s25, s19, $0xb8;
	[tilespmem:$0x1F000] =	vst v63  }
0x6d: {  	_ =	swait.ge [sflag:s23], $0x4000  }
0x6e: {  	[sflag:s23] =	ssyncset.done $0x0  }
0x6f: {  	[sflag:s23] =	ssyncadd.s32 $0xFFFFC000  }
0x70: {  	[tilespmem:s16], [sflag:$0x1] =	stream.indirect.gather [hbm4b:s4+s19], $0x80, s26, s19, $0xb8;
	[tilespmem:$0x1F000] =	vst v63  }
0x71: {  	_ =	swait.ge [sflag:s21], $0x4000  }
0x72: {  	[sflag:s21] =	ssyncset.done $0x0  }
0x73: {  	[sflag:s21] =	ssyncadd.s32 $0xFFFFC000  }
0x74: {  	[spmem:s1] =	stream.indirect.scatter.add.f32 [tilespmem:s16], [sflag:$0x3], $0x80, s28, s19, $0xb8;
	[tilespmem:$0x1F000] =	vst v63  }
0x75: {  	_ =	swait.ge [sflag:s24], $0x4000  }
0x76: {  	[sflag:s24] =	ssyncset.done $0x0  }
0x77: {  	[sflag:s24] =	ssyncadd.s32 $0xFFFFC000  }
0x78: {  	_ =	swait.ge [sflag:s23], $0x4000  }
0x79: {  	[sflag:s23] =	ssyncset.done $0x0  }
0x7a: {  	[sflag:s23] =	ssyncadd.s32 $0xFFFFC000  }
0x7b: {  	[tilespmem:s3], [sflag:$0x5] =	stream.linear.gather [hbm4b:s8+s3], $0x1480, $0x38;
	[tilespmem:$0x1F000] =	vst v63  }
0x7c: {  	_ =	swait.ge [sflag:s17], $0x1480  }
0x7d: {  	[sflag:s17] =	ssyncset.done $0x0  }
0x7e: {  	[sflag:s17] =	ssyncadd.s32 $0xFFFFEB80  }
0x7f: {  	[tilespmem:s18], [sflag:$0x5] =	stream.linear.gather [hbm4b:s9+s3], $0x1480, $0x38;
	[tilespmem:$0x1F000] =	vst v63  }
0x80: {  	_ =	swait.ge [sflag:s17], $0x1480  }
0x81: {  	[sflag:s17] =	ssyncset.done $0x0  }
0x82: {  	[sflag:s17] =	ssyncadd.s32 $0xFFFFEB80  }
0x83: {  	[tilespmem:s16], [sflag:$0x1] =	stream.indirect.gather [hbm4b:s4+s19], $0x80, s3, s19, $0xb8;
	[tilespmem:$0x1F000] =	vst v63  }
0x84: {  	_ = 	snop  }
0x85: {  	[tilespmem:s20], [sflag:$0x2] =	stream.indirect.gather [hbm4b:s4+s19], $0x80, s19, s19, $0xb8;
	[tilespmem:$0x1F000] =	vst v63  }
0x86: {  	_ =	swait.ge [sflag:s21], $0x4000  }
0x87: {  	[sflag:s21] =	ssyncset.done $0x0  }
0x88: {  	[sflag:s21] =	ssyncadd.s32 $0xFFFFC000  }
0x89: {  	[spmem:s1] =	stream.indirect.scatter.add.f32 [tilespmem:s16], [sflag:$0x3], $0x80, s18, s19, $0xb8;
	[tilespmem:$0x1F000] =	vst v63  }
0x8a: {  	_ =	swait.ge [sflag:s22], $0x4000  }
0x8b: {  	[sflag:s22] =	ssyncset.done $0x0  }
0x8c: {  	s0 =	simm.s32 $0x1880;
	[sflag:s22] =	ssyncadd.s32 $0xFFFFC000  }
0x8d: {  	[spmem:s1] =	stream.indirect.scatter.add.f32 [tilespmem:s20], [sflag:$0x4], $0x80, s0, s19, $0xb8;
	[tilespmem:$0x1F000] =	vst v63  }
0x8e: {  	_ =	swait.ge [sflag:s23], $0x4000  }
0x8f: {  	[sflag:s23] =	ssyncset.done $0x0  }
0x90: {  	s0 =	simm.s32 $0x100;
	[sflag:s23] =	ssyncadd.s32 $0xFFFFC000  }
0x91: {  	[tilespmem:s16], [sflag:$0x1] =	stream.indirect.gather [hbm4b:s4+s19], $0x80, s0, s19, $0xb8;
	[tilespmem:$0x1F000] =	vst v63  }
0x92: {  	_ =	swait.ge [sflag:s21], $0x4000  }
0x93: {  	[sflag:s21] =	ssyncset.done $0x0  }
0x94: {  	s0 =	simm.s32 $0x1900;
	[sflag:s21] =	ssyncadd.s32 $0xFFFFC000  }
0x95: {  	[spmem:s1] =	stream.indirect.scatter.add.f32 [tilespmem:s16], [sflag:$0x3], $0x80, s0, s19, $0xb8;
	[tilespmem:$0x1F000] =	vst v63  }
0x96: {  	_ =	swait.ge [sflag:s24], $0x4000  }
0x97: {  	[sflag:s24] =	ssyncset.done $0x0  }
0x98: {  	s30 =	simm.s32 $0xFFFFB800;
	s31 =	simm.s32 $0x180;
	[sflag:s24] =	ssyncadd.s32 $0xFFFFC000  }
.LBB2_6:
0x99: {  	[tilespmem:s20], [sflag:$0x2] =	stream.indirect.gather [hbm4b:s4+s19], $0x80, s31, s19, $0xb8;
	[tilespmem:$0x1F000] =	vst v63  }
0x9a: {  	s0 =	smov.u32 s30  }
0x9b: {  	p0 =	sne.s32 s30, $0xFFFFFC00;
	s30 =	sadd.s32 $0x400, s30;
	_ =	swait.ge [sflag:s22], $0x4000  }
0x9c: {  	s0 =	sshra.s32 s0, $0x2;
	[sflag:s22] =	ssyncset.done $0x0  }
0x9d: {  	s31 =	sadd.s32 $0x2B80, s0;
	[sflag:s22] =	ssyncadd.s32 $0xFFFFC000  }
0x9e: {  	[spmem:s1] =	stream.indirect.scatter.add.f32 [tilespmem:s20], [sflag:$0x4], $0x80, s31, s19, $0xb8;
	[tilespmem:$0x1F000] =	vst v63  }
0x9f: {  	_ =	swait.ge [sflag:s23], $0x4000  }
0xa0: {  	[sflag:s23] =	ssyncset.done $0x0  }
0xa1: {  	s31 =	sadd.s32 $0x1400, s0;
	[sflag:s23] =	ssyncadd.s32 $0xFFFFC000  }
0xa2: {  	[tilespmem:s16], [sflag:$0x1] =	stream.indirect.gather [hbm4b:s4+s19], $0x80, s31, s19, $0xb8;
	[tilespmem:$0x1F000] =	vst v63  }
0xa3: {  	_ =	swait.ge [sflag:s21], $0x4000  }
0xa4: {  	[sflag:s21] =	ssyncset.done $0x0  }
.Ltmp2:
0xa5: {  	s31 =	sadd.s32 $0x2C00, s0;
	[sflag:s21] =	ssyncadd.s32 $0xFFFFC000;
	(pc) =	sbr.rel @p0 .LBB2_6-.Ltmp2, $4  }
0xa6: {  	[spmem:s1] =	stream.indirect.scatter.add.f32 [tilespmem:s16], [sflag:$0x3], $0x80, s31, s19, $0xb8;
	[tilespmem:$0x1F000] =	vst v63  }
0xa7: {  	_ =	swait.ge [sflag:s24], $0x4000  }
0xa8: {  	[sflag:s24] =	ssyncset.done $0x0  }
0xa9: {  	s31 =	sadd.s32 $0x1480, s0;
	[sflag:s24] =	ssyncadd.s32 $0xFFFFC000  }
0xaa: {  	[tilespmem:s20], [sflag:$0x2] =	stream.indirect.gather [hbm4b:s4+s19], $0x80, s31, s19, $0xb8;
	[tilespmem:$0x1F000] =	vst v63  }
0xab: {  	_ =	swait.ge [sflag:s22], $0x4000  }
0xac: {  	[sflag:s22] =	ssyncset.done $0x0  }
0xad: {  	[sflag:s22] =	ssyncadd.s32 $0xFFFFC000  }
0xae: {  	[spmem:s1] =	stream.indirect.scatter.add.f32 [tilespmem:s20], [sflag:$0x4], $0x80, s25, s19, $0xb8;
	[tilespmem:$0x1F000] =	vst v63  }
0xaf: {  	_ =	swait.ge [sflag:s23], $0x4000  }
0xb0: {  	[sflag:s23] =	ssyncset.done $0x0  }
0xb1: {  	[sflag:s23] =	ssyncadd.s32 $0xFFFFC000  }
0xb2: {  	[tilespmem:s16], [sflag:$0x1] =	stream.indirect.gather [hbm4b:s4+s19], $0x80, s26, s19, $0xb8;
	[tilespmem:$0x1F000] =	vst v63  }
0xb3: {  	_ =	swait.ge [sflag:s21], $0x4000  }
0xb4: {  	[sflag:s21] =	ssyncset.done $0x0  }
0xb5: {  	[sflag:s21] =	ssyncadd.s32 $0xFFFFC000  }
0xb6: {  	[spmem:s1] =	stream.indirect.scatter.add.f32 [tilespmem:s16], [sflag:$0x3], $0x80, s28, s19, $0xb8;
	[tilespmem:$0x1F000] =	vst v63  }
0xb7: {  	_ =	swait.ge [sflag:s24], $0x4000  }
0xb8: {  	[sflag:s24] =	ssyncset.done $0x0  }
0xb9: {  	[sflag:s24] =	ssyncadd.s32 $0xFFFFC000  }
0xba: {  	_ =	swait.ge [sflag:s23], $0x4000  }
0xbb: {  	s0 =	sshll.u32 s2, $0x6;
	s29 =	sadd.s32 $0x1, s29;
	[sflag:s23] =	ssyncset.done $0x0  }
0xbc: {  	s30 =	sshrl.u32 s5, $0x3;
	p0 =	sne.s32 s29, s11;
	[sflag:s23] =	ssyncadd.s32 $0xFFFFC000  }
.Ltmp3:
0xbd: {  	s0 =	sor.u32 $0x1C05, s0;
	[bflag:$0x0] =	sbarrier.arrive $0xFFFF;
	(pc) =	sbr.rel @p0 .LBB2_1-.Ltmp3, $4  }
0xbe: {  	[hbm:s10], [sflag:s0] =	dma.local [spmem:s30], $0x2800  }
0xbf: {  	_ =	swait.ge [sflag:s17], $0x2800  }
0xc0: {  	[sflag:s17] =	ssyncset.done $0x0  }
0xc1: {  	[sflag:s17] =	ssyncadd.s32 $0xFFFFD800  }
0xc2: {  	_ =	sfence.sel $0x180000  }
0xc3: {  	[bflag:$0x0] =	sbarrier.arrive $0xFFFF  }
0xc4: {  	_ =	strace $0x9000004D  }
0xc5: {  	[bflag:$0x2] =	sbarrier.arrive $0xFFFF  }
0xc6: {  	p0 =	sne.s32 s2, $0x0;
	s0 =	rddreg [dreg:$0x3]  }
0xc7: {  	s0 =	sadd.s32 @!p0 $0x100000, s0  }
0xc8: {  	[sflag:s0] =	ssyncadd.tile.s32 @!p0 $0x1;
	_ =	shalt  }
.Lfunc_end2:
_tile_overlayer_lowered:
.L_overlay_start_2:
0xc9: {  	(tag) =	ssettag $0x2  }
0xca: {  	s0 =	rddreg [dreg:$0x0];
	s2 =	stileid.u32  }
0xcb: {  	s1 =	rddreg [dreg:$0x1];
	p0 =	sne.s32 s2, $0x0  }
0xcc: {  	s3 =	rddreg [dreg:$0x2];
	[bflag:$0x3] =	sbarrier.arrive $0xFFFF;
	s2 =	simm.s32 @!p0 $0x1C05  }
0xcd: {  	[timem:s3], [sflag:s2] =	dma.local @!p0 [hbm:s0], s1  }
0xce: {  	s0 =	simm.s32 @!p0 $0x5  }
0xcf: {  	_ =	swait.ge @!p0 [sflag:s0], s1  }
0xd0: {  	s1 =	ssub.s32 @!p0 $0x0, s1;
	[sflag:s0] =	ssyncset.done @!p0 $0x0  }
0xd1: {  	[sflag:s0] =	ssyncadd.s32 @!p0 s1  }
0xd2: {  	[bflag:$0x3] =	sbarrier.arrive $0xFFFF  }
0xd3: {  	_ =	shalt  }

// kernel: kernel.20.cloned.1.call-start
scs
__scs_entry_jumppad:
0x0: {  	(pc) =	sbr.rel $0x88, $3  }
0x1: {  	(tag) =	ssettag $0x0;
	lr =	simm.s32 $0x1  }
0x2: {  	[smem:$0x3F99] =	sst lr;
	_ =	strace $0xD0000000  }
0x3: {  	_ = 	snop  }
0x4: {  	_ = 	snop  }
0x5: {  	_ = 	snop  }
0x6: {  	_ = 	snop  }
0x7: {  	_ = 	snop  }
__scs_overlays_trampoline_lowered:
0x8: {  	[smem:$0x3FA8] =	sst s0  }
0x9: {  	[smem:$0x3FA9] =	sst s1  }
0xa: {  	[smem:$0x3FAA] =	sst s2  }
0xb: {  	[smem:$0x3FAB] =	sst s3  }
0xc: {  	[smem:$0x3FAC] =	sst s4  }
0xd: {  	[smem:$0x3FAD] =	sst s5  }
0xe: {  	[smem:$0x3FAE] =	sst s6  }
0xf: {  	[smem:$0x3FAF] =	sst s7  }
0x10: {  	[smem:$0x3FB0] =	sst s8  }
0x11: {  	[smem:$0x3FB1] =	sst s9;
	s0 =	simm.s32 @!p0 $0x0  }
0x12: {  	s1 =	sld [smem:$0x3F97];
	s0 =	simm.s32 @p0 $0x1  }
0x13: {  	[smem:$0x3FB2] =	sst s0;
	s0 =	simm.s32 @!p1 $0x0  }
0x14: {  	s2 =	sld [smem:$0x3F96];
	s0 =	simm.s32 @p1 $0x1  }
0x15: {  	[smem:$0x3FB3] =	sst s0;
	s0 =	simm.s32 @!p2 $0x0  }
0x16: {  	s3 =	sld [smem:$0x3FDB];
	s0 =	simm.s32 @p2 $0x1  }
0x17: {  	s4 =	simm.s32 $0x1BF5;
	[smem:$0x3FB5] =	sst s0  }
0x18: {  	s0 =	sld [smem:$0x3F98];
	_ =	swait.ge [sflag:s4], $0x0  }
0x19: {  	s7 =	sld [smem:$0x3F99]  }
0x1a: {  	s8 =	sadd.s32 $0xFFFFE003, lr  }
0x1b: {  	s9 =	sadd.s32 $0xFFFFFEF7, lr;
	s5 =	simm.s32 $0xFFFFFFFF;
	p2 =	slt.u32 s8, $0xFFFFF086  }
0x1c: {  	p1 =	slt.u32 s9, $0xF7A;
	s5 =	simm.s32 @!p2 $0x0  }
0x1d: {  	s5 =	simm.s32 @p1 $0x1;
	p0 =	seq.s32 s7, s2  }
0x1e: {  	s7 =	smul.u32 @!p0 $0xF7A, s2;
	p2 =	seq.s32 @!p0 s5, $0x0  }
0x1f: {  	s9 =	smul.u32 $0xF7A, s1;
	s8 =	simm.s32 @!p0 $0x1BF5;
	p2 =	por !p2, p0  }
0x20: {  	[sflag:s8] =	ssyncset.s32 @!p0 $0xFFFFF086;
	s6 =	sadd.s32 @!p0 s3, s7;
	s7 =	simm.s32 @!p0 $0x108  }
0x21: {  	s3 =	sadd.s32 s3, s9;
	s6 =	sadd.s32 @!p0 $0x88, s6;
	s7 =	simm.s32 @p2 $0x1082  }
0x22: {  	[simem:s7], [sflag:s8] =	dma.local @!p0 [hbm:s6], $0xF7A  }
0x23: {  	s9 =	sor.u32 $0xD0000000, s2;
	s6 =	simm.s32 $0x108;
	_ =	swait.ge @!p0 [sflag:s8], $0x0  }
0x24: {  	s3 =	sadd.s32 $0x88, s3;
	s6 =	simm.s32 @!p1 $0x1082;
	[sflag:s4] =	ssyncset.s32 $0xFFFFF086  }
0x25: {  	[simem:s6], [sflag:s4] =	dma.local [hbm:s3], $0xF7A  }
0x26: {  	[smem:$0x3F99] =	sst s1;
	(tag) =	ssettag s2;
	_ =	strace s9  }
0x27: {  	s1 =	sld [smem:$0x3FA9]  }
0x28: {  	s2 =	sld [smem:$0x3FAA]  }
0x29: {  	s4 =	sld [smem:$0x3FAC]  }
0x2a: {  	p0 =	seq.s32 s5, $0x0;
	s5 =	sld [smem:$0x3FAD]  }
0x2b: {  	s6 =	sld [smem:$0x3FAE]  }
0x2c: {  	s7 =	sld [smem:$0x3FAF]  }
0x2d: {  	s3 =	simm.s32 $0x108;
	s8 =	sld [smem:$0x3FB0]  }
0x2e: {  	s3 =	simm.s32 @!p0 $0x1082;
	s9 =	sld [smem:$0x3FB1]  }
0x2f: {  	lr =	sadd.s32 s0, s3;
	s0 =	sld [smem:$0x3FA8]  }
0x30: {  	s3 =	sld [smem:$0x3FAB]  }
0x31: {  	[smem:$0x3FB4] =	sst s10  }
0x32: {  	s10 =	sld [smem:$0x3FB2];
	_ =	sdelay $0x3  }
0x33: {  	p0 =	seq.s32 s10, $0x1;
	s10 =	sld [smem:$0x3FB4];
	_ =	sdelay $0x3  }
0x34: {  	[smem:$0x3FB4] =	sst s10  }
0x35: {  	s10 =	sld [smem:$0x3FB3];
	_ =	sdelay $0x3  }
0x36: {  	p1 =	seq.s32 s10, $0x1;
	s10 =	sld [smem:$0x3FB4];
	_ =	sdelay $0x3  }
0x37: {  	[smem:$0x3FB4] =	sst s10  }
0x38: {  	s10 =	sld [smem:$0x3FB5]  }
0x39: {  	_ = 	snop;
	(pc) =	sbr.ind lr, $3  }
0x3a: {  	_ = 	snop  }
0x3b: {  	_ = 	snop  }
0x3c: {  	p2 =	seq.s32 s10, $0x1;
	s10 =	sld [smem:$0x3FB4]  }
0x3d: {  	_ =	shalt  }
0x3e: {  	_ =	shalt  }
0x3f: {  	_ =	shalt  }
0x40: {  	_ =	shalt  }
0x41: {  	_ =	shalt  }
0x42: {  	_ =	shalt  }
0x43: {  	_ =	shalt  }
0x44: {  	_ =	shalt  }
0x45: {  	_ =	shalt  }
0x46: {  	_ =	shalt  }
0x47: {  	_ =	shalt  }
0x48: {  	_ =	shalt  }
0x49: {  	_ =	shalt  }
0x4a: {  	_ =	shalt  }
0x4b: {  	_ =	shalt  }
0x4c: {  	_ =	shalt  }
0x4d: {  	_ =	shalt  }
0x4e: {  	_ =	shalt  }
0x4f: {  	_ =	shalt  }
0x50: {  	_ =	shalt  }
0x51: {  	_ =	shalt  }
0x52: {  	_ =	shalt  }
0x53: {  	_ =	shalt  }
0x54: {  	_ =	shalt  }
0x55: {  	_ =	shalt  }
0x56: {  	_ =	shalt  }
0x57: {  	_ =	shalt  }
0x58: {  	_ =	shalt  }
0x59: {  	_ =	shalt  }
0x5a: {  	_ =	shalt  }
0x5b: {  	_ =	shalt  }
0x5c: {  	_ =	shalt  }
0x5d: {  	_ =	shalt  }
0x5e: {  	_ =	shalt  }
0x5f: {  	_ =	shalt  }
0x60: {  	_ =	shalt  }
0x61: {  	_ =	shalt  }
0x62: {  	_ =	shalt  }
0x63: {  	_ =	shalt  }
0x64: {  	_ =	shalt  }
0x65: {  	_ =	shalt  }
0x66: {  	_ =	shalt  }
0x67: {  	_ =	shalt  }
0x68: {  	_ =	shalt  }
0x69: {  	_ =	shalt  }
0x6a: {  	_ =	shalt  }
0x6b: {  	_ =	shalt  }
0x6c: {  	_ =	shalt  }
0x6d: {  	_ =	shalt  }
0x6e: {  	_ =	shalt  }
0x6f: {  	_ =	shalt  }
0x70: {  	_ =	shalt  }
0x71: {  	_ =	shalt  }
0x72: {  	_ =	shalt  }
0x73: {  	_ =	shalt  }
0x74: {  	_ =	shalt  }
0x75: {  	_ =	shalt  }
0x76: {  	_ =	shalt  }
0x77: {  	_ =	shalt  }
0x78: {  	_ =	shalt  }
0x79: {  	_ =	shalt  }
0x7a: {  	_ =	shalt  }
0x7b: {  	_ =	shalt  }
0x7c: {  	_ =	shalt  }
0x7d: {  	_ =	shalt  }
0x7e: {  	_ =	shalt  }
0x7f: {  	_ =	shalt  }
0x80: {  	_ =	shalt  }
0x81: {  	_ =	shalt  }
0x82: {  	_ =	shalt  }
0x83: {  	_ =	shalt  }
0x84: {  	_ =	shalt  }
0x85: {  	_ =	shalt  }
0x86: {  	_ =	shalt  }
0x87: {  	_ =	shalt  }
.Lfunc_end0:
.L_simem_size_0:
called_computation.3_lowered:
.L_overlay_start_0:
0x88: {  	s2 =	sld [smem:$0x3FD9]  }
0x89: {  	s3 =	sld [smem:$0x3FFE];
	_ =	sdelay $0x1  }
0x8a: {  	s1 =	srdreg.scid  }
0x8b: {  	s0 =	sand.u32 $0x1, s1  }
0x8c: {  	s17 =	sshll.u32 s0, $0xA;
	s2 =	sadd.s32 s3, s2  }
0x8d: {  	s2 =	sadd.s32 s2, s17  }
0x8e: {  	[smem:$0x3FC0] =	sst s2  }
0x8f: {  	_ = 	snop  }
0x90: {  	s2 =	sld [smem:$0x3FD0];
	(tm) =	ssettm $0x1  }
0x91: {  	s18 =	sld [smem:$0x3FFB];
	_ =	sdelay $0x3  }
0x92: {  	_ =	strace s18  }
0x93: {  	s3 =	sld [smem:$0x3FFC];
	_ =	sdelay $0x3  }
0x94: {  	_ =	strace s3  }
0x95: {  	s3 =	sld [smem:$0x3FFD];
	_ =	sdelay $0x3  }
0x96: {  	_ =	strace s3  }
0x97: {  	_ =	strace $0x8FFFFFFF  }
0x98: {  	s19 =	sld [smem:$0x3FDB];
	_ =	sdelay $0x1  }
0x99: {  	s4 =	simm.s32 $_scs_section_size  }
0x9a: {  	s5 =	simm.s32 $_size__tile_overlayer_lowered;
	s6 =	simm.s32 $_tile_overlayer_lowered  }
0x9b: {  	s22 =	simm.s32 $0x1BFF;
	s21 =	sshll.u32 s6, $0x1;
	s3 =	sadd.s32 s4, s19  }
0x9c: {  	s7 =	simm.s32 $0x0;
	s20 =	sshll.u32 s5, $0x1;
	s5 =	sadd.s32 s21, s3  }
0x9d: {  	[timem:s7], [sflag:s22] =	dma.local [hbm:s5], s20  }
0x9e: {  	_ =	swait.ge [sflag:s22], s20  }
0x9f: {  	s4 =	ssub.s32 $0x0, s20;
	[sflag:s22] =	ssyncset.done $0x0  }
0xa0: {  	[sflag:s22] =	ssyncadd.s32 s4;
	_ =	sdelay $0x1  }
0xa1: {  	s23 =	simm.s32 $0x1B8B  }
0xa2: {  	_ =	swait.ge [sflag:s23], $0x1  }
0xa3: {  	[sflag:s23] =	ssyncset.done $0x0  }
0xa4: {  	s25 =	simm.s32 $0x1B8E;
	s24 =	sld [smem:$0x3FFE];
	[sflag:s23] =	ssyncadd.s32 $0xFFFFFFFF  }
0xa5: {  	s26 =	simm.s32 $execute0_lowered;
	[smem:$0x3FD2] =	sst s25  }
0xa6: {  	s5 =	sshll.u32 s26, $0x1;
	_ =	strace $0x8000004F;
	[dreg:$0x1] =	wrdreg $0xFFFFFFFF  }
0xa7: {  	s28 =	simm.s32 $_size_execute0_lowered;
	s3 =	sadd.s32 s3, s5;
	[dreg:$0x0] =	wrdreg $0x0  }
0xa8: {  	s5 =	sshll.u32 s28, $0x1;
	[dreg:$0x2] =	wrdreg s3  }
0xa9: {  	[dreg:$0x3] =	wrdreg s5  }
0xaa: {  	[dreg:$0x4] =	wrdreg $0xC0  }
0xab: {  	_ =	task [dreg:s7], $0x5FFFF  }
0xac: {  	[dreg:$0x1] =	wrdreg $0xFFFFFFFF  }
0xad: {  	[dreg:$0x0] =	wrdreg $0x60  }
0xae: {  	[dreg:$0x2] =	wrdreg s24  }
0xaf: {  	[dreg:$0x3] =	wrdreg s2  }
0xb0: {  	[dreg:$0x4] =	wrdreg $0xB0000  }
0xb1: {  	[dreg:$0x5] =	wrdreg $0x9  }
0xb2: {  	_ =	task.clear_ibuf [dreg:s7], $0x6FFFF;
	_ =	strace $0x9000004F  }
0xb3: {  	s29 =	simm.s32 $0x9;
	_ =	strace $0x80000051  }
0xb4: {  	_ =	swait.ge [sflag:s29], $0x1  }
0xb5: {  	[sflag:s29] =	ssyncadd.s32 $0xFFFFFFFF  }
0xb6: {  	_ =	strace $0x90000051  }
0xb7: {  	_ =	sfence  }
0xb8: {  	s30 =	sld [smem:$0x0];
	_ =	sdelay $0x2  }
0xb9: {  	s31 =	sshll.u32 s1, $0xD;
	s1 =	sshrl.u32 s1, $0x2  }
0xba: {  	s3 =	sand.u32 $0x4000, s31;
	s1 =	sadd.s32 s1, s30  }
0xbb: {  	s0 =	sor.u32 s3, s0;
	s1 =	sshll.u32 s1, $0x11  }
0xbc: {  	s0 =	sor.u32 s1, s0  }
0xbd: {  	s0 =	sadd.s32 $0x8F2B, s0  }
0xbe: {  	[sflag:s0] =	ssyncadd.remote.s32 $0x1  }
0xbf: {  	_ =	sfence.sel $0xFFFF  }
0xc0: {  	[dreg:$0x0] =	wrdreg $0xFFFFFFFF;
	(pc) =	sbr.abs _section_cstart, $3  }
0xc1: {  	[dreg:$0x1] =	wrdreg $0xFFFFFFFF  }
0xc2: {  	_ =	task.clear_ibuf [dreg:s7], $0x2FFFF;
	_ =	strace $0x9FFFFFFF  }
0xc3: {  	(tm) =	ssettm $0x7FFFFFFF  }
tec
execute0_lowered:
.L_overlay_start_1:
0x0: {  	(tag) =	ssettag $0x1  }
0x1: {  	s5 =	rddreg [dreg:$0x0]  }
0x2: {  	s9 =	rddreg [dreg:$0x1]  }
0x3: {  	s1 =	rddreg [dreg:$0x2];
	s3 =	simm.s32 $0x0;
	s2 =	srdreg.scid  }
0x4: {  	s16 =	simm.s32 $0x3000;
	s17 =	simm.s32 $0x5;
	s18 =	simm.s32 $0x1800  }
0x5: {  	s19 =	simm.s32 $0x80;
	s20 =	simm.s32 $0x7000;
	s21 =	simm.s32 $0x1  }
0x6: {  	s22 =	simm.s32 $0x2;
	s23 =	simm.s32 $0x3;
	s28 =	simm.s32 $0x2C00  }
0x7: {  	s29 =	simm.s32 $0x0;
	[smem:$0x7FF] =	sst s3;
	s6 =	sand.u32 $0x1, s2  }
0x8: {  	s2 =	stileid.u32;
	s4 =	sadd.s32 $0x5200, s5;
	s7 =	smul.u32 $0x140000, s6  }
0x9: {  	s10 =	sadd.s32 $0x55200, s5;
	_ =	strace $0x80000050;
	s8 =	smul.u32 $0x14000, s2  }
0xa: {  	s11 =	sshll.u32 s6, $0x4;
	s25 =	smul.u32 $0x50000, s2;
	s6 =	ssub.s32 $0x2, s6  }
0xb: {  	s24 =	sor.u32 s2, s11;
	s26 =	sshrl.u32 s6, $0x1;
	s7 =	sadd.s32 s8, s7  }
0xc: {  	s8 =	smul.u32 $0x3000, s24;
	s30 =	sshrl.u32 s25, $0x2;
	s31 =	ssub.s32 s6, s26  }
0xd: {  	s24 =	simm.s32 $0x4;
	s25 =	simm.s32 $0x2B80;
	s26 =	simm.s32 $0x1400  }
0xe: {  	s7 =	sshrl.u32 s7, $0x3;
	s11 =	smax.u32 s31, $0x1;
	s8 =	sshrl.u32 s8, $0x3  }
0xf: {  	s12 =	sadd.s32 s7, s5;
	s5 =	sadd.s32 s30, s1;
	s6 =	sadd.s32 s10, s8  }
0x10: {  	s7 =	sadd.s32 s9, s8;
	s13 =	sadd.s32 $0x300, s8;
	s14 =	sadd.s32 $0xC000, s5  }
0x11: {  	s15 =	sadd.s32 $0x10000, s5;
	s8 =	sadd.s32 s10, s13;
	s9 =	sadd.s32 s9, s13  }
0x12: {  	v0 =	vimm.f32 $0.0e+00;
	s10 =	sadd.s32 $0x61200, s12;
	s12 =	sadd.s32 $0x4000, s5;
	s13 =	sadd.s32 $0x8000, s5  }
.LBB2_1:
0x13: {  	s30 =	simm.s32 $0x0;
	s31 =	simm.s32 $0x200  }
.LBB2_2:
0x14: {  	p0 =	sne.s32 s31, $0xFE00;
	[tilespmem:s30+$0x3070] =	vst v0  }
0x15: {  	[tilespmem:s30+$0x3000] =	vst v0  }
0x16: {  	[tilespmem:s30+$0x3010] =	vst v0  }
.Ltmp0:
0x17: {  	[tilespmem:s30+$0x3020] =	vst v0;
	(pc) =	sbr.rel @p0 .LBB2_2-.Ltmp0, $4  }
0x18: {  	[tilespmem:s30+$0x3030] =	vst v0  }
0x19: {  	[tilespmem:s30+$0x3040] =	vst v0  }
0x1a: {  	[tilespmem:s30+$0x3050] =	vst v0  }
0x1b: {  	[tilespmem:s30+$0x3060] =	vst v0;
	s30 =	sshra.s32 s31, $0x2;
	s31 =	sadd.s32 $0x200, s31  }
0x1c: {  	[tilespmem:s30+$0x3070] =	vst v0  }
0x1d: {  	[tilespmem:s30+$0x3000] =	vst v0  }
0x1e: {  	[tilespmem:s30+$0x3010] =	vst v0  }
0x1f: {  	[tilespmem:s30+$0x3020] =	vst v0  }
0x20: {  	[tilespmem:s30+$0x3030] =	vst v0  }
0x21: {  	[tilespmem:s30+$0x3040] =	vst v0  }
0x22: {  	[tilespmem:s30+$0x3050] =	vst v0  }
0x23: {  	[tilespmem:s30+$0x3060] =	vst v0  }
0x24: {  	[spmem:s5] =	stream.linear.scatter [tilespmem:s16], [sflag:$0x5], $0x4000, $0x38;
	[tilespmem:$0x1F000] =	vst v63  }
0x25: {  	_ =	swait.ge [sflag:s17], $0x4000  }
0x26: {  	[sflag:s17] =	ssyncset.done $0x0  }
0x27: {  	[sflag:s17] =	ssyncadd.s32 $0xFFFFC000  }
0x28: {  	[spmem:s12] =	stream.linear.scatter [tilespmem:s16], [sflag:$0x5], $0x4000, $0x38;
	[tilespmem:$0x1F000] =	vst v63  }
0x29: {  	_ =	swait.ge [sflag:s17], $0x4000  }
0x2a: {  	[sflag:s17] =	ssyncset.done $0x0  }
0x2b: {  	[sflag:s17] =	ssyncadd.s32 $0xFFFFC000  }
0x2c: {  	[spmem:s13] =	stream.linear.scatter [tilespmem:s16], [sflag:$0x5], $0x4000, $0x38;
	[tilespmem:$0x1F000] =	vst v63  }
0x2d: {  	_ =	swait.ge [sflag:s17], $0x4000  }
0x2e: {  	[sflag:s17] =	ssyncset.done $0x0  }
0x2f: {  	[sflag:s17] =	ssyncadd.s32 $0xFFFFC000  }
0x30: {  	[spmem:s14] =	stream.linear.scatter [tilespmem:s16], [sflag:$0x5], $0x4000, $0x38;
	[tilespmem:$0x1F000] =	vst v63  }
0x31: {  	_ =	swait.ge [sflag:s17], $0x4000  }
0x32: {  	[sflag:s17] =	ssyncset.done $0x0  }
0x33: {  	[sflag:s17] =	ssyncadd.s32 $0xFFFFC000  }
0x34: {  	[spmem:s15] =	stream.linear.scatter [tilespmem:s16], [sflag:$0x5], $0x4000, $0x38;
	[tilespmem:$0x1F000] =	vst v63  }
0x35: {  	_ =	swait.ge [sflag:s17], $0x4000  }
0x36: {  	[sflag:s17] =	ssyncset.done $0x0  }
0x37: {  	[sflag:s17] =	ssyncadd.s32 $0xFFFFC000  }
0x38: {  	[bflag:$0x0] =	sbarrier.arrive $0xFFFF  }
0x39: {  	[tilespmem:s3], [sflag:$0x5] =	stream.linear.gather [hbm4b:s6+s3], $0x1480, $0x38;
	[tilespmem:$0x1F000] =	vst v63  }
0x3a: {  	_ =	swait.ge [sflag:s17], $0x1480  }
0x3b: {  	[sflag:s17] =	ssyncset.done $0x0  }
0x3c: {  	[sflag:s17] =	ssyncadd.s32 $0xFFFFEB80  }
0x3d: {  	[tilespmem:s18], [sflag:$0x5] =	stream.linear.gather [hbm4b:s7+s3], $0x1480, $0x38;
	[tilespmem:$0x1F000] =	vst v63  }
0x3e: {  	_ =	swait.ge [sflag:s17], $0x1480  }
0x3f: {  	[sflag:s17] =	ssyncset.done $0x0  }
0x40: {  	[sflag:s17] =	ssyncadd.s32 $0xFFFFEB80  }
0x41: {  	[tilespmem:s16], [sflag:$0x1] =	stream.indirect.gather [hbm4b:s4+s19], $0x80, s3, s19, $0xb8;
	[tilespmem:$0x1F000] =	vst v63  }
0x42: {  	_ = 	snop  }
0x43: {  	[tilespmem:s20], [sflag:$0x2] =	stream.indirect.gather [hbm4b:s4+s19], $0x80, s19, s19, $0xb8;
	[tilespmem:$0x1F000] =	vst v63  }
0x44: {  	_ =	swait.ge [sflag:s21], $0x4000  }
0x45: {  	[sflag:s21] =	ssyncset.done $0x0  }
0x46: {  	[sflag:s21] =	ssyncadd.s32 $0xFFFFC000  }
0x47: {  	[spmem:s1] =	stream.indirect.scatter.add.f32 [tilespmem:s16], [sflag:$0x3], $0x80, s18, s19, $0xb8;
	[tilespmem:$0x1F000] =	vst v63  }
0x48: {  	_ =	swait.ge [sflag:s22], $0x4000  }
0x49: {  	[sflag:s22] =	ssyncset.done $0x0  }
0x4a: {  	s30 =	simm.s32 $0x1880;
	[sflag:s22] =	ssyncadd.s32 $0xFFFFC000  }
0x4b: {  	[spmem:s1] =	stream.indirect.scatter.add.f32 [tilespmem:s20], [sflag:$0x4], $0x80, s30, s19, $0xb8;
	[tilespmem:$0x1F000] =	vst v63  }
0x4c: {  	_ =	swait.ge [sflag:s23], $0x4000  }
0x4d: {  	[sflag:s23] =	ssyncset.done $0x0  }
0x4e: {  	s30 =	simm.s32 $0x100;
	[sflag:s23] =	ssyncadd.s32 $0xFFFFC000  }
0x4f: {  	[tilespmem:s16], [sflag:$0x1] =	stream.indirect.gather [hbm4b:s4+s19], $0x80, s30, s19, $0xb8;
	[tilespmem:$0x1F000] =	vst v63  }
0x50: {  	_ =	swait.ge [sflag:s21], $0x4000  }
0x51: {  	[sflag:s21] =	ssyncset.done $0x0  }
0x52: {  	s30 =	simm.s32 $0x1900;
	[sflag:s21] =	ssyncadd.s32 $0xFFFFC000  }
0x53: {  	[spmem:s1] =	stream.indirect.scatter.add.f32 [tilespmem:s16], [sflag:$0x3], $0x80, s30, s19, $0xb8;
	[tilespmem:$0x1F000] =	vst v63  }
0x54: {  	_ =	swait.ge [sflag:s24], $0x4000  }
0x55: {  	[sflag:s24] =	ssyncset.done $0x0  }
0x56: {  	s31 =	simm.s32 $0x180;
	s30 =	simm.s32 $0xFFFFB800;
	[sflag:s24] =	ssyncadd.s32 $0xFFFFC000  }
.LBB2_4:
0x57: {  	[tilespmem:s20], [sflag:$0x2] =	stream.indirect.gather [hbm4b:s4+s19], $0x80, s31, s19, $0xb8;
	[tilespmem:$0x1F000] =	vst v63  }
0x58: {  	s31 =	smov.u32 s30  }
0x59: {  	p0 =	sne.s32 s30, $0xFFFFFC00;
	s30 =	sadd.s32 $0x400, s30;
	_ =	swait.ge [sflag:s22], $0x4000  }
0x5a: {  	s31 =	sshra.s32 s31, $0x2;
	[sflag:s22] =	ssyncset.done $0x0  }
0x5b: {  	s0 =	sadd.s32 $0x2B80, s31;
	[sflag:s22] =	ssyncadd.s32 $0xFFFFC000  }
0x5c: {  	[spmem:s1] =	stream.indirect.scatter.add.f32 [tilespmem:s20], [sflag:$0x4], $0x80, s0, s19, $0xb8;
	[tilespmem:$0x1F000] =	vst v63  }
0x5d: {  	_ =	swait.ge [sflag:s23], $0x4000  }
0x5e: {  	[sflag:s23] =	ssyncset.done $0x0  }
0x5f: {  	s0 =	sadd.s32 $0x1400, s31;
	[sflag:s23] =	ssyncadd.s32 $0xFFFFC000  }
0x60: {  	[tilespmem:s16], [sflag:$0x1] =	stream.indirect.gather [hbm4b:s4+s19], $0x80, s0, s19, $0xb8;
	[tilespmem:$0x1F000] =	vst v63  }
0x61: {  	_ =	swait.ge [sflag:s21], $0x4000  }
0x62: {  	[sflag:s21] =	ssyncset.done $0x0  }
.Ltmp1:
0x63: {  	s0 =	sadd.s32 $0x2C00, s31;
	[sflag:s21] =	ssyncadd.s32 $0xFFFFC000;
	(pc) =	sbr.rel @p0 .LBB2_4-.Ltmp1, $4  }
0x64: {  	[spmem:s1] =	stream.indirect.scatter.add.f32 [tilespmem:s16], [sflag:$0x3], $0x80, s0, s19, $0xb8;
	[tilespmem:$0x1F000] =	vst v63  }
0x65: {  	_ =	swait.ge [sflag:s24], $0x4000  }
0x66: {  	[sflag:s24] =	ssyncset.done $0x0  }
0x67: {  	s31 =	sadd.s32 $0x1480, s31;
	[sflag:s24] =	ssyncadd.s32 $0xFFFFC000  }
0x68: {  	[tilespmem:s20], [sflag:$0x2] =	stream.indirect.gather [hbm4b:s4+s19], $0x80, s31, s19, $0xb8;
	[tilespmem:$0x1F000] =	vst v63  }
0x69: {  	_ =	swait.ge [sflag:s22], $0x4000  }
0x6a: {  	[sflag:s22] =	ssyncset.done $0x0  }
0x6b: {  	[sflag:s22] =	ssyncadd.s32 $0xFFFFC000  }
0x6c: {  	[spmem:s1] =	stream.indirect.scatter.add.f32 [tilespmem:s20], [sflag:$0x4], $0x80, s25, s19, $0xb8;
	[tilespmem:$0x1F000] =	vst v63  }
0x6d: {  	_ =	swait.ge [sflag:s23], $0x4000  }
0x6e: {  	[sflag:s23] =	ssyncset.done $0x0  }
0x6f: {  	[sflag:s23] =	ssyncadd.s32 $0xFFFFC000  }
0x70: {  	[tilespmem:s16], [sflag:$0x1] =	stream.indirect.gather [hbm4b:s4+s19], $0x80, s26, s19, $0xb8;
	[tilespmem:$0x1F000] =	vst v63  }
0x71: {  	_ =	swait.ge [sflag:s21], $0x4000  }
0x72: {  	[sflag:s21] =	ssyncset.done $0x0  }
0x73: {  	[sflag:s21] =	ssyncadd.s32 $0xFFFFC000  }
0x74: {  	[spmem:s1] =	stream.indirect.scatter.add.f32 [tilespmem:s16], [sflag:$0x3], $0x80, s28, s19, $0xb8;
	[tilespmem:$0x1F000] =	vst v63  }
0x75: {  	_ =	swait.ge [sflag:s24], $0x4000  }
0x76: {  	[sflag:s24] =	ssyncset.done $0x0  }
0x77: {  	[sflag:s24] =	ssyncadd.s32 $0xFFFFC000  }
0x78: {  	_ =	swait.ge [sflag:s23], $0x4000  }
0x79: {  	[sflag:s23] =	ssyncset.done $0x0  }
0x7a: {  	[sflag:s23] =	ssyncadd.s32 $0xFFFFC000  }
0x7b: {  	[tilespmem:s3], [sflag:$0x5] =	stream.linear.gather [hbm4b:s8+s3], $0x1480, $0x38;
	[tilespmem:$0x1F000] =	vst v63  }
0x7c: {  	_ =	swait.ge [sflag:s17], $0x1480  }
0x7d: {  	[sflag:s17] =	ssyncset.done $0x0  }
0x7e: {  	[sflag:s17] =	ssyncadd.s32 $0xFFFFEB80  }
0x7f: {  	[tilespmem:s18], [sflag:$0x5] =	stream.linear.gather [hbm4b:s9+s3], $0x1480, $0x38;
	[tilespmem:$0x1F000] =	vst v63  }
0x80: {  	_ =	swait.ge [sflag:s17], $0x1480  }
0x81: {  	[sflag:s17] =	ssyncset.done $0x0  }
0x82: {  	[sflag:s17] =	ssyncadd.s32 $0xFFFFEB80  }
0x83: {  	[tilespmem:s16], [sflag:$0x1] =	stream.indirect.gather [hbm4b:s4+s19], $0x80, s3, s19, $0xb8;
	[tilespmem:$0x1F000] =	vst v63  }
0x84: {  	_ = 	snop  }
0x85: {  	[tilespmem:s20], [sflag:$0x2] =	stream.indirect.gather [hbm4b:s4+s19], $0x80, s19, s19, $0xb8;
	[tilespmem:$0x1F000] =	vst v63  }
0x86: {  	_ =	swait.ge [sflag:s21], $0x4000  }
0x87: {  	[sflag:s21] =	ssyncset.done $0x0  }
0x88: {  	[sflag:s21] =	ssyncadd.s32 $0xFFFFC000  }
0x89: {  	[spmem:s1] =	stream.indirect.scatter.add.f32 [tilespmem:s16], [sflag:$0x3], $0x80, s18, s19, $0xb8;
	[tilespmem:$0x1F000] =	vst v63  }
0x8a: {  	_ =	swait.ge [sflag:s22], $0x4000  }
0x8b: {  	[sflag:s22] =	ssyncset.done $0x0  }
0x8c: {  	s0 =	simm.s32 $0x1880;
	[sflag:s22] =	ssyncadd.s32 $0xFFFFC000  }
0x8d: {  	[spmem:s1] =	stream.indirect.scatter.add.f32 [tilespmem:s20], [sflag:$0x4], $0x80, s0, s19, $0xb8;
	[tilespmem:$0x1F000] =	vst v63  }
0x8e: {  	_ =	swait.ge [sflag:s23], $0x4000  }
0x8f: {  	[sflag:s23] =	ssyncset.done $0x0  }
0x90: {  	s0 =	simm.s32 $0x100;
	[sflag:s23] =	ssyncadd.s32 $0xFFFFC000  }
0x91: {  	[tilespmem:s16], [sflag:$0x1] =	stream.indirect.gather [hbm4b:s4+s19], $0x80, s0, s19, $0xb8;
	[tilespmem:$0x1F000] =	vst v63  }
0x92: {  	_ =	swait.ge [sflag:s21], $0x4000  }
0x93: {  	[sflag:s21] =	ssyncset.done $0x0  }
0x94: {  	s0 =	simm.s32 $0x1900;
	[sflag:s21] =	ssyncadd.s32 $0xFFFFC000  }
0x95: {  	[spmem:s1] =	stream.indirect.scatter.add.f32 [tilespmem:s16], [sflag:$0x3], $0x80, s0, s19, $0xb8;
	[tilespmem:$0x1F000] =	vst v63  }
0x96: {  	_ =	swait.ge [sflag:s24], $0x4000  }
0x97: {  	[sflag:s24] =	ssyncset.done $0x0  }
0x98: {  	s30 =	simm.s32 $0xFFFFB800;
	s31 =	simm.s32 $0x180;
	[sflag:s24] =	ssyncadd.s32 $0xFFFFC000  }
.LBB2_6:
0x99: {  	[tilespmem:s20], [sflag:$0x2] =	stream.indirect.gather [hbm4b:s4+s19], $0x80, s31, s19, $0xb8;
	[tilespmem:$0x1F000] =	vst v63  }
0x9a: {  	s0 =	smov.u32 s30  }
0x9b: {  	p0 =	sne.s32 s30, $0xFFFFFC00;
	s30 =	sadd.s32 $0x400, s30;
	_ =	swait.ge [sflag:s22], $0x4000  }
0x9c: {  	s0 =	sshra.s32 s0, $0x2;
	[sflag:s22] =	ssyncset.done $0x0  }
0x9d: {  	s31 =	sadd.s32 $0x2B80, s0;
	[sflag:s22] =	ssyncadd.s32 $0xFFFFC000  }
0x9e: {  	[spmem:s1] =	stream.indirect.scatter.add.f32 [tilespmem:s20], [sflag:$0x4], $0x80, s31, s19, $0xb8;
	[tilespmem:$0x1F000] =	vst v63  }
0x9f: {  	_ =	swait.ge [sflag:s23], $0x4000  }
0xa0: {  	[sflag:s23] =	ssyncset.done $0x0  }
0xa1: {  	s31 =	sadd.s32 $0x1400, s0;
	[sflag:s23] =	ssyncadd.s32 $0xFFFFC000  }
0xa2: {  	[tilespmem:s16], [sflag:$0x1] =	stream.indirect.gather [hbm4b:s4+s19], $0x80, s31, s19, $0xb8;
	[tilespmem:$0x1F000] =	vst v63  }
0xa3: {  	_ =	swait.ge [sflag:s21], $0x4000  }
0xa4: {  	[sflag:s21] =	ssyncset.done $0x0  }
.Ltmp2:
0xa5: {  	s31 =	sadd.s32 $0x2C00, s0;
	[sflag:s21] =	ssyncadd.s32 $0xFFFFC000;
	(pc) =	sbr.rel @p0 .LBB2_6-.Ltmp2, $4  }
0xa6: {  	[spmem:s1] =	stream.indirect.scatter.add.f32 [tilespmem:s16], [sflag:$0x3], $0x80, s31, s19, $0xb8;
	[tilespmem:$0x1F000] =	vst v63  }
0xa7: {  	_ =	swait.ge [sflag:s24], $0x4000  }
0xa8: {  	[sflag:s24] =	ssyncset.done $0x0  }
0xa9: {  	s31 =	sadd.s32 $0x1480, s0;
	[sflag:s24] =	ssyncadd.s32 $0xFFFFC000  }
0xaa: {  	[tilespmem:s20], [sflag:$0x2] =	stream.indirect.gather [hbm4b:s4+s19], $0x80, s31, s19, $0xb8;
	[tilespmem:$0x1F000] =	vst v63  }
0xab: {  	_ =	swait.ge [sflag:s22], $0x4000  }
0xac: {  	[sflag:s22] =	ssyncset.done $0x0  }
0xad: {  	[sflag:s22] =	ssyncadd.s32 $0xFFFFC000  }
0xae: {  	[spmem:s1] =	stream.indirect.scatter.add.f32 [tilespmem:s20], [sflag:$0x4], $0x80, s25, s19, $0xb8;
	[tilespmem:$0x1F000] =	vst v63  }
0xaf: {  	_ =	swait.ge [sflag:s23], $0x4000  }
0xb0: {  	[sflag:s23] =	ssyncset.done $0x0  }
0xb1: {  	[sflag:s23] =	ssyncadd.s32 $0xFFFFC000  }
0xb2: {  	[tilespmem:s16], [sflag:$0x1] =	stream.indirect.gather [hbm4b:s4+s19], $0x80, s26, s19, $0xb8;
	[tilespmem:$0x1F000] =	vst v63  }
0xb3: {  	_ =	swait.ge [sflag:s21], $0x4000  }
0xb4: {  	[sflag:s21] =	ssyncset.done $0x0  }
0xb5: {  	[sflag:s21] =	ssyncadd.s32 $0xFFFFC000  }
0xb6: {  	[spmem:s1] =	stream.indirect.scatter.add.f32 [tilespmem:s16], [sflag:$0x3], $0x80, s28, s19, $0xb8;
	[tilespmem:$0x1F000] =	vst v63  }
0xb7: {  	_ =	swait.ge [sflag:s24], $0x4000  }
0xb8: {  	[sflag:s24] =	ssyncset.done $0x0  }
0xb9: {  	[sflag:s24] =	ssyncadd.s32 $0xFFFFC000  }
0xba: {  	_ =	swait.ge [sflag:s23], $0x4000  }
0xbb: {  	s0 =	sshll.u32 s2, $0x6;
	s29 =	sadd.s32 $0x1, s29;
	[sflag:s23] =	ssyncset.done $0x0  }
0xbc: {  	s30 =	sshrl.u32 s5, $0x3;
	p0 =	sne.s32 s29, s11;
	[sflag:s23] =	ssyncadd.s32 $0xFFFFC000  }
.Ltmp3:
0xbd: {  	s0 =	sor.u32 $0x1C05, s0;
	[bflag:$0x0] =	sbarrier.arrive $0xFFFF;
	(pc) =	sbr.rel @p0 .LBB2_1-.Ltmp3, $4  }
0xbe: {  	[hbm:s10], [sflag:s0] =	dma.local [spmem:s30], $0x2800  }
0xbf: {  	_ =	swait.ge [sflag:s17], $0x2800  }
0xc0: {  	[sflag:s17] =	ssyncset.done $0x0  }
0xc1: {  	[sflag:s17] =	ssyncadd.s32 $0xFFFFD800  }
0xc2: {  	_ =	sfence.sel $0x180000  }
0xc3: {  	[bflag:$0x0] =	sbarrier.arrive $0xFFFF  }
0xc4: {  	_ =	strace $0x90000050  }
0xc5: {  	[bflag:$0x2] =	sbarrier.arrive $0xFFFF  }
0xc6: {  	p0 =	sne.s32 s2, $0x0;
	s0 =	rddreg [dreg:$0x3]  }
0xc7: {  	s0 =	sadd.s32 @!p0 $0x100000, s0  }
0xc8: {  	[sflag:s0] =	ssyncadd.tile.s32 @!p0 $0x1;
	_ =	shalt  }
.Lfunc_end2:
_tile_overlayer_lowered:
.L_overlay_start_2:
0xc9: {  	(tag) =	ssettag $0x2  }
0xca: {  	s0 =	rddreg [dreg:$0x0];
	s2 =	stileid.u32  }
0xcb: {  	s1 =	rddreg [dreg:$0x1];
	p0 =	sne.s32 s2, $0x0  }
0xcc: {  	s3 =	rddreg [dreg:$0x2];
	[bflag:$0x3] =	sbarrier.arrive $0xFFFF;
	s2 =	simm.s32 @!p0 $0x1C05  }
0xcd: {  	[timem:s3], [sflag:s2] =	dma.local @!p0 [hbm:s0], s1  }
0xce: {  	s0 =	simm.s32 @!p0 $0x5  }
0xcf: {  	_ =	swait.ge @!p0 [sflag:s0], s1  }
0xd0: {  	s1 =	ssub.s32 @!p0 $0x0, s1;
	[sflag:s0] =	ssyncset.done @!p0 $0x0  }
0xd1: {  	[sflag:s0] =	ssyncadd.s32 @!p0 s1  }
0xd2: {  	[bflag:$0x3] =	sbarrier.arrive $0xFFFF  }
0xd3: {  	_ =	shalt  }

</sc_bundles>
